<compile_context>
chip_gen: v7x
topology: tpu7x:2x2x1
jax: 0.10.2.dev20260603
libtpu: 0.0.44.dev20260713+nightly
codegen_flags: <defaults>
</compile_context>

<pallas_src>
import jax
import jax.numpy as jnp
from jax.experimental import pallas as pl
from jax.experimental.pallas import tpu as pltpu

_N_CLASS = 21
_NMS_THRESH = 0.3
_SCORE_THRESH = 0.05
_PRE_NMS = 2000
_N_PAD = 2048
_B = 128
_NB = _N_PAD // _B
_CW = 512
_C = _N_CLASS - 1


def _iou_gt(y1a, x1a, y2a, x2a, aa, y1b, x1b, y2b, x2b, ab):
    iy1 = jnp.maximum(y1a[:, :, None], y1b[:, None, :])
    ix1 = jnp.maximum(x1a[:, :, None], x1b[:, None, :])
    iy2 = jnp.minimum(y2a[:, :, None], y2b[:, None, :])
    ix2 = jnp.minimum(x2a[:, :, None], x2b[:, None, :])
    inter = jnp.maximum(iy2 - iy1, 0.0) * jnp.maximum(ix2 - ix1, 0.0)
    union = aa[:, :, None] + ab[:, None, :] - inter
    return (inter / jnp.maximum(union, 1e-10)) > _NMS_THRESH


def _nms_body(y1_ref, x1_ref, y2_ref, x2_ref, vals_ref,
              oy1_ref, ox1_ref, oy2_ref, ox2_ref, os_ref,
              active_ref):
    y1 = y1_ref[:, :]
    x1 = x1_ref[:, :]
    y2 = y2_ref[:, :]
    x2 = x2_ref[:, :]
    vals = vals_ref[:, :]
    area = jnp.maximum(y2 - y1, 0.0) * jnp.maximum(x2 - x1, 0.0)

    active_ref[:, :] = jnp.where(vals > _SCORE_THRESH, 1.0, 0.0)

    ltri = jnp.where(
        jax.lax.broadcasted_iota(jnp.int32, (1, _B, _B), 1)
        < jax.lax.broadcasted_iota(jnp.int32, (1, _B, _B), 2), 1.0, 0.0)

    for b in range(_NB):
        s = slice(b * _B, (b + 1) * _B)
        yb1, xb1, yb2, xb2, ab = y1[:, s], x1[:, s], y2[:, s], x2[:, s], area[:, s]

        sl = jnp.where(
            _iou_gt(yb1, xb1, yb2, xb2, ab, yb1, xb1, yb2, xb2, ab), 1.0, 0.0)
        sl = sl * ltri

        act0 = active_ref[:, s]

        def cond(carry):
            _, changed = carry
            return changed

        def body(carry):
            k, _ = carry
            overlap = jnp.max(sl * k[:, :, None], axis=1)
            k_new = act0 * (1.0 - overlap)
            return k_new, jnp.any(k_new != k)

        kb, _ = jax.lax.while_loop(cond, body, (act0, True))

        oy1_ref[:, s] = yb1 * kb
        ox1_ref[:, s] = xb1 * kb
        oy2_ref[:, s] = yb2 * kb
        ox2_ref[:, s] = xb2 * kb
        os_ref[:, s] = vals[:, s] * kb

        if b < _NB - 1:
            for c0 in range(((b + 1) * _B) // _CW * _CW, _N_PAD, _CW):
                cs = slice(c0, c0 + _CW)
                sc = jnp.where(
                    _iou_gt(yb1, xb1, yb2, xb2, ab,
                            y1[:, cs], x1[:, cs], y2[:, cs], x2[:, cs],
                            area[:, cs]), 1.0, 0.0)
                supp = jnp.max(sc * kb[:, :, None], axis=1)
                active_ref[:, cs] = active_ref[:, cs] * (1.0 - supp)


def kernel(pred_bbox, cls_logits):
    prob = jax.nn.softmax(cls_logits, axis=1)
    boxes_all = pred_bbox.reshape(-1, _N_CLASS, 4)

    p = prob[:, 1:].T
    masked = jnp.where(p > _SCORE_THRESH, p, -1.0)
    vals, idx = jax.lax.top_k(masked, _PRE_NMS)

    boxes_cls = jnp.moveaxis(boxes_all, 1, 0)[1:]
    b = jnp.take_along_axis(boxes_cls, idx[:, :, None], axis=1)

    pad = _N_PAD - _PRE_NMS
    vals_p = jnp.pad(vals, ((0, 0), (0, pad)), constant_values=-1.0)
    b_p = jnp.pad(b, ((0, 0), (0, pad), (0, 0)))

    y1 = b_p[:, :, 0]
    x1 = b_p[:, :, 1]
    y2 = b_p[:, :, 2]
    x2 = b_p[:, :, 3]

    shp = jax.ShapeDtypeStruct((_C, _N_PAD), jnp.float32)
    oy1, ox1, oy2, ox2, osc = pl.pallas_call(
        _nms_body,
        out_shape=(shp, shp, shp, shp, shp),
        scratch_shapes=[pltpu.VMEM((_C, _N_PAD), jnp.float32)],
    )(y1, x1, y2, x2, vals_p)

    out = jnp.stack([oy1, ox1, oy2, ox2, osc], axis=-1)
    return out[:, :_PRE_NMS, :]

# --- scband reference (transcript-rebuilt; emitter-appended) ---
"""Pipeline reference for scband-faster-rcnn-77910706749624 (READ-ONLY COPY).

The authoritative reference and input builder live on the scoring server;
editing this copy changes nothing except your own understanding.
"""

import jax, jax.numpy as jnp
import numpy as np

N_CLASS = 21
NMS_THRESH = 0.3
SCORE_THRESH = 0.05
PRE_NMS = 2000
IMG_H = 800.0
IMG_W = 800.0
N_ROI = 20000


def setup_inputs(seed: int = 0) -> dict:
    key = jax.random.key(seed)
    k1, k2 = jax.random.split(key)
    raw = jax.random.uniform(k1, (N_ROI, N_CLASS, 4), dtype=jnp.float32)
    cy = raw[..., 0] * IMG_H
    cx = raw[..., 1] * IMG_W
    h = raw[..., 2] * 0.3 * IMG_H + 4.0
    w = raw[..., 3] * 0.3 * IMG_W + 4.0
    y1 = jnp.clip(cy - h / 2.0, 0.0, IMG_H)
    y2 = jnp.clip(cy + h / 2.0, 0.0, IMG_H)
    x1 = jnp.clip(cx - w / 2.0, 0.0, IMG_W)
    x2 = jnp.clip(cx + w / 2.0, 0.0, IMG_W)
    pred_bbox = jnp.stack([y1, x1, y2, x2], axis=-1).reshape(N_ROI, N_CLASS * 4)
    cls_logits = jax.random.normal(k2, (N_ROI, N_CLASS), dtype=jnp.float32) * 2.0
    return {"pred_bbox": pred_bbox, "cls_logits": cls_logits}


def _pairwise_iou(b):
    # b: [n, 4] in (y1, x1, y2, x2)
    y1, x1, y2, x2 = b[:, 0], b[:, 1], b[:, 2], b[:, 3]
    area = jnp.maximum(y2 - y1, 0.0) * jnp.maximum(x2 - x1, 0.0)
    iy1 = jnp.maximum(y1[:, None], y1[None, :])
    ix1 = jnp.maximum(x1[:, None], x1[None, :])
    iy2 = jnp.minimum(y2[:, None], y2[None, :])
    ix2 = jnp.minimum(x2[:, None], x2[None, :])
    inter = jnp.maximum(iy2 - iy1, 0.0) * jnp.maximum(ix2 - ix1, 0.0)
    union = area[:, None] + area[None, :] - inter
    return inter / jnp.maximum(union, 1e-10)


def _nms_class(boxes, scores):
    # score-threshold mask (fixed-shape): invalid entries get score -1
    masked = jnp.where(scores > SCORE_THRESH, scores, -1.0)
    vals, idx = jax.lax.top_k(masked, PRE_NMS)
    b = jnp.take(boxes, idx, axis=0)
    valid = vals > SCORE_THRESH
    iou = _pairwise_iou(b)
    ar = jnp.arange(PRE_NMS)

    def body(keep, i):
        overlap = jnp.any(keep & (iou[i] > NMS_THRESH) & (ar < i))
        ki = valid[i] & jnp.logical_not(overlap)
        keep = keep.at[i].set(ki)
        return keep, None

    keep, _ = jax.lax.scan(body, jnp.zeros(PRE_NMS, dtype=bool), ar)
    bbox_out = b * keep[:, None].astype(b.dtype)
    score_out = vals * keep.astype(vals.dtype)
    return bbox_out, score_out


def reference(pred_bbox, cls_logits):
    # FasterRCNN.suppress: per-class score threshold + greedy NMS
    prob = jax.nn.softmax(cls_logits, axis=1)
    boxes_all = pred_bbox.reshape(-1, N_CLASS, 4)
    outs_b, outs_s = [], []
    for i in range(1, N_CLASS):
        bb, ss = _nms_class(boxes_all[:, i, :], prob[:, i])
        outs_b.append(bb)
        outs_s.append(ss)
    bbox = jnp.stack(outs_b, axis=0)      # [n_class-1, PRE_NMS, 4]
    score = jnp.stack(outs_s, axis=0)     # [n_class-1, PRE_NMS]
    return jnp.concatenate([bbox, score[..., None]], axis=-1)  # [20, 2000, 5]

if __name__ == "__main__":
    import jax
    _d = setup_inputs()
    print(jax.jit(kernel)(*tuple(_d.values())))

</pallas_src>

<mosaic_0001>
module attributes {stable_mosaic.version = 14 : i64} {
  func.func @_nms_body(%arg0: memref<20x2048xf32, #tpu.memory_space<vmem>>, %arg1: memref<20x2048xf32, #tpu.memory_space<vmem>>, %arg2: memref<20x2048xf32, #tpu.memory_space<vmem>>, %arg3: memref<20x2048xf32, #tpu.memory_space<vmem>>, %arg4: memref<20x2048xf32, #tpu.memory_space<vmem>>, %arg5: memref<20x2048xf32, #tpu.memory_space<vmem>>, %arg6: memref<20x2048xf32, #tpu.memory_space<vmem>>, %arg7: memref<20x2048xf32, #tpu.memory_space<vmem>>, %arg8: memref<20x2048xf32, #tpu.memory_space<vmem>>, %arg9: memref<20x2048xf32, #tpu.memory_space<vmem>>, %arg10: memref<20x2048xf32, #tpu.memory_space<vmem>>) attributes {dimension_semantics = [], scalar_prefetch = 0 : i64, scratch_operands = 1 : i64, tpu.core_type = #tpu.core_type<tc>} {
    %get3A = arith.constant 0 : index
    %get3A_0 = arith.constant 0 : index
    %get3A_1 = vector.load %arg0[%get3A, %get3A_0] : memref<20x2048xf32, #tpu.memory_space<vmem>>, vector<20x2048xf32>
    %get3A_2 = arith.constant 0 : index
    %get3A_3 = arith.constant 0 : index
    %get3A_4 = vector.load %arg1[%get3A_2, %get3A_3] : memref<20x2048xf32, #tpu.memory_space<vmem>>, vector<20x2048xf32>
    %get3A_5 = arith.constant 0 : index
    %get3A_6 = arith.constant 0 : index
    %get3A_7 = vector.load %arg2[%get3A_5, %get3A_6] : memref<20x2048xf32, #tpu.memory_space<vmem>>, vector<20x2048xf32>
    %get3A_8 = arith.constant 0 : index
    %get3A_9 = arith.constant 0 : index
    %get3A_10 = vector.load %arg3[%get3A_8, %get3A_9] : memref<20x2048xf32, #tpu.memory_space<vmem>>, vector<20x2048xf32>
    %get3A_11 = arith.constant 0 : index
    %get3A_12 = arith.constant 0 : index
    %get3A_13 = vector.load %arg4[%get3A_11, %get3A_12] : memref<20x2048xf32, #tpu.memory_space<vmem>>, vector<20x2048xf32>
    %sub3A = arith.subf %get3A_7, %get3A_1 : vector<20x2048xf32>
    %max3A = arith.constant 0.000000e+00 : f32
    %max3A_14 = vector.broadcast %max3A : f32 to vector<20x2048xf32>
    %max3A_15 = arith.maximumf %sub3A, %max3A_14 : vector<20x2048xf32>
    %sub3A_16 = arith.subf %get3A_10, %get3A_4 : vector<20x2048xf32>
    %max3A_17 = arith.constant 0.000000e+00 : f32
    %max3A_18 = vector.broadcast %max3A_17 : f32 to vector<20x2048xf32>
    %max3A_19 = arith.maximumf %sub3A_16, %max3A_18 : vector<20x2048xf32>
    %mul3A = arith.mulf %max3A_15, %max3A_19 : vector<20x2048xf32>
    %gt3A = arith.constant 5.000000e-02 : f32
    %gt3A_20 = vector.broadcast %gt3A : f32 to vector<20x2048xf32>
    %gt3A_21 = arith.cmpf ogt, %get3A_13, %gt3A_20 : vector<20x2048xf32>
    %jit3A = arith.constant 1.000000e+00 : f32
    %jit3A_22 = arith.constant 0.000000e+00 : f32
    %broadcast_in_dim3A = vector.broadcast %jit3A : f32 to vector<20x2048xf32>
    %broadcast_in_dim3A_23 = vector.broadcast %jit3A_22 : f32 to vector<20x2048xf32>
    %select_n3A = arith.select %gt3A_21, %broadcast_in_dim3A, %broadcast_in_dim3A_23 : vector<20x2048xi1>, vector<20x2048xf32>
    %swap3A = arith.constant 0 : index
    %swap3A_24 = arith.constant 0 : index
    %swap3A_25 = vector.load %arg10[%swap3A, %swap3A_24] : memref<20x2048xf32, #tpu.memory_space<vmem>>, vector<20x2048xf32>
    tpu.vector_store %arg10[%swap3A, %swap3A_24], %select_n3A {strides = array<i32>} : memref<20x2048xf32, #tpu.memory_space<vmem>>, vector<20x2048xf32>,
    %iota3A = tpu.iota {dimensions = array<i32: 1>} : vector<1x128x128xi32>
    %iota3A_26 = tpu.iota {dimensions = array<i32: 2>} : vector<1x128x128xi32>
    %lt3A = arith.cmpi slt, %iota3A, %iota3A_26 : vector<1x128x128xi32>
    %jit3A_27 = arith.constant 1.000000e+00 : f32
    %jit3A_28 = arith.constant 0.000000e+00 : f32
    %broadcast_in_dim3A_29 = vector.broadcast %jit3A_27 : f32 to vector<1x128x128xf32>
    %broadcast_in_dim3A_30 = vector.broadcast %jit3A_28 : f32 to vector<1x128x128xf32>
    %select_n3A_31 = arith.select %lt3A, %broadcast_in_dim3A_29, %broadcast_in_dim3A_30 : vector<1x128x128xi1>, vector<1x128x128xf32>
    %slice3A = vector.extract_strided_slice %get3A_1 {offsets = [0, 0], sizes = [20, 128], strides = [1, 1]} : vector<20x2048xf32> to vector<20x128xf32>
    %slice3A_32 = vector.extract_strided_slice %get3A_4 {offsets = [0, 0], sizes = [20, 128], strides = [1, 1]} : vector<20x2048xf32> to vector<20x128xf32>
    %slice3A_33 = vector.extract_strided_slice %get3A_7 {offsets = [0, 0], sizes = [20, 128], strides = [1, 1]} : vector<20x2048xf32> to vector<20x128xf32>
    %slice3A_34 = vector.extract_strided_slice %get3A_10 {offsets = [0, 0], sizes = [20, 128], strides = [1, 1]} : vector<20x2048xf32> to vector<20x128xf32>
    %slice3A_35 = vector.extract_strided_slice %mul3A {offsets = [0, 0], sizes = [20, 128], strides = [1, 1]} : vector<20x2048xf32> to vector<20x128xf32>
    %broadcast_in_dim3A_36 = vector.shape_cast %slice3A : vector<20x128xf32> to vector<20x128x1xf32>
    %broadcast_in_dim3A_37 = vector.shape_cast %slice3A : vector<20x128xf32> to vector<20x1x128xf32>
    %max3A_38 = vector.broadcast %broadcast_in_dim3A_36 : vector<20x128x1xf32> to vector<20x128x128xf32>
    %max3A_39 = vector.broadcast %broadcast_in_dim3A_37 : vector<20x1x128xf32> to vector<20x128x128xf32>
    %max3A_40 = arith.maximumf %max3A_38, %max3A_39 : vector<20x128x128xf32>
    %broadcast_in_dim3A_41 = vector.shape_cast %slice3A_32 : vector<20x128xf32> to vector<20x128x1xf32>
    %broadcast_in_dim3A_42 = vector.shape_cast %slice3A_32 : vector<20x128xf32> to vector<20x1x128xf32>
    %max3A_43 = vector.broadcast %broadcast_in_dim3A_41 : vector<20x128x1xf32> to vector<20x128x128xf32>
    %max3A_44 = vector.broadcast %broadcast_in_dim3A_42 : vector<20x1x128xf32> to vector<20x128x128xf32>
    %max3A_45 = arith.maximumf %max3A_43, %max3A_44 : vector<20x128x128xf32>
    %broadcast_in_dim3A_46 = vector.shape_cast %slice3A_33 : vector<20x128xf32> to vector<20x128x1xf32>
    %broadcast_in_dim3A_47 = vector.shape_cast %slice3A_33 : vector<20x128xf32> to vector<20x1x128xf32>
    %min3A = vector.broadcast %broadcast_in_dim3A_46 : vector<20x128x1xf32> to vector<20x128x128xf32>
    %min3A_48 = vector.broadcast %broadcast_in_dim3A_47 : vector<20x1x128xf32> to vector<20x128x128xf32>
    %min3A_49 = arith.minimumf %min3A, %min3A_48 : vector<20x128x128xf32>
    %broadcast_in_dim3A_50 = vector.shape_cast %slice3A_34 : vector<20x128xf32> to vector<20x128x1xf32>
    %broadcast_in_dim3A_51 = vector.shape_cast %slice3A_34 : vector<20x128xf32> to vector<20x1x128xf32>
    %min3A_52 = vector.broadcast %broadcast_in_dim3A_50 : vector<20x128x1xf32> to vector<20x128x128xf32>
    %min3A_53 = vector.broadcast %broadcast_in_dim3A_51 : vector<20x1x128xf32> to vector<20x128x128xf32>
    %min3A_54 = arith.minimumf %min3A_52, %min3A_53 : vector<20x128x128xf32>
    %sub3A_55 = arith.subf %min3A_49, %max3A_40 : vector<20x128x128xf32>
    %max3A_56 = arith.constant 0.000000e+00 : f32
    %max3A_57 = vector.broadcast %max3A_56 : f32 to vector<20x128x128xf32>
    %max3A_58 = arith.maximumf %sub3A_55, %max3A_57 : vector<20x128x128xf32>
    %sub3A_59 = arith.subf %min3A_54, %max3A_45 : vector<20x128x128xf32>
    %max3A_60 = arith.constant 0.000000e+00 : f32
    %max3A_61 = vector.broadcast %max3A_60 : f32 to vector<20x128x128xf32>
    %max3A_62 = arith.maximumf %sub3A_59, %max3A_61 : vector<20x128x128xf32>
    %mul3A_63 = arith.mulf %max3A_58, %max3A_62 : vector<20x128x128xf32>
    %broadcast_in_dim3A_64 = vector.shape_cast %slice3A_35 : vector<20x128xf32> to vector<20x128x1xf32>
    %broadcast_in_dim3A_65 = vector.shape_cast %slice3A_35 : vector<20x128xf32> to vector<20x1x128xf32>
    %add3A = vector.broadcast %broadcast_in_dim3A_64 : vector<20x128x1xf32> to vector<20x128x128xf32>
    %add3A_66 = vector.broadcast %broadcast_in_dim3A_65 : vector<20x1x128xf32> to vector<20x128x128xf32>
    %add3A_67 = arith.addf %add3A, %add3A_66 : vector<20x128x128xf32>
    %sub3A_68 = arith.subf %add3A_67, %mul3A_63 : vector<20x128x128xf32>
    %max3A_69 = arith.constant 1.000000e-10 : f32
    %max3A_70 = vector.broadcast %max3A_69 : f32 to vector<20x128x128xf32>
    %max3A_71 = arith.maximumf %sub3A_68, %max3A_70 : vector<20x128x128xf32>
    %div3A = arith.divf %mul3A_63, %max3A_71 : vector<20x128x128xf32>
    %gt3A_72 = arith.constant 3.000000e-01 : f32
    %gt3A_73 = vector.broadcast %gt3A_72 : f32 to vector<20x128x128xf32>
    %gt3A_74 = arith.cmpf ogt, %div3A, %gt3A_73 : vector<20x128x128xf32>
    %jit3A_75 = arith.constant 1.000000e+00 : f32
    %jit3A_76 = arith.constant 0.000000e+00 : f32
    %broadcast_in_dim3A_77 = vector.broadcast %jit3A_75 : f32 to vector<20x128x128xf32>
    %broadcast_in_dim3A_78 = vector.broadcast %jit3A_76 : f32 to vector<20x128x128xf32>
    %select_n3A_79 = arith.select %gt3A_74, %broadcast_in_dim3A_77, %broadcast_in_dim3A_78 : vector<20x128x128xi1>, vector<20x128x128xf32>
    %mul3A_80 = vector.broadcast %select_n3A_31 : vector<1x128x128xf32> to vector<20x128x128xf32>
    %mul3A_81 = arith.mulf %select_n3A_79, %mul3A_80 : vector<20x128x128xf32>
    %get3A_82 = arith.constant 0 : index
    %get3A_83 = arith.constant 0 : index
    %get3A_84 = vector.load %arg10[%get3A_82, %get3A_83] : memref<20x2048xf32, #tpu.memory_space<vmem>>, vector<20x128xf32>
    %while3A = arith.constant true
    %while3A_85:2 = scf.while (%while3A_3718 = %get3A_84, %while3A_3719 = %while3A) : (vector<20x128xf32>, i1) -> (vector<20x128xf32>, i1) {
      scf.condition(%while3A_3719) %while3A_3718, %while3A_3719 : vector<20x128xf32>, i1
    } do {
    ^bb0(%while3A_3718: vector<20x128xf32>, %while3A_3719: i1):
      %broadcast_in_dim3A_3720 = vector.shape_cast %while3A_3718 : vector<20x128xf32> to vector<20x128x1xf32>
      %mul3A_3721 = vector.broadcast %broadcast_in_dim3A_3720 : vector<20x128x1xf32> to vector<20x128x128xf32>
      %mul3A_3722 = arith.mulf %mul3A_81, %mul3A_3721 : vector<20x128x128xf32>
      %reduce_max3A_3723 = arith.constant dense<0xFF800000> : vector<20x128xf32>
      %reduce_max3A_3724 = vector.multi_reduction <maximumf>, %mul3A_3722, %reduce_max3A_3723 [1] : vector<20x128x128xf32> to vector<20x128xf32>
      %sub3A_3725 = arith.constant 1.000000e+00 : f32
      %sub3A_3726 = vector.broadcast %sub3A_3725 : f32 to vector<20x128xf32>
      %sub3A_3727 = arith.subf %sub3A_3726, %reduce_max3A_3724 : vector<20x128xf32>
      %mul3A_3728 = arith.mulf %get3A_84, %sub3A_3727 : vector<20x128xf32>
      %ne3A = arith.cmpf one, %mul3A_3728, %while3A_3718 : vector<20x128xf32>
      %reduce_or3A = arith.constant 1.000000e+00 : f32
      %reduce_or3A_3729 = arith.constant 0.000000e+00 : f32
      %reduce_or3A_3730 = vector.broadcast %reduce_or3A : f32 to vector<20x128xf32>
      %reduce_or3A_3731 = vector.broadcast %reduce_or3A_3729 : f32 to vector<20x128xf32>
      %reduce_or3A_3732 = arith.select %ne3A, %reduce_or3A_3730, %reduce_or3A_3731 : vector<20x128xi1>, vector<20x128xf32>
      %reduce_or3A_3733 = vector.shape_cast %reduce_or3A_3732 : vector<20x128xf32> to vector<1x20x128xf32>
      %reduce_or3A_3734 = arith.constant dense<0xFF800000> : vector<1xf32>
      %reduce_or3A_3735 = vector.multi_reduction <maximumf>, %reduce_or3A_3733, %reduce_or3A_3734 [1, 2] : vector<1x20x128xf32> to vector<1xf32>
      %reduce_or3A_3736 = vector.shape_cast %reduce_or3A_3735 : vector<1xf32> to vector<1x1x1xf32>
      %reduce_or3A_3737 = vector.extract %reduce_or3A_3736[0, 0, 0] : f32 from vector<1x1x1xf32>
      %reduce_or3A_3738 = arith.constant 0.000000e+00 : f32
      %reduce_or3A_3739 = arith.cmpf ogt, %reduce_or3A_3737, %reduce_or3A_3738 : f32
      scf.yield %mul3A_3728, %reduce_or3A_3739 : vector<20x128xf32>, i1
    }
    %mul3A_86 = arith.mulf %slice3A, %while3A_85#0 : vector<20x128xf32>
    %swap3A_87 = arith.constant 0 : index
    %swap3A_88 = arith.constant 0 : index
    %swap3A_89 = vector.load %arg5[%swap3A_87, %swap3A_88] : memref<20x2048xf32, #tpu.memory_space<vmem>>, vector<20x128xf32>
    tpu.vector_store %arg5[%swap3A_87, %swap3A_88], %mul3A_86 {strides = array<i32>} : memref<20x2048xf32, #tpu.memory_space<vmem>>, vector<20x128xf32>,
    %mul3A_90 = arith.mulf %slice3A_32, %while3A_85#0 : vector<20x128xf32>
    %swap3A_91 = arith.constant 0 : index
    %swap3A_92 = arith.constant 0 : index
    %swap3A_93 = vector.load %arg6[%swap3A_91, %swap3A_92] : memref<20x2048xf32, #tpu.memory_space<vmem>>, vector<20x128xf32>
    tpu.vector_store %arg6[%swap3A_91, %swap3A_92], %mul3A_90 {strides = array<i32>} : memref<20x2048xf32, #tpu.memory_space<vmem>>, vector<20x128xf32>,
    %mul3A_94 = arith.mulf %slice3A_33, %while3A_85#0 : vector<20x128xf32>
    %swap3A_95 = arith.constant 0 : index
    %swap3A_96 = arith.constant 0 : index
    %swap3A_97 = vector.load %arg7[%swap3A_95, %swap3A_96] : memref<20x2048xf32, #tpu.memory_space<vmem>>, vector<20x128xf32>
    tpu.vector_store %arg7[%swap3A_95, %swap3A_96], %mul3A_94 {strides = array<i32>} : memref<20x2048xf32, #tpu.memory_space<vmem>>, vector<20x128xf32>,
    %mul3A_98 = arith.mulf %slice3A_34, %while3A_85#0 : vector<20x128xf32>
    %swap3A_99 = arith.constant 0 : index
    %swap3A_100 = arith.constant 0 : index
    %swap3A_101 = vector.load %arg8[%swap3A_99, %swap3A_100] : memref<20x2048xf32, #tpu.memory_space<vmem>>, vector<20x128xf32>
    tpu.vector_store %arg8[%swap3A_99, %swap3A_100], %mul3A_98 {strides = array<i32>} : memref<20x2048xf32, #tpu.memory_space<vmem>>, vector<20x128xf32>,
    %slice3A_102 = vector.extract_strided_slice %get3A_13 {offsets = [0, 0], sizes = [20, 128], strides = [1, 1]} : vector<20x2048xf32> to vector<20x128xf32>
    %mul3A_103 = arith.mulf %slice3A_102, %while3A_85#0 : vector<20x128xf32>
    %swap3A_104 = arith.constant 0 : index
    %swap3A_105 = arith.constant 0 : index
    %swap3A_106 = vector.load %arg9[%swap3A_104, %swap3A_105] : memref<20x2048xf32, #tpu.memory_space<vmem>>, vector<20x128xf32>
    tpu.vector_store %arg9[%swap3A_104, %swap3A_105], %mul3A_103 {strides = array<i32>} : memref<20x2048xf32, #tpu.memory_space<vmem>>, vector<20x128xf32>,
    %slice3A_107 = vector.extract_strided_slice %get3A_1 {offsets = [0, 0], sizes = [20, 512], strides = [1, 1]} : vector<20x2048xf32> to vector<20x512xf32>
    %slice3A_108 = vector.extract_strided_slice %get3A_4 {offsets = [0, 0], sizes = [20, 512], strides = [1, 1]} : vector<20x2048xf32> to vector<20x512xf32>
    %slice3A_109 = vector.extract_strided_slice %get3A_7 {offsets = [0, 0], sizes = [20, 512], strides = [1, 1]} : vector<20x2048xf32> to vector<20x512xf32>
    %slice3A_110 = vector.extract_strided_slice %get3A_10 {offsets = [0, 0], sizes = [20, 512], strides = [1, 1]} : vector<20x2048xf32> to vector<20x512xf32>
    %slice3A_111 = vector.extract_strided_slice %mul3A {offsets = [0, 0], sizes = [20, 512], strides = [1, 1]} : vector<20x2048xf32> to vector<20x512xf32>
    %broadcast_in_dim3A_112 = vector.shape_cast %slice3A : vector<20x128xf32> to vector<20x128x1xf32>
    %broadcast_in_dim3A_113 = vector.shape_cast %slice3A_107 : vector<20x512xf32> to vector<20x1x512xf32>
    %max3A_114 = vector.broadcast %broadcast_in_dim3A_112 : vector<20x128x1xf32> to vector<20x128x512xf32>
    %max3A_115 = vector.broadcast %broadcast_in_dim3A_113 : vector<20x1x512xf32> to vector<20x128x512xf32>
    %max3A_116 = arith.maximumf %max3A_114, %max3A_115 : vector<20x128x512xf32>
    %broadcast_in_dim3A_117 = vector.shape_cast %slice3A_32 : vector<20x128xf32> to vector<20x128x1xf32>
    %broadcast_in_dim3A_118 = vector.shape_cast %slice3A_108 : vector<20x512xf32> to vector<20x1x512xf32>
    %max3A_119 = vector.broadcast %broadcast_in_dim3A_117 : vector<20x128x1xf32> to vector<20x128x512xf32>
    %max3A_120 = vector.broadcast %broadcast_in_dim3A_118 : vector<20x1x512xf32> to vector<20x128x512xf32>
    %max3A_121 = arith.maximumf %max3A_119, %max3A_120 : vector<20x128x512xf32>
    %broadcast_in_dim3A_122 = vector.shape_cast %slice3A_33 : vector<20x128xf32> to vector<20x128x1xf32>
    %broadcast_in_dim3A_123 = vector.shape_cast %slice3A_109 : vector<20x512xf32> to vector<20x1x512xf32>
    %min3A_124 = vector.broadcast %broadcast_in_dim3A_122 : vector<20x128x1xf32> to vector<20x128x512xf32>
    %min3A_125 = vector.broadcast %broadcast_in_dim3A_123 : vector<20x1x512xf32> to vector<20x128x512xf32>
    %min3A_126 = arith.minimumf %min3A_124, %min3A_125 : vector<20x128x512xf32>
    %broadcast_in_dim3A_127 = vector.shape_cast %slice3A_34 : vector<20x128xf32> to vector<20x128x1xf32>
    %broadcast_in_dim3A_128 = vector.shape_cast %slice3A_110 : vector<20x512xf32> to vector<20x1x512xf32>
    %min3A_129 = vector.broadcast %broadcast_in_dim3A_127 : vector<20x128x1xf32> to vector<20x128x512xf32>
    %min3A_130 = vector.broadcast %broadcast_in_dim3A_128 : vector<20x1x512xf32> to vector<20x128x512xf32>
    %min3A_131 = arith.minimumf %min3A_129, %min3A_130 : vector<20x128x512xf32>
    %sub3A_132 = arith.subf %min3A_126, %max3A_116 : vector<20x128x512xf32>
    %max3A_133 = arith.constant 0.000000e+00 : f32
    %max3A_134 = vector.broadcast %max3A_133 : f32 to vector<20x128x512xf32>
    %max3A_135 = arith.maximumf %sub3A_132, %max3A_134 : vector<20x128x512xf32>
    %sub3A_136 = arith.subf %min3A_131, %max3A_121 : vector<20x128x512xf32>
    %max3A_137 = arith.constant 0.000000e+00 : f32
    %max3A_138 = vector.broadcast %max3A_137 : f32 to vector<20x128x512xf32>
    %max3A_139 = arith.maximumf %sub3A_136, %max3A_138 : vector<20x128x512xf32>
    %mul3A_140 = arith.mulf %max3A_135, %max3A_139 : vector<20x128x512xf32>
    %broadcast_in_dim3A_141 = vector.shape_cast %slice3A_35 : vector<20x128xf32> to vector<20x128x1xf32>
    %broadcast_in_dim3A_142 = vector.shape_cast %slice3A_111 : vector<20x512xf32> to vector<20x1x512xf32>
    %add3A_143 = vector.broadcast %broadcast_in_dim3A_141 : vector<20x128x1xf32> to vector<20x128x512xf32>
    %add3A_144 = vector.broadcast %broadcast_in_dim3A_142 : vector<20x1x512xf32> to vector<20x128x512xf32>
    %add3A_145 = arith.addf %add3A_143, %add3A_144 : vector<20x128x512xf32>
    %sub3A_146 = arith.subf %add3A_145, %mul3A_140 : vector<20x128x512xf32>
    %max3A_147 = arith.constant 1.000000e-10 : f32
    %max3A_148 = vector.broadcast %max3A_147 : f32 to vector<20x128x512xf32>
    %max3A_149 = arith.maximumf %sub3A_146, %max3A_148 : vector<20x128x512xf32>
    %div3A_150 = arith.divf %mul3A_140, %max3A_149 : vector<20x128x512xf32>
    %gt3A_151 = arith.constant 3.000000e-01 : f32
    %gt3A_152 = vector.broadcast %gt3A_151 : f32 to vector<20x128x512xf32>
    %gt3A_153 = arith.cmpf ogt, %div3A_150, %gt3A_152 : vector<20x128x512xf32>
    %jit3A_154 = arith.constant 1.000000e+00 : f32
    %jit3A_155 = arith.constant 0.000000e+00 : f32
    %broadcast_in_dim3A_156 = vector.broadcast %jit3A_154 : f32 to vector<20x128x512xf32>
    %broadcast_in_dim3A_157 = vector.broadcast %jit3A_155 : f32 to vector<20x128x512xf32>
    %select_n3A_158 = arith.select %gt3A_153, %broadcast_in_dim3A_156, %broadcast_in_dim3A_157 : vector<20x128x512xi1>, vector<20x128x512xf32>
    %broadcast_in_dim3A_159 = vector.shape_cast %while3A_85#0 : vector<20x128xf32> to vector<20x128x1xf32>
    %mul3A_160 = vector.broadcast %broadcast_in_dim3A_159 : vector<20x128x1xf32> to vector<20x128x512xf32>
    %mul3A_161 = arith.mulf %select_n3A_158, %mul3A_160 : vector<20x128x512xf32>
    %reduce_max3A = arith.constant dense<0xFF800000> : vector<20x512xf32>
    %reduce_max3A_162 = vector.multi_reduction <maximumf>, %mul3A_161, %reduce_max3A [1] : vector<20x128x512xf32> to vector<20x512xf32>
    %get3A_163 = arith.constant 0 : index
    %get3A_164 = arith.constant 0 : index
    %get3A_165 = vector.load %arg10[%get3A_163, %get3A_164] : memref<20x2048xf32, #tpu.memory_space<vmem>>, vector<20x512xf32>
    %sub3A_166 = arith.constant 1.000000e+00 : f32
    %sub3A_167 = vector.broadcast %sub3A_166 : f32 to vector<20x512xf32>
    %sub3A_168 = arith.subf %sub3A_167, %reduce_max3A_162 : vector<20x512xf32>
    %mul3A_169 = arith.mulf %get3A_165, %sub3A_168 : vector<20x512xf32>
    %swap3A_170 = arith.constant 0 : index
    %swap3A_171 = arith.constant 0 : index
    %swap3A_172 = vector.load %arg10[%swap3A_170, %swap3A_171] : memref<20x2048xf32, #tpu.memory_space<vmem>>, vector<20x512xf32>
    tpu.vector_store %arg10[%swap3A_170, %swap3A_171], %mul3A_169 {strides = array<i32>} : memref<20x2048xf32, #tpu.memory_space<vmem>>, vector<20x512xf32>,
    %slice3A_173 = vector.extract_strided_slice %get3A_1 {offsets = [0, 512], sizes = [20, 512], strides = [1, 1]} : vector<20x2048xf32> to vector<20x512xf32>
    %slice3A_174 = vector.extract_strided_slice %get3A_4 {offsets = [0, 512], sizes = [20, 512], strides = [1, 1]} : vector<20x2048xf32> to vector<20x512xf32>
    %slice3A_175 = vector.extract_strided_slice %get3A_7 {offsets = [0, 512], sizes = [20, 512], strides = [1, 1]} : vector<20x2048xf32> to vector<20x512xf32>
    %slice3A_176 = vector.extract_strided_slice %get3A_10 {offsets = [0, 512], sizes = [20, 512], strides = [1, 1]} : vector<20x2048xf32> to vector<20x512xf32>
    %slice3A_177 = vector.extract_strided_slice %mul3A {offsets = [0, 512], sizes = [20, 512], strides = [1, 1]} : vector<20x2048xf32> to vector<20x512xf32>
    %broadcast_in_dim3A_178 = vector.shape_cast %slice3A : vector<20x128xf32> to vector<20x128x1xf32>
    %broadcast_in_dim3A_179 = vector.shape_cast %slice3A_173 : vector<20x512xf32> to vector<20x1x512xf32>
    %max3A_180 = vector.broadcast %broadcast_in_dim3A_178 : vector<20x128x1xf32> to vector<20x128x512xf32>
    %max3A_181 = vector.broadcast %broadcast_in_dim3A_179 : vector<20x1x512xf32> to vector<20x128x512xf32>
    %max3A_182 = arith.maximumf %max3A_180, %max3A_181 : vector<20x128x512xf32>
    %broadcast_in_dim3A_183 = vector.shape_cast %slice3A_32 : vector<20x128xf32> to vector<20x128x1xf32>
    %broadcast_in_dim3A_184 = vector.shape_cast %slice3A_174 : vector<20x512xf32> to vector<20x1x512xf32>
    %max3A_185 = vector.broadcast %broadcast_in_dim3A_183 : vector<20x128x1xf32> to vector<20x128x512xf32>
    %max3A_186 = vector.broadcast %broadcast_in_dim3A_184 : vector<20x1x512xf32> to vector<20x128x512xf32>
    %max3A_187 = arith.maximumf %max3A_185, %max3A_186 : vector<20x128x512xf32>
    %broadcast_in_dim3A_188 = vector.shape_cast %slice3A_33 : vector<20x128xf32> to vector<20x128x1xf32>
    %broadcast_in_dim3A_189 = vector.shape_cast %slice3A_175 : vector<20x512xf32> to vector<20x1x512xf32>
    %min3A_190 = vector.broadcast %broadcast_in_dim3A_188 : vector<20x128x1xf32> to vector<20x128x512xf32>
    %min3A_191 = vector.broadcast %broadcast_in_dim3A_189 : vector<20x1x512xf32> to vector<20x128x512xf32>
    %min3A_192 = arith.minimumf %min3A_190, %min3A_191 : vector<20x128x512xf32>
    %broadcast_in_dim3A_193 = vector.shape_cast %slice3A_34 : vector<20x128xf32> to vector<20x128x1xf32>
    %broadcast_in_dim3A_194 = vector.shape_cast %slice3A_176 : vector<20x512xf32> to vector<20x1x512xf32>
    %min3A_195 = vector.broadcast %broadcast_in_dim3A_193 : vector<20x128x1xf32> to vector<20x128x512xf32>
    %min3A_196 = vector.broadcast %broadcast_in_dim3A_194 : vector<20x1x512xf32> to vector<20x128x512xf32>
    %min3A_197 = arith.minimumf %min3A_195, %min3A_196 : vector<20x128x512xf32>
    %sub3A_198 = arith.subf %min3A_192, %max3A_182 : vector<20x128x512xf32>
    %max3A_199 = arith.constant 0.000000e+00 : f32
    %max3A_200 = vector.broadcast %max3A_199 : f32 to vector<20x128x512xf32>
    %max3A_201 = arith.maximumf %sub3A_198, %max3A_200 : vector<20x128x512xf32>
    %sub3A_202 = arith.subf %min3A_197, %max3A_187 : vector<20x128x512xf32>
    %max3A_203 = arith.constant 0.000000e+00 : f32
    %max3A_204 = vector.broadcast %max3A_203 : f32 to vector<20x128x512xf32>
    %max3A_205 = arith.maximumf %sub3A_202, %max3A_204 : vector<20x128x512xf32>
    %mul3A_206 = arith.mulf %max3A_201, %max3A_205 : vector<20x128x512xf32>
    %broadcast_in_dim3A_207 = vector.shape_cast %slice3A_35 : vector<20x128xf32> to vector<20x128x1xf32>
    %broadcast_in_dim3A_208 = vector.shape_cast %slice3A_177 : vector<20x512xf32> to vector<20x1x512xf32>
    %add3A_209 = vector.broadcast %broadcast_in_dim3A_207 : vector<20x128x1xf32> to vector<20x128x512xf32>
    %add3A_210 = vector.broadcast %broadcast_in_dim3A_208 : vector<20x1x512xf32> to vector<20x128x512xf32>
    %add3A_211 = arith.addf %add3A_209, %add3A_210 : vector<20x128x512xf32>
    %sub3A_212 = arith.subf %add3A_211, %mul3A_206 : vector<20x128x512xf32>
    %max3A_213 = arith.constant 1.000000e-10 : f32
    %max3A_214 = vector.broadcast %max3A_213 : f32 to vector<20x128x512xf32>
    %max3A_215 = arith.maximumf %sub3A_212, %max3A_214 : vector<20x128x512xf32>
    %div3A_216 = arith.divf %mul3A_206, %max3A_215 : vector<20x128x512xf32>
    %gt3A_217 = arith.constant 3.000000e-01 : f32
    %gt3A_218 = vector.broadcast %gt3A_217 : f32 to vector<20x128x512xf32>
    %gt3A_219 = arith.cmpf ogt, %div3A_216, %gt3A_218 : vector<20x128x512xf32>
    %jit3A_220 = arith.constant 1.000000e+00 : f32
    %jit3A_221 = arith.constant 0.000000e+00 : f32
    %broadcast_in_dim3A_222 = vector.broadcast %jit3A_220 : f32 to vector<20x128x512xf32>
    %broadcast_in_dim3A_223 = vector.broadcast %jit3A_221 : f32 to vector<20x128x512xf32>
    %select_n3A_224 = arith.select %gt3A_219, %broadcast_in_dim3A_222, %broadcast_in_dim3A_223 : vector<20x128x512xi1>, vector<20x128x512xf32>
    %broadcast_in_dim3A_225 = vector.shape_cast %while3A_85#0 : vector<20x128xf32> to vector<20x128x1xf32>
    %mul3A_226 = vector.broadcast %broadcast_in_dim3A_225 : vector<20x128x1xf32> to vector<20x128x512xf32>
    %mul3A_227 = arith.mulf %select_n3A_224, %mul3A_226 : vector<20x128x512xf32>
    %reduce_max3A_228 = arith.constant dense<0xFF800000> : vector<20x512xf32>
    %reduce_max3A_229 = vector.multi_reduction <maximumf>, %mul3A_227, %reduce_max3A_228 [1] : vector<20x128x512xf32> to vector<20x512xf32>
    %get3A_230 = arith.constant 0 : index
    %get3A_231 = arith.constant 512 : index
    %get3A_232 = vector.load %arg10[%get3A_230, %get3A_231] : memref<20x2048xf32, #tpu.memory_space<vmem>>, vector<20x512xf32>
    %sub3A_233 = arith.constant 1.000000e+00 : f32
    %sub3A_234 = vector.broadcast %sub3A_233 : f32 to vector<20x512xf32>
    %sub3A_235 = arith.subf %sub3A_234, %reduce_max3A_229 : vector<20x512xf32>
    %mul3A_236 = arith.mulf %get3A_232, %sub3A_235 : vector<20x512xf32>
    %swap3A_237 = arith.constant 0 : index
    %swap3A_238 = arith.constant 512 : index
    %swap3A_239 = vector.load %arg10[%swap3A_237, %swap3A_238] : memref<20x2048xf32, #tpu.memory_space<vmem>>, vector<20x512xf32>
    tpu.vector_store %arg10[%swap3A_237, %swap3A_238], %mul3A_236 {strides = array<i32>} : memref<20x2048xf32, #tpu.memory_space<vmem>>, vector<20x512xf32>,
    %slice3A_240 = vector.extract_strided_slice %get3A_1 {offsets = [0, 1024], sizes = [20, 512], strides = [1, 1]} : vector<20x2048xf32> to vector<20x512xf32>
    %slice3A_241 = vector.extract_strided_slice %get3A_4 {offsets = [0, 1024], sizes = [20, 512], strides = [1, 1]} : vector<20x2048xf32> to vector<20x512xf32>
    %slice3A_242 = vector.extract_strided_slice %get3A_7 {offsets = [0, 1024], sizes = [20, 512], strides = [1, 1]} : vector<20x2048xf32> to vector<20x512xf32>
    %slice3A_243 = vector.extract_strided_slice %get3A_10 {offsets = [0, 1024], sizes = [20, 512], strides = [1, 1]} : vector<20x2048xf32> to vector<20x512xf32>
    %slice3A_244 = vector.extract_strided_slice %mul3A {offsets = [0, 1024], sizes = [20, 512], strides = [1, 1]} : vector<20x2048xf32> to vector<20x512xf32>
    %broadcast_in_dim3A_245 = vector.shape_cast %slice3A : vector<20x128xf32> to vector<20x128x1xf32>
    %broadcast_in_dim3A_246 = vector.shape_cast %slice3A_240 : vector<20x512xf32> to vector<20x1x512xf32>
    %max3A_247 = vector.broadcast %broadcast_in_dim3A_245 : vector<20x128x1xf32> to vector<20x128x512xf32>
    %max3A_248 = vector.broadcast %broadcast_in_dim3A_246 : vector<20x1x512xf32> to vector<20x128x512xf32>
    %max3A_249 = arith.maximumf %max3A_247, %max3A_248 : vector<20x128x512xf32>
    %broadcast_in_dim3A_250 = vector.shape_cast %slice3A_32 : vector<20x128xf32> to vector<20x128x1xf32>
    %broadcast_in_dim3A_251 = vector.shape_cast %slice3A_241 : vector<20x512xf32> to vector<20x1x512xf32>
    %max3A_252 = vector.broadcast %broadcast_in_dim3A_250 : vector<20x128x1xf32> to vector<20x128x512xf32>
    %max3A_253 = vector.broadcast %broadcast_in_dim3A_251 : vector<20x1x512xf32> to vector<20x128x512xf32>
    %max3A_254 = arith.maximumf %max3A_252, %max3A_253 : vector<20x128x512xf32>
    %broadcast_in_dim3A_255 = vector.shape_cast %slice3A_33 : vector<20x128xf32> to vector<20x128x1xf32>
    %broadcast_in_dim3A_256 = vector.shape_cast %slice3A_242 : vector<20x512xf32> to vector<20x1x512xf32>
    %min3A_257 = vector.broadcast %broadcast_in_dim3A_255 : vector<20x128x1xf32> to vector<20x128x512xf32>
    %min3A_258 = vector.broadcast %broadcast_in_dim3A_256 : vector<20x1x512xf32> to vector<20x128x512xf32>
    %min3A_259 = arith.minimumf %min3A_257, %min3A_258 : vector<20x128x512xf32>
    %broadcast_in_dim3A_260 = vector.shape_cast %slice3A_34 : vector<20x128xf32> to vector<20x128x1xf32>
    %broadcast_in_dim3A_261 = vector.shape_cast %slice3A_243 : vector<20x512xf32> to vector<20x1x512xf32>
    %min3A_262 = vector.broadcast %broadcast_in_dim3A_260 : vector<20x128x1xf32> to vector<20x128x512xf32>
    %min3A_263 = vector.broadcast %broadcast_in_dim3A_261 : vector<20x1x512xf32> to vector<20x128x512xf32>
    %min3A_264 = arith.minimumf %min3A_262, %min3A_263 : vector<20x128x512xf32>
    %sub3A_265 = arith.subf %min3A_259, %max3A_249 : vector<20x128x512xf32>
    %max3A_266 = arith.constant 0.000000e+00 : f32
    %max3A_267 = vector.broadcast %max3A_266 : f32 to vector<20x128x512xf32>
    %max3A_268 = arith.maximumf %sub3A_265, %max3A_267 : vector<20x128x512xf32>
    %sub3A_269 = arith.subf %min3A_264, %max3A_254 : vector<20x128x512xf32>
    %max3A_270 = arith.constant 0.000000e+00 : f32
    %max3A_271 = vector.broadcast %max3A_270 : f32 to vector<20x128x512xf32>
    %max3A_272 = arith.maximumf %sub3A_269, %max3A_271 : vector<20x128x512xf32>
    %mul3A_273 = arith.mulf %max3A_268, %max3A_272 : vector<20x128x512xf32>
    %broadcast_in_dim3A_274 = vector.shape_cast %slice3A_35 : vector<20x128xf32> to vector<20x128x1xf32>
    %broadcast_in_dim3A_275 = vector.shape_cast %slice3A_244 : vector<20x512xf32> to vector<20x1x512xf32>
    %add3A_276 = vector.broadcast %broadcast_in_dim3A_274 : vector<20x128x1xf32> to vector<20x128x512xf32>
    %add3A_277 = vector.broadcast %broadcast_in_dim3A_275 : vector<20x1x512xf32> to vector<20x128x512xf32>
    %add3A_278 = arith.addf %add3A_276, %add3A_277 : vector<20x128x512xf32>
    %sub3A_279 = arith.subf %add3A_278, %mul3A_273 : vector<20x128x512xf32>
    %max3A_280 = arith.constant 1.000000e-10 : f32
    %max3A_281 = vector.broadcast %max3A_280 : f32 to vector<20x128x512xf32>
    %max3A_282 = arith.maximumf %sub3A_279, %max3A_281 : vector<20x128x512xf32>
    %div3A_283 = arith.divf %mul3A_273, %max3A_282 : vector<20x128x512xf32>
    %gt3A_284 = arith.constant 3.000000e-01 : f32
    %gt3A_285 = vector.broadcast %gt3A_284 : f32 to vector<20x128x512xf32>
    %gt3A_286 = arith.cmpf ogt, %div3A_283, %gt3A_285 : vector<20x128x512xf32>
    %jit3A_287 = arith.constant 1.000000e+00 : f32
    %jit3A_288 = arith.constant 0.000000e+00 : f32
    %broadcast_in_dim3A_289 = vector.broadcast %jit3A_287 : f32 to vector<20x128x512xf32>
    %broadcast_in_dim3A_290 = vector.broadcast %jit3A_288 : f32 to vector<20x128x512xf32>
    %select_n3A_291 = arith.select %gt3A_286, %broadcast_in_dim3A_289, %broadcast_in_dim3A_290 : vector<20x128x512xi1>, vector<20x128x512xf32>
    %broadcast_in_dim3A_292 = vector.shape_cast %while3A_85#0 : vector<20x128xf32> to vector<20x128x1xf32>
    %mul3A_293 = vector.broadcast %broadcast_in_dim3A_292 : vector<20x128x1xf32> to vector<20x128x512xf32>
    %mul3A_294 = arith.mulf %select_n3A_291, %mul3A_293 : vector<20x128x512xf32>
    %reduce_max3A_295 = arith.constant dense<0xFF800000> : vector<20x512xf32>
    %reduce_max3A_296 = vector.multi_reduction <maximumf>, %mul3A_294, %reduce_max3A_295 [1] : vector<20x128x512xf32> to vector<20x512xf32>
    %get3A_297 = arith.constant 0 : index
    %get3A_298 = arith.constant 1024 : index
    %get3A_299 = vector.load %arg10[%get3A_297, %get3A_298] : memref<20x2048xf32, #tpu.memory_space<vmem>>, vector<20x512xf32>
    %sub3A_300 = arith.constant 1.000000e+00 : f32
    %sub3A_301 = vector.broadcast %sub3A_300 : f32 to vector<20x512xf32>
    %sub3A_302 = arith.subf %sub3A_301, %reduce_max3A_296 : vector<20x512xf32>
    %mul3A_303 = arith.mulf %get3A_299, %sub3A_302 : vector<20x512xf32>
    %swap3A_304 = arith.constant 0 : index
    %swap3A_305 = arith.constant 1024 : index
    %swap3A_306 = vector.load %arg10[%swap3A_304, %swap3A_305] : memref<20x2048xf32, #tpu.memory_space<vmem>>, vector<20x512xf32>
    tpu.vector_store %arg10[%swap3A_304, %swap3A_305], %mul3A_303 {strides = array<i32>} : memref<20x2048xf32, #tpu.memory_space<vmem>>, vector<20x512xf32>,
    %slice3A_307 = vector.extract_strided_slice %get3A_1 {offsets = [0, 1536], sizes = [20, 512], strides = [1, 1]} : vector<20x2048xf32> to vector<20x512xf32>
    %slice3A_308 = vector.extract_strided_slice %get3A_4 {offsets = [0, 1536], sizes = [20, 512], strides = [1, 1]} : vector<20x2048xf32> to vector<20x512xf32>
    %slice3A_309 = vector.extract_strided_slice %get3A_7 {offsets = [0, 1536], sizes = [20, 512], strides = [1, 1]} : vector<20x2048xf32> to vector<20x512xf32>
    %slice3A_310 = vector.extract_strided_slice %get3A_10 {offsets = [0, 1536], sizes = [20, 512], strides = [1, 1]} : vector<20x2048xf32> to vector<20x512xf32>
    %slice3A_311 = vector.extract_strided_slice %mul3A {offsets = [0, 1536], sizes = [20, 512], strides = [1, 1]} : vector<20x2048xf32> to vector<20x512xf32>
    %broadcast_in_dim3A_312 = vector.shape_cast %slice3A : vector<20x128xf32> to vector<20x128x1xf32>
    %broadcast_in_dim3A_313 = vector.shape_cast %slice3A_307 : vector<20x512xf32> to vector<20x1x512xf32>
    %max3A_314 = vector.broadcast %broadcast_in_dim3A_312 : vector<20x128x1xf32> to vector<20x128x512xf32>
    %max3A_315 = vector.broadcast %broadcast_in_dim3A_313 : vector<20x1x512xf32> to vector<20x128x512xf32>
    %max3A_316 = arith.maximumf %max3A_314, %max3A_315 : vector<20x128x512xf32>
    %broadcast_in_dim3A_317 = vector.shape_cast %slice3A_32 : vector<20x128xf32> to vector<20x128x1xf32>
    %broadcast_in_dim3A_318 = vector.shape_cast %slice3A_308 : vector<20x512xf32> to vector<20x1x512xf32>
    %max3A_319 = vector.broadcast %broadcast_in_dim3A_317 : vector<20x128x1xf32> to vector<20x128x512xf32>
    %max3A_320 = vector.broadcast %broadcast_in_dim3A_318 : vector<20x1x512xf32> to vector<20x128x512xf32>
    %max3A_321 = arith.maximumf %max3A_319, %max3A_320 : vector<20x128x512xf32>
    %broadcast_in_dim3A_322 = vector.shape_cast %slice3A_33 : vector<20x128xf32> to vector<20x128x1xf32>
    %broadcast_in_dim3A_323 = vector.shape_cast %slice3A_309 : vector<20x512xf32> to vector<20x1x512xf32>
    %min3A_324 = vector.broadcast %broadcast_in_dim3A_322 : vector<20x128x1xf32> to vector<20x128x512xf32>
    %min3A_325 = vector.broadcast %broadcast_in_dim3A_323 : vector<20x1x512xf32> to vector<20x128x512xf32>
    %min3A_326 = arith.minimumf %min3A_324, %min3A_325 : vector<20x128x512xf32>
    %broadcast_in_dim3A_327 = vector.shape_cast %slice3A_34 : vector<20x128xf32> to vector<20x128x1xf32>
    %broadcast_in_dim3A_328 = vector.shape_cast %slice3A_310 : vector<20x512xf32> to vector<20x1x512xf32>
    %min3A_329 = vector.broadcast %broadcast_in_dim3A_327 : vector<20x128x1xf32> to vector<20x128x512xf32>
    %min3A_330 = vector.broadcast %broadcast_in_dim3A_328 : vector<20x1x512xf32> to vector<20x128x512xf32>
    %min3A_331 = arith.minimumf %min3A_329, %min3A_330 : vector<20x128x512xf32>
    %sub3A_332 = arith.subf %min3A_326, %max3A_316 : vector<20x128x512xf32>
    %max3A_333 = arith.constant 0.000000e+00 : f32
    %max3A_334 = vector.broadcast %max3A_333 : f32 to vector<20x128x512xf32>
    %max3A_335 = arith.maximumf %sub3A_332, %max3A_334 : vector<20x128x512xf32>
    %sub3A_336 = arith.subf %min3A_331, %max3A_321 : vector<20x128x512xf32>
    %max3A_337 = arith.constant 0.000000e+00 : f32
    %max3A_338 = vector.broadcast %max3A_337 : f32 to vector<20x128x512xf32>
    %max3A_339 = arith.maximumf %sub3A_336, %max3A_338 : vector<20x128x512xf32>
    %mul3A_340 = arith.mulf %max3A_335, %max3A_339 : vector<20x128x512xf32>
    %broadcast_in_dim3A_341 = vector.shape_cast %slice3A_35 : vector<20x128xf32> to vector<20x128x1xf32>
    %broadcast_in_dim3A_342 = vector.shape_cast %slice3A_311 : vector<20x512xf32> to vector<20x1x512xf32>
    %add3A_343 = vector.broadcast %broadcast_in_dim3A_341 : vector<20x128x1xf32> to vector<20x128x512xf32>
    %add3A_344 = vector.broadcast %broadcast_in_dim3A_342 : vector<20x1x512xf32> to vector<20x128x512xf32>
    %add3A_345 = arith.addf %add3A_343, %add3A_344 : vector<20x128x512xf32>
    %sub3A_346 = arith.subf %add3A_345, %mul3A_340 : vector<20x128x512xf32>
    %max3A_347 = arith.constant 1.000000e-10 : f32
    %max3A_348 = vector.broadcast %max3A_347 : f32 to vector<20x128x512xf32>
    %max3A_349 = arith.maximumf %sub3A_346, %max3A_348 : vector<20x128x512xf32>
    %div3A_350 = arith.divf %mul3A_340, %max3A_349 : vector<20x128x512xf32>
    %gt3A_351 = arith.constant 3.000000e-01 : f32
    %gt3A_352 = vector.broadcast %gt3A_351 : f32 to vector<20x128x512xf32>
    %gt3A_353 = arith.cmpf ogt, %div3A_350, %gt3A_352 : vector<20x128x512xf32>
    %jit3A_354 = arith.constant 1.000000e+00 : f32
    %jit3A_355 = arith.constant 0.000000e+00 : f32
    %broadcast_in_dim3A_356 = vector.broadcast %jit3A_354 : f32 to vector<20x128x512xf32>
    %broadcast_in_dim3A_357 = vector.broadcast %jit3A_355 : f32 to vector<20x128x512xf32>
    %select_n3A_358 = arith.select %gt3A_353, %broadcast_in_dim3A_356, %broadcast_in_dim3A_357 : vector<20x128x512xi1>, vector<20x128x512xf32>
    %broadcast_in_dim3A_359 = vector.shape_cast %while3A_85#0 : vector<20x128xf32> to vector<20x128x1xf32>
    %mul3A_360 = vector.broadcast %broadcast_in_dim3A_359 : vector<20x128x1xf32> to vector<20x128x512xf32>
    %mul3A_361 = arith.mulf %select_n3A_358, %mul3A_360 : vector<20x128x512xf32>
    %reduce_max3A_362 = arith.constant dense<0xFF800000> : vector<20x512xf32>
    %reduce_max3A_363 = vector.multi_reduction <maximumf>, %mul3A_361, %reduce_max3A_362 [1] : vector<20x128x512xf32> to vector<20x512xf32>
    %get3A_364 = arith.constant 0 : index
    %get3A_365 = arith.constant 1536 : index
    %get3A_366 = vector.load %arg10[%get3A_364, %get3A_365] : memref<20x2048xf32, #tpu.memory_space<vmem>>, vector<20x512xf32>
    %sub3A_367 = arith.constant 1.000000e+00 : f32
    %sub3A_368 = vector.broadcast %sub3A_367 : f32 to vector<20x512xf32>
    %sub3A_369 = arith.subf %sub3A_368, %reduce_max3A_363 : vector<20x512xf32>
    %mul3A_370 = arith.mulf %get3A_366, %sub3A_369 : vector<20x512xf32>
    %swap3A_371 = arith.constant 0 : index
    %swap3A_372 = arith.constant 1536 : index
    %swap3A_373 = vector.load %arg10[%swap3A_371, %swap3A_372] : memref<20x2048xf32, #tpu.memory_space<vmem>>, vector<20x512xf32>
    tpu.vector_store %arg10[%swap3A_371, %swap3A_372], %mul3A_370 {strides = array<i32>} : memref<20x2048xf32, #tpu.memory_space<vmem>>, vector<20x512xf32>,
    %slice3A_374 = vector.extract_strided_slice %get3A_1 {offsets = [0, 128], sizes = [20, 128], strides = [1, 1]} : vector<20x2048xf32> to vector<20x128xf32>
    %slice3A_375 = vector.extract_strided_slice %get3A_4 {offsets = [0, 128], sizes = [20, 128], strides = [1, 1]} : vector<20x2048xf32> to vector<20x128xf32>
    %slice3A_376 = vector.extract_strided_slice %get3A_7 {offsets = [0, 128], sizes = [20, 128], strides = [1, 1]} : vector<20x2048xf32> to vector<20x128xf32>
    %slice3A_377 = vector.extract_strided_slice %get3A_10 {offsets = [0, 128], sizes = [20, 128], strides = [1, 1]} : vector<20x2048xf32> to vector<20x128xf32>
    %slice3A_378 = vector.extract_strided_slice %mul3A {offsets = [0, 128], sizes = [20, 128], strides = [1, 1]} : vector<20x2048xf32> to vector<20x128xf32>
    %broadcast_in_dim3A_379 = vector.shape_cast %slice3A_374 : vector<20x128xf32> to vector<20x128x1xf32>
    %broadcast_in_dim3A_380 = vector.shape_cast %slice3A_374 : vector<20x128xf32> to vector<20x1x128xf32>
    %max3A_381 = vector.broadcast %broadcast_in_dim3A_379 : vector<20x128x1xf32> to vector<20x128x128xf32>
    %max3A_382 = vector.broadcast %broadcast_in_dim3A_380 : vector<20x1x128xf32> to vector<20x128x128xf32>
    %max3A_383 = arith.maximumf %max3A_381, %max3A_382 : vector<20x128x128xf32>
    %broadcast_in_dim3A_384 = vector.shape_cast %slice3A_375 : vector<20x128xf32> to vector<20x128x1xf32>
    %broadcast_in_dim3A_385 = vector.shape_cast %slice3A_375 : vector<20x128xf32> to vector<20x1x128xf32>
    %max3A_386 = vector.broadcast %broadcast_in_dim3A_384 : vector<20x128x1xf32> to vector<20x128x128xf32>
    %max3A_387 = vector.broadcast %broadcast_in_dim3A_385 : vector<20x1x128xf32> to vector<20x128x128xf32>
    %max3A_388 = arith.maximumf %max3A_386, %max3A_387 : vector<20x128x128xf32>
    %broadcast_in_dim3A_389 = vector.shape_cast %slice3A_376 : vector<20x128xf32> to vector<20x128x1xf32>
    %broadcast_in_dim3A_390 = vector.shape_cast %slice3A_376 : vector<20x128xf32> to vector<20x1x128xf32>
    %min3A_391 = vector.broadcast %broadcast_in_dim3A_389 : vector<20x128x1xf32> to vector<20x128x128xf32>
    %min3A_392 = vector.broadcast %broadcast_in_dim3A_390 : vector<20x1x128xf32> to vector<20x128x128xf32>
    %min3A_393 = arith.minimumf %min3A_391, %min3A_392 : vector<20x128x128xf32>
    %broadcast_in_dim3A_394 = vector.shape_cast %slice3A_377 : vector<20x128xf32> to vector<20x128x1xf32>
    %broadcast_in_dim3A_395 = vector.shape_cast %slice3A_377 : vector<20x128xf32> to vector<20x1x128xf32>
    %min3A_396 = vector.broadcast %broadcast_in_dim3A_394 : vector<20x128x1xf32> to vector<20x128x128xf32>
    %min3A_397 = vector.broadcast %broadcast_in_dim3A_395 : vector<20x1x128xf32> to vector<20x128x128xf32>
    %min3A_398 = arith.minimumf %min3A_396, %min3A_397 : vector<20x128x128xf32>
    %sub3A_399 = arith.subf %min3A_393, %max3A_383 : vector<20x128x128xf32>
    %max3A_400 = arith.constant 0.000000e+00 : f32
    %max3A_401 = vector.broadcast %max3A_400 : f32 to vector<20x128x128xf32>
    %max3A_402 = arith.maximumf %sub3A_399, %max3A_401 : vector<20x128x128xf32>
    %sub3A_403 = arith.subf %min3A_398, %max3A_388 : vector<20x128x128xf32>
    %max3A_404 = arith.constant 0.000000e+00 : f32
    %max3A_405 = vector.broadcast %max3A_404 : f32 to vector<20x128x128xf32>
    %max3A_406 = arith.maximumf %sub3A_403, %max3A_405 : vector<20x128x128xf32>
    %mul3A_407 = arith.mulf %max3A_402, %max3A_406 : vector<20x128x128xf32>
    %broadcast_in_dim3A_408 = vector.shape_cast %slice3A_378 : vector<20x128xf32> to vector<20x128x1xf32>
    %broadcast_in_dim3A_409 = vector.shape_cast %slice3A_378 : vector<20x128xf32> to vector<20x1x128xf32>
    %add3A_410 = vector.broadcast %broadcast_in_dim3A_408 : vector<20x128x1xf32> to vector<20x128x128xf32>
    %add3A_411 = vector.broadcast %broadcast_in_dim3A_409 : vector<20x1x128xf32> to vector<20x128x128xf32>
    %add3A_412 = arith.addf %add3A_410, %add3A_411 : vector<20x128x128xf32>
    %sub3A_413 = arith.subf %add3A_412, %mul3A_407 : vector<20x128x128xf32>
    %max3A_414 = arith.constant 1.000000e-10 : f32
    %max3A_415 = vector.broadcast %max3A_414 : f32 to vector<20x128x128xf32>
    %max3A_416 = arith.maximumf %sub3A_413, %max3A_415 : vector<20x128x128xf32>
    %div3A_417 = arith.divf %mul3A_407, %max3A_416 : vector<20x128x128xf32>
    %gt3A_418 = arith.constant 3.000000e-01 : f32
    %gt3A_419 = vector.broadcast %gt3A_418 : f32 to vector<20x128x128xf32>
    %gt3A_420 = arith.cmpf ogt, %div3A_417, %gt3A_419 : vector<20x128x128xf32>
    %jit3A_421 = arith.constant 1.000000e+00 : f32
    %jit3A_422 = arith.constant 0.000000e+00 : f32
    %broadcast_in_dim3A_423 = vector.broadcast %jit3A_421 : f32 to vector<20x128x128xf32>
    %broadcast_in_dim3A_424 = vector.broadcast %jit3A_422 : f32 to vector<20x128x128xf32>
    %select_n3A_425 = arith.select %gt3A_420, %broadcast_in_dim3A_423, %broadcast_in_dim3A_424 : vector<20x128x128xi1>, vector<20x128x128xf32>
    %mul3A_426 = vector.broadcast %select_n3A_31 : vector<1x128x128xf32> to vector<20x128x128xf32>
    %mul3A_427 = arith.mulf %select_n3A_425, %mul3A_426 : vector<20x128x128xf32>
    %get3A_428 = arith.constant 0 : index
    %get3A_429 = arith.constant 128 : index
    %get3A_430 = vector.load %arg10[%get3A_428, %get3A_429] : memref<20x2048xf32, #tpu.memory_space<vmem>>, vector<20x128xf32>
    %while3A_431 = arith.constant true
    %while3A_432:2 = scf.while (%while3A_3718 = %get3A_430, %while3A_3719 = %while3A_431) : (vector<20x128xf32>, i1) -> (vector<20x128xf32>, i1) {
      scf.condition(%while3A_3719) %while3A_3718, %while3A_3719 : vector<20x128xf32>, i1
    } do {
    ^bb0(%while3A_3718: vector<20x128xf32>, %while3A_3719: i1):
      %broadcast_in_dim3A_3720 = vector.shape_cast %while3A_3718 : vector<20x128xf32> to vector<20x128x1xf32>
      %mul3A_3721 = vector.broadcast %broadcast_in_dim3A_3720 : vector<20x128x1xf32> to vector<20x128x128xf32>
      %mul3A_3722 = arith.mulf %mul3A_427, %mul3A_3721 : vector<20x128x128xf32>
      %reduce_max3A_3723 = arith.constant dense<0xFF800000> : vector<20x128xf32>
      %reduce_max3A_3724 = vector.multi_reduction <maximumf>, %mul3A_3722, %reduce_max3A_3723 [1] : vector<20x128x128xf32> to vector<20x128xf32>
      %sub3A_3725 = arith.constant 1.000000e+00 : f32
      %sub3A_3726 = vector.broadcast %sub3A_3725 : f32 to vector<20x128xf32>
      %sub3A_3727 = arith.subf %sub3A_3726, %reduce_max3A_3724 : vector<20x128xf32>
      %mul3A_3728 = arith.mulf %get3A_430, %sub3A_3727 : vector<20x128xf32>
      %ne3A = arith.cmpf one, %mul3A_3728, %while3A_3718 : vector<20x128xf32>
      %reduce_or3A = arith.constant 1.000000e+00 : f32
      %reduce_or3A_3729 = arith.constant 0.000000e+00 : f32
      %reduce_or3A_3730 = vector.broadcast %reduce_or3A : f32 to vector<20x128xf32>
      %reduce_or3A_3731 = vector.broadcast %reduce_or3A_3729 : f32 to vector<20x128xf32>
      %reduce_or3A_3732 = arith.select %ne3A, %reduce_or3A_3730, %reduce_or3A_3731 : vector<20x128xi1>, vector<20x128xf32>
      %reduce_or3A_3733 = vector.shape_cast %reduce_or3A_3732 : vector<20x128xf32> to vector<1x20x128xf32>
      %reduce_or3A_3734 = arith.constant dense<0xFF800000> : vector<1xf32>
      %reduce_or3A_3735 = vector.multi_reduction <maximumf>, %reduce_or3A_3733, %reduce_or3A_3734 [1, 2] : vector<1x20x128xf32> to vector<1xf32>
      %reduce_or3A_3736 = vector.shape_cast %reduce_or3A_3735 : vector<1xf32> to vector<1x1x1xf32>
      %reduce_or3A_3737 = vector.extract %reduce_or3A_3736[0, 0, 0] : f32 from vector<1x1x1xf32>
      %reduce_or3A_3738 = arith.constant 0.000000e+00 : f32
      %reduce_or3A_3739 = arith.cmpf ogt, %reduce_or3A_3737, %reduce_or3A_3738 : f32
      scf.yield %mul3A_3728, %reduce_or3A_3739 : vector<20x128xf32>, i1
    }
    %mul3A_433 = arith.mulf %slice3A_374, %while3A_432#0 : vector<20x128xf32>
    %swap3A_434 = arith.constant 0 : index
    %swap3A_435 = arith.constant 128 : index
    %swap3A_436 = vector.load %arg5[%swap3A_434, %swap3A_435] : memref<20x2048xf32, #tpu.memory_space<vmem>>, vector<20x128xf32>
    tpu.vector_store %arg5[%swap3A_434, %swap3A_435], %mul3A_433 {strides = array<i32>} : memref<20x2048xf32, #tpu.memory_space<vmem>>, vector<20x128xf32>,
    %mul3A_437 = arith.mulf %slice3A_375, %while3A_432#0 : vector<20x128xf32>
    %swap3A_438 = arith.constant 0 : index
    %swap3A_439 = arith.constant 128 : index
    %swap3A_440 = vector.load %arg6[%swap3A_438, %swap3A_439] : memref<20x2048xf32, #tpu.memory_space<vmem>>, vector<20x128xf32>
    tpu.vector_store %arg6[%swap3A_438, %swap3A_439], %mul3A_437 {strides = array<i32>} : memref<20x2048xf32, #tpu.memory_space<vmem>>, vector<20x128xf32>,
    %mul3A_441 = arith.mulf %slice3A_376, %while3A_432#0 : vector<20x128xf32>
    %swap3A_442 = arith.constant 0 : index
    %swap3A_443 = arith.constant 128 : index
    %swap3A_444 = vector.load %arg7[%swap3A_442, %swap3A_443] : memref<20x2048xf32, #tpu.memory_space<vmem>>, vector<20x128xf32>
    tpu.vector_store %arg7[%swap3A_442, %swap3A_443], %mul3A_441 {strides = array<i32>} : memref<20x2048xf32, #tpu.memory_space<vmem>>, vector<20x128xf32>,
    %mul3A_445 = arith.mulf %slice3A_377, %while3A_432#0 : vector<20x128xf32>
    %swap3A_446 = arith.constant 0 : index
    %swap3A_447 = arith.constant 128 : index
    %swap3A_448 = vector.load %arg8[%swap3A_446, %swap3A_447] : memref<20x2048xf32, #tpu.memory_space<vmem>>, vector<20x128xf32>
    tpu.vector_store %arg8[%swap3A_446, %swap3A_447], %mul3A_445 {strides = array<i32>} : memref<20x2048xf32, #tpu.memory_space<vmem>>, vector<20x128xf32>,
    %slice3A_449 = vector.extract_strided_slice %get3A_13 {offsets = [0, 128], sizes = [20, 128], strides = [1, 1]} : vector<20x2048xf32> to vector<20x128xf32>
    %mul3A_450 = arith.mulf %slice3A_449, %while3A_432#0 : vector<20x128xf32>
    %swap3A_451 = arith.constant 0 : index
    %swap3A_452 = arith.constant 128 : index
    %swap3A_453 = vector.load %arg9[%swap3A_451, %swap3A_452] : memref<20x2048xf32, #tpu.memory_space<vmem>>, vector<20x128xf32>
    tpu.vector_store %arg9[%swap3A_451, %swap3A_452], %mul3A_450 {strides = array<i32>} : memref<20x2048xf32, #tpu.memory_space<vmem>>, vector<20x128xf32>,
    %slice3A_454 = vector.extract_strided_slice %get3A_1 {offsets = [0, 0], sizes = [20, 512], strides = [1, 1]} : vector<20x2048xf32> to vector<20x512xf32>
    %slice3A_455 = vector.extract_strided_slice %get3A_4 {offsets = [0, 0], sizes = [20, 512], strides = [1, 1]} : vector<20x2048xf32> to vector<20x512xf32>
    %slice3A_456 = vector.extract_strided_slice %get3A_7 {offsets = [0, 0], sizes = [20, 512], strides = [1, 1]} : vector<20x2048xf32> to vector<20x512xf32>
    %slice3A_457 = vector.extract_strided_slice %get3A_10 {offsets = [0, 0], sizes = [20, 512], strides = [1, 1]} : vector<20x2048xf32> to vector<20x512xf32>
    %slice3A_458 = vector.extract_strided_slice %mul3A {offsets = [0, 0], sizes = [20, 512], strides = [1, 1]} : vector<20x2048xf32> to vector<20x512xf32>
    %broadcast_in_dim3A_459 = vector.shape_cast %slice3A_374 : vector<20x128xf32> to vector<20x128x1xf32>
    %broadcast_in_dim3A_460 = vector.shape_cast %slice3A_454 : vector<20x512xf32> to vector<20x1x512xf32>
    %max3A_461 = vector.broadcast %broadcast_in_dim3A_459 : vector<20x128x1xf32> to vector<20x128x512xf32>
    %max3A_462 = vector.broadcast %broadcast_in_dim3A_460 : vector<20x1x512xf32> to vector<20x128x512xf32>
    %max3A_463 = arith.maximumf %max3A_461, %max3A_462 : vector<20x128x512xf32>
    %broadcast_in_dim3A_464 = vector.shape_cast %slice3A_375 : vector<20x128xf32> to vector<20x128x1xf32>
    %broadcast_in_dim3A_465 = vector.shape_cast %slice3A_455 : vector<20x512xf32> to vector<20x1x512xf32>
    %max3A_466 = vector.broadcast %broadcast_in_dim3A_464 : vector<20x128x1xf32> to vector<20x128x512xf32>
    %max3A_467 = vector.broadcast %broadcast_in_dim3A_465 : vector<20x1x512xf32> to vector<20x128x512xf32>
    %max3A_468 = arith.maximumf %max3A_466, %max3A_467 : vector<20x128x512xf32>
    %broadcast_in_dim3A_469 = vector.shape_cast %slice3A_376 : vector<20x128xf32> to vector<20x128x1xf32>
    %broadcast_in_dim3A_470 = vector.shape_cast %slice3A_456 : vector<20x512xf32> to vector<20x1x512xf32>
    %min3A_471 = vector.broadcast %broadcast_in_dim3A_469 : vector<20x128x1xf32> to vector<20x128x512xf32>
    %min3A_472 = vector.broadcast %broadcast_in_dim3A_470 : vector<20x1x512xf32> to vector<20x128x512xf32>
    %min3A_473 = arith.minimumf %min3A_471, %min3A_472 : vector<20x128x512xf32>
    %broadcast_in_dim3A_474 = vector.shape_cast %slice3A_377 : vector<20x128xf32> to vector<20x128x1xf32>
    %broadcast_in_dim3A_475 = vector.shape_cast %slice3A_457 : vector<20x512xf32> to vector<20x1x512xf32>
    %min3A_476 = vector.broadcast %broadcast_in_dim3A_474 : vector<20x128x1xf32> to vector<20x128x512xf32>
    %min3A_477 = vector.broadcast %broadcast_in_dim3A_475 : vector<20x1x512xf32> to vector<20x128x512xf32>
    %min3A_478 = arith.minimumf %min3A_476, %min3A_477 : vector<20x128x512xf32>
    %sub3A_479 = arith.subf %min3A_473, %max3A_463 : vector<20x128x512xf32>
    %max3A_480 = arith.constant 0.000000e+00 : f32
    %max3A_481 = vector.broadcast %max3A_480 : f32 to vector<20x128x512xf32>
    %max3A_482 = arith.maximumf %sub3A_479, %max3A_481 : vector<20x128x512xf32>
    %sub3A_483 = arith.subf %min3A_478, %max3A_468 : vector<20x128x512xf32>
    %max3A_484 = arith.constant 0.000000e+00 : f32
    %max3A_485 = vector.broadcast %max3A_484 : f32 to vector<20x128x512xf32>
    %max3A_486 = arith.maximumf %sub3A_483, %max3A_485 : vector<20x128x512xf32>
    %mul3A_487 = arith.mulf %max3A_482, %max3A_486 : vector<20x128x512xf32>
    %broadcast_in_dim3A_488 = vector.shape_cast %slice3A_378 : vector<20x128xf32> to vector<20x128x1xf32>
    %broadcast_in_dim3A_489 = vector.shape_cast %slice3A_458 : vector<20x512xf32> to vector<20x1x512xf32>
    %add3A_490 = vector.broadcast %broadcast_in_dim3A_488 : vector<20x128x1xf32> to vector<20x128x512xf32>
    %add3A_491 = vector.broadcast %broadcast_in_dim3A_489 : vector<20x1x512xf32> to vector<20x128x512xf32>
    %add3A_492 = arith.addf %add3A_490, %add3A_491 : vector<20x128x512xf32>
    %sub3A_493 = arith.subf %add3A_492, %mul3A_487 : vector<20x128x512xf32>
    %max3A_494 = arith.constant 1.000000e-10 : f32
    %max3A_495 = vector.broadcast %max3A_494 : f32 to vector<20x128x512xf32>
    %max3A_496 = arith.maximumf %sub3A_493, %max3A_495 : vector<20x128x512xf32>
    %div3A_497 = arith.divf %mul3A_487, %max3A_496 : vector<20x128x512xf32>
    %gt3A_498 = arith.constant 3.000000e-01 : f32
    %gt3A_499 = vector.broadcast %gt3A_498 : f32 to vector<20x128x512xf32>
    %gt3A_500 = arith.cmpf ogt, %div3A_497, %gt3A_499 : vector<20x128x512xf32>
    %jit3A_501 = arith.constant 1.000000e+00 : f32
    %jit3A_502 = arith.constant 0.000000e+00 : f32
    %broadcast_in_dim3A_503 = vector.broadcast %jit3A_501 : f32 to vector<20x128x512xf32>
    %broadcast_in_dim3A_504 = vector.broadcast %jit3A_502 : f32 to vector<20x128x512xf32>
    %select_n3A_505 = arith.select %gt3A_500, %broadcast_in_dim3A_503, %broadcast_in_dim3A_504 : vector<20x128x512xi1>, vector<20x128x512xf32>
    %broadcast_in_dim3A_506 = vector.shape_cast %while3A_432#0 : vector<20x128xf32> to vector<20x128x1xf32>
    %mul3A_507 = vector.broadcast %broadcast_in_dim3A_506 : vector<20x128x1xf32> to vector<20x128x512xf32>
    %mul3A_508 = arith.mulf %select_n3A_505, %mul3A_507 : vector<20x128x512xf32>
    %reduce_max3A_509 = arith.constant dense<0xFF800000> : vector<20x512xf32>
    %reduce_max3A_510 = vector.multi_reduction <maximumf>, %mul3A_508, %reduce_max3A_509 [1] : vector<20x128x512xf32> to vector<20x512xf32>
    %get3A_511 = arith.constant 0 : index
    %get3A_512 = arith.constant 0 : index
    %get3A_513 = vector.load %arg10[%get3A_511, %get3A_512] : memref<20x2048xf32, #tpu.memory_space<vmem>>, vector<20x512xf32>
    %sub3A_514 = arith.constant 1.000000e+00 : f32
    %sub3A_515 = vector.broadcast %sub3A_514 : f32 to vector<20x512xf32>
    %sub3A_516 = arith.subf %sub3A_515, %reduce_max3A_510 : vector<20x512xf32>
    %mul3A_517 = arith.mulf %get3A_513, %sub3A_516 : vector<20x512xf32>
    %swap3A_518 = arith.constant 0 : index
    %swap3A_519 = arith.constant 0 : index
    %swap3A_520 = vector.load %arg10[%swap3A_518, %swap3A_519] : memref<20x2048xf32, #tpu.memory_space<vmem>>, vector<20x512xf32>
    tpu.vector_store %arg10[%swap3A_518, %swap3A_519], %mul3A_517 {strides = array<i32>} : memref<20x2048xf32, #tpu.memory_space<vmem>>, vector<20x512xf32>,
    %slice3A_521 = vector.extract_strided_slice %get3A_1 {offsets = [0, 512], sizes = [20, 512], strides = [1, 1]} : vector<20x2048xf32> to vector<20x512xf32>
    %slice3A_522 = vector.extract_strided_slice %get3A_4 {offsets = [0, 512], sizes = [20, 512], strides = [1, 1]} : vector<20x2048xf32> to vector<20x512xf32>
    %slice3A_523 = vector.extract_strided_slice %get3A_7 {offsets = [0, 512], sizes = [20, 512], strides = [1, 1]} : vector<20x2048xf32> to vector<20x512xf32>
    %slice3A_524 = vector.extract_strided_slice %get3A_10 {offsets = [0, 512], sizes = [20, 512], strides = [1, 1]} : vector<20x2048xf32> to vector<20x512xf32>
    %slice3A_525 = vector.extract_strided_slice %mul3A {offsets = [0, 512], sizes = [20, 512], strides = [1, 1]} : vector<20x2048xf32> to vector<20x512xf32>
    %broadcast_in_dim3A_526 = vector.shape_cast %slice3A_374 : vector<20x128xf32> to vector<20x128x1xf32>
    %broadcast_in_dim3A_527 = vector.shape_cast %slice3A_521 : vector<20x512xf32> to vector<20x1x512xf32>
    %max3A_528 = vector.broadcast %broadcast_in_dim3A_526 : vector<20x128x1xf32> to vector<20x128x512xf32>
    %max3A_529 = vector.broadcast %broadcast_in_dim3A_527 : vector<20x1x512xf32> to vector<20x128x512xf32>
    %max3A_530 = arith.maximumf %max3A_528, %max3A_529 : vector<20x128x512xf32>
    %broadcast_in_dim3A_531 = vector.shape_cast %slice3A_375 : vector<20x128xf32> to vector<20x128x1xf32>
    %broadcast_in_dim3A_532 = vector.shape_cast %slice3A_522 : vector<20x512xf32> to vector<20x1x512xf32>
    %max3A_533 = vector.broadcast %broadcast_in_dim3A_531 : vector<20x128x1xf32> to vector<20x128x512xf32>
    %max3A_534 = vector.broadcast %broadcast_in_dim3A_532 : vector<20x1x512xf32> to vector<20x128x512xf32>
    %max3A_535 = arith.maximumf %max3A_533, %max3A_534 : vector<20x128x512xf32>
    %broadcast_in_dim3A_536 = vector.shape_cast %slice3A_376 : vector<20x128xf32> to vector<20x128x1xf32>
    %broadcast_in_dim3A_537 = vector.shape_cast %slice3A_523 : vector<20x512xf32> to vector<20x1x512xf32>
    %min3A_538 = vector.broadcast %broadcast_in_dim3A_536 : vector<20x128x1xf32> to vector<20x128x512xf32>
    %min3A_539 = vector.broadcast %broadcast_in_dim3A_537 : vector<20x1x512xf32> to vector<20x128x512xf32>
    %min3A_540 = arith.minimumf %min3A_538, %min3A_539 : vector<20x128x512xf32>
    %broadcast_in_dim3A_541 = vector.shape_cast %slice3A_377 : vector<20x128xf32> to vector<20x128x1xf32>
    %broadcast_in_dim3A_542 = vector.shape_cast %slice3A_524 : vector<20x512xf32> to vector<20x1x512xf32>
    %min3A_543 = vector.broadcast %broadcast_in_dim3A_541 : vector<20x128x1xf32> to vector<20x128x512xf32>
    %min3A_544 = vector.broadcast %broadcast_in_dim3A_542 : vector<20x1x512xf32> to vector<20x128x512xf32>
    %min3A_545 = arith.minimumf %min3A_543, %min3A_544 : vector<20x128x512xf32>
    %sub3A_546 = arith.subf %min3A_540, %max3A_530 : vector<20x128x512xf32>
    %max3A_547 = arith.constant 0.000000e+00 : f32
    %max3A_548 = vector.broadcast %max3A_547 : f32 to vector<20x128x512xf32>
    %max3A_549 = arith.maximumf %sub3A_546, %max3A_548 : vector<20x128x512xf32>
    %sub3A_550 = arith.subf %min3A_545, %max3A_535 : vector<20x128x512xf32>
    %max3A_551 = arith.constant 0.000000e+00 : f32
    %max3A_552 = vector.broadcast %max3A_551 : f32 to vector<20x128x512xf32>
    %max3A_553 = arith.maximumf %sub3A_550, %max3A_552 : vector<20x128x512xf32>
    %mul3A_554 = arith.mulf %max3A_549, %max3A_553 : vector<20x128x512xf32>
    %broadcast_in_dim3A_555 = vector.shape_cast %slice3A_378 : vector<20x128xf32> to vector<20x128x1xf32>
    %broadcast_in_dim3A_556 = vector.shape_cast %slice3A_525 : vector<20x512xf32> to vector<20x1x512xf32>
    %add3A_557 = vector.broadcast %broadcast_in_dim3A_555 : vector<20x128x1xf32> to vector<20x128x512xf32>
    %add3A_558 = vector.broadcast %broadcast_in_dim3A_556 : vector<20x1x512xf32> to vector<20x128x512xf32>
    %add3A_559 = arith.addf %add3A_557, %add3A_558 : vector<20x128x512xf32>
    %sub3A_560 = arith.subf %add3A_559, %mul3A_554 : vector<20x128x512xf32>
    %max3A_561 = arith.constant 1.000000e-10 : f32
    %max3A_562 = vector.broadcast %max3A_561 : f32 to vector<20x128x512xf32>
    %max3A_563 = arith.maximumf %sub3A_560, %max3A_562 : vector<20x128x512xf32>
    %div3A_564 = arith.divf %mul3A_554, %max3A_563 : vector<20x128x512xf32>
    %gt3A_565 = arith.constant 3.000000e-01 : f32
    %gt3A_566 = vector.broadcast %gt3A_565 : f32 to vector<20x128x512xf32>
    %gt3A_567 = arith.cmpf ogt, %div3A_564, %gt3A_566 : vector<20x128x512xf32>
    %jit3A_568 = arith.constant 1.000000e+00 : f32
    %jit3A_569 = arith.constant 0.000000e+00 : f32
    %broadcast_in_dim3A_570 = vector.broadcast %jit3A_568 : f32 to vector<20x128x512xf32>
    %broadcast_in_dim3A_571 = vector.broadcast %jit3A_569 : f32 to vector<20x128x512xf32>
    %select_n3A_572 = arith.select %gt3A_567, %broadcast_in_dim3A_570, %broadcast_in_dim3A_571 : vector<20x128x512xi1>, vector<20x128x512xf32>
    %broadcast_in_dim3A_573 = vector.shape_cast %while3A_432#0 : vector<20x128xf32> to vector<20x128x1xf32>
    %mul3A_574 = vector.broadcast %broadcast_in_dim3A_573 : vector<20x128x1xf32> to vector<20x128x512xf32>
    %mul3A_575 = arith.mulf %select_n3A_572, %mul3A_574 : vector<20x128x512xf32>
    %reduce_max3A_576 = arith.constant dense<0xFF800000> : vector<20x512xf32>
    %reduce_max3A_577 = vector.multi_reduction <maximumf>, %mul3A_575, %reduce_max3A_576 [1] : vector<20x128x512xf32> to vector<20x512xf32>
    %get3A_578 = arith.constant 0 : index
    %get3A_579 = arith.constant 512 : index
    %get3A_580 = vector.load %arg10[%get3A_578, %get3A_579] : memref<20x2048xf32, #tpu.memory_space<vmem>>, vector<20x512xf32>
    %sub3A_581 = arith.constant 1.000000e+00 : f32
    %sub3A_582 = vector.broadcast %sub3A_581 : f32 to vector<20x512xf32>
    %sub3A_583 = arith.subf %sub3A_582, %reduce_max3A_577 : vector<20x512xf32>
    %mul3A_584 = arith.mulf %get3A_580, %sub3A_583 : vector<20x512xf32>
    %swap3A_585 = arith.constant 0 : index
    %swap3A_586 = arith.constant 512 : index
    %swap3A_587 = vector.load %arg10[%swap3A_585, %swap3A_586] : memref<20x2048xf32, #tpu.memory_space<vmem>>, vector<20x512xf32>
    tpu.vector_store %arg10[%swap3A_585, %swap3A_586], %mul3A_584 {strides = array<i32>} : memref<20x2048xf32, #tpu.memory_space<vmem>>, vector<20x512xf32>,
    %slice3A_588 = vector.extract_strided_slice %get3A_1 {offsets = [0, 1024], sizes = [20, 512], strides = [1, 1]} : vector<20x2048xf32> to vector<20x512xf32>
    %slice3A_589 = vector.extract_strided_slice %get3A_4 {offsets = [0, 1024], sizes = [20, 512], strides = [1, 1]} : vector<20x2048xf32> to vector<20x512xf32>
    %slice3A_590 = vector.extract_strided_slice %get3A_7 {offsets = [0, 1024], sizes = [20, 512], strides = [1, 1]} : vector<20x2048xf32> to vector<20x512xf32>
    %slice3A_591 = vector.extract_strided_slice %get3A_10 {offsets = [0, 1024], sizes = [20, 512], strides = [1, 1]} : vector<20x2048xf32> to vector<20x512xf32>
    %slice3A_592 = vector.extract_strided_slice %mul3A {offsets = [0, 1024], sizes = [20, 512], strides = [1, 1]} : vector<20x2048xf32> to vector<20x512xf32>
    %broadcast_in_dim3A_593 = vector.shape_cast %slice3A_374 : vector<20x128xf32> to vector<20x128x1xf32>
    %broadcast_in_dim3A_594 = vector.shape_cast %slice3A_588 : vector<20x512xf32> to vector<20x1x512xf32>
    %max3A_595 = vector.broadcast %broadcast_in_dim3A_593 : vector<20x128x1xf32> to vector<20x128x512xf32>
    %max3A_596 = vector.broadcast %broadcast_in_dim3A_594 : vector<20x1x512xf32> to vector<20x128x512xf32>
    %max3A_597 = arith.maximumf %max3A_595, %max3A_596 : vector<20x128x512xf32>
    %broadcast_in_dim3A_598 = vector.shape_cast %slice3A_375 : vector<20x128xf32> to vector<20x128x1xf32>
    %broadcast_in_dim3A_599 = vector.shape_cast %slice3A_589 : vector<20x512xf32> to vector<20x1x512xf32>
    %max3A_600 = vector.broadcast %broadcast_in_dim3A_598 : vector<20x128x1xf32> to vector<20x128x512xf32>
    %max3A_601 = vector.broadcast %broadcast_in_dim3A_599 : vector<20x1x512xf32> to vector<20x128x512xf32>
    %max3A_602 = arith.maximumf %max3A_600, %max3A_601 : vector<20x128x512xf32>
    %broadcast_in_dim3A_603 = vector.shape_cast %slice3A_376 : vector<20x128xf32> to vector<20x128x1xf32>
    %broadcast_in_dim3A_604 = vector.shape_cast %slice3A_590 : vector<20x512xf32> to vector<20x1x512xf32>
    %min3A_605 = vector.broadcast %broadcast_in_dim3A_603 : vector<20x128x1xf32> to vector<20x128x512xf32>
    %min3A_606 = vector.broadcast %broadcast_in_dim3A_604 : vector<20x1x512xf32> to vector<20x128x512xf32>
    %min3A_607 = arith.minimumf %min3A_605, %min3A_606 : vector<20x128x512xf32>
    %broadcast_in_dim3A_608 = vector.shape_cast %slice3A_377 : vector<20x128xf32> to vector<20x128x1xf32>
    %broadcast_in_dim3A_609 = vector.shape_cast %slice3A_591 : vector<20x512xf32> to vector<20x1x512xf32>
    %min3A_610 = vector.broadcast %broadcast_in_dim3A_608 : vector<20x128x1xf32> to vector<20x128x512xf32>
    %min3A_611 = vector.broadcast %broadcast_in_dim3A_609 : vector<20x1x512xf32> to vector<20x128x512xf32>
    %min3A_612 = arith.minimumf %min3A_610, %min3A_611 : vector<20x128x512xf32>
    %sub3A_613 = arith.subf %min3A_607, %max3A_597 : vector<20x128x512xf32>
    %max3A_614 = arith.constant 0.000000e+00 : f32
    %max3A_615 = vector.broadcast %max3A_614 : f32 to vector<20x128x512xf32>
    %max3A_616 = arith.maximumf %sub3A_613, %max3A_615 : vector<20x128x512xf32>
    %sub3A_617 = arith.subf %min3A_612, %max3A_602 : vector<20x128x512xf32>
    %max3A_618 = arith.constant 0.000000e+00 : f32
    %max3A_619 = vector.broadcast %max3A_618 : f32 to vector<20x128x512xf32>
    %max3A_620 = arith.maximumf %sub3A_617, %max3A_619 : vector<20x128x512xf32>
    %mul3A_621 = arith.mulf %max3A_616, %max3A_620 : vector<20x128x512xf32>
    %broadcast_in_dim3A_622 = vector.shape_cast %slice3A_378 : vector<20x128xf32> to vector<20x128x1xf32>
    %broadcast_in_dim3A_623 = vector.shape_cast %slice3A_592 : vector<20x512xf32> to vector<20x1x512xf32>
    %add3A_624 = vector.broadcast %broadcast_in_dim3A_622 : vector<20x128x1xf32> to vector<20x128x512xf32>
    %add3A_625 = vector.broadcast %broadcast_in_dim3A_623 : vector<20x1x512xf32> to vector<20x128x512xf32>
    %add3A_626 = arith.addf %add3A_624, %add3A_625 : vector<20x128x512xf32>
    %sub3A_627 = arith.subf %add3A_626, %mul3A_621 : vector<20x128x512xf32>
    %max3A_628 = arith.constant 1.000000e-10 : f32
    %max3A_629 = vector.broadcast %max3A_628 : f32 to vector<20x128x512xf32>
    %max3A_630 = arith.maximumf %sub3A_627, %max3A_629 : vector<20x128x512xf32>
    %div3A_631 = arith.divf %mul3A_621, %max3A_630 : vector<20x128x512xf32>
    %gt3A_632 = arith.constant 3.000000e-01 : f32
    %gt3A_633 = vector.broadcast %gt3A_632 : f32 to vector<20x128x512xf32>
    %gt3A_634 = arith.cmpf ogt, %div3A_631, %gt3A_633 : vector<20x128x512xf32>
    %jit3A_635 = arith.constant 1.000000e+00 : f32
    %jit3A_636 = arith.constant 0.000000e+00 : f32
    %broadcast_in_dim3A_637 = vector.broadcast %jit3A_635 : f32 to vector<20x128x512xf32>
    %broadcast_in_dim3A_638 = vector.broadcast %jit3A_636 : f32 to vector<20x128x512xf32>
    %select_n3A_639 = arith.select %gt3A_634, %broadcast_in_dim3A_637, %broadcast_in_dim3A_638 : vector<20x128x512xi1>, vector<20x128x512xf32>
    %broadcast_in_dim3A_640 = vector.shape_cast %while3A_432#0 : vector<20x128xf32> to vector<20x128x1xf32>
    %mul3A_641 = vector.broadcast %broadcast_in_dim3A_640 : vector<20x128x1xf32> to vector<20x128x512xf32>
    %mul3A_642 = arith.mulf %select_n3A_639, %mul3A_641 : vector<20x128x512xf32>
    %reduce_max3A_643 = arith.constant dense<0xFF800000> : vector<20x512xf32>
    %reduce_max3A_644 = vector.multi_reduction <maximumf>, %mul3A_642, %reduce_max3A_643 [1] : vector<20x128x512xf32> to vector<20x512xf32>
    %get3A_645 = arith.constant 0 : index
    %get3A_646 = arith.constant 1024 : index
    %get3A_647 = vector.load %arg10[%get3A_645, %get3A_646] : memref<20x2048xf32, #tpu.memory_space<vmem>>, vector<20x512xf32>
    %sub3A_648 = arith.constant 1.000000e+00 : f32
    %sub3A_649 = vector.broadcast %sub3A_648 : f32 to vector<20x512xf32>
    %sub3A_650 = arith.subf %sub3A_649, %reduce_max3A_644 : vector<20x512xf32>
    %mul3A_651 = arith.mulf %get3A_647, %sub3A_650 : vector<20x512xf32>
    %swap3A_652 = arith.constant 0 : index
    %swap3A_653 = arith.constant 1024 : index
    %swap3A_654 = vector.load %arg10[%swap3A_652, %swap3A_653] : memref<20x2048xf32, #tpu.memory_space<vmem>>, vector<20x512xf32>
    tpu.vector_store %arg10[%swap3A_652, %swap3A_653], %mul3A_651 {strides = array<i32>} : memref<20x2048xf32, #tpu.memory_space<vmem>>, vector<20x512xf32>,
    %slice3A_655 = vector.extract_strided_slice %get3A_1 {offsets = [0, 1536], sizes = [20, 512], strides = [1, 1]} : vector<20x2048xf32> to vector<20x512xf32>
    %slice3A_656 = vector.extract_strided_slice %get3A_4 {offsets = [0, 1536], sizes = [20, 512], strides = [1, 1]} : vector<20x2048xf32> to vector<20x512xf32>
    %slice3A_657 = vector.extract_strided_slice %get3A_7 {offsets = [0, 1536], sizes = [20, 512], strides = [1, 1]} : vector<20x2048xf32> to vector<20x512xf32>
    %slice3A_658 = vector.extract_strided_slice %get3A_10 {offsets = [0, 1536], sizes = [20, 512], strides = [1, 1]} : vector<20x2048xf32> to vector<20x512xf32>
    %slice3A_659 = vector.extract_strided_slice %mul3A {offsets = [0, 1536], sizes = [20, 512], strides = [1, 1]} : vector<20x2048xf32> to vector<20x512xf32>
    %broadcast_in_dim3A_660 = vector.shape_cast %slice3A_374 : vector<20x128xf32> to vector<20x128x1xf32>
    %broadcast_in_dim3A_661 = vector.shape_cast %slice3A_655 : vector<20x512xf32> to vector<20x1x512xf32>
    %max3A_662 = vector.broadcast %broadcast_in_dim3A_660 : vector<20x128x1xf32> to vector<20x128x512xf32>
    %max3A_663 = vector.broadcast %broadcast_in_dim3A_661 : vector<20x1x512xf32> to vector<20x128x512xf32>
    %max3A_664 = arith.maximumf %max3A_662, %max3A_663 : vector<20x128x512xf32>
    %broadcast_in_dim3A_665 = vector.shape_cast %slice3A_375 : vector<20x128xf32> to vector<20x128x1xf32>
    %broadcast_in_dim3A_666 = vector.shape_cast %slice3A_656 : vector<20x512xf32> to vector<20x1x512xf32>
    %max3A_667 = vector.broadcast %broadcast_in_dim3A_665 : vector<20x128x1xf32> to vector<20x128x512xf32>
    %max3A_668 = vector.broadcast %broadcast_in_dim3A_666 : vector<20x1x512xf32> to vector<20x128x512xf32>
    %max3A_669 = arith.maximumf %max3A_667, %max3A_668 : vector<20x128x512xf32>
    %broadcast_in_dim3A_670 = vector.shape_cast %slice3A_376 : vector<20x128xf32> to vector<20x128x1xf32>
    %broadcast_in_dim3A_671 = vector.shape_cast %slice3A_657 : vector<20x512xf32> to vector<20x1x512xf32>
    %min3A_672 = vector.broadcast %broadcast_in_dim3A_670 : vector<20x128x1xf32> to vector<20x128x512xf32>
    %min3A_673 = vector.broadcast %broadcast_in_dim3A_671 : vector<20x1x512xf32> to vector<20x128x512xf32>
    %min3A_674 = arith.minimumf %min3A_672, %min3A_673 : vector<20x128x512xf32>
    %broadcast_in_dim3A_675 = vector.shape_cast %slice3A_377 : vector<20x128xf32> to vector<20x128x1xf32>
    %broadcast_in_dim3A_676 = vector.shape_cast %slice3A_658 : vector<20x512xf32> to vector<20x1x512xf32>
    %min3A_677 = vector.broadcast %broadcast_in_dim3A_675 : vector<20x128x1xf32> to vector<20x128x512xf32>
    %min3A_678 = vector.broadcast %broadcast_in_dim3A_676 : vector<20x1x512xf32> to vector<20x128x512xf32>
    %min3A_679 = arith.minimumf %min3A_677, %min3A_678 : vector<20x128x512xf32>
    %sub3A_680 = arith.subf %min3A_674, %max3A_664 : vector<20x128x512xf32>
    %max3A_681 = arith.constant 0.000000e+00 : f32
    %max3A_682 = vector.broadcast %max3A_681 : f32 to vector<20x128x512xf32>
    %max3A_683 = arith.maximumf %sub3A_680, %max3A_682 : vector<20x128x512xf32>
    %sub3A_684 = arith.subf %min3A_679, %max3A_669 : vector<20x128x512xf32>
    %max3A_685 = arith.constant 0.000000e+00 : f32
    %max3A_686 = vector.broadcast %max3A_685 : f32 to vector<20x128x512xf32>
    %max3A_687 = arith.maximumf %sub3A_684, %max3A_686 : vector<20x128x512xf32>
    %mul3A_688 = arith.mulf %max3A_683, %max3A_687 : vector<20x128x512xf32>
    %broadcast_in_dim3A_689 = vector.shape_cast %slice3A_378 : vector<20x128xf32> to vector<20x128x1xf32>
    %broadcast_in_dim3A_690 = vector.shape_cast %slice3A_659 : vector<20x512xf32> to vector<20x1x512xf32>
    %add3A_691 = vector.broadcast %broadcast_in_dim3A_689 : vector<20x128x1xf32> to vector<20x128x512xf32>
    %add3A_692 = vector.broadcast %broadcast_in_dim3A_690 : vector<20x1x512xf32> to vector<20x128x512xf32>
    %add3A_693 = arith.addf %add3A_691, %add3A_692 : vector<20x128x512xf32>
    %sub3A_694 = arith.subf %add3A_693, %mul3A_688 : vector<20x128x512xf32>
    %max3A_695 = arith.constant 1.000000e-10 : f32
    %max3A_696 = vector.broadcast %max3A_695 : f32 to vector<20x128x512xf32>
    %max3A_697 = arith.maximumf %sub3A_694, %max3A_696 : vector<20x128x512xf32>
    %div3A_698 = arith.divf %mul3A_688, %max3A_697 : vector<20x128x512xf32>
    %gt3A_699 = arith.constant 3.000000e-01 : f32
    %gt3A_700 = vector.broadcast %gt3A_699 : f32 to vector<20x128x512xf32>
    %gt3A_701 = arith.cmpf ogt, %div3A_698, %gt3A_700 : vector<20x128x512xf32>
    %jit3A_702 = arith.constant 1.000000e+00 : f32
    %jit3A_703 = arith.constant 0.000000e+00 : f32
    %broadcast_in_dim3A_704 = vector.broadcast %jit3A_702 : f32 to vector<20x128x512xf32>
    %broadcast_in_dim3A_705 = vector.broadcast %jit3A_703 : f32 to vector<20x128x512xf32>
    %select_n3A_706 = arith.select %gt3A_701, %broadcast_in_dim3A_704, %broadcast_in_dim3A_705 : vector<20x128x512xi1>, vector<20x128x512xf32>
    %broadcast_in_dim3A_707 = vector.shape_cast %while3A_432#0 : vector<20x128xf32> to vector<20x128x1xf32>
    %mul3A_708 = vector.broadcast %broadcast_in_dim3A_707 : vector<20x128x1xf32> to vector<20x128x512xf32>
    %mul3A_709 = arith.mulf %select_n3A_706, %mul3A_708 : vector<20x128x512xf32>
    %reduce_max3A_710 = arith.constant dense<0xFF800000> : vector<20x512xf32>
    %reduce_max3A_711 = vector.multi_reduction <maximumf>, %mul3A_709, %reduce_max3A_710 [1] : vector<20x128x512xf32> to vector<20x512xf32>
    %get3A_712 = arith.constant 0 : index
    %get3A_713 = arith.constant 1536 : index
    %get3A_714 = vector.load %arg10[%get3A_712, %get3A_713] : memref<20x2048xf32, #tpu.memory_space<vmem>>, vector<20x512xf32>
    %sub3A_715 = arith.constant 1.000000e+00 : f32
    %sub3A_716 = vector.broadcast %sub3A_715 : f32 to vector<20x512xf32>
    %sub3A_717 = arith.subf %sub3A_716, %reduce_max3A_711 : vector<20x512xf32>
    %mul3A_718 = arith.mulf %get3A_714, %sub3A_717 : vector<20x512xf32>
    %swap3A_719 = arith.constant 0 : index
    %swap3A_720 = arith.constant 1536 : index
    %swap3A_721 = vector.load %arg10[%swap3A_719, %swap3A_720] : memref<20x2048xf32, #tpu.memory_space<vmem>>, vector<20x512xf32>
    tpu.vector_store %arg10[%swap3A_719, %swap3A_720], %mul3A_718 {strides = array<i32>} : memref<20x2048xf32, #tpu.memory_space<vmem>>, vector<20x512xf32>,
    %slice3A_722 = vector.extract_strided_slice %get3A_1 {offsets = [0, 256], sizes = [20, 128], strides = [1, 1]} : vector<20x2048xf32> to vector<20x128xf32>
    %slice3A_723 = vector.extract_strided_slice %get3A_4 {offsets = [0, 256], sizes = [20, 128], strides = [1, 1]} : vector<20x2048xf32> to vector<20x128xf32>
    %slice3A_724 = vector.extract_strided_slice %get3A_7 {offsets = [0, 256], sizes = [20, 128], strides = [1, 1]} : vector<20x2048xf32> to vector<20x128xf32>
    %slice3A_725 = vector.extract_strided_slice %get3A_10 {offsets = [0, 256], sizes = [20, 128], strides = [1, 1]} : vector<20x2048xf32> to vector<20x128xf32>
    %slice3A_726 = vector.extract_strided_slice %mul3A {offsets = [0, 256], sizes = [20, 128], strides = [1, 1]} : vector<20x2048xf32> to vector<20x128xf32>
    %broadcast_in_dim3A_727 = vector.shape_cast %slice3A_722 : vector<20x128xf32> to vector<20x128x1xf32>
    %broadcast_in_dim3A_728 = vector.shape_cast %slice3A_722 : vector<20x128xf32> to vector<20x1x128xf32>
    %max3A_729 = vector.broadcast %broadcast_in_dim3A_727 : vector<20x128x1xf32> to vector<20x128x128xf32>
    %max3A_730 = vector.broadcast %broadcast_in_dim3A_728 : vector<20x1x128xf32> to vector<20x128x128xf32>
    %max3A_731 = arith.maximumf %max3A_729, %max3A_730 : vector<20x128x128xf32>
    %broadcast_in_dim3A_732 = vector.shape_cast %slice3A_723 : vector<20x128xf32> to vector<20x128x1xf32>
    %broadcast_in_dim3A_733 = vector.shape_cast %slice3A_723 : vector<20x128xf32> to vector<20x1x128xf32>
    %max3A_734 = vector.broadcast %broadcast_in_dim3A_732 : vector<20x128x1xf32> to vector<20x128x128xf32>
    %max3A_735 = vector.broadcast %broadcast_in_dim3A_733 : vector<20x1x128xf32> to vector<20x128x128xf32>
    %max3A_736 = arith.maximumf %max3A_734, %max3A_735 : vector<20x128x128xf32>
    %broadcast_in_dim3A_737 = vector.shape_cast %slice3A_724 : vector<20x128xf32> to vector<20x128x1xf32>
    %broadcast_in_dim3A_738 = vector.shape_cast %slice3A_724 : vector<20x128xf32> to vector<20x1x128xf32>
    %min3A_739 = vector.broadcast %broadcast_in_dim3A_737 : vector<20x128x1xf32> to vector<20x128x128xf32>
    %min3A_740 = vector.broadcast %broadcast_in_dim3A_738 : vector<20x1x128xf32> to vector<20x128x128xf32>
    %min3A_741 = arith.minimumf %min3A_739, %min3A_740 : vector<20x128x128xf32>
    %broadcast_in_dim3A_742 = vector.shape_cast %slice3A_725 : vector<20x128xf32> to vector<20x128x1xf32>
    %broadcast_in_dim3A_743 = vector.shape_cast %slice3A_725 : vector<20x128xf32> to vector<20x1x128xf32>
    %min3A_744 = vector.broadcast %broadcast_in_dim3A_742 : vector<20x128x1xf32> to vector<20x128x128xf32>
    %min3A_745 = vector.broadcast %broadcast_in_dim3A_743 : vector<20x1x128xf32> to vector<20x128x128xf32>
    %min3A_746 = arith.minimumf %min3A_744, %min3A_745 : vector<20x128x128xf32>
    %sub3A_747 = arith.subf %min3A_741, %max3A_731 : vector<20x128x128xf32>
    %max3A_748 = arith.constant 0.000000e+00 : f32
    %max3A_749 = vector.broadcast %max3A_748 : f32 to vector<20x128x128xf32>
    %max3A_750 = arith.maximumf %sub3A_747, %max3A_749 : vector<20x128x128xf32>
    %sub3A_751 = arith.subf %min3A_746, %max3A_736 : vector<20x128x128xf32>
    %max3A_752 = arith.constant 0.000000e+00 : f32
    %max3A_753 = vector.broadcast %max3A_752 : f32 to vector<20x128x128xf32>
    %max3A_754 = arith.maximumf %sub3A_751, %max3A_753 : vector<20x128x128xf32>
    %mul3A_755 = arith.mulf %max3A_750, %max3A_754 : vector<20x128x128xf32>
    %broadcast_in_dim3A_756 = vector.shape_cast %slice3A_726 : vector<20x128xf32> to vector<20x128x1xf32>
    %broadcast_in_dim3A_757 = vector.shape_cast %slice3A_726 : vector<20x128xf32> to vector<20x1x128xf32>
    %add3A_758 = vector.broadcast %broadcast_in_dim3A_756 : vector<20x128x1xf32> to vector<20x128x128xf32>
    %add3A_759 = vector.broadcast %broadcast_in_dim3A_757 : vector<20x1x128xf32> to vector<20x128x128xf32>
    %add3A_760 = arith.addf %add3A_758, %add3A_759 : vector<20x128x128xf32>
    %sub3A_761 = arith.subf %add3A_760, %mul3A_755 : vector<20x128x128xf32>
    %max3A_762 = arith.constant 1.000000e-10 : f32
    %max3A_763 = vector.broadcast %max3A_762 : f32 to vector<20x128x128xf32>
    %max3A_764 = arith.maximumf %sub3A_761, %max3A_763 : vector<20x128x128xf32>
    %div3A_765 = arith.divf %mul3A_755, %max3A_764 : vector<20x128x128xf32>
    %gt3A_766 = arith.constant 3.000000e-01 : f32
    %gt3A_767 = vector.broadcast %gt3A_766 : f32 to vector<20x128x128xf32>
    %gt3A_768 = arith.cmpf ogt, %div3A_765, %gt3A_767 : vector<20x128x128xf32>
    %jit3A_769 = arith.constant 1.000000e+00 : f32
    %jit3A_770 = arith.constant 0.000000e+00 : f32
    %broadcast_in_dim3A_771 = vector.broadcast %jit3A_769 : f32 to vector<20x128x128xf32>
    %broadcast_in_dim3A_772 = vector.broadcast %jit3A_770 : f32 to vector<20x128x128xf32>
    %select_n3A_773 = arith.select %gt3A_768, %broadcast_in_dim3A_771, %broadcast_in_dim3A_772 : vector<20x128x128xi1>, vector<20x128x128xf32>
    %mul3A_774 = vector.broadcast %select_n3A_31 : vector<1x128x128xf32> to vector<20x128x128xf32>
    %mul3A_775 = arith.mulf %select_n3A_773, %mul3A_774 : vector<20x128x128xf32>
    %get3A_776 = arith.constant 0 : index
    %get3A_777 = arith.constant 256 : index
    %get3A_778 = vector.load %arg10[%get3A_776, %get3A_777] : memref<20x2048xf32, #tpu.memory_space<vmem>>, vector<20x128xf32>
    %while3A_779 = arith.constant true
    %while3A_780:2 = scf.while (%while3A_3718 = %get3A_778, %while3A_3719 = %while3A_779) : (vector<20x128xf32>, i1) -> (vector<20x128xf32>, i1) {
      scf.condition(%while3A_3719) %while3A_3718, %while3A_3719 : vector<20x128xf32>, i1
    } do {
    ^bb0(%while3A_3718: vector<20x128xf32>, %while3A_3719: i1):
      %broadcast_in_dim3A_3720 = vector.shape_cast %while3A_3718 : vector<20x128xf32> to vector<20x128x1xf32>
      %mul3A_3721 = vector.broadcast %broadcast_in_dim3A_3720 : vector<20x128x1xf32> to vector<20x128x128xf32>
      %mul3A_3722 = arith.mulf %mul3A_775, %mul3A_3721 : vector<20x128x128xf32>
      %reduce_max3A_3723 = arith.constant dense<0xFF800000> : vector<20x128xf32>
      %reduce_max3A_3724 = vector.multi_reduction <maximumf>, %mul3A_3722, %reduce_max3A_3723 [1] : vector<20x128x128xf32> to vector<20x128xf32>
      %sub3A_3725 = arith.constant 1.000000e+00 : f32
      %sub3A_3726 = vector.broadcast %sub3A_3725 : f32 to vector<20x128xf32>
      %sub3A_3727 = arith.subf %sub3A_3726, %reduce_max3A_3724 : vector<20x128xf32>
      %mul3A_3728 = arith.mulf %get3A_778, %sub3A_3727 : vector<20x128xf32>
      %ne3A = arith.cmpf one, %mul3A_3728, %while3A_3718 : vector<20x128xf32>
      %reduce_or3A = arith.constant 1.000000e+00 : f32
      %reduce_or3A_3729 = arith.constant 0.000000e+00 : f32
      %reduce_or3A_3730 = vector.broadcast %reduce_or3A : f32 to vector<20x128xf32>
      %reduce_or3A_3731 = vector.broadcast %reduce_or3A_3729 : f32 to vector<20x128xf32>
      %reduce_or3A_3732 = arith.select %ne3A, %reduce_or3A_3730, %reduce_or3A_3731 : vector<20x128xi1>, vector<20x128xf32>
      %reduce_or3A_3733 = vector.shape_cast %reduce_or3A_3732 : vector<20x128xf32> to vector<1x20x128xf32>
      %reduce_or3A_3734 = arith.constant dense<0xFF800000> : vector<1xf32>
      %reduce_or3A_3735 = vector.multi_reduction <maximumf>, %reduce_or3A_3733, %reduce_or3A_3734 [1, 2] : vector<1x20x128xf32> to vector<1xf32>
      %reduce_or3A_3736 = vector.shape_cast %reduce_or3A_3735 : vector<1xf32> to vector<1x1x1xf32>
      %reduce_or3A_3737 = vector.extract %reduce_or3A_3736[0, 0, 0] : f32 from vector<1x1x1xf32>
      %reduce_or3A_3738 = arith.constant 0.000000e+00 : f32
      %reduce_or3A_3739 = arith.cmpf ogt, %reduce_or3A_3737, %reduce_or3A_3738 : f32
      scf.yield %mul3A_3728, %reduce_or3A_3739 : vector<20x128xf32>, i1
    }
    %mul3A_781 = arith.mulf %slice3A_722, %while3A_780#0 : vector<20x128xf32>
    %swap3A_782 = arith.constant 0 : index
    %swap3A_783 = arith.constant 256 : index
    %swap3A_784 = vector.load %arg5[%swap3A_782, %swap3A_783] : memref<20x2048xf32, #tpu.memory_space<vmem>>, vector<20x128xf32>
    tpu.vector_store %arg5[%swap3A_782, %swap3A_783], %mul3A_781 {strides = array<i32>} : memref<20x2048xf32, #tpu.memory_space<vmem>>, vector<20x128xf32>,
    %mul3A_785 = arith.mulf %slice3A_723, %while3A_780#0 : vector<20x128xf32>
    %swap3A_786 = arith.constant 0 : index
    %swap3A_787 = arith.constant 256 : index
    %swap3A_788 = vector.load %arg6[%swap3A_786, %swap3A_787] : memref<20x2048xf32, #tpu.memory_space<vmem>>, vector<20x128xf32>
    tpu.vector_store %arg6[%swap3A_786, %swap3A_787], %mul3A_785 {strides = array<i32>} : memref<20x2048xf32, #tpu.memory_space<vmem>>, vector<20x128xf32>,
    %mul3A_789 = arith.mulf %slice3A_724, %while3A_780#0 : vector<20x128xf32>
    %swap3A_790 = arith.constant 0 : index
    %swap3A_791 = arith.constant 256 : index
    %swap3A_792 = vector.load %arg7[%swap3A_790, %swap3A_791] : memref<20x2048xf32, #tpu.memory_space<vmem>>, vector<20x128xf32>
    tpu.vector_store %arg7[%swap3A_790, %swap3A_791], %mul3A_789 {strides = array<i32>} : memref<20x2048xf32, #tpu.memory_space<vmem>>, vector<20x128xf32>,
    %mul3A_793 = arith.mulf %slice3A_725, %while3A_780#0 : vector<20x128xf32>
    %swap3A_794 = arith.constant 0 : index
    %swap3A_795 = arith.constant 256 : index
    %swap3A_796 = vector.load %arg8[%swap3A_794, %swap3A_795] : memref<20x2048xf32, #tpu.memory_space<vmem>>, vector<20x128xf32>
    tpu.vector_store %arg8[%swap3A_794, %swap3A_795], %mul3A_793 {strides = array<i32>} : memref<20x2048xf32, #tpu.memory_space<vmem>>, vector<20x128xf32>,
    %slice3A_797 = vector.extract_strided_slice %get3A_13 {offsets = [0, 256], sizes = [20, 128], strides = [1, 1]} : vector<20x2048xf32> to vector<20x128xf32>
    %mul3A_798 = arith.mulf %slice3A_797, %while3A_780#0 : vector<20x128xf32>
    %swap3A_799 = arith.constant 0 : index
    %swap3A_800 = arith.constant 256 : index
    %swap3A_801 = vector.load %arg9[%swap3A_799, %swap3A_800] : memref<20x2048xf32, #tpu.memory_space<vmem>>, vector<20x128xf32>
    tpu.vector_store %arg9[%swap3A_799, %swap3A_800], %mul3A_798 {strides = array<i32>} : memref<20x2048xf32, #tpu.memory_space<vmem>>, vector<20x128xf32>,
    %slice3A_802 = vector.extract_strided_slice %get3A_1 {offsets = [0, 0], sizes = [20, 512], strides = [1, 1]} : vector<20x2048xf32> to vector<20x512xf32>
    %slice3A_803 = vector.extract_strided_slice %get3A_4 {offsets = [0, 0], sizes = [20, 512], strides = [1, 1]} : vector<20x2048xf32> to vector<20x512xf32>
    %slice3A_804 = vector.extract_strided_slice %get3A_7 {offsets = [0, 0], sizes = [20, 512], strides = [1, 1]} : vector<20x2048xf32> to vector<20x512xf32>
    %slice3A_805 = vector.extract_strided_slice %get3A_10 {offsets = [0, 0], sizes = [20, 512], strides = [1, 1]} : vector<20x2048xf32> to vector<20x512xf32>
    %slice3A_806 = vector.extract_strided_slice %mul3A {offsets = [0, 0], sizes = [20, 512], strides = [1, 1]} : vector<20x2048xf32> to vector<20x512xf32>
    %broadcast_in_dim3A_807 = vector.shape_cast %slice3A_722 : vector<20x128xf32> to vector<20x128x1xf32>
    %broadcast_in_dim3A_808 = vector.shape_cast %slice3A_802 : vector<20x512xf32> to vector<20x1x512xf32>
    %max3A_809 = vector.broadcast %broadcast_in_dim3A_807 : vector<20x128x1xf32> to vector<20x128x512xf32>
    %max3A_810 = vector.broadcast %broadcast_in_dim3A_808 : vector<20x1x512xf32> to vector<20x128x512xf32>
    %max3A_811 = arith.maximumf %max3A_809, %max3A_810 : vector<20x128x512xf32>
    %broadcast_in_dim3A_812 = vector.shape_cast %slice3A_723 : vector<20x128xf32> to vector<20x128x1xf32>
    %broadcast_in_dim3A_813 = vector.shape_cast %slice3A_803 : vector<20x512xf32> to vector<20x1x512xf32>
    %max3A_814 = vector.broadcast %broadcast_in_dim3A_812 : vector<20x128x1xf32> to vector<20x128x512xf32>
    %max3A_815 = vector.broadcast %broadcast_in_dim3A_813 : vector<20x1x512xf32> to vector<20x128x512xf32>
    %max3A_816 = arith.maximumf %max3A_814, %max3A_815 : vector<20x128x512xf32>
    %broadcast_in_dim3A_817 = vector.shape_cast %slice3A_724 : vector<20x128xf32> to vector<20x128x1xf32>
    %broadcast_in_dim3A_818 = vector.shape_cast %slice3A_804 : vector<20x512xf32> to vector<20x1x512xf32>
    %min3A_819 = vector.broadcast %broadcast_in_dim3A_817 : vector<20x128x1xf32> to vector<20x128x512xf32>
    %min3A_820 = vector.broadcast %broadcast_in_dim3A_818 : vector<20x1x512xf32> to vector<20x128x512xf32>
    %min3A_821 = arith.minimumf %min3A_819, %min3A_820 : vector<20x128x512xf32>
    %broadcast_in_dim3A_822 = vector.shape_cast %slice3A_725 : vector<20x128xf32> to vector<20x128x1xf32>
    %broadcast_in_dim3A_823 = vector.shape_cast %slice3A_805 : vector<20x512xf32> to vector<20x1x512xf32>
    %min3A_824 = vector.broadcast %broadcast_in_dim3A_822 : vector<20x128x1xf32> to vector<20x128x512xf32>
    %min3A_825 = vector.broadcast %broadcast_in_dim3A_823 : vector<20x1x512xf32> to vector<20x128x512xf32>
    %min3A_826 = arith.minimumf %min3A_824, %min3A_825 : vector<20x128x512xf32>
    %sub3A_827 = arith.subf %min3A_821, %max3A_811 : vector<20x128x512xf32>
    %max3A_828 = arith.constant 0.000000e+00 : f32
    %max3A_829 = vector.broadcast %max3A_828 : f32 to vector<20x128x512xf32>
    %max3A_830 = arith.maximumf %sub3A_827, %max3A_829 : vector<20x128x512xf32>
    %sub3A_831 = arith.subf %min3A_826, %max3A_816 : vector<20x128x512xf32>
    %max3A_832 = arith.constant 0.000000e+00 : f32
    %max3A_833 = vector.broadcast %max3A_832 : f32 to vector<20x128x512xf32>
    %max3A_834 = arith.maximumf %sub3A_831, %max3A_833 : vector<20x128x512xf32>
    %mul3A_835 = arith.mulf %max3A_830, %max3A_834 : vector<20x128x512xf32>
    %broadcast_in_dim3A_836 = vector.shape_cast %slice3A_726 : vector<20x128xf32> to vector<20x128x1xf32>
    %broadcast_in_dim3A_837 = vector.shape_cast %slice3A_806 : vector<20x512xf32> to vector<20x1x512xf32>
    %add3A_838 = vector.broadcast %broadcast_in_dim3A_836 : vector<20x128x1xf32> to vector<20x128x512xf32>
    %add3A_839 = vector.broadcast %broadcast_in_dim3A_837 : vector<20x1x512xf32> to vector<20x128x512xf32>
    %add3A_840 = arith.addf %add3A_838, %add3A_839 : vector<20x128x512xf32>
    %sub3A_841 = arith.subf %add3A_840, %mul3A_835 : vector<20x128x512xf32>
    %max3A_842 = arith.constant 1.000000e-10 : f32
    %max3A_843 = vector.broadcast %max3A_842 : f32 to vector<20x128x512xf32>
    %max3A_844 = arith.maximumf %sub3A_841, %max3A_843 : vector<20x128x512xf32>
    %div3A_845 = arith.divf %mul3A_835, %max3A_844 : vector<20x128x512xf32>
    %gt3A_846 = arith.constant 3.000000e-01 : f32
    %gt3A_847 = vector.broadcast %gt3A_846 : f32 to vector<20x128x512xf32>
    %gt3A_848 = arith.cmpf ogt, %div3A_845, %gt3A_847 : vector<20x128x512xf32>
    %jit3A_849 = arith.constant 1.000000e+00 : f32
    %jit3A_850 = arith.constant 0.000000e+00 : f32
    %broadcast_in_dim3A_851 = vector.broadcast %jit3A_849 : f32 to vector<20x128x512xf32>
    %broadcast_in_dim3A_852 = vector.broadcast %jit3A_850 : f32 to vector<20x128x512xf32>
    %select_n3A_853 = arith.select %gt3A_848, %broadcast_in_dim3A_851, %broadcast_in_dim3A_852 : vector<20x128x512xi1>, vector<20x128x512xf32>
    %broadcast_in_dim3A_854 = vector.shape_cast %while3A_780#0 : vector<20x128xf32> to vector<20x128x1xf32>
    %mul3A_855 = vector.broadcast %broadcast_in_dim3A_854 : vector<20x128x1xf32> to vector<20x128x512xf32>
    %mul3A_856 = arith.mulf %select_n3A_853, %mul3A_855 : vector<20x128x512xf32>
    %reduce_max3A_857 = arith.constant dense<0xFF800000> : vector<20x512xf32>
    %reduce_max3A_858 = vector.multi_reduction <maximumf>, %mul3A_856, %reduce_max3A_857 [1] : vector<20x128x512xf32> to vector<20x512xf32>
    %get3A_859 = arith.constant 0 : index
    %get3A_860 = arith.constant 0 : index
    %get3A_861 = vector.load %arg10[%get3A_859, %get3A_860] : memref<20x2048xf32, #tpu.memory_space<vmem>>, vector<20x512xf32>
    %sub3A_862 = arith.constant 1.000000e+00 : f32
    %sub3A_863 = vector.broadcast %sub3A_862 : f32 to vector<20x512xf32>
    %sub3A_864 = arith.subf %sub3A_863, %reduce_max3A_858 : vector<20x512xf32>
    %mul3A_865 = arith.mulf %get3A_861, %sub3A_864 : vector<20x512xf32>
    %swap3A_866 = arith.constant 0 : index
    %swap3A_867 = arith.constant 0 : index
    %swap3A_868 = vector.load %arg10[%swap3A_866, %swap3A_867] : memref<20x2048xf32, #tpu.memory_space<vmem>>, vector<20x512xf32>
    tpu.vector_store %arg10[%swap3A_866, %swap3A_867], %mul3A_865 {strides = array<i32>} : memref<20x2048xf32, #tpu.memory_space<vmem>>, vector<20x512xf32>,
    %slice3A_869 = vector.extract_strided_slice %get3A_1 {offsets = [0, 512], sizes = [20, 512], strides = [1, 1]} : vector<20x2048xf32> to vector<20x512xf32>
    %slice3A_870 = vector.extract_strided_slice %get3A_4 {offsets = [0, 512], sizes = [20, 512], strides = [1, 1]} : vector<20x2048xf32> to vector<20x512xf32>
    %slice3A_871 = vector.extract_strided_slice %get3A_7 {offsets = [0, 512], sizes = [20, 512], strides = [1, 1]} : vector<20x2048xf32> to vector<20x512xf32>
    %slice3A_872 = vector.extract_strided_slice %get3A_10 {offsets = [0, 512], sizes = [20, 512], strides = [1, 1]} : vector<20x2048xf32> to vector<20x512xf32>
    %slice3A_873 = vector.extract_strided_slice %mul3A {offsets = [0, 512], sizes = [20, 512], strides = [1, 1]} : vector<20x2048xf32> to vector<20x512xf32>
    %broadcast_in_dim3A_874 = vector.shape_cast %slice3A_722 : vector<20x128xf32> to vector<20x128x1xf32>
    %broadcast_in_dim3A_875 = vector.shape_cast %slice3A_869 : vector<20x512xf32> to vector<20x1x512xf32>
    %max3A_876 = vector.broadcast %broadcast_in_dim3A_874 : vector<20x128x1xf32> to vector<20x128x512xf32>
    %max3A_877 = vector.broadcast %broadcast_in_dim3A_875 : vector<20x1x512xf32> to vector<20x128x512xf32>
    %max3A_878 = arith.maximumf %max3A_876, %max3A_877 : vector<20x128x512xf32>
    %broadcast_in_dim3A_879 = vector.shape_cast %slice3A_723 : vector<20x128xf32> to vector<20x128x1xf32>
    %broadcast_in_dim3A_880 = vector.shape_cast %slice3A_870 : vector<20x512xf32> to vector<20x1x512xf32>
    %max3A_881 = vector.broadcast %broadcast_in_dim3A_879 : vector<20x128x1xf32> to vector<20x128x512xf32>
    %max3A_882 = vector.broadcast %broadcast_in_dim3A_880 : vector<20x1x512xf32> to vector<20x128x512xf32>
    %max3A_883 = arith.maximumf %max3A_881, %max3A_882 : vector<20x128x512xf32>
    %broadcast_in_dim3A_884 = vector.shape_cast %slice3A_724 : vector<20x128xf32> to vector<20x128x1xf32>
    %broadcast_in_dim3A_885 = vector.shape_cast %slice3A_871 : vector<20x512xf32> to vector<20x1x512xf32>
    %min3A_886 = vector.broadcast %broadcast_in_dim3A_884 : vector<20x128x1xf32> to vector<20x128x512xf32>
    %min3A_887 = vector.broadcast %broadcast_in_dim3A_885 : vector<20x1x512xf32> to vector<20x128x512xf32>
    %min3A_888 = arith.minimumf %min3A_886, %min3A_887 : vector<20x128x512xf32>
    %broadcast_in_dim3A_889 = vector.shape_cast %slice3A_725 : vector<20x128xf32> to vector<20x128x1xf32>
    %broadcast_in_dim3A_890 = vector.shape_cast %slice3A_872 : vector<20x512xf32> to vector<20x1x512xf32>
    %min3A_891 = vector.broadcast %broadcast_in_dim3A_889 : vector<20x128x1xf32> to vector<20x128x512xf32>
    %min3A_892 = vector.broadcast %broadcast_in_dim3A_890 : vector<20x1x512xf32> to vector<20x128x512xf32>
    %min3A_893 = arith.minimumf %min3A_891, %min3A_892 : vector<20x128x512xf32>
    %sub3A_894 = arith.subf %min3A_888, %max3A_878 : vector<20x128x512xf32>
    %max3A_895 = arith.constant 0.000000e+00 : f32
    %max3A_896 = vector.broadcast %max3A_895 : f32 to vector<20x128x512xf32>
    %max3A_897 = arith.maximumf %sub3A_894, %max3A_896 : vector<20x128x512xf32>
    %sub3A_898 = arith.subf %min3A_893, %max3A_883 : vector<20x128x512xf32>
    %max3A_899 = arith.constant 0.000000e+00 : f32
    %max3A_900 = vector.broadcast %max3A_899 : f32 to vector<20x128x512xf32>
    %max3A_901 = arith.maximumf %sub3A_898, %max3A_900 : vector<20x128x512xf32>
    %mul3A_902 = arith.mulf %max3A_897, %max3A_901 : vector<20x128x512xf32>
    %broadcast_in_dim3A_903 = vector.shape_cast %slice3A_726 : vector<20x128xf32> to vector<20x128x1xf32>
    %broadcast_in_dim3A_904 = vector.shape_cast %slice3A_873 : vector<20x512xf32> to vector<20x1x512xf32>
    %add3A_905 = vector.broadcast %broadcast_in_dim3A_903 : vector<20x128x1xf32> to vector<20x128x512xf32>
    %add3A_906 = vector.broadcast %broadcast_in_dim3A_904 : vector<20x1x512xf32> to vector<20x128x512xf32>
    %add3A_907 = arith.addf %add3A_905, %add3A_906 : vector<20x128x512xf32>
    %sub3A_908 = arith.subf %add3A_907, %mul3A_902 : vector<20x128x512xf32>
    %max3A_909 = arith.constant 1.000000e-10 : f32
    %max3A_910 = vector.broadcast %max3A_909 : f32 to vector<20x128x512xf32>
    %max3A_911 = arith.maximumf %sub3A_908, %max3A_910 : vector<20x128x512xf32>
    %div3A_912 = arith.divf %mul3A_902, %max3A_911 : vector<20x128x512xf32>
    %gt3A_913 = arith.constant 3.000000e-01 : f32
    %gt3A_914 = vector.broadcast %gt3A_913 : f32 to vector<20x128x512xf32>
    %gt3A_915 = arith.cmpf ogt, %div3A_912, %gt3A_914 : vector<20x128x512xf32>
    %jit3A_916 = arith.constant 1.000000e+00 : f32
    %jit3A_917 = arith.constant 0.000000e+00 : f32
    %broadcast_in_dim3A_918 = vector.broadcast %jit3A_916 : f32 to vector<20x128x512xf32>
    %broadcast_in_dim3A_919 = vector.broadcast %jit3A_917 : f32 to vector<20x128x512xf32>
    %select_n3A_920 = arith.select %gt3A_915, %broadcast_in_dim3A_918, %broadcast_in_dim3A_919 : vector<20x128x512xi1>, vector<20x128x512xf32>
    %broadcast_in_dim3A_921 = vector.shape_cast %while3A_780#0 : vector<20x128xf32> to vector<20x128x1xf32>
    %mul3A_922 = vector.broadcast %broadcast_in_dim3A_921 : vector<20x128x1xf32> to vector<20x128x512xf32>
    %mul3A_923 = arith.mulf %select_n3A_920, %mul3A_922 : vector<20x128x512xf32>
    %reduce_max3A_924 = arith.constant dense<0xFF800000> : vector<20x512xf32>
    %reduce_max3A_925 = vector.multi_reduction <maximumf>, %mul3A_923, %reduce_max3A_924 [1] : vector<20x128x512xf32> to vector<20x512xf32>
    %get3A_926 = arith.constant 0 : index
    %get3A_927 = arith.constant 512 : index
    %get3A_928 = vector.load %arg10[%get3A_926, %get3A_927] : memref<20x2048xf32, #tpu.memory_space<vmem>>, vector<20x512xf32>
    %sub3A_929 = arith.constant 1.000000e+00 : f32
    %sub3A_930 = vector.broadcast %sub3A_929 : f32 to vector<20x512xf32>
    %sub3A_931 = arith.subf %sub3A_930, %reduce_max3A_925 : vector<20x512xf32>
    %mul3A_932 = arith.mulf %get3A_928, %sub3A_931 : vector<20x512xf32>
    %swap3A_933 = arith.constant 0 : index
    %swap3A_934 = arith.constant 512 : index
    %swap3A_935 = vector.load %arg10[%swap3A_933, %swap3A_934] : memref<20x2048xf32, #tpu.memory_space<vmem>>, vector<20x512xf32>
    tpu.vector_store %arg10[%swap3A_933, %swap3A_934], %mul3A_932 {strides = array<i32>} : memref<20x2048xf32, #tpu.memory_space<vmem>>, vector<20x512xf32>,
    %slice3A_936 = vector.extract_strided_slice %get3A_1 {offsets = [0, 1024], sizes = [20, 512], strides = [1, 1]} : vector<20x2048xf32> to vector<20x512xf32>
    %slice3A_937 = vector.extract_strided_slice %get3A_4 {offsets = [0, 1024], sizes = [20, 512], strides = [1, 1]} : vector<20x2048xf32> to vector<20x512xf32>
    %slice3A_938 = vector.extract_strided_slice %get3A_7 {offsets = [0, 1024], sizes = [20, 512], strides = [1, 1]} : vector<20x2048xf32> to vector<20x512xf32>
    %slice3A_939 = vector.extract_strided_slice %get3A_10 {offsets = [0, 1024], sizes = [20, 512], strides = [1, 1]} : vector<20x2048xf32> to vector<20x512xf32>
    %slice3A_940 = vector.extract_strided_slice %mul3A {offsets = [0, 1024], sizes = [20, 512], strides = [1, 1]} : vector<20x2048xf32> to vector<20x512xf32>
    %broadcast_in_dim3A_941 = vector.shape_cast %slice3A_722 : vector<20x128xf32> to vector<20x128x1xf32>
    %broadcast_in_dim3A_942 = vector.shape_cast %slice3A_936 : vector<20x512xf32> to vector<20x1x512xf32>
    %max3A_943 = vector.broadcast %broadcast_in_dim3A_941 : vector<20x128x1xf32> to vector<20x128x512xf32>
    %max3A_944 = vector.broadcast %broadcast_in_dim3A_942 : vector<20x1x512xf32> to vector<20x128x512xf32>
    %max3A_945 = arith.maximumf %max3A_943, %max3A_944 : vector<20x128x512xf32>
    %broadcast_in_dim3A_946 = vector.shape_cast %slice3A_723 : vector<20x128xf32> to vector<20x128x1xf32>
    %broadcast_in_dim3A_947 = vector.shape_cast %slice3A_937 : vector<20x512xf32> to vector<20x1x512xf32>
    %max3A_948 = vector.broadcast %broadcast_in_dim3A_946 : vector<20x128x1xf32> to vector<20x128x512xf32>
    %max3A_949 = vector.broadcast %broadcast_in_dim3A_947 : vector<20x1x512xf32> to vector<20x128x512xf32>
    %max3A_950 = arith.maximumf %max3A_948, %max3A_949 : vector<20x128x512xf32>
    %broadcast_in_dim3A_951 = vector.shape_cast %slice3A_724 : vector<20x128xf32> to vector<20x128x1xf32>
    %broadcast_in_dim3A_952 = vector.shape_cast %slice3A_938 : vector<20x512xf32> to vector<20x1x512xf32>
    %min3A_953 = vector.broadcast %broadcast_in_dim3A_951 : vector<20x128x1xf32> to vector<20x128x512xf32>
    %min3A_954 = vector.broadcast %broadcast_in_dim3A_952 : vector<20x1x512xf32> to vector<20x128x512xf32>
    %min3A_955 = arith.minimumf %min3A_953, %min3A_954 : vector<20x128x512xf32>
    %broadcast_in_dim3A_956 = vector.shape_cast %slice3A_725 : vector<20x128xf32> to vector<20x128x1xf32>
    %broadcast_in_dim3A_957 = vector.shape_cast %slice3A_939 : vector<20x512xf32> to vector<20x1x512xf32>
    %min3A_958 = vector.broadcast %broadcast_in_dim3A_956 : vector<20x128x1xf32> to vector<20x128x512xf32>
    %min3A_959 = vector.broadcast %broadcast_in_dim3A_957 : vector<20x1x512xf32> to vector<20x128x512xf32>
    %min3A_960 = arith.minimumf %min3A_958, %min3A_959 : vector<20x128x512xf32>
    %sub3A_961 = arith.subf %min3A_955, %max3A_945 : vector<20x128x512xf32>
    %max3A_962 = arith.constant 0.000000e+00 : f32
    %max3A_963 = vector.broadcast %max3A_962 : f32 to vector<20x128x512xf32>
    %max3A_964 = arith.maximumf %sub3A_961, %max3A_963 : vector<20x128x512xf32>
    %sub3A_965 = arith.subf %min3A_960, %max3A_950 : vector<20x128x512xf32>
    %max3A_966 = arith.constant 0.000000e+00 : f32
    %max3A_967 = vector.broadcast %max3A_966 : f32 to vector<20x128x512xf32>
    %max3A_968 = arith.maximumf %sub3A_965, %max3A_967 : vector<20x128x512xf32>
    %mul3A_969 = arith.mulf %max3A_964, %max3A_968 : vector<20x128x512xf32>
    %broadcast_in_dim3A_970 = vector.shape_cast %slice3A_726 : vector<20x128xf32> to vector<20x128x1xf32>
    %broadcast_in_dim3A_971 = vector.shape_cast %slice3A_940 : vector<20x512xf32> to vector<20x1x512xf32>
    %add3A_972 = vector.broadcast %broadcast_in_dim3A_970 : vector<20x128x1xf32> to vector<20x128x512xf32>
    %add3A_973 = vector.broadcast %broadcast_in_dim3A_971 : vector<20x1x512xf32> to vector<20x128x512xf32>
    %add3A_974 = arith.addf %add3A_972, %add3A_973 : vector<20x128x512xf32>
    %sub3A_975 = arith.subf %add3A_974, %mul3A_969 : vector<20x128x512xf32>
    %max3A_976 = arith.constant 1.000000e-10 : f32
    %max3A_977 = vector.broadcast %max3A_976 : f32 to vector<20x128x512xf32>
    %max3A_978 = arith.maximumf %sub3A_975, %max3A_977 : vector<20x128x512xf32>
    %div3A_979 = arith.divf %mul3A_969, %max3A_978 : vector<20x128x512xf32>
    %gt3A_980 = arith.constant 3.000000e-01 : f32
    %gt3A_981 = vector.broadcast %gt3A_980 : f32 to vector<20x128x512xf32>
    %gt3A_982 = arith.cmpf ogt, %div3A_979, %gt3A_981 : vector<20x128x512xf32>
    %jit3A_983 = arith.constant 1.000000e+00 : f32
    %jit3A_984 = arith.constant 0.000000e+00 : f32
    %broadcast_in_dim3A_985 = vector.broadcast %jit3A_983 : f32 to vector<20x128x512xf32>
    %broadcast_in_dim3A_986 = vector.broadcast %jit3A_984 : f32 to vector<20x128x512xf32>
    %select_n3A_987 = arith.select %gt3A_982, %broadcast_in_dim3A_985, %broadcast_in_dim3A_986 : vector<20x128x512xi1>, vector<20x128x512xf32>
    %broadcast_in_dim3A_988 = vector.shape_cast %while3A_780#0 : vector<20x128xf32> to vector<20x128x1xf32>
    %mul3A_989 = vector.broadcast %broadcast_in_dim3A_988 : vector<20x128x1xf32> to vector<20x128x512xf32>
    %mul3A_990 = arith.mulf %select_n3A_987, %mul3A_989 : vector<20x128x512xf32>
    %reduce_max3A_991 = arith.constant dense<0xFF800000> : vector<20x512xf32>
    %reduce_max3A_992 = vector.multi_reduction <maximumf>, %mul3A_990, %reduce_max3A_991 [1] : vector<20x128x512xf32> to vector<20x512xf32>
    %get3A_993 = arith.constant 0 : index
    %get3A_994 = arith.constant 1024 : index
    %get3A_995 = vector.load %arg10[%get3A_993, %get3A_994] : memref<20x2048xf32, #tpu.memory_space<vmem>>, vector<20x512xf32>
    %sub3A_996 = arith.constant 1.000000e+00 : f32
    %sub3A_997 = vector.broadcast %sub3A_996 : f32 to vector<20x512xf32>
    %sub3A_998 = arith.subf %sub3A_997, %reduce_max3A_992 : vector<20x512xf32>
    %mul3A_999 = arith.mulf %get3A_995, %sub3A_998 : vector<20x512xf32>
    %swap3A_1000 = arith.constant 0 : index
    %swap3A_1001 = arith.constant 1024 : index
    %swap3A_1002 = vector.load %arg10[%swap3A_1000, %swap3A_1001] : memref<20x2048xf32, #tpu.memory_space<vmem>>, vector<20x512xf32>
    tpu.vector_store %arg10[%swap3A_1000, %swap3A_1001], %mul3A_999 {strides = array<i32>} : memref<20x2048xf32, #tpu.memory_space<vmem>>, vector<20x512xf32>,
    %slice3A_1003 = vector.extract_strided_slice %get3A_1 {offsets = [0, 1536], sizes = [20, 512], strides = [1, 1]} : vector<20x2048xf32> to vector<20x512xf32>
    %slice3A_1004 = vector.extract_strided_slice %get3A_4 {offsets = [0, 1536], sizes = [20, 512], strides = [1, 1]} : vector<20x2048xf32> to vector<20x512xf32>
    %slice3A_1005 = vector.extract_strided_slice %get3A_7 {offsets = [0, 1536], sizes = [20, 512], strides = [1, 1]} : vector<20x2048xf32> to vector<20x512xf32>
    %slice3A_1006 = vector.extract_strided_slice %get3A_10 {offsets = [0, 1536], sizes = [20, 512], strides = [1, 1]} : vector<20x2048xf32> to vector<20x512xf32>
    %slice3A_1007 = vector.extract_strided_slice %mul3A {offsets = [0, 1536], sizes = [20, 512], strides = [1, 1]} : vector<20x2048xf32> to vector<20x512xf32>
    %broadcast_in_dim3A_1008 = vector.shape_cast %slice3A_722 : vector<20x128xf32> to vector<20x128x1xf32>
    %broadcast_in_dim3A_1009 = vector.shape_cast %slice3A_1003 : vector<20x512xf32> to vector<20x1x512xf32>
    %max3A_1010 = vector.broadcast %broadcast_in_dim3A_1008 : vector<20x128x1xf32> to vector<20x128x512xf32>
    %max3A_1011 = vector.broadcast %broadcast_in_dim3A_1009 : vector<20x1x512xf32> to vector<20x128x512xf32>
    %max3A_1012 = arith.maximumf %max3A_1010, %max3A_1011 : vector<20x128x512xf32>
    %broadcast_in_dim3A_1013 = vector.shape_cast %slice3A_723 : vector<20x128xf32> to vector<20x128x1xf32>
    %broadcast_in_dim3A_1014 = vector.shape_cast %slice3A_1004 : vector<20x512xf32> to vector<20x1x512xf32>
    %max3A_1015 = vector.broadcast %broadcast_in_dim3A_1013 : vector<20x128x1xf32> to vector<20x128x512xf32>
    %max3A_1016 = vector.broadcast %broadcast_in_dim3A_1014 : vector<20x1x512xf32> to vector<20x128x512xf32>
    %max3A_1017 = arith.maximumf %max3A_1015, %max3A_1016 : vector<20x128x512xf32>
    %broadcast_in_dim3A_1018 = vector.shape_cast %slice3A_724 : vector<20x128xf32> to vector<20x128x1xf32>
    %broadcast_in_dim3A_1019 = vector.shape_cast %slice3A_1005 : vector<20x512xf32> to vector<20x1x512xf32>
    %min3A_1020 = vector.broadcast %broadcast_in_dim3A_1018 : vector<20x128x1xf32> to vector<20x128x512xf32>
    %min3A_1021 = vector.broadcast %broadcast_in_dim3A_1019 : vector<20x1x512xf32> to vector<20x128x512xf32>
    %min3A_1022 = arith.minimumf %min3A_1020, %min3A_1021 : vector<20x128x512xf32>
    %broadcast_in_dim3A_1023 = vector.shape_cast %slice3A_725 : vector<20x128xf32> to vector<20x128x1xf32>
    %broadcast_in_dim3A_1024 = vector.shape_cast %slice3A_1006 : vector<20x512xf32> to vector<20x1x512xf32>
    %min3A_1025 = vector.broadcast %broadcast_in_dim3A_1023 : vector<20x128x1xf32> to vector<20x128x512xf32>
    %min3A_1026 = vector.broadcast %broadcast_in_dim3A_1024 : vector<20x1x512xf32> to vector<20x128x512xf32>
    %min3A_1027 = arith.minimumf %min3A_1025, %min3A_1026 : vector<20x128x512xf32>
    %sub3A_1028 = arith.subf %min3A_1022, %max3A_1012 : vector<20x128x512xf32>
    %max3A_1029 = arith.constant 0.000000e+00 : f32
    %max3A_1030 = vector.broadcast %max3A_1029 : f32 to vector<20x128x512xf32>
    %max3A_1031 = arith.maximumf %sub3A_1028, %max3A_1030 : vector<20x128x512xf32>
    %sub3A_1032 = arith.subf %min3A_1027, %max3A_1017 : vector<20x128x512xf32>
    %max3A_1033 = arith.constant 0.000000e+00 : f32
    %max3A_1034 = vector.broadcast %max3A_1033 : f32 to vector<20x128x512xf32>
    %max3A_1035 = arith.maximumf %sub3A_1032, %max3A_1034 : vector<20x128x512xf32>
    %mul3A_1036 = arith.mulf %max3A_1031, %max3A_1035 : vector<20x128x512xf32>
    %broadcast_in_dim3A_1037 = vector.shape_cast %slice3A_726 : vector<20x128xf32> to vector<20x128x1xf32>
    %broadcast_in_dim3A_1038 = vector.shape_cast %slice3A_1007 : vector<20x512xf32> to vector<20x1x512xf32>
    %add3A_1039 = vector.broadcast %broadcast_in_dim3A_1037 : vector<20x128x1xf32> to vector<20x128x512xf32>
    %add3A_1040 = vector.broadcast %broadcast_in_dim3A_1038 : vector<20x1x512xf32> to vector<20x128x512xf32>
    %add3A_1041 = arith.addf %add3A_1039, %add3A_1040 : vector<20x128x512xf32>
    %sub3A_1042 = arith.subf %add3A_1041, %mul3A_1036 : vector<20x128x512xf32>
    %max3A_1043 = arith.constant 1.000000e-10 : f32
    %max3A_1044 = vector.broadcast %max3A_1043 : f32 to vector<20x128x512xf32>
    %max3A_1045 = arith.maximumf %sub3A_1042, %max3A_1044 : vector<20x128x512xf32>
    %div3A_1046 = arith.divf %mul3A_1036, %max3A_1045 : vector<20x128x512xf32>
    %gt3A_1047 = arith.constant 3.000000e-01 : f32
    %gt3A_1048 = vector.broadcast %gt3A_1047 : f32 to vector<20x128x512xf32>
    %gt3A_1049 = arith.cmpf ogt, %div3A_1046, %gt3A_1048 : vector<20x128x512xf32>
    %jit3A_1050 = arith.constant 1.000000e+00 : f32
    %jit3A_1051 = arith.constant 0.000000e+00 : f32
    %broadcast_in_dim3A_1052 = vector.broadcast %jit3A_1050 : f32 to vector<20x128x512xf32>
    %broadcast_in_dim3A_1053 = vector.broadcast %jit3A_1051 : f32 to vector<20x128x512xf32>
    %select_n3A_1054 = arith.select %gt3A_1049, %broadcast_in_dim3A_1052, %broadcast_in_dim3A_1053 : vector<20x128x512xi1>, vector<20x128x512xf32>
    %broadcast_in_dim3A_1055 = vector.shape_cast %while3A_780#0 : vector<20x128xf32> to vector<20x128x1xf32>
    %mul3A_1056 = vector.broadcast %broadcast_in_dim3A_1055 : vector<20x128x1xf32> to vector<20x128x512xf32>
    %mul3A_1057 = arith.mulf %select_n3A_1054, %mul3A_1056 : vector<20x128x512xf32>
    %reduce_max3A_1058 = arith.constant dense<0xFF800000> : vector<20x512xf32>
    %reduce_max3A_1059 = vector.multi_reduction <maximumf>, %mul3A_1057, %reduce_max3A_1058 [1] : vector<20x128x512xf32> to vector<20x512xf32>
    %get3A_1060 = arith.constant 0 : index
    %get3A_1061 = arith.constant 1536 : index
    %get3A_1062 = vector.load %arg10[%get3A_1060, %get3A_1061] : memref<20x2048xf32, #tpu.memory_space<vmem>>, vector<20x512xf32>
    %sub3A_1063 = arith.constant 1.000000e+00 : f32
    %sub3A_1064 = vector.broadcast %sub3A_1063 : f32 to vector<20x512xf32>
    %sub3A_1065 = arith.subf %sub3A_1064, %reduce_max3A_1059 : vector<20x512xf32>
    %mul3A_1066 = arith.mulf %get3A_1062, %sub3A_1065 : vector<20x512xf32>
    %swap3A_1067 = arith.constant 0 : index
    %swap3A_1068 = arith.constant 1536 : index
    %swap3A_1069 = vector.load %arg10[%swap3A_1067, %swap3A_1068] : memref<20x2048xf32, #tpu.memory_space<vmem>>, vector<20x512xf32>
    tpu.vector_store %arg10[%swap3A_1067, %swap3A_1068], %mul3A_1066 {strides = array<i32>} : memref<20x2048xf32, #tpu.memory_space<vmem>>, vector<20x512xf32>,
    %slice3A_1070 = vector.extract_strided_slice %get3A_1 {offsets = [0, 384], sizes = [20, 128], strides = [1, 1]} : vector<20x2048xf32> to vector<20x128xf32>
    %slice3A_1071 = vector.extract_strided_slice %get3A_4 {offsets = [0, 384], sizes = [20, 128], strides = [1, 1]} : vector<20x2048xf32> to vector<20x128xf32>
    %slice3A_1072 = vector.extract_strided_slice %get3A_7 {offsets = [0, 384], sizes = [20, 128], strides = [1, 1]} : vector<20x2048xf32> to vector<20x128xf32>
    %slice3A_1073 = vector.extract_strided_slice %get3A_10 {offsets = [0, 384], sizes = [20, 128], strides = [1, 1]} : vector<20x2048xf32> to vector<20x128xf32>
    %slice3A_1074 = vector.extract_strided_slice %mul3A {offsets = [0, 384], sizes = [20, 128], strides = [1, 1]} : vector<20x2048xf32> to vector<20x128xf32>
    %broadcast_in_dim3A_1075 = vector.shape_cast %slice3A_1070 : vector<20x128xf32> to vector<20x128x1xf32>
    %broadcast_in_dim3A_1076 = vector.shape_cast %slice3A_1070 : vector<20x128xf32> to vector<20x1x128xf32>
    %max3A_1077 = vector.broadcast %broadcast_in_dim3A_1075 : vector<20x128x1xf32> to vector<20x128x128xf32>
    %max3A_1078 = vector.broadcast %broadcast_in_dim3A_1076 : vector<20x1x128xf32> to vector<20x128x128xf32>
    %max3A_1079 = arith.maximumf %max3A_1077, %max3A_1078 : vector<20x128x128xf32>
    %broadcast_in_dim3A_1080 = vector.shape_cast %slice3A_1071 : vector<20x128xf32> to vector<20x128x1xf32>
    %broadcast_in_dim3A_1081 = vector.shape_cast %slice3A_1071 : vector<20x128xf32> to vector<20x1x128xf32>
    %max3A_1082 = vector.broadcast %broadcast_in_dim3A_1080 : vector<20x128x1xf32> to vector<20x128x128xf32>
    %max3A_1083 = vector.broadcast %broadcast_in_dim3A_1081 : vector<20x1x128xf32> to vector<20x128x128xf32>
    %max3A_1084 = arith.maximumf %max3A_1082, %max3A_1083 : vector<20x128x128xf32>
    %broadcast_in_dim3A_1085 = vector.shape_cast %slice3A_1072 : vector<20x128xf32> to vector<20x128x1xf32>
    %broadcast_in_dim3A_1086 = vector.shape_cast %slice3A_1072 : vector<20x128xf32> to vector<20x1x128xf32>
    %min3A_1087 = vector.broadcast %broadcast_in_dim3A_1085 : vector<20x128x1xf32> to vector<20x128x128xf32>
    %min3A_1088 = vector.broadcast %broadcast_in_dim3A_1086 : vector<20x1x128xf32> to vector<20x128x128xf32>
    %min3A_1089 = arith.minimumf %min3A_1087, %min3A_1088 : vector<20x128x128xf32>
    %broadcast_in_dim3A_1090 = vector.shape_cast %slice3A_1073 : vector<20x128xf32> to vector<20x128x1xf32>
    %broadcast_in_dim3A_1091 = vector.shape_cast %slice3A_1073 : vector<20x128xf32> to vector<20x1x128xf32>
    %min3A_1092 = vector.broadcast %broadcast_in_dim3A_1090 : vector<20x128x1xf32> to vector<20x128x128xf32>
    %min3A_1093 = vector.broadcast %broadcast_in_dim3A_1091 : vector<20x1x128xf32> to vector<20x128x128xf32>
    %min3A_1094 = arith.minimumf %min3A_1092, %min3A_1093 : vector<20x128x128xf32>
    %sub3A_1095 = arith.subf %min3A_1089, %max3A_1079 : vector<20x128x128xf32>
    %max3A_1096 = arith.constant 0.000000e+00 : f32
    %max3A_1097 = vector.broadcast %max3A_1096 : f32 to vector<20x128x128xf32>
    %max3A_1098 = arith.maximumf %sub3A_1095, %max3A_1097 : vector<20x128x128xf32>
    %sub3A_1099 = arith.subf %min3A_1094, %max3A_1084 : vector<20x128x128xf32>
    %max3A_1100 = arith.constant 0.000000e+00 : f32
    %max3A_1101 = vector.broadcast %max3A_1100 : f32 to vector<20x128x128xf32>
    %max3A_1102 = arith.maximumf %sub3A_1099, %max3A_1101 : vector<20x128x128xf32>
    %mul3A_1103 = arith.mulf %max3A_1098, %max3A_1102 : vector<20x128x128xf32>
    %broadcast_in_dim3A_1104 = vector.shape_cast %slice3A_1074 : vector<20x128xf32> to vector<20x128x1xf32>
    %broadcast_in_dim3A_1105 = vector.shape_cast %slice3A_1074 : vector<20x128xf32> to vector<20x1x128xf32>
    %add3A_1106 = vector.broadcast %broadcast_in_dim3A_1104 : vector<20x128x1xf32> to vector<20x128x128xf32>
    %add3A_1107 = vector.broadcast %broadcast_in_dim3A_1105 : vector<20x1x128xf32> to vector<20x128x128xf32>
    %add3A_1108 = arith.addf %add3A_1106, %add3A_1107 : vector<20x128x128xf32>
    %sub3A_1109 = arith.subf %add3A_1108, %mul3A_1103 : vector<20x128x128xf32>
    %max3A_1110 = arith.constant 1.000000e-10 : f32
    %max3A_1111 = vector.broadcast %max3A_1110 : f32 to vector<20x128x128xf32>
    %max3A_1112 = arith.maximumf %sub3A_1109, %max3A_1111 : vector<20x128x128xf32>
    %div3A_1113 = arith.divf %mul3A_1103, %max3A_1112 : vector<20x128x128xf32>
    %gt3A_1114 = arith.constant 3.000000e-01 : f32
    %gt3A_1115 = vector.broadcast %gt3A_1114 : f32 to vector<20x128x128xf32>
    %gt3A_1116 = arith.cmpf ogt, %div3A_1113, %gt3A_1115 : vector<20x128x128xf32>
    %jit3A_1117 = arith.constant 1.000000e+00 : f32
    %jit3A_1118 = arith.constant 0.000000e+00 : f32
    %broadcast_in_dim3A_1119 = vector.broadcast %jit3A_1117 : f32 to vector<20x128x128xf32>
    %broadcast_in_dim3A_1120 = vector.broadcast %jit3A_1118 : f32 to vector<20x128x128xf32>
    %select_n3A_1121 = arith.select %gt3A_1116, %broadcast_in_dim3A_1119, %broadcast_in_dim3A_1120 : vector<20x128x128xi1>, vector<20x128x128xf32>
    %mul3A_1122 = vector.broadcast %select_n3A_31 : vector<1x128x128xf32> to vector<20x128x128xf32>
    %mul3A_1123 = arith.mulf %select_n3A_1121, %mul3A_1122 : vector<20x128x128xf32>
    %get3A_1124 = arith.constant 0 : index
    %get3A_1125 = arith.constant 384 : index
    %get3A_1126 = vector.load %arg10[%get3A_1124, %get3A_1125] : memref<20x2048xf32, #tpu.memory_space<vmem>>, vector<20x128xf32>
    %while3A_1127 = arith.constant true
    %while3A_1128:2 = scf.while (%while3A_3718 = %get3A_1126, %while3A_3719 = %while3A_1127) : (vector<20x128xf32>, i1) -> (vector<20x128xf32>, i1) {
      scf.condition(%while3A_3719) %while3A_3718, %while3A_3719 : vector<20x128xf32>, i1
    } do {
    ^bb0(%while3A_3718: vector<20x128xf32>, %while3A_3719: i1):
      %broadcast_in_dim3A_3720 = vector.shape_cast %while3A_3718 : vector<20x128xf32> to vector<20x128x1xf32>
      %mul3A_3721 = vector.broadcast %broadcast_in_dim3A_3720 : vector<20x128x1xf32> to vector<20x128x128xf32>
      %mul3A_3722 = arith.mulf %mul3A_1123, %mul3A_3721 : vector<20x128x128xf32>
      %reduce_max3A_3723 = arith.constant dense<0xFF800000> : vector<20x128xf32>
      %reduce_max3A_3724 = vector.multi_reduction <maximumf>, %mul3A_3722, %reduce_max3A_3723 [1] : vector<20x128x128xf32> to vector<20x128xf32>
      %sub3A_3725 = arith.constant 1.000000e+00 : f32
      %sub3A_3726 = vector.broadcast %sub3A_3725 : f32 to vector<20x128xf32>
      %sub3A_3727 = arith.subf %sub3A_3726, %reduce_max3A_3724 : vector<20x128xf32>
      %mul3A_3728 = arith.mulf %get3A_1126, %sub3A_3727 : vector<20x128xf32>
      %ne3A = arith.cmpf one, %mul3A_3728, %while3A_3718 : vector<20x128xf32>
      %reduce_or3A = arith.constant 1.000000e+00 : f32
      %reduce_or3A_3729 = arith.constant 0.000000e+00 : f32
      %reduce_or3A_3730 = vector.broadcast %reduce_or3A : f32 to vector<20x128xf32>
      %reduce_or3A_3731 = vector.broadcast %reduce_or3A_3729 : f32 to vector<20x128xf32>
      %reduce_or3A_3732 = arith.select %ne3A, %reduce_or3A_3730, %reduce_or3A_3731 : vector<20x128xi1>, vector<20x128xf32>
      %reduce_or3A_3733 = vector.shape_cast %reduce_or3A_3732 : vector<20x128xf32> to vector<1x20x128xf32>
      %reduce_or3A_3734 = arith.constant dense<0xFF800000> : vector<1xf32>
      %reduce_or3A_3735 = vector.multi_reduction <maximumf>, %reduce_or3A_3733, %reduce_or3A_3734 [1, 2] : vector<1x20x128xf32> to vector<1xf32>
      %reduce_or3A_3736 = vector.shape_cast %reduce_or3A_3735 : vector<1xf32> to vector<1x1x1xf32>
      %reduce_or3A_3737 = vector.extract %reduce_or3A_3736[0, 0, 0] : f32 from vector<1x1x1xf32>
      %reduce_or3A_3738 = arith.constant 0.000000e+00 : f32
      %reduce_or3A_3739 = arith.cmpf ogt, %reduce_or3A_3737, %reduce_or3A_3738 : f32
      scf.yield %mul3A_3728, %reduce_or3A_3739 : vector<20x128xf32>, i1
    }
    %mul3A_1129 = arith.mulf %slice3A_1070, %while3A_1128#0 : vector<20x128xf32>
    %swap3A_1130 = arith.constant 0 : index
    %swap3A_1131 = arith.constant 384 : index
    %swap3A_1132 = vector.load %arg5[%swap3A_1130, %swap3A_1131] : memref<20x2048xf32, #tpu.memory_space<vmem>>, vector<20x128xf32>
    tpu.vector_store %arg5[%swap3A_1130, %swap3A_1131], %mul3A_1129 {strides = array<i32>} : memref<20x2048xf32, #tpu.memory_space<vmem>>, vector<20x128xf32>,
    %mul3A_1133 = arith.mulf %slice3A_1071, %while3A_1128#0 : vector<20x128xf32>
    %swap3A_1134 = arith.constant 0 : index
    %swap3A_1135 = arith.constant 384 : index
    %swap3A_1136 = vector.load %arg6[%swap3A_1134, %swap3A_1135] : memref<20x2048xf32, #tpu.memory_space<vmem>>, vector<20x128xf32>
    tpu.vector_store %arg6[%swap3A_1134, %swap3A_1135], %mul3A_1133 {strides = array<i32>} : memref<20x2048xf32, #tpu.memory_space<vmem>>, vector<20x128xf32>,
    %mul3A_1137 = arith.mulf %slice3A_1072, %while3A_1128#0 : vector<20x128xf32>
    %swap3A_1138 = arith.constant 0 : index
    %swap3A_1139 = arith.constant 384 : index
    %swap3A_1140 = vector.load %arg7[%swap3A_1138, %swap3A_1139] : memref<20x2048xf32, #tpu.memory_space<vmem>>, vector<20x128xf32>
    tpu.vector_store %arg7[%swap3A_1138, %swap3A_1139], %mul3A_1137 {strides = array<i32>} : memref<20x2048xf32, #tpu.memory_space<vmem>>, vector<20x128xf32>,
    %mul3A_1141 = arith.mulf %slice3A_1073, %while3A_1128#0 : vector<20x128xf32>
    %swap3A_1142 = arith.constant 0 : index
    %swap3A_1143 = arith.constant 384 : index
    %swap3A_1144 = vector.load %arg8[%swap3A_1142, %swap3A_1143] : memref<20x2048xf32, #tpu.memory_space<vmem>>, vector<20x128xf32>
    tpu.vector_store %arg8[%swap3A_1142, %swap3A_1143], %mul3A_1141 {strides = array<i32>} : memref<20x2048xf32, #tpu.memory_space<vmem>>, vector<20x128xf32>,
    %slice3A_1145 = vector.extract_strided_slice %get3A_13 {offsets = [0, 384], sizes = [20, 128], strides = [1, 1]} : vector<20x2048xf32> to vector<20x128xf32>
    %mul3A_1146 = arith.mulf %slice3A_1145, %while3A_1128#0 : vector<20x128xf32>
    %swap3A_1147 = arith.constant 0 : index
    %swap3A_1148 = arith.constant 384 : index
    %swap3A_1149 = vector.load %arg9[%swap3A_1147, %swap3A_1148] : memref<20x2048xf32, #tpu.memory_space<vmem>>, vector<20x128xf32>
    tpu.vector_store %arg9[%swap3A_1147, %swap3A_1148], %mul3A_1146 {strides = array<i32>} : memref<20x2048xf32, #tpu.memory_space<vmem>>, vector<20x128xf32>,
    %slice3A_1150 = vector.extract_strided_slice %get3A_1 {offsets = [0, 512], sizes = [20, 512], strides = [1, 1]} : vector<20x2048xf32> to vector<20x512xf32>
    %slice3A_1151 = vector.extract_strided_slice %get3A_4 {offsets = [0, 512], sizes = [20, 512], strides = [1, 1]} : vector<20x2048xf32> to vector<20x512xf32>
    %slice3A_1152 = vector.extract_strided_slice %get3A_7 {offsets = [0, 512], sizes = [20, 512], strides = [1, 1]} : vector<20x2048xf32> to vector<20x512xf32>
    %slice3A_1153 = vector.extract_strided_slice %get3A_10 {offsets = [0, 512], sizes = [20, 512], strides = [1, 1]} : vector<20x2048xf32> to vector<20x512xf32>
    %slice3A_1154 = vector.extract_strided_slice %mul3A {offsets = [0, 512], sizes = [20, 512], strides = [1, 1]} : vector<20x2048xf32> to vector<20x512xf32>
    %broadcast_in_dim3A_1155 = vector.shape_cast %slice3A_1070 : vector<20x128xf32> to vector<20x128x1xf32>
    %broadcast_in_dim3A_1156 = vector.shape_cast %slice3A_1150 : vector<20x512xf32> to vector<20x1x512xf32>
    %max3A_1157 = vector.broadcast %broadcast_in_dim3A_1155 : vector<20x128x1xf32> to vector<20x128x512xf32>
    %max3A_1158 = vector.broadcast %broadcast_in_dim3A_1156 : vector<20x1x512xf32> to vector<20x128x512xf32>
    %max3A_1159 = arith.maximumf %max3A_1157, %max3A_1158 : vector<20x128x512xf32>
    %broadcast_in_dim3A_1160 = vector.shape_cast %slice3A_1071 : vector<20x128xf32> to vector<20x128x1xf32>
    %broadcast_in_dim3A_1161 = vector.shape_cast %slice3A_1151 : vector<20x512xf32> to vector<20x1x512xf32>
    %max3A_1162 = vector.broadcast %broadcast_in_dim3A_1160 : vector<20x128x1xf32> to vector<20x128x512xf32>
    %max3A_1163 = vector.broadcast %broadcast_in_dim3A_1161 : vector<20x1x512xf32> to vector<20x128x512xf32>
    %max3A_1164 = arith.maximumf %max3A_1162, %max3A_1163 : vector<20x128x512xf32>
    %broadcast_in_dim3A_1165 = vector.shape_cast %slice3A_1072 : vector<20x128xf32> to vector<20x128x1xf32>
    %broadcast_in_dim3A_1166 = vector.shape_cast %slice3A_1152 : vector<20x512xf32> to vector<20x1x512xf32>
    %min3A_1167 = vector.broadcast %broadcast_in_dim3A_1165 : vector<20x128x1xf32> to vector<20x128x512xf32>
    %min3A_1168 = vector.broadcast %broadcast_in_dim3A_1166 : vector<20x1x512xf32> to vector<20x128x512xf32>
    %min3A_1169 = arith.minimumf %min3A_1167, %min3A_1168 : vector<20x128x512xf32>
    %broadcast_in_dim3A_1170 = vector.shape_cast %slice3A_1073 : vector<20x128xf32> to vector<20x128x1xf32>
    %broadcast_in_dim3A_1171 = vector.shape_cast %slice3A_1153 : vector<20x512xf32> to vector<20x1x512xf32>
    %min3A_1172 = vector.broadcast %broadcast_in_dim3A_1170 : vector<20x128x1xf32> to vector<20x128x512xf32>
    %min3A_1173 = vector.broadcast %broadcast_in_dim3A_1171 : vector<20x1x512xf32> to vector<20x128x512xf32>
    %min3A_1174 = arith.minimumf %min3A_1172, %min3A_1173 : vector<20x128x512xf32>
    %sub3A_1175 = arith.subf %min3A_1169, %max3A_1159 : vector<20x128x512xf32>
    %max3A_1176 = arith.constant 0.000000e+00 : f32
    %max3A_1177 = vector.broadcast %max3A_1176 : f32 to vector<20x128x512xf32>
    %max3A_1178 = arith.maximumf %sub3A_1175, %max3A_1177 : vector<20x128x512xf32>
    %sub3A_1179 = arith.subf %min3A_1174, %max3A_1164 : vector<20x128x512xf32>
    %max3A_1180 = arith.constant 0.000000e+00 : f32
    %max3A_1181 = vector.broadcast %max3A_1180 : f32 to vector<20x128x512xf32>
    %max3A_1182 = arith.maximumf %sub3A_1179, %max3A_1181 : vector<20x128x512xf32>
    %mul3A_1183 = arith.mulf %max3A_1178, %max3A_1182 : vector<20x128x512xf32>
    %broadcast_in_dim3A_1184 = vector.shape_cast %slice3A_1074 : vector<20x128xf32> to vector<20x128x1xf32>
    %broadcast_in_dim3A_1185 = vector.shape_cast %slice3A_1154 : vector<20x512xf32> to vector<20x1x512xf32>
    %add3A_1186 = vector.broadcast %broadcast_in_dim3A_1184 : vector<20x128x1xf32> to vector<20x128x512xf32>
    %add3A_1187 = vector.broadcast %broadcast_in_dim3A_1185 : vector<20x1x512xf32> to vector<20x128x512xf32>
    %add3A_1188 = arith.addf %add3A_1186, %add3A_1187 : vector<20x128x512xf32>
    %sub3A_1189 = arith.subf %add3A_1188, %mul3A_1183 : vector<20x128x512xf32>
    %max3A_1190 = arith.constant 1.000000e-10 : f32
    %max3A_1191 = vector.broadcast %max3A_1190 : f32 to vector<20x128x512xf32>
    %max3A_1192 = arith.maximumf %sub3A_1189, %max3A_1191 : vector<20x128x512xf32>
    %div3A_1193 = arith.divf %mul3A_1183, %max3A_1192 : vector<20x128x512xf32>
    %gt3A_1194 = arith.constant 3.000000e-01 : f32
    %gt3A_1195 = vector.broadcast %gt3A_1194 : f32 to vector<20x128x512xf32>
    %gt3A_1196 = arith.cmpf ogt, %div3A_1193, %gt3A_1195 : vector<20x128x512xf32>
    %jit3A_1197 = arith.constant 1.000000e+00 : f32
    %jit3A_1198 = arith.constant 0.000000e+00 : f32
    %broadcast_in_dim3A_1199 = vector.broadcast %jit3A_1197 : f32 to vector<20x128x512xf32>
    %broadcast_in_dim3A_1200 = vector.broadcast %jit3A_1198 : f32 to vector<20x128x512xf32>
    %select_n3A_1201 = arith.select %gt3A_1196, %broadcast_in_dim3A_1199, %broadcast_in_dim3A_1200 : vector<20x128x512xi1>, vector<20x128x512xf32>
    %broadcast_in_dim3A_1202 = vector.shape_cast %while3A_1128#0 : vector<20x128xf32> to vector<20x128x1xf32>
    %mul3A_1203 = vector.broadcast %broadcast_in_dim3A_1202 : vector<20x128x1xf32> to vector<20x128x512xf32>
    %mul3A_1204 = arith.mulf %select_n3A_1201, %mul3A_1203 : vector<20x128x512xf32>
    %reduce_max3A_1205 = arith.constant dense<0xFF800000> : vector<20x512xf32>
    %reduce_max3A_1206 = vector.multi_reduction <maximumf>, %mul3A_1204, %reduce_max3A_1205 [1] : vector<20x128x512xf32> to vector<20x512xf32>
    %get3A_1207 = arith.constant 0 : index
    %get3A_1208 = arith.constant 512 : index
    %get3A_1209 = vector.load %arg10[%get3A_1207, %get3A_1208] : memref<20x2048xf32, #tpu.memory_space<vmem>>, vector<20x512xf32>
    %sub3A_1210 = arith.constant 1.000000e+00 : f32
    %sub3A_1211 = vector.broadcast %sub3A_1210 : f32 to vector<20x512xf32>
    %sub3A_1212 = arith.subf %sub3A_1211, %reduce_max3A_1206 : vector<20x512xf32>
    %mul3A_1213 = arith.mulf %get3A_1209, %sub3A_1212 : vector<20x512xf32>
    %swap3A_1214 = arith.constant 0 : index
    %swap3A_1215 = arith.constant 512 : index
    %swap3A_1216 = vector.load %arg10[%swap3A_1214, %swap3A_1215] : memref<20x2048xf32, #tpu.memory_space<vmem>>, vector<20x512xf32>
    tpu.vector_store %arg10[%swap3A_1214, %swap3A_1215], %mul3A_1213 {strides = array<i32>} : memref<20x2048xf32, #tpu.memory_space<vmem>>, vector<20x512xf32>,
    %slice3A_1217 = vector.extract_strided_slice %get3A_1 {offsets = [0, 1024], sizes = [20, 512], strides = [1, 1]} : vector<20x2048xf32> to vector<20x512xf32>
    %slice3A_1218 = vector.extract_strided_slice %get3A_4 {offsets = [0, 1024], sizes = [20, 512], strides = [1, 1]} : vector<20x2048xf32> to vector<20x512xf32>
    %slice3A_1219 = vector.extract_strided_slice %get3A_7 {offsets = [0, 1024], sizes = [20, 512], strides = [1, 1]} : vector<20x2048xf32> to vector<20x512xf32>
    %slice3A_1220 = vector.extract_strided_slice %get3A_10 {offsets = [0, 1024], sizes = [20, 512], strides = [1, 1]} : vector<20x2048xf32> to vector<20x512xf32>
    %slice3A_1221 = vector.extract_strided_slice %mul3A {offsets = [0, 1024], sizes = [20, 512], strides = [1, 1]} : vector<20x2048xf32> to vector<20x512xf32>
    %broadcast_in_dim3A_1222 = vector.shape_cast %slice3A_1070 : vector<20x128xf32> to vector<20x128x1xf32>
    %broadcast_in_dim3A_1223 = vector.shape_cast %slice3A_1217 : vector<20x512xf32> to vector<20x1x512xf32>
    %max3A_1224 = vector.broadcast %broadcast_in_dim3A_1222 : vector<20x128x1xf32> to vector<20x128x512xf32>
    %max3A_1225 = vector.broadcast %broadcast_in_dim3A_1223 : vector<20x1x512xf32> to vector<20x128x512xf32>
    %max3A_1226 = arith.maximumf %max3A_1224, %max3A_1225 : vector<20x128x512xf32>
    %broadcast_in_dim3A_1227 = vector.shape_cast %slice3A_1071 : vector<20x128xf32> to vector<20x128x1xf32>
    %broadcast_in_dim3A_1228 = vector.shape_cast %slice3A_1218 : vector<20x512xf32> to vector<20x1x512xf32>
    %max3A_1229 = vector.broadcast %broadcast_in_dim3A_1227 : vector<20x128x1xf32> to vector<20x128x512xf32>
    %max3A_1230 = vector.broadcast %broadcast_in_dim3A_1228 : vector<20x1x512xf32> to vector<20x128x512xf32>
    %max3A_1231 = arith.maximumf %max3A_1229, %max3A_1230 : vector<20x128x512xf32>
    %broadcast_in_dim3A_1232 = vector.shape_cast %slice3A_1072 : vector<20x128xf32> to vector<20x128x1xf32>
    %broadcast_in_dim3A_1233 = vector.shape_cast %slice3A_1219 : vector<20x512xf32> to vector<20x1x512xf32>
    %min3A_1234 = vector.broadcast %broadcast_in_dim3A_1232 : vector<20x128x1xf32> to vector<20x128x512xf32>
    %min3A_1235 = vector.broadcast %broadcast_in_dim3A_1233 : vector<20x1x512xf32> to vector<20x128x512xf32>
    %min3A_1236 = arith.minimumf %min3A_1234, %min3A_1235 : vector<20x128x512xf32>
    %broadcast_in_dim3A_1237 = vector.shape_cast %slice3A_1073 : vector<20x128xf32> to vector<20x128x1xf32>
    %broadcast_in_dim3A_1238 = vector.shape_cast %slice3A_1220 : vector<20x512xf32> to vector<20x1x512xf32>
    %min3A_1239 = vector.broadcast %broadcast_in_dim3A_1237 : vector<20x128x1xf32> to vector<20x128x512xf32>
    %min3A_1240 = vector.broadcast %broadcast_in_dim3A_1238 : vector<20x1x512xf32> to vector<20x128x512xf32>
    %min3A_1241 = arith.minimumf %min3A_1239, %min3A_1240 : vector<20x128x512xf32>
    %sub3A_1242 = arith.subf %min3A_1236, %max3A_1226 : vector<20x128x512xf32>
    %max3A_1243 = arith.constant 0.000000e+00 : f32
    %max3A_1244 = vector.broadcast %max3A_1243 : f32 to vector<20x128x512xf32>
    %max3A_1245 = arith.maximumf %sub3A_1242, %max3A_1244 : vector<20x128x512xf32>
    %sub3A_1246 = arith.subf %min3A_1241, %max3A_1231 : vector<20x128x512xf32>
    %max3A_1247 = arith.constant 0.000000e+00 : f32
    %max3A_1248 = vector.broadcast %max3A_1247 : f32 to vector<20x128x512xf32>
    %max3A_1249 = arith.maximumf %sub3A_1246, %max3A_1248 : vector<20x128x512xf32>
    %mul3A_1250 = arith.mulf %max3A_1245, %max3A_1249 : vector<20x128x512xf32>
    %broadcast_in_dim3A_1251 = vector.shape_cast %slice3A_1074 : vector<20x128xf32> to vector<20x128x1xf32>
    %broadcast_in_dim3A_1252 = vector.shape_cast %slice3A_1221 : vector<20x512xf32> to vector<20x1x512xf32>
    %add3A_1253 = vector.broadcast %broadcast_in_dim3A_1251 : vector<20x128x1xf32> to vector<20x128x512xf32>
    %add3A_1254 = vector.broadcast %broadcast_in_dim3A_1252 : vector<20x1x512xf32> to vector<20x128x512xf32>
    %add3A_1255 = arith.addf %add3A_1253, %add3A_1254 : vector<20x128x512xf32>
    %sub3A_1256 = arith.subf %add3A_1255, %mul3A_1250 : vector<20x128x512xf32>
    %max3A_1257 = arith.constant 1.000000e-10 : f32
    %max3A_1258 = vector.broadcast %max3A_1257 : f32 to vector<20x128x512xf32>
    %max3A_1259 = arith.maximumf %sub3A_1256, %max3A_1258 : vector<20x128x512xf32>
    %div3A_1260 = arith.divf %mul3A_1250, %max3A_1259 : vector<20x128x512xf32>
    %gt3A_1261 = arith.constant 3.000000e-01 : f32
    %gt3A_1262 = vector.broadcast %gt3A_1261 : f32 to vector<20x128x512xf32>
    %gt3A_1263 = arith.cmpf ogt, %div3A_1260, %gt3A_1262 : vector<20x128x512xf32>
    %jit3A_1264 = arith.constant 1.000000e+00 : f32
    %jit3A_1265 = arith.constant 0.000000e+00 : f32
    %broadcast_in_dim3A_1266 = vector.broadcast %jit3A_1264 : f32 to vector<20x128x512xf32>
    %broadcast_in_dim3A_1267 = vector.broadcast %jit3A_1265 : f32 to vector<20x128x512xf32>
    %select_n3A_1268 = arith.select %gt3A_1263, %broadcast_in_dim3A_1266, %broadcast_in_dim3A_1267 : vector<20x128x512xi1>, vector<20x128x512xf32>
    %broadcast_in_dim3A_1269 = vector.shape_cast %while3A_1128#0 : vector<20x128xf32> to vector<20x128x1xf32>
    %mul3A_1270 = vector.broadcast %broadcast_in_dim3A_1269 : vector<20x128x1xf32> to vector<20x128x512xf32>
    %mul3A_1271 = arith.mulf %select_n3A_1268, %mul3A_1270 : vector<20x128x512xf32>
    %reduce_max3A_1272 = arith.constant dense<0xFF800000> : vector<20x512xf32>
    %reduce_max3A_1273 = vector.multi_reduction <maximumf>, %mul3A_1271, %reduce_max3A_1272 [1] : vector<20x128x512xf32> to vector<20x512xf32>
    %get3A_1274 = arith.constant 0 : index
    %get3A_1275 = arith.constant 1024 : index
    %get3A_1276 = vector.load %arg10[%get3A_1274, %get3A_1275] : memref<20x2048xf32, #tpu.memory_space<vmem>>, vector<20x512xf32>
    %sub3A_1277 = arith.constant 1.000000e+00 : f32
    %sub3A_1278 = vector.broadcast %sub3A_1277 : f32 to vector<20x512xf32>
    %sub3A_1279 = arith.subf %sub3A_1278, %reduce_max3A_1273 : vector<20x512xf32>
    %mul3A_1280 = arith.mulf %get3A_1276, %sub3A_1279 : vector<20x512xf32>
    %swap3A_1281 = arith.constant 0 : index
    %swap3A_1282 = arith.constant 1024 : index
    %swap3A_1283 = vector.load %arg10[%swap3A_1281, %swap3A_1282] : memref<20x2048xf32, #tpu.memory_space<vmem>>, vector<20x512xf32>
    tpu.vector_store %arg10[%swap3A_1281, %swap3A_1282], %mul3A_1280 {strides = array<i32>} : memref<20x2048xf32, #tpu.memory_space<vmem>>, vector<20x512xf32>,
    %slice3A_1284 = vector.extract_strided_slice %get3A_1 {offsets = [0, 1536], sizes = [20, 512], strides = [1, 1]} : vector<20x2048xf32> to vector<20x512xf32>
    %slice3A_1285 = vector.extract_strided_slice %get3A_4 {offsets = [0, 1536], sizes = [20, 512], strides = [1, 1]} : vector<20x2048xf32> to vector<20x512xf32>
    %slice3A_1286 = vector.extract_strided_slice %get3A_7 {offsets = [0, 1536], sizes = [20, 512], strides = [1, 1]} : vector<20x2048xf32> to vector<20x512xf32>
    %slice3A_1287 = vector.extract_strided_slice %get3A_10 {offsets = [0, 1536], sizes = [20, 512], strides = [1, 1]} : vector<20x2048xf32> to vector<20x512xf32>
    %slice3A_1288 = vector.extract_strided_slice %mul3A {offsets = [0, 1536], sizes = [20, 512], strides = [1, 1]} : vector<20x2048xf32> to vector<20x512xf32>
    %broadcast_in_dim3A_1289 = vector.shape_cast %slice3A_1070 : vector<20x128xf32> to vector<20x128x1xf32>
    %broadcast_in_dim3A_1290 = vector.shape_cast %slice3A_1284 : vector<20x512xf32> to vector<20x1x512xf32>
    %max3A_1291 = vector.broadcast %broadcast_in_dim3A_1289 : vector<20x128x1xf32> to vector<20x128x512xf32>
    %max3A_1292 = vector.broadcast %broadcast_in_dim3A_1290 : vector<20x1x512xf32> to vector<20x128x512xf32>
    %max3A_1293 = arith.maximumf %max3A_1291, %max3A_1292 : vector<20x128x512xf32>
    %broadcast_in_dim3A_1294 = vector.shape_cast %slice3A_1071 : vector<20x128xf32> to vector<20x128x1xf32>
    %broadcast_in_dim3A_1295 = vector.shape_cast %slice3A_1285 : vector<20x512xf32> to vector<20x1x512xf32>
    %max3A_1296 = vector.broadcast %broadcast_in_dim3A_1294 : vector<20x128x1xf32> to vector<20x128x512xf32>
    %max3A_1297 = vector.broadcast %broadcast_in_dim3A_1295 : vector<20x1x512xf32> to vector<20x128x512xf32>
    %max3A_1298 = arith.maximumf %max3A_1296, %max3A_1297 : vector<20x128x512xf32>
    %broadcast_in_dim3A_1299 = vector.shape_cast %slice3A_1072 : vector<20x128xf32> to vector<20x128x1xf32>
    %broadcast_in_dim3A_1300 = vector.shape_cast %slice3A_1286 : vector<20x512xf32> to vector<20x1x512xf32>
    %min3A_1301 = vector.broadcast %broadcast_in_dim3A_1299 : vector<20x128x1xf32> to vector<20x128x512xf32>
    %min3A_1302 = vector.broadcast %broadcast_in_dim3A_1300 : vector<20x1x512xf32> to vector<20x128x512xf32>
    %min3A_1303 = arith.minimumf %min3A_1301, %min3A_1302 : vector<20x128x512xf32>
    %broadcast_in_dim3A_1304 = vector.shape_cast %slice3A_1073 : vector<20x128xf32> to vector<20x128x1xf32>
    %broadcast_in_dim3A_1305 = vector.shape_cast %slice3A_1287 : vector<20x512xf32> to vector<20x1x512xf32>
    %min3A_1306 = vector.broadcast %broadcast_in_dim3A_1304 : vector<20x128x1xf32> to vector<20x128x512xf32>
    %min3A_1307 = vector.broadcast %broadcast_in_dim3A_1305 : vector<20x1x512xf32> to vector<20x128x512xf32>
    %min3A_1308 = arith.minimumf %min3A_1306, %min3A_1307 : vector<20x128x512xf32>
    %sub3A_1309 = arith.subf %min3A_1303, %max3A_1293 : vector<20x128x512xf32>
    %max3A_1310 = arith.constant 0.000000e+00 : f32
    %max3A_1311 = vector.broadcast %max3A_1310 : f32 to vector<20x128x512xf32>
    %max3A_1312 = arith.maximumf %sub3A_1309, %max3A_1311 : vector<20x128x512xf32>
    %sub3A_1313 = arith.subf %min3A_1308, %max3A_1298 : vector<20x128x512xf32>
    %max3A_1314 = arith.constant 0.000000e+00 : f32
    %max3A_1315 = vector.broadcast %max3A_1314 : f32 to vector<20x128x512xf32>
    %max3A_1316 = arith.maximumf %sub3A_1313, %max3A_1315 : vector<20x128x512xf32>
    %mul3A_1317 = arith.mulf %max3A_1312, %max3A_1316 : vector<20x128x512xf32>
    %broadcast_in_dim3A_1318 = vector.shape_cast %slice3A_1074 : vector<20x128xf32> to vector<20x128x1xf32>
    %broadcast_in_dim3A_1319 = vector.shape_cast %slice3A_1288 : vector<20x512xf32> to vector<20x1x512xf32>
    %add3A_1320 = vector.broadcast %broadcast_in_dim3A_1318 : vector<20x128x1xf32> to vector<20x128x512xf32>
    %add3A_1321 = vector.broadcast %broadcast_in_dim3A_1319 : vector<20x1x512xf32> to vector<20x128x512xf32>
    %add3A_1322 = arith.addf %add3A_1320, %add3A_1321 : vector<20x128x512xf32>
    %sub3A_1323 = arith.subf %add3A_1322, %mul3A_1317 : vector<20x128x512xf32>
    %max3A_1324 = arith.constant 1.000000e-10 : f32
    %max3A_1325 = vector.broadcast %max3A_1324 : f32 to vector<20x128x512xf32>
    %max3A_1326 = arith.maximumf %sub3A_1323, %max3A_1325 : vector<20x128x512xf32>
    %div3A_1327 = arith.divf %mul3A_1317, %max3A_1326 : vector<20x128x512xf32>
    %gt3A_1328 = arith.constant 3.000000e-01 : f32
    %gt3A_1329 = vector.broadcast %gt3A_1328 : f32 to vector<20x128x512xf32>
    %gt3A_1330 = arith.cmpf ogt, %div3A_1327, %gt3A_1329 : vector<20x128x512xf32>
    %jit3A_1331 = arith.constant 1.000000e+00 : f32
    %jit3A_1332 = arith.constant 0.000000e+00 : f32
    %broadcast_in_dim3A_1333 = vector.broadcast %jit3A_1331 : f32 to vector<20x128x512xf32>
    %broadcast_in_dim3A_1334 = vector.broadcast %jit3A_1332 : f32 to vector<20x128x512xf32>
    %select_n3A_1335 = arith.select %gt3A_1330, %broadcast_in_dim3A_1333, %broadcast_in_dim3A_1334 : vector<20x128x512xi1>, vector<20x128x512xf32>
    %broadcast_in_dim3A_1336 = vector.shape_cast %while3A_1128#0 : vector<20x128xf32> to vector<20x128x1xf32>
    %mul3A_1337 = vector.broadcast %broadcast_in_dim3A_1336 : vector<20x128x1xf32> to vector<20x128x512xf32>
    %mul3A_1338 = arith.mulf %select_n3A_1335, %mul3A_1337 : vector<20x128x512xf32>
    %reduce_max3A_1339 = arith.constant dense<0xFF800000> : vector<20x512xf32>
    %reduce_max3A_1340 = vector.multi_reduction <maximumf>, %mul3A_1338, %reduce_max3A_1339 [1] : vector<20x128x512xf32> to vector<20x512xf32>
    %get3A_1341 = arith.constant 0 : index
    %get3A_1342 = arith.constant 1536 : index
    %get3A_1343 = vector.load %arg10[%get3A_1341, %get3A_1342] : memref<20x2048xf32, #tpu.memory_space<vmem>>, vector<20x512xf32>
    %sub3A_1344 = arith.constant 1.000000e+00 : f32
    %sub3A_1345 = vector.broadcast %sub3A_1344 : f32 to vector<20x512xf32>
    %sub3A_1346 = arith.subf %sub3A_1345, %reduce_max3A_1340 : vector<20x512xf32>
    %mul3A_1347 = arith.mulf %get3A_1343, %sub3A_1346 : vector<20x512xf32>
    %swap3A_1348 = arith.constant 0 : index
    %swap3A_1349 = arith.constant 1536 : index
    %swap3A_1350 = vector.load %arg10[%swap3A_1348, %swap3A_1349] : memref<20x2048xf32, #tpu.memory_space<vmem>>, vector<20x512xf32>
    tpu.vector_store %arg10[%swap3A_1348, %swap3A_1349], %mul3A_1347 {strides = array<i32>} : memref<20x2048xf32, #tpu.memory_space<vmem>>, vector<20x512xf32>,
    %slice3A_1351 = vector.extract_strided_slice %get3A_1 {offsets = [0, 512], sizes = [20, 128], strides = [1, 1]} : vector<20x2048xf32> to vector<20x128xf32>
    %slice3A_1352 = vector.extract_strided_slice %get3A_4 {offsets = [0, 512], sizes = [20, 128], strides = [1, 1]} : vector<20x2048xf32> to vector<20x128xf32>
    %slice3A_1353 = vector.extract_strided_slice %get3A_7 {offsets = [0, 512], sizes = [20, 128], strides = [1, 1]} : vector<20x2048xf32> to vector<20x128xf32>
    %slice3A_1354 = vector.extract_strided_slice %get3A_10 {offsets = [0, 512], sizes = [20, 128], strides = [1, 1]} : vector<20x2048xf32> to vector<20x128xf32>
    %slice3A_1355 = vector.extract_strided_slice %mul3A {offsets = [0, 512], sizes = [20, 128], strides = [1, 1]} : vector<20x2048xf32> to vector<20x128xf32>
    %broadcast_in_dim3A_1356 = vector.shape_cast %slice3A_1351 : vector<20x128xf32> to vector<20x128x1xf32>
    %broadcast_in_dim3A_1357 = vector.shape_cast %slice3A_1351 : vector<20x128xf32> to vector<20x1x128xf32>
    %max3A_1358 = vector.broadcast %broadcast_in_dim3A_1356 : vector<20x128x1xf32> to vector<20x128x128xf32>
    %max3A_1359 = vector.broadcast %broadcast_in_dim3A_1357 : vector<20x1x128xf32> to vector<20x128x128xf32>
    %max3A_1360 = arith.maximumf %max3A_1358, %max3A_1359 : vector<20x128x128xf32>
    %broadcast_in_dim3A_1361 = vector.shape_cast %slice3A_1352 : vector<20x128xf32> to vector<20x128x1xf32>
    %broadcast_in_dim3A_1362 = vector.shape_cast %slice3A_1352 : vector<20x128xf32> to vector<20x1x128xf32>
    %max3A_1363 = vector.broadcast %broadcast_in_dim3A_1361 : vector<20x128x1xf32> to vector<20x128x128xf32>
    %max3A_1364 = vector.broadcast %broadcast_in_dim3A_1362 : vector<20x1x128xf32> to vector<20x128x128xf32>
    %max3A_1365 = arith.maximumf %max3A_1363, %max3A_1364 : vector<20x128x128xf32>
    %broadcast_in_dim3A_1366 = vector.shape_cast %slice3A_1353 : vector<20x128xf32> to vector<20x128x1xf32>
    %broadcast_in_dim3A_1367 = vector.shape_cast %slice3A_1353 : vector<20x128xf32> to vector<20x1x128xf32>
    %min3A_1368 = vector.broadcast %broadcast_in_dim3A_1366 : vector<20x128x1xf32> to vector<20x128x128xf32>
    %min3A_1369 = vector.broadcast %broadcast_in_dim3A_1367 : vector<20x1x128xf32> to vector<20x128x128xf32>
    %min3A_1370 = arith.minimumf %min3A_1368, %min3A_1369 : vector<20x128x128xf32>
    %broadcast_in_dim3A_1371 = vector.shape_cast %slice3A_1354 : vector<20x128xf32> to vector<20x128x1xf32>
    %broadcast_in_dim3A_1372 = vector.shape_cast %slice3A_1354 : vector<20x128xf32> to vector<20x1x128xf32>
    %min3A_1373 = vector.broadcast %broadcast_in_dim3A_1371 : vector<20x128x1xf32> to vector<20x128x128xf32>
    %min3A_1374 = vector.broadcast %broadcast_in_dim3A_1372 : vector<20x1x128xf32> to vector<20x128x128xf32>
    %min3A_1375 = arith.minimumf %min3A_1373, %min3A_1374 : vector<20x128x128xf32>
    %sub3A_1376 = arith.subf %min3A_1370, %max3A_1360 : vector<20x128x128xf32>
    %max3A_1377 = arith.constant 0.000000e+00 : f32
    %max3A_1378 = vector.broadcast %max3A_1377 : f32 to vector<20x128x128xf32>
    %max3A_1379 = arith.maximumf %sub3A_1376, %max3A_1378 : vector<20x128x128xf32>
    %sub3A_1380 = arith.subf %min3A_1375, %max3A_1365 : vector<20x128x128xf32>
    %max3A_1381 = arith.constant 0.000000e+00 : f32
    %max3A_1382 = vector.broadcast %max3A_1381 : f32 to vector<20x128x128xf32>
    %max3A_1383 = arith.maximumf %sub3A_1380, %max3A_1382 : vector<20x128x128xf32>
    %mul3A_1384 = arith.mulf %max3A_1379, %max3A_1383 : vector<20x128x128xf32>
    %broadcast_in_dim3A_1385 = vector.shape_cast %slice3A_1355 : vector<20x128xf32> to vector<20x128x1xf32>
    %broadcast_in_dim3A_1386 = vector.shape_cast %slice3A_1355 : vector<20x128xf32> to vector<20x1x128xf32>
    %add3A_1387 = vector.broadcast %broadcast_in_dim3A_1385 : vector<20x128x1xf32> to vector<20x128x128xf32>
    %add3A_1388 = vector.broadcast %broadcast_in_dim3A_1386 : vector<20x1x128xf32> to vector<20x128x128xf32>
    %add3A_1389 = arith.addf %add3A_1387, %add3A_1388 : vector<20x128x128xf32>
    %sub3A_1390 = arith.subf %add3A_1389, %mul3A_1384 : vector<20x128x128xf32>
    %max3A_1391 = arith.constant 1.000000e-10 : f32
    %max3A_1392 = vector.broadcast %max3A_1391 : f32 to vector<20x128x128xf32>
    %max3A_1393 = arith.maximumf %sub3A_1390, %max3A_1392 : vector<20x128x128xf32>
    %div3A_1394 = arith.divf %mul3A_1384, %max3A_1393 : vector<20x128x128xf32>
    %gt3A_1395 = arith.constant 3.000000e-01 : f32
    %gt3A_1396 = vector.broadcast %gt3A_1395 : f32 to vector<20x128x128xf32>
    %gt3A_1397 = arith.cmpf ogt, %div3A_1394, %gt3A_1396 : vector<20x128x128xf32>
    %jit3A_1398 = arith.constant 1.000000e+00 : f32
    %jit3A_1399 = arith.constant 0.000000e+00 : f32
    %broadcast_in_dim3A_1400 = vector.broadcast %jit3A_1398 : f32 to vector<20x128x128xf32>
    %broadcast_in_dim3A_1401 = vector.broadcast %jit3A_1399 : f32 to vector<20x128x128xf32>
    %select_n3A_1402 = arith.select %gt3A_1397, %broadcast_in_dim3A_1400, %broadcast_in_dim3A_1401 : vector<20x128x128xi1>, vector<20x128x128xf32>
    %mul3A_1403 = vector.broadcast %select_n3A_31 : vector<1x128x128xf32> to vector<20x128x128xf32>
    %mul3A_1404 = arith.mulf %select_n3A_1402, %mul3A_1403 : vector<20x128x128xf32>
    %get3A_1405 = arith.constant 0 : index
    %get3A_1406 = arith.constant 512 : index
    %get3A_1407 = vector.load %arg10[%get3A_1405, %get3A_1406] : memref<20x2048xf32, #tpu.memory_space<vmem>>, vector<20x128xf32>
    %while3A_1408 = arith.constant true
    %while3A_1409:2 = scf.while (%while3A_3718 = %get3A_1407, %while3A_3719 = %while3A_1408) : (vector<20x128xf32>, i1) -> (vector<20x128xf32>, i1) {
      scf.condition(%while3A_3719) %while3A_3718, %while3A_3719 : vector<20x128xf32>, i1
    } do {
    ^bb0(%while3A_3718: vector<20x128xf32>, %while3A_3719: i1):
      %broadcast_in_dim3A_3720 = vector.shape_cast %while3A_3718 : vector<20x128xf32> to vector<20x128x1xf32>
      %mul3A_3721 = vector.broadcast %broadcast_in_dim3A_3720 : vector<20x128x1xf32> to vector<20x128x128xf32>
      %mul3A_3722 = arith.mulf %mul3A_1404, %mul3A_3721 : vector<20x128x128xf32>
      %reduce_max3A_3723 = arith.constant dense<0xFF800000> : vector<20x128xf32>
      %reduce_max3A_3724 = vector.multi_reduction <maximumf>, %mul3A_3722, %reduce_max3A_3723 [1] : vector<20x128x128xf32> to vector<20x128xf32>
      %sub3A_3725 = arith.constant 1.000000e+00 : f32
      %sub3A_3726 = vector.broadcast %sub3A_3725 : f32 to vector<20x128xf32>
      %sub3A_3727 = arith.subf %sub3A_3726, %reduce_max3A_3724 : vector<20x128xf32>
      %mul3A_3728 = arith.mulf %get3A_1407, %sub3A_3727 : vector<20x128xf32>
      %ne3A = arith.cmpf one, %mul3A_3728, %while3A_3718 : vector<20x128xf32>
      %reduce_or3A = arith.constant 1.000000e+00 : f32
      %reduce_or3A_3729 = arith.constant 0.000000e+00 : f32
      %reduce_or3A_3730 = vector.broadcast %reduce_or3A : f32 to vector<20x128xf32>
      %reduce_or3A_3731 = vector.broadcast %reduce_or3A_3729 : f32 to vector<20x128xf32>
      %reduce_or3A_3732 = arith.select %ne3A, %reduce_or3A_3730, %reduce_or3A_3731 : vector<20x128xi1>, vector<20x128xf32>
      %reduce_or3A_3733 = vector.shape_cast %reduce_or3A_3732 : vector<20x128xf32> to vector<1x20x128xf32>
      %reduce_or3A_3734 = arith.constant dense<0xFF800000> : vector<1xf32>
      %reduce_or3A_3735 = vector.multi_reduction <maximumf>, %reduce_or3A_3733, %reduce_or3A_3734 [1, 2] : vector<1x20x128xf32> to vector<1xf32>
      %reduce_or3A_3736 = vector.shape_cast %reduce_or3A_3735 : vector<1xf32> to vector<1x1x1xf32>
      %reduce_or3A_3737 = vector.extract %reduce_or3A_3736[0, 0, 0] : f32 from vector<1x1x1xf32>
      %reduce_or3A_3738 = arith.constant 0.000000e+00 : f32
      %reduce_or3A_3739 = arith.cmpf ogt, %reduce_or3A_3737, %reduce_or3A_3738 : f32
      scf.yield %mul3A_3728, %reduce_or3A_3739 : vector<20x128xf32>, i1
    }
    %mul3A_1410 = arith.mulf %slice3A_1351, %while3A_1409#0 : vector<20x128xf32>
    %swap3A_1411 = arith.constant 0 : index
    %swap3A_1412 = arith.constant 512 : index
    %swap3A_1413 = vector.load %arg5[%swap3A_1411, %swap3A_1412] : memref<20x2048xf32, #tpu.memory_space<vmem>>, vector<20x128xf32>
    tpu.vector_store %arg5[%swap3A_1411, %swap3A_1412], %mul3A_1410 {strides = array<i32>} : memref<20x2048xf32, #tpu.memory_space<vmem>>, vector<20x128xf32>,
    %mul3A_1414 = arith.mulf %slice3A_1352, %while3A_1409#0 : vector<20x128xf32>
    %swap3A_1415 = arith.constant 0 : index
    %swap3A_1416 = arith.constant 512 : index
    %swap3A_1417 = vector.load %arg6[%swap3A_1415, %swap3A_1416] : memref<20x2048xf32, #tpu.memory_space<vmem>>, vector<20x128xf32>
    tpu.vector_store %arg6[%swap3A_1415, %swap3A_1416], %mul3A_1414 {strides = array<i32>} : memref<20x2048xf32, #tpu.memory_space<vmem>>, vector<20x128xf32>,
    %mul3A_1418 = arith.mulf %slice3A_1353, %while3A_1409#0 : vector<20x128xf32>
    %swap3A_1419 = arith.constant 0 : index
    %swap3A_1420 = arith.constant 512 : index
    %swap3A_1421 = vector.load %arg7[%swap3A_1419, %swap3A_1420] : memref<20x2048xf32, #tpu.memory_space<vmem>>, vector<20x128xf32>
    tpu.vector_store %arg7[%swap3A_1419, %swap3A_1420], %mul3A_1418 {strides = array<i32>} : memref<20x2048xf32, #tpu.memory_space<vmem>>, vector<20x128xf32>,
    %mul3A_1422 = arith.mulf %slice3A_1354, %while3A_1409#0 : vector<20x128xf32>
    %swap3A_1423 = arith.constant 0 : index
    %swap3A_1424 = arith.constant 512 : index
    %swap3A_1425 = vector.load %arg8[%swap3A_1423, %swap3A_1424] : memref<20x2048xf32, #tpu.memory_space<vmem>>, vector<20x128xf32>
    tpu.vector_store %arg8[%swap3A_1423, %swap3A_1424], %mul3A_1422 {strides = array<i32>} : memref<20x2048xf32, #tpu.memory_space<vmem>>, vector<20x128xf32>,
    %slice3A_1426 = vector.extract_strided_slice %get3A_13 {offsets = [0, 512], sizes = [20, 128], strides = [1, 1]} : vector<20x2048xf32> to vector<20x128xf32>
    %mul3A_1427 = arith.mulf %slice3A_1426, %while3A_1409#0 : vector<20x128xf32>
    %swap3A_1428 = arith.constant 0 : index
    %swap3A_1429 = arith.constant 512 : index
    %swap3A_1430 = vector.load %arg9[%swap3A_1428, %swap3A_1429] : memref<20x2048xf32, #tpu.memory_space<vmem>>, vector<20x128xf32>
    tpu.vector_store %arg9[%swap3A_1428, %swap3A_1429], %mul3A_1427 {strides = array<i32>} : memref<20x2048xf32, #tpu.memory_space<vmem>>, vector<20x128xf32>,
    %slice3A_1431 = vector.extract_strided_slice %get3A_1 {offsets = [0, 512], sizes = [20, 512], strides = [1, 1]} : vector<20x2048xf32> to vector<20x512xf32>
    %slice3A_1432 = vector.extract_strided_slice %get3A_4 {offsets = [0, 512], sizes = [20, 512], strides = [1, 1]} : vector<20x2048xf32> to vector<20x512xf32>
    %slice3A_1433 = vector.extract_strided_slice %get3A_7 {offsets = [0, 512], sizes = [20, 512], strides = [1, 1]} : vector<20x2048xf32> to vector<20x512xf32>
    %slice3A_1434 = vector.extract_strided_slice %get3A_10 {offsets = [0, 512], sizes = [20, 512], strides = [1, 1]} : vector<20x2048xf32> to vector<20x512xf32>
    %slice3A_1435 = vector.extract_strided_slice %mul3A {offsets = [0, 512], sizes = [20, 512], strides = [1, 1]} : vector<20x2048xf32> to vector<20x512xf32>
    %broadcast_in_dim3A_1436 = vector.shape_cast %slice3A_1351 : vector<20x128xf32> to vector<20x128x1xf32>
    %broadcast_in_dim3A_1437 = vector.shape_cast %slice3A_1431 : vector<20x512xf32> to vector<20x1x512xf32>
    %max3A_1438 = vector.broadcast %broadcast_in_dim3A_1436 : vector<20x128x1xf32> to vector<20x128x512xf32>
    %max3A_1439 = vector.broadcast %broadcast_in_dim3A_1437 : vector<20x1x512xf32> to vector<20x128x512xf32>
    %max3A_1440 = arith.maximumf %max3A_1438, %max3A_1439 : vector<20x128x512xf32>
    %broadcast_in_dim3A_1441 = vector.shape_cast %slice3A_1352 : vector<20x128xf32> to vector<20x128x1xf32>
    %broadcast_in_dim3A_1442 = vector.shape_cast %slice3A_1432 : vector<20x512xf32> to vector<20x1x512xf32>
    %max3A_1443 = vector.broadcast %broadcast_in_dim3A_1441 : vector<20x128x1xf32> to vector<20x128x512xf32>
    %max3A_1444 = vector.broadcast %broadcast_in_dim3A_1442 : vector<20x1x512xf32> to vector<20x128x512xf32>
    %max3A_1445 = arith.maximumf %max3A_1443, %max3A_1444 : vector<20x128x512xf32>
    %broadcast_in_dim3A_1446 = vector.shape_cast %slice3A_1353 : vector<20x128xf32> to vector<20x128x1xf32>
    %broadcast_in_dim3A_1447 = vector.shape_cast %slice3A_1433 : vector<20x512xf32> to vector<20x1x512xf32>
    %min3A_1448 = vector.broadcast %broadcast_in_dim3A_1446 : vector<20x128x1xf32> to vector<20x128x512xf32>
    %min3A_1449 = vector.broadcast %broadcast_in_dim3A_1447 : vector<20x1x512xf32> to vector<20x128x512xf32>
    %min3A_1450 = arith.minimumf %min3A_1448, %min3A_1449 : vector<20x128x512xf32>
    %broadcast_in_dim3A_1451 = vector.shape_cast %slice3A_1354 : vector<20x128xf32> to vector<20x128x1xf32>
    %broadcast_in_dim3A_1452 = vector.shape_cast %slice3A_1434 : vector<20x512xf32> to vector<20x1x512xf32>
    %min3A_1453 = vector.broadcast %broadcast_in_dim3A_1451 : vector<20x128x1xf32> to vector<20x128x512xf32>
    %min3A_1454 = vector.broadcast %broadcast_in_dim3A_1452 : vector<20x1x512xf32> to vector<20x128x512xf32>
    %min3A_1455 = arith.minimumf %min3A_1453, %min3A_1454 : vector<20x128x512xf32>
    %sub3A_1456 = arith.subf %min3A_1450, %max3A_1440 : vector<20x128x512xf32>
    %max3A_1457 = arith.constant 0.000000e+00 : f32
    %max3A_1458 = vector.broadcast %max3A_1457 : f32 to vector<20x128x512xf32>
    %max3A_1459 = arith.maximumf %sub3A_1456, %max3A_1458 : vector<20x128x512xf32>
    %sub3A_1460 = arith.subf %min3A_1455, %max3A_1445 : vector<20x128x512xf32>
    %max3A_1461 = arith.constant 0.000000e+00 : f32
    %max3A_1462 = vector.broadcast %max3A_1461 : f32 to vector<20x128x512xf32>
    %max3A_1463 = arith.maximumf %sub3A_1460, %max3A_1462 : vector<20x128x512xf32>
    %mul3A_1464 = arith.mulf %max3A_1459, %max3A_1463 : vector<20x128x512xf32>
    %broadcast_in_dim3A_1465 = vector.shape_cast %slice3A_1355 : vector<20x128xf32> to vector<20x128x1xf32>
    %broadcast_in_dim3A_1466 = vector.shape_cast %slice3A_1435 : vector<20x512xf32> to vector<20x1x512xf32>
    %add3A_1467 = vector.broadcast %broadcast_in_dim3A_1465 : vector<20x128x1xf32> to vector<20x128x512xf32>
    %add3A_1468 = vector.broadcast %broadcast_in_dim3A_1466 : vector<20x1x512xf32> to vector<20x128x512xf32>
    %add3A_1469 = arith.addf %add3A_1467, %add3A_1468 : vector<20x128x512xf32>
    %sub3A_1470 = arith.subf %add3A_1469, %mul3A_1464 : vector<20x128x512xf32>
    %max3A_1471 = arith.constant 1.000000e-10 : f32
    %max3A_1472 = vector.broadcast %max3A_1471 : f32 to vector<20x128x512xf32>
    %max3A_1473 = arith.maximumf %sub3A_1470, %max3A_1472 : vector<20x128x512xf32>
    %div3A_1474 = arith.divf %mul3A_1464, %max3A_1473 : vector<20x128x512xf32>
    %gt3A_1475 = arith.constant 3.000000e-01 : f32
    %gt3A_1476 = vector.broadcast %gt3A_1475 : f32 to vector<20x128x512xf32>
    %gt3A_1477 = arith.cmpf ogt, %div3A_1474, %gt3A_1476 : vector<20x128x512xf32>
    %jit3A_1478 = arith.constant 1.000000e+00 : f32
    %jit3A_1479 = arith.constant 0.000000e+00 : f32
    %broadcast_in_dim3A_1480 = vector.broadcast %jit3A_1478 : f32 to vector<20x128x512xf32>
    %broadcast_in_dim3A_1481 = vector.broadcast %jit3A_1479 : f32 to vector<20x128x512xf32>
    %select_n3A_1482 = arith.select %gt3A_1477, %broadcast_in_dim3A_1480, %broadcast_in_dim3A_1481 : vector<20x128x512xi1>, vector<20x128x512xf32>
    %broadcast_in_dim3A_1483 = vector.shape_cast %while3A_1409#0 : vector<20x128xf32> to vector<20x128x1xf32>
    %mul3A_1484 = vector.broadcast %broadcast_in_dim3A_1483 : vector<20x128x1xf32> to vector<20x128x512xf32>
    %mul3A_1485 = arith.mulf %select_n3A_1482, %mul3A_1484 : vector<20x128x512xf32>
    %reduce_max3A_1486 = arith.constant dense<0xFF800000> : vector<20x512xf32>
    %reduce_max3A_1487 = vector.multi_reduction <maximumf>, %mul3A_1485, %reduce_max3A_1486 [1] : vector<20x128x512xf32> to vector<20x512xf32>
    %get3A_1488 = arith.constant 0 : index
    %get3A_1489 = arith.constant 512 : index
    %get3A_1490 = vector.load %arg10[%get3A_1488, %get3A_1489] : memref<20x2048xf32, #tpu.memory_space<vmem>>, vector<20x512xf32>
    %sub3A_1491 = arith.constant 1.000000e+00 : f32
    %sub3A_1492 = vector.broadcast %sub3A_1491 : f32 to vector<20x512xf32>
    %sub3A_1493 = arith.subf %sub3A_1492, %reduce_max3A_1487 : vector<20x512xf32>
    %mul3A_1494 = arith.mulf %get3A_1490, %sub3A_1493 : vector<20x512xf32>
    %swap3A_1495 = arith.constant 0 : index
    %swap3A_1496 = arith.constant 512 : index
    %swap3A_1497 = vector.load %arg10[%swap3A_1495, %swap3A_1496] : memref<20x2048xf32, #tpu.memory_space<vmem>>, vector<20x512xf32>
    tpu.vector_store %arg10[%swap3A_1495, %swap3A_1496], %mul3A_1494 {strides = array<i32>} : memref<20x2048xf32, #tpu.memory_space<vmem>>, vector<20x512xf32>,
    %slice3A_1498 = vector.extract_strided_slice %get3A_1 {offsets = [0, 1024], sizes = [20, 512], strides = [1, 1]} : vector<20x2048xf32> to vector<20x512xf32>
    %slice3A_1499 = vector.extract_strided_slice %get3A_4 {offsets = [0, 1024], sizes = [20, 512], strides = [1, 1]} : vector<20x2048xf32> to vector<20x512xf32>
    %slice3A_1500 = vector.extract_strided_slice %get3A_7 {offsets = [0, 1024], sizes = [20, 512], strides = [1, 1]} : vector<20x2048xf32> to vector<20x512xf32>
    %slice3A_1501 = vector.extract_strided_slice %get3A_10 {offsets = [0, 1024], sizes = [20, 512], strides = [1, 1]} : vector<20x2048xf32> to vector<20x512xf32>
    %slice3A_1502 = vector.extract_strided_slice %mul3A {offsets = [0, 1024], sizes = [20, 512], strides = [1, 1]} : vector<20x2048xf32> to vector<20x512xf32>
    %broadcast_in_dim3A_1503 = vector.shape_cast %slice3A_1351 : vector<20x128xf32> to vector<20x128x1xf32>
    %broadcast_in_dim3A_1504 = vector.shape_cast %slice3A_1498 : vector<20x512xf32> to vector<20x1x512xf32>
    %max3A_1505 = vector.broadcast %broadcast_in_dim3A_1503 : vector<20x128x1xf32> to vector<20x128x512xf32>
    %max3A_1506 = vector.broadcast %broadcast_in_dim3A_1504 : vector<20x1x512xf32> to vector<20x128x512xf32>
    %max3A_1507 = arith.maximumf %max3A_1505, %max3A_1506 : vector<20x128x512xf32>
    %broadcast_in_dim3A_1508 = vector.shape_cast %slice3A_1352 : vector<20x128xf32> to vector<20x128x1xf32>
    %broadcast_in_dim3A_1509 = vector.shape_cast %slice3A_1499 : vector<20x512xf32> to vector<20x1x512xf32>
    %max3A_1510 = vector.broadcast %broadcast_in_dim3A_1508 : vector<20x128x1xf32> to vector<20x128x512xf32>
    %max3A_1511 = vector.broadcast %broadcast_in_dim3A_1509 : vector<20x1x512xf32> to vector<20x128x512xf32>
    %max3A_1512 = arith.maximumf %max3A_1510, %max3A_1511 : vector<20x128x512xf32>
    %broadcast_in_dim3A_1513 = vector.shape_cast %slice3A_1353 : vector<20x128xf32> to vector<20x128x1xf32>
    %broadcast_in_dim3A_1514 = vector.shape_cast %slice3A_1500 : vector<20x512xf32> to vector<20x1x512xf32>
    %min3A_1515 = vector.broadcast %broadcast_in_dim3A_1513 : vector<20x128x1xf32> to vector<20x128x512xf32>
    %min3A_1516 = vector.broadcast %broadcast_in_dim3A_1514 : vector<20x1x512xf32> to vector<20x128x512xf32>
    %min3A_1517 = arith.minimumf %min3A_1515, %min3A_1516 : vector<20x128x512xf32>
    %broadcast_in_dim3A_1518 = vector.shape_cast %slice3A_1354 : vector<20x128xf32> to vector<20x128x1xf32>
    %broadcast_in_dim3A_1519 = vector.shape_cast %slice3A_1501 : vector<20x512xf32> to vector<20x1x512xf32>
    %min3A_1520 = vector.broadcast %broadcast_in_dim3A_1518 : vector<20x128x1xf32> to vector<20x128x512xf32>
    %min3A_1521 = vector.broadcast %broadcast_in_dim3A_1519 : vector<20x1x512xf32> to vector<20x128x512xf32>
    %min3A_1522 = arith.minimumf %min3A_1520, %min3A_1521 : vector<20x128x512xf32>
    %sub3A_1523 = arith.subf %min3A_1517, %max3A_1507 : vector<20x128x512xf32>
    %max3A_1524 = arith.constant 0.000000e+00 : f32
    %max3A_1525 = vector.broadcast %max3A_1524 : f32 to vector<20x128x512xf32>
    %max3A_1526 = arith.maximumf %sub3A_1523, %max3A_1525 : vector<20x128x512xf32>
    %sub3A_1527 = arith.subf %min3A_1522, %max3A_1512 : vector<20x128x512xf32>
    %max3A_1528 = arith.constant 0.000000e+00 : f32
    %max3A_1529 = vector.broadcast %max3A_1528 : f32 to vector<20x128x512xf32>
    %max3A_1530 = arith.maximumf %sub3A_1527, %max3A_1529 : vector<20x128x512xf32>
    %mul3A_1531 = arith.mulf %max3A_1526, %max3A_1530 : vector<20x128x512xf32>
    %broadcast_in_dim3A_1532 = vector.shape_cast %slice3A_1355 : vector<20x128xf32> to vector<20x128x1xf32>
    %broadcast_in_dim3A_1533 = vector.shape_cast %slice3A_1502 : vector<20x512xf32> to vector<20x1x512xf32>
    %add3A_1534 = vector.broadcast %broadcast_in_dim3A_1532 : vector<20x128x1xf32> to vector<20x128x512xf32>
    %add3A_1535 = vector.broadcast %broadcast_in_dim3A_1533 : vector<20x1x512xf32> to vector<20x128x512xf32>
    %add3A_1536 = arith.addf %add3A_1534, %add3A_1535 : vector<20x128x512xf32>
    %sub3A_1537 = arith.subf %add3A_1536, %mul3A_1531 : vector<20x128x512xf32>
    %max3A_1538 = arith.constant 1.000000e-10 : f32
    %max3A_1539 = vector.broadcast %max3A_1538 : f32 to vector<20x128x512xf32>
    %max3A_1540 = arith.maximumf %sub3A_1537, %max3A_1539 : vector<20x128x512xf32>
    %div3A_1541 = arith.divf %mul3A_1531, %max3A_1540 : vector<20x128x512xf32>
    %gt3A_1542 = arith.constant 3.000000e-01 : f32
    %gt3A_1543 = vector.broadcast %gt3A_1542 : f32 to vector<20x128x512xf32>
    %gt3A_1544 = arith.cmpf ogt, %div3A_1541, %gt3A_1543 : vector<20x128x512xf32>
    %jit3A_1545 = arith.constant 1.000000e+00 : f32
    %jit3A_1546 = arith.constant 0.000000e+00 : f32
    %broadcast_in_dim3A_1547 = vector.broadcast %jit3A_1545 : f32 to vector<20x128x512xf32>
    %broadcast_in_dim3A_1548 = vector.broadcast %jit3A_1546 : f32 to vector<20x128x512xf32>
    %select_n3A_1549 = arith.select %gt3A_1544, %broadcast_in_dim3A_1547, %broadcast_in_dim3A_1548 : vector<20x128x512xi1>, vector<20x128x512xf32>
    %broadcast_in_dim3A_1550 = vector.shape_cast %while3A_1409#0 : vector<20x128xf32> to vector<20x128x1xf32>
    %mul3A_1551 = vector.broadcast %broadcast_in_dim3A_1550 : vector<20x128x1xf32> to vector<20x128x512xf32>
    %mul3A_1552 = arith.mulf %select_n3A_1549, %mul3A_1551 : vector<20x128x512xf32>
    %reduce_max3A_1553 = arith.constant dense<0xFF800000> : vector<20x512xf32>
    %reduce_max3A_1554 = vector.multi_reduction <maximumf>, %mul3A_1552, %reduce_max3A_1553 [1] : vector<20x128x512xf32> to vector<20x512xf32>
    %get3A_1555 = arith.constant 0 : index
    %get3A_1556 = arith.constant 1024 : index
    %get3A_1557 = vector.load %arg10[%get3A_1555, %get3A_1556] : memref<20x2048xf32, #tpu.memory_space<vmem>>, vector<20x512xf32>
    %sub3A_1558 = arith.constant 1.000000e+00 : f32
    %sub3A_1559 = vector.broadcast %sub3A_1558 : f32 to vector<20x512xf32>
    %sub3A_1560 = arith.subf %sub3A_1559, %reduce_max3A_1554 : vector<20x512xf32>
    %mul3A_1561 = arith.mulf %get3A_1557, %sub3A_1560 : vector<20x512xf32>
    %swap3A_1562 = arith.constant 0 : index
    %swap3A_1563 = arith.constant 1024 : index
    %swap3A_1564 = vector.load %arg10[%swap3A_1562, %swap3A_1563] : memref<20x2048xf32, #tpu.memory_space<vmem>>, vector<20x512xf32>
    tpu.vector_store %arg10[%swap3A_1562, %swap3A_1563], %mul3A_1561 {strides = array<i32>} : memref<20x2048xf32, #tpu.memory_space<vmem>>, vector<20x512xf32>,
    %slice3A_1565 = vector.extract_strided_slice %get3A_1 {offsets = [0, 1536], sizes = [20, 512], strides = [1, 1]} : vector<20x2048xf32> to vector<20x512xf32>
    %slice3A_1566 = vector.extract_strided_slice %get3A_4 {offsets = [0, 1536], sizes = [20, 512], strides = [1, 1]} : vector<20x2048xf32> to vector<20x512xf32>
    %slice3A_1567 = vector.extract_strided_slice %get3A_7 {offsets = [0, 1536], sizes = [20, 512], strides = [1, 1]} : vector<20x2048xf32> to vector<20x512xf32>
    %slice3A_1568 = vector.extract_strided_slice %get3A_10 {offsets = [0, 1536], sizes = [20, 512], strides = [1, 1]} : vector<20x2048xf32> to vector<20x512xf32>
    %slice3A_1569 = vector.extract_strided_slice %mul3A {offsets = [0, 1536], sizes = [20, 512], strides = [1, 1]} : vector<20x2048xf32> to vector<20x512xf32>
    %broadcast_in_dim3A_1570 = vector.shape_cast %slice3A_1351 : vector<20x128xf32> to vector<20x128x1xf32>
    %broadcast_in_dim3A_1571 = vector.shape_cast %slice3A_1565 : vector<20x512xf32> to vector<20x1x512xf32>
    %max3A_1572 = vector.broadcast %broadcast_in_dim3A_1570 : vector<20x128x1xf32> to vector<20x128x512xf32>
    %max3A_1573 = vector.broadcast %broadcast_in_dim3A_1571 : vector<20x1x512xf32> to vector<20x128x512xf32>
    %max3A_1574 = arith.maximumf %max3A_1572, %max3A_1573 : vector<20x128x512xf32>
    %broadcast_in_dim3A_1575 = vector.shape_cast %slice3A_1352 : vector<20x128xf32> to vector<20x128x1xf32>
    %broadcast_in_dim3A_1576 = vector.shape_cast %slice3A_1566 : vector<20x512xf32> to vector<20x1x512xf32>
    %max3A_1577 = vector.broadcast %broadcast_in_dim3A_1575 : vector<20x128x1xf32> to vector<20x128x512xf32>
    %max3A_1578 = vector.broadcast %broadcast_in_dim3A_1576 : vector<20x1x512xf32> to vector<20x128x512xf32>
    %max3A_1579 = arith.maximumf %max3A_1577, %max3A_1578 : vector<20x128x512xf32>
    %broadcast_in_dim3A_1580 = vector.shape_cast %slice3A_1353 : vector<20x128xf32> to vector<20x128x1xf32>
    %broadcast_in_dim3A_1581 = vector.shape_cast %slice3A_1567 : vector<20x512xf32> to vector<20x1x512xf32>
    %min3A_1582 = vector.broadcast %broadcast_in_dim3A_1580 : vector<20x128x1xf32> to vector<20x128x512xf32>
    %min3A_1583 = vector.broadcast %broadcast_in_dim3A_1581 : vector<20x1x512xf32> to vector<20x128x512xf32>
    %min3A_1584 = arith.minimumf %min3A_1582, %min3A_1583 : vector<20x128x512xf32>
    %broadcast_in_dim3A_1585 = vector.shape_cast %slice3A_1354 : vector<20x128xf32> to vector<20x128x1xf32>
    %broadcast_in_dim3A_1586 = vector.shape_cast %slice3A_1568 : vector<20x512xf32> to vector<20x1x512xf32>
    %min3A_1587 = vector.broadcast %broadcast_in_dim3A_1585 : vector<20x128x1xf32> to vector<20x128x512xf32>
    %min3A_1588 = vector.broadcast %broadcast_in_dim3A_1586 : vector<20x1x512xf32> to vector<20x128x512xf32>
    %min3A_1589 = arith.minimumf %min3A_1587, %min3A_1588 : vector<20x128x512xf32>
    %sub3A_1590 = arith.subf %min3A_1584, %max3A_1574 : vector<20x128x512xf32>
    %max3A_1591 = arith.constant 0.000000e+00 : f32
    %max3A_1592 = vector.broadcast %max3A_1591 : f32 to vector<20x128x512xf32>
    %max3A_1593 = arith.maximumf %sub3A_1590, %max3A_1592 : vector<20x128x512xf32>
    %sub3A_1594 = arith.subf %min3A_1589, %max3A_1579 : vector<20x128x512xf32>
    %max3A_1595 = arith.constant 0.000000e+00 : f32
    %max3A_1596 = vector.broadcast %max3A_1595 : f32 to vector<20x128x512xf32>
    %max3A_1597 = arith.maximumf %sub3A_1594, %max3A_1596 : vector<20x128x512xf32>
    %mul3A_1598 = arith.mulf %max3A_1593, %max3A_1597 : vector<20x128x512xf32>
    %broadcast_in_dim3A_1599 = vector.shape_cast %slice3A_1355 : vector<20x128xf32> to vector<20x128x1xf32>
    %broadcast_in_dim3A_1600 = vector.shape_cast %slice3A_1569 : vector<20x512xf32> to vector<20x1x512xf32>
    %add3A_1601 = vector.broadcast %broadcast_in_dim3A_1599 : vector<20x128x1xf32> to vector<20x128x512xf32>
    %add3A_1602 = vector.broadcast %broadcast_in_dim3A_1600 : vector<20x1x512xf32> to vector<20x128x512xf32>
    %add3A_1603 = arith.addf %add3A_1601, %add3A_1602 : vector<20x128x512xf32>
    %sub3A_1604 = arith.subf %add3A_1603, %mul3A_1598 : vector<20x128x512xf32>
    %max3A_1605 = arith.constant 1.000000e-10 : f32
    %max3A_1606 = vector.broadcast %max3A_1605 : f32 to vector<20x128x512xf32>
    %max3A_1607 = arith.maximumf %sub3A_1604, %max3A_1606 : vector<20x128x512xf32>
    %div3A_1608 = arith.divf %mul3A_1598, %max3A_1607 : vector<20x128x512xf32>
    %gt3A_1609 = arith.constant 3.000000e-01 : f32
    %gt3A_1610 = vector.broadcast %gt3A_1609 : f32 to vector<20x128x512xf32>
    %gt3A_1611 = arith.cmpf ogt, %div3A_1608, %gt3A_1610 : vector<20x128x512xf32>
    %jit3A_1612 = arith.constant 1.000000e+00 : f32
    %jit3A_1613 = arith.constant 0.000000e+00 : f32
    %broadcast_in_dim3A_1614 = vector.broadcast %jit3A_1612 : f32 to vector<20x128x512xf32>
    %broadcast_in_dim3A_1615 = vector.broadcast %jit3A_1613 : f32 to vector<20x128x512xf32>
    %select_n3A_1616 = arith.select %gt3A_1611, %broadcast_in_dim3A_1614, %broadcast_in_dim3A_1615 : vector<20x128x512xi1>, vector<20x128x512xf32>
    %broadcast_in_dim3A_1617 = vector.shape_cast %while3A_1409#0 : vector<20x128xf32> to vector<20x128x1xf32>
    %mul3A_1618 = vector.broadcast %broadcast_in_dim3A_1617 : vector<20x128x1xf32> to vector<20x128x512xf32>
    %mul3A_1619 = arith.mulf %select_n3A_1616, %mul3A_1618 : vector<20x128x512xf32>
    %reduce_max3A_1620 = arith.constant dense<0xFF800000> : vector<20x512xf32>
    %reduce_max3A_1621 = vector.multi_reduction <maximumf>, %mul3A_1619, %reduce_max3A_1620 [1] : vector<20x128x512xf32> to vector<20x512xf32>
    %get3A_1622 = arith.constant 0 : index
    %get3A_1623 = arith.constant 1536 : index
    %get3A_1624 = vector.load %arg10[%get3A_1622, %get3A_1623] : memref<20x2048xf32, #tpu.memory_space<vmem>>, vector<20x512xf32>
    %sub3A_1625 = arith.constant 1.000000e+00 : f32
    %sub3A_1626 = vector.broadcast %sub3A_1625 : f32 to vector<20x512xf32>
    %sub3A_1627 = arith.subf %sub3A_1626, %reduce_max3A_1621 : vector<20x512xf32>
    %mul3A_1628 = arith.mulf %get3A_1624, %sub3A_1627 : vector<20x512xf32>
    %swap3A_1629 = arith.constant 0 : index
    %swap3A_1630 = arith.constant 1536 : index
    %swap3A_1631 = vector.load %arg10[%swap3A_1629, %swap3A_1630] : memref<20x2048xf32, #tpu.memory_space<vmem>>, vector<20x512xf32>
    tpu.vector_store %arg10[%swap3A_1629, %swap3A_1630], %mul3A_1628 {strides = array<i32>} : memref<20x2048xf32, #tpu.memory_space<vmem>>, vector<20x512xf32>,
    %slice3A_1632 = vector.extract_strided_slice %get3A_1 {offsets = [0, 640], sizes = [20, 128], strides = [1, 1]} : vector<20x2048xf32> to vector<20x128xf32>
    %slice3A_1633 = vector.extract_strided_slice %get3A_4 {offsets = [0, 640], sizes = [20, 128], strides = [1, 1]} : vector<20x2048xf32> to vector<20x128xf32>
    %slice3A_1634 = vector.extract_strided_slice %get3A_7 {offsets = [0, 640], sizes = [20, 128], strides = [1, 1]} : vector<20x2048xf32> to vector<20x128xf32>
    %slice3A_1635 = vector.extract_strided_slice %get3A_10 {offsets = [0, 640], sizes = [20, 128], strides = [1, 1]} : vector<20x2048xf32> to vector<20x128xf32>
    %slice3A_1636 = vector.extract_strided_slice %mul3A {offsets = [0, 640], sizes = [20, 128], strides = [1, 1]} : vector<20x2048xf32> to vector<20x128xf32>
    %broadcast_in_dim3A_1637 = vector.shape_cast %slice3A_1632 : vector<20x128xf32> to vector<20x128x1xf32>
    %broadcast_in_dim3A_1638 = vector.shape_cast %slice3A_1632 : vector<20x128xf32> to vector<20x1x128xf32>
    %max3A_1639 = vector.broadcast %broadcast_in_dim3A_1637 : vector<20x128x1xf32> to vector<20x128x128xf32>
    %max3A_1640 = vector.broadcast %broadcast_in_dim3A_1638 : vector<20x1x128xf32> to vector<20x128x128xf32>
    %max3A_1641 = arith.maximumf %max3A_1639, %max3A_1640 : vector<20x128x128xf32>
    %broadcast_in_dim3A_1642 = vector.shape_cast %slice3A_1633 : vector<20x128xf32> to vector<20x128x1xf32>
    %broadcast_in_dim3A_1643 = vector.shape_cast %slice3A_1633 : vector<20x128xf32> to vector<20x1x128xf32>
    %max3A_1644 = vector.broadcast %broadcast_in_dim3A_1642 : vector<20x128x1xf32> to vector<20x128x128xf32>
    %max3A_1645 = vector.broadcast %broadcast_in_dim3A_1643 : vector<20x1x128xf32> to vector<20x128x128xf32>
    %max3A_1646 = arith.maximumf %max3A_1644, %max3A_1645 : vector<20x128x128xf32>
    %broadcast_in_dim3A_1647 = vector.shape_cast %slice3A_1634 : vector<20x128xf32> to vector<20x128x1xf32>
    %broadcast_in_dim3A_1648 = vector.shape_cast %slice3A_1634 : vector<20x128xf32> to vector<20x1x128xf32>
    %min3A_1649 = vector.broadcast %broadcast_in_dim3A_1647 : vector<20x128x1xf32> to vector<20x128x128xf32>
    %min3A_1650 = vector.broadcast %broadcast_in_dim3A_1648 : vector<20x1x128xf32> to vector<20x128x128xf32>
    %min3A_1651 = arith.minimumf %min3A_1649, %min3A_1650 : vector<20x128x128xf32>
    %broadcast_in_dim3A_1652 = vector.shape_cast %slice3A_1635 : vector<20x128xf32> to vector<20x128x1xf32>
    %broadcast_in_dim3A_1653 = vector.shape_cast %slice3A_1635 : vector<20x128xf32> to vector<20x1x128xf32>
    %min3A_1654 = vector.broadcast %broadcast_in_dim3A_1652 : vector<20x128x1xf32> to vector<20x128x128xf32>
    %min3A_1655 = vector.broadcast %broadcast_in_dim3A_1653 : vector<20x1x128xf32> to vector<20x128x128xf32>
    %min3A_1656 = arith.minimumf %min3A_1654, %min3A_1655 : vector<20x128x128xf32>
    %sub3A_1657 = arith.subf %min3A_1651, %max3A_1641 : vector<20x128x128xf32>
    %max3A_1658 = arith.constant 0.000000e+00 : f32
    %max3A_1659 = vector.broadcast %max3A_1658 : f32 to vector<20x128x128xf32>
    %max3A_1660 = arith.maximumf %sub3A_1657, %max3A_1659 : vector<20x128x128xf32>
    %sub3A_1661 = arith.subf %min3A_1656, %max3A_1646 : vector<20x128x128xf32>
    %max3A_1662 = arith.constant 0.000000e+00 : f32
    %max3A_1663 = vector.broadcast %max3A_1662 : f32 to vector<20x128x128xf32>
    %max3A_1664 = arith.maximumf %sub3A_1661, %max3A_1663 : vector<20x128x128xf32>
    %mul3A_1665 = arith.mulf %max3A_1660, %max3A_1664 : vector<20x128x128xf32>
    %broadcast_in_dim3A_1666 = vector.shape_cast %slice3A_1636 : vector<20x128xf32> to vector<20x128x1xf32>
    %broadcast_in_dim3A_1667 = vector.shape_cast %slice3A_1636 : vector<20x128xf32> to vector<20x1x128xf32>
    %add3A_1668 = vector.broadcast %broadcast_in_dim3A_1666 : vector<20x128x1xf32> to vector<20x128x128xf32>
    %add3A_1669 = vector.broadcast %broadcast_in_dim3A_1667 : vector<20x1x128xf32> to vector<20x128x128xf32>
    %add3A_1670 = arith.addf %add3A_1668, %add3A_1669 : vector<20x128x128xf32>
    %sub3A_1671 = arith.subf %add3A_1670, %mul3A_1665 : vector<20x128x128xf32>
    %max3A_1672 = arith.constant 1.000000e-10 : f32
    %max3A_1673 = vector.broadcast %max3A_1672 : f32 to vector<20x128x128xf32>
    %max3A_1674 = arith.maximumf %sub3A_1671, %max3A_1673 : vector<20x128x128xf32>
    %div3A_1675 = arith.divf %mul3A_1665, %max3A_1674 : vector<20x128x128xf32>
    %gt3A_1676 = arith.constant 3.000000e-01 : f32
    %gt3A_1677 = vector.broadcast %gt3A_1676 : f32 to vector<20x128x128xf32>
    %gt3A_1678 = arith.cmpf ogt, %div3A_1675, %gt3A_1677 : vector<20x128x128xf32>
    %jit3A_1679 = arith.constant 1.000000e+00 : f32
    %jit3A_1680 = arith.constant 0.000000e+00 : f32
    %broadcast_in_dim3A_1681 = vector.broadcast %jit3A_1679 : f32 to vector<20x128x128xf32>
    %broadcast_in_dim3A_1682 = vector.broadcast %jit3A_1680 : f32 to vector<20x128x128xf32>
    %select_n3A_1683 = arith.select %gt3A_1678, %broadcast_in_dim3A_1681, %broadcast_in_dim3A_1682 : vector<20x128x128xi1>, vector<20x128x128xf32>
    %mul3A_1684 = vector.broadcast %select_n3A_31 : vector<1x128x128xf32> to vector<20x128x128xf32>
    %mul3A_1685 = arith.mulf %select_n3A_1683, %mul3A_1684 : vector<20x128x128xf32>
    %get3A_1686 = arith.constant 0 : index
    %get3A_1687 = arith.constant 640 : index
    %get3A_1688 = vector.load %arg10[%get3A_1686, %get3A_1687] : memref<20x2048xf32, #tpu.memory_space<vmem>>, vector<20x128xf32>
    %while3A_1689 = arith.constant true
    %while3A_1690:2 = scf.while (%while3A_3718 = %get3A_1688, %while3A_3719 = %while3A_1689) : (vector<20x128xf32>, i1) -> (vector<20x128xf32>, i1) {
      scf.condition(%while3A_3719) %while3A_3718, %while3A_3719 : vector<20x128xf32>, i1
    } do {
    ^bb0(%while3A_3718: vector<20x128xf32>, %while3A_3719: i1):
      %broadcast_in_dim3A_3720 = vector.shape_cast %while3A_3718 : vector<20x128xf32> to vector<20x128x1xf32>
      %mul3A_3721 = vector.broadcast %broadcast_in_dim3A_3720 : vector<20x128x1xf32> to vector<20x128x128xf32>
      %mul3A_3722 = arith.mulf %mul3A_1685, %mul3A_3721 : vector<20x128x128xf32>
      %reduce_max3A_3723 = arith.constant dense<0xFF800000> : vector<20x128xf32>
      %reduce_max3A_3724 = vector.multi_reduction <maximumf>, %mul3A_3722, %reduce_max3A_3723 [1] : vector<20x128x128xf32> to vector<20x128xf32>
      %sub3A_3725 = arith.constant 1.000000e+00 : f32
      %sub3A_3726 = vector.broadcast %sub3A_3725 : f32 to vector<20x128xf32>
      %sub3A_3727 = arith.subf %sub3A_3726, %reduce_max3A_3724 : vector<20x128xf32>
      %mul3A_3728 = arith.mulf %get3A_1688, %sub3A_3727 : vector<20x128xf32>
      %ne3A = arith.cmpf one, %mul3A_3728, %while3A_3718 : vector<20x128xf32>
      %reduce_or3A = arith.constant 1.000000e+00 : f32
      %reduce_or3A_3729 = arith.constant 0.000000e+00 : f32
      %reduce_or3A_3730 = vector.broadcast %reduce_or3A : f32 to vector<20x128xf32>
      %reduce_or3A_3731 = vector.broadcast %reduce_or3A_3729 : f32 to vector<20x128xf32>
      %reduce_or3A_3732 = arith.select %ne3A, %reduce_or3A_3730, %reduce_or3A_3731 : vector<20x128xi1>, vector<20x128xf32>
      %reduce_or3A_3733 = vector.shape_cast %reduce_or3A_3732 : vector<20x128xf32> to vector<1x20x128xf32>
      %reduce_or3A_3734 = arith.constant dense<0xFF800000> : vector<1xf32>
      %reduce_or3A_3735 = vector.multi_reduction <maximumf>, %reduce_or3A_3733, %reduce_or3A_3734 [1, 2] : vector<1x20x128xf32> to vector<1xf32>
      %reduce_or3A_3736 = vector.shape_cast %reduce_or3A_3735 : vector<1xf32> to vector<1x1x1xf32>
      %reduce_or3A_3737 = vector.extract %reduce_or3A_3736[0, 0, 0] : f32 from vector<1x1x1xf32>
      %reduce_or3A_3738 = arith.constant 0.000000e+00 : f32
      %reduce_or3A_3739 = arith.cmpf ogt, %reduce_or3A_3737, %reduce_or3A_3738 : f32
      scf.yield %mul3A_3728, %reduce_or3A_3739 : vector<20x128xf32>, i1
    }
    %mul3A_1691 = arith.mulf %slice3A_1632, %while3A_1690#0 : vector<20x128xf32>
    %swap3A_1692 = arith.constant 0 : index
    %swap3A_1693 = arith.constant 640 : index
    %swap3A_1694 = vector.load %arg5[%swap3A_1692, %swap3A_1693] : memref<20x2048xf32, #tpu.memory_space<vmem>>, vector<20x128xf32>
    tpu.vector_store %arg5[%swap3A_1692, %swap3A_1693], %mul3A_1691 {strides = array<i32>} : memref<20x2048xf32, #tpu.memory_space<vmem>>, vector<20x128xf32>,
    %mul3A_1695 = arith.mulf %slice3A_1633, %while3A_1690#0 : vector<20x128xf32>
    %swap3A_1696 = arith.constant 0 : index
    %swap3A_1697 = arith.constant 640 : index
    %swap3A_1698 = vector.load %arg6[%swap3A_1696, %swap3A_1697] : memref<20x2048xf32, #tpu.memory_space<vmem>>, vector<20x128xf32>
    tpu.vector_store %arg6[%swap3A_1696, %swap3A_1697], %mul3A_1695 {strides = array<i32>} : memref<20x2048xf32, #tpu.memory_space<vmem>>, vector<20x128xf32>,
    %mul3A_1699 = arith.mulf %slice3A_1634, %while3A_1690#0 : vector<20x128xf32>
    %swap3A_1700 = arith.constant 0 : index
    %swap3A_1701 = arith.constant 640 : index
    %swap3A_1702 = vector.load %arg7[%swap3A_1700, %swap3A_1701] : memref<20x2048xf32, #tpu.memory_space<vmem>>, vector<20x128xf32>
    tpu.vector_store %arg7[%swap3A_1700, %swap3A_1701], %mul3A_1699 {strides = array<i32>} : memref<20x2048xf32, #tpu.memory_space<vmem>>, vector<20x128xf32>,
    %mul3A_1703 = arith.mulf %slice3A_1635, %while3A_1690#0 : vector<20x128xf32>
    %swap3A_1704 = arith.constant 0 : index
    %swap3A_1705 = arith.constant 640 : index
    %swap3A_1706 = vector.load %arg8[%swap3A_1704, %swap3A_1705] : memref<20x2048xf32, #tpu.memory_space<vmem>>, vector<20x128xf32>
    tpu.vector_store %arg8[%swap3A_1704, %swap3A_1705], %mul3A_1703 {strides = array<i32>} : memref<20x2048xf32, #tpu.memory_space<vmem>>, vector<20x128xf32>,
    %slice3A_1707 = vector.extract_strided_slice %get3A_13 {offsets = [0, 640], sizes = [20, 128], strides = [1, 1]} : vector<20x2048xf32> to vector<20x128xf32>
    %mul3A_1708 = arith.mulf %slice3A_1707, %while3A_1690#0 : vector<20x128xf32>
    %swap3A_1709 = arith.constant 0 : index
    %swap3A_1710 = arith.constant 640 : index
    %swap3A_1711 = vector.load %arg9[%swap3A_1709, %swap3A_1710] : memref<20x2048xf32, #tpu.memory_space<vmem>>, vector<20x128xf32>
    tpu.vector_store %arg9[%swap3A_1709, %swap3A_1710], %mul3A_1708 {strides = array<i32>} : memref<20x2048xf32, #tpu.memory_space<vmem>>, vector<20x128xf32>,
    %slice3A_1712 = vector.extract_strided_slice %get3A_1 {offsets = [0, 512], sizes = [20, 512], strides = [1, 1]} : vector<20x2048xf32> to vector<20x512xf32>
    %slice3A_1713 = vector.extract_strided_slice %get3A_4 {offsets = [0, 512], sizes = [20, 512], strides = [1, 1]} : vector<20x2048xf32> to vector<20x512xf32>
    %slice3A_1714 = vector.extract_strided_slice %get3A_7 {offsets = [0, 512], sizes = [20, 512], strides = [1, 1]} : vector<20x2048xf32> to vector<20x512xf32>
    %slice3A_1715 = vector.extract_strided_slice %get3A_10 {offsets = [0, 512], sizes = [20, 512], strides = [1, 1]} : vector<20x2048xf32> to vector<20x512xf32>
    %slice3A_1716 = vector.extract_strided_slice %mul3A {offsets = [0, 512], sizes = [20, 512], strides = [1, 1]} : vector<20x2048xf32> to vector<20x512xf32>
    %broadcast_in_dim3A_1717 = vector.shape_cast %slice3A_1632 : vector<20x128xf32> to vector<20x128x1xf32>
    %broadcast_in_dim3A_1718 = vector.shape_cast %slice3A_1712 : vector<20x512xf32> to vector<20x1x512xf32>
    %max3A_1719 = vector.broadcast %broadcast_in_dim3A_1717 : vector<20x128x1xf32> to vector<20x128x512xf32>
    %max3A_1720 = vector.broadcast %broadcast_in_dim3A_1718 : vector<20x1x512xf32> to vector<20x128x512xf32>
    %max3A_1721 = arith.maximumf %max3A_1719, %max3A_1720 : vector<20x128x512xf32>
    %broadcast_in_dim3A_1722 = vector.shape_cast %slice3A_1633 : vector<20x128xf32> to vector<20x128x1xf32>
    %broadcast_in_dim3A_1723 = vector.shape_cast %slice3A_1713 : vector<20x512xf32> to vector<20x1x512xf32>
    %max3A_1724 = vector.broadcast %broadcast_in_dim3A_1722 : vector<20x128x1xf32> to vector<20x128x512xf32>
    %max3A_1725 = vector.broadcast %broadcast_in_dim3A_1723 : vector<20x1x512xf32> to vector<20x128x512xf32>
    %max3A_1726 = arith.maximumf %max3A_1724, %max3A_1725 : vector<20x128x512xf32>
    %broadcast_in_dim3A_1727 = vector.shape_cast %slice3A_1634 : vector<20x128xf32> to vector<20x128x1xf32>
    %broadcast_in_dim3A_1728 = vector.shape_cast %slice3A_1714 : vector<20x512xf32> to vector<20x1x512xf32>
    %min3A_1729 = vector.broadcast %broadcast_in_dim3A_1727 : vector<20x128x1xf32> to vector<20x128x512xf32>
    %min3A_1730 = vector.broadcast %broadcast_in_dim3A_1728 : vector<20x1x512xf32> to vector<20x128x512xf32>
    %min3A_1731 = arith.minimumf %min3A_1729, %min3A_1730 : vector<20x128x512xf32>
    %broadcast_in_dim3A_1732 = vector.shape_cast %slice3A_1635 : vector<20x128xf32> to vector<20x128x1xf32>
    %broadcast_in_dim3A_1733 = vector.shape_cast %slice3A_1715 : vector<20x512xf32> to vector<20x1x512xf32>
    %min3A_1734 = vector.broadcast %broadcast_in_dim3A_1732 : vector<20x128x1xf32> to vector<20x128x512xf32>
    %min3A_1735 = vector.broadcast %broadcast_in_dim3A_1733 : vector<20x1x512xf32> to vector<20x128x512xf32>
    %min3A_1736 = arith.minimumf %min3A_1734, %min3A_1735 : vector<20x128x512xf32>
    %sub3A_1737 = arith.subf %min3A_1731, %max3A_1721 : vector<20x128x512xf32>
    %max3A_1738 = arith.constant 0.000000e+00 : f32
    %max3A_1739 = vector.broadcast %max3A_1738 : f32 to vector<20x128x512xf32>
    %max3A_1740 = arith.maximumf %sub3A_1737, %max3A_1739 : vector<20x128x512xf32>
    %sub3A_1741 = arith.subf %min3A_1736, %max3A_1726 : vector<20x128x512xf32>
    %max3A_1742 = arith.constant 0.000000e+00 : f32
    %max3A_1743 = vector.broadcast %max3A_1742 : f32 to vector<20x128x512xf32>
    %max3A_1744 = arith.maximumf %sub3A_1741, %max3A_1743 : vector<20x128x512xf32>
    %mul3A_1745 = arith.mulf %max3A_1740, %max3A_1744 : vector<20x128x512xf32>
    %broadcast_in_dim3A_1746 = vector.shape_cast %slice3A_1636 : vector<20x128xf32> to vector<20x128x1xf32>
    %broadcast_in_dim3A_1747 = vector.shape_cast %slice3A_1716 : vector<20x512xf32> to vector<20x1x512xf32>
    %add3A_1748 = vector.broadcast %broadcast_in_dim3A_1746 : vector<20x128x1xf32> to vector<20x128x512xf32>
    %add3A_1749 = vector.broadcast %broadcast_in_dim3A_1747 : vector<20x1x512xf32> to vector<20x128x512xf32>
    %add3A_1750 = arith.addf %add3A_1748, %add3A_1749 : vector<20x128x512xf32>
    %sub3A_1751 = arith.subf %add3A_1750, %mul3A_1745 : vector<20x128x512xf32>
    %max3A_1752 = arith.constant 1.000000e-10 : f32
    %max3A_1753 = vector.broadcast %max3A_1752 : f32 to vector<20x128x512xf32>
    %max3A_1754 = arith.maximumf %sub3A_1751, %max3A_1753 : vector<20x128x512xf32>
    %div3A_1755 = arith.divf %mul3A_1745, %max3A_1754 : vector<20x128x512xf32>
    %gt3A_1756 = arith.constant 3.000000e-01 : f32
    %gt3A_1757 = vector.broadcast %gt3A_1756 : f32 to vector<20x128x512xf32>
    %gt3A_1758 = arith.cmpf ogt, %div3A_1755, %gt3A_1757 : vector<20x128x512xf32>
    %jit3A_1759 = arith.constant 1.000000e+00 : f32
    %jit3A_1760 = arith.constant 0.000000e+00 : f32
    %broadcast_in_dim3A_1761 = vector.broadcast %jit3A_1759 : f32 to vector<20x128x512xf32>
    %broadcast_in_dim3A_1762 = vector.broadcast %jit3A_1760 : f32 to vector<20x128x512xf32>
    %select_n3A_1763 = arith.select %gt3A_1758, %broadcast_in_dim3A_1761, %broadcast_in_dim3A_1762 : vector<20x128x512xi1>, vector<20x128x512xf32>
    %broadcast_in_dim3A_1764 = vector.shape_cast %while3A_1690#0 : vector<20x128xf32> to vector<20x128x1xf32>
    %mul3A_1765 = vector.broadcast %broadcast_in_dim3A_1764 : vector<20x128x1xf32> to vector<20x128x512xf32>
    %mul3A_1766 = arith.mulf %select_n3A_1763, %mul3A_1765 : vector<20x128x512xf32>
    %reduce_max3A_1767 = arith.constant dense<0xFF800000> : vector<20x512xf32>
    %reduce_max3A_1768 = vector.multi_reduction <maximumf>, %mul3A_1766, %reduce_max3A_1767 [1] : vector<20x128x512xf32> to vector<20x512xf32>
    %get3A_1769 = arith.constant 0 : index
    %get3A_1770 = arith.constant 512 : index
    %get3A_1771 = vector.load %arg10[%get3A_1769, %get3A_1770] : memref<20x2048xf32, #tpu.memory_space<vmem>>, vector<20x512xf32>
    %sub3A_1772 = arith.constant 1.000000e+00 : f32
    %sub3A_1773 = vector.broadcast %sub3A_1772 : f32 to vector<20x512xf32>
    %sub3A_1774 = arith.subf %sub3A_1773, %reduce_max3A_1768 : vector<20x512xf32>
    %mul3A_1775 = arith.mulf %get3A_1771, %sub3A_1774 : vector<20x512xf32>
    %swap3A_1776 = arith.constant 0 : index
    %swap3A_1777 = arith.constant 512 : index
    %swap3A_1778 = vector.load %arg10[%swap3A_1776, %swap3A_1777] : memref<20x2048xf32, #tpu.memory_space<vmem>>, vector<20x512xf32>
    tpu.vector_store %arg10[%swap3A_1776, %swap3A_1777], %mul3A_1775 {strides = array<i32>} : memref<20x2048xf32, #tpu.memory_space<vmem>>, vector<20x512xf32>,
    %slice3A_1779 = vector.extract_strided_slice %get3A_1 {offsets = [0, 1024], sizes = [20, 512], strides = [1, 1]} : vector<20x2048xf32> to vector<20x512xf32>
    %slice3A_1780 = vector.extract_strided_slice %get3A_4 {offsets = [0, 1024], sizes = [20, 512], strides = [1, 1]} : vector<20x2048xf32> to vector<20x512xf32>
    %slice3A_1781 = vector.extract_strided_slice %get3A_7 {offsets = [0, 1024], sizes = [20, 512], strides = [1, 1]} : vector<20x2048xf32> to vector<20x512xf32>
    %slice3A_1782 = vector.extract_strided_slice %get3A_10 {offsets = [0, 1024], sizes = [20, 512], strides = [1, 1]} : vector<20x2048xf32> to vector<20x512xf32>
    %slice3A_1783 = vector.extract_strided_slice %mul3A {offsets = [0, 1024], sizes = [20, 512], strides = [1, 1]} : vector<20x2048xf32> to vector<20x512xf32>
    %broadcast_in_dim3A_1784 = vector.shape_cast %slice3A_1632 : vector<20x128xf32> to vector<20x128x1xf32>
    %broadcast_in_dim3A_1785 = vector.shape_cast %slice3A_1779 : vector<20x512xf32> to vector<20x1x512xf32>
    %max3A_1786 = vector.broadcast %broadcast_in_dim3A_1784 : vector<20x128x1xf32> to vector<20x128x512xf32>
    %max3A_1787 = vector.broadcast %broadcast_in_dim3A_1785 : vector<20x1x512xf32> to vector<20x128x512xf32>
    %max3A_1788 = arith.maximumf %max3A_1786, %max3A_1787 : vector<20x128x512xf32>
    %broadcast_in_dim3A_1789 = vector.shape_cast %slice3A_1633 : vector<20x128xf32> to vector<20x128x1xf32>
    %broadcast_in_dim3A_1790 = vector.shape_cast %slice3A_1780 : vector<20x512xf32> to vector<20x1x512xf32>
    %max3A_1791 = vector.broadcast %broadcast_in_dim3A_1789 : vector<20x128x1xf32> to vector<20x128x512xf32>
    %max3A_1792 = vector.broadcast %broadcast_in_dim3A_1790 : vector<20x1x512xf32> to vector<20x128x512xf32>
    %max3A_1793 = arith.maximumf %max3A_1791, %max3A_1792 : vector<20x128x512xf32>
    %broadcast_in_dim3A_1794 = vector.shape_cast %slice3A_1634 : vector<20x128xf32> to vector<20x128x1xf32>
    %broadcast_in_dim3A_1795 = vector.shape_cast %slice3A_1781 : vector<20x512xf32> to vector<20x1x512xf32>
    %min3A_1796 = vector.broadcast %broadcast_in_dim3A_1794 : vector<20x128x1xf32> to vector<20x128x512xf32>
    %min3A_1797 = vector.broadcast %broadcast_in_dim3A_1795 : vector<20x1x512xf32> to vector<20x128x512xf32>
    %min3A_1798 = arith.minimumf %min3A_1796, %min3A_1797 : vector<20x128x512xf32>
    %broadcast_in_dim3A_1799 = vector.shape_cast %slice3A_1635 : vector<20x128xf32> to vector<20x128x1xf32>
    %broadcast_in_dim3A_1800 = vector.shape_cast %slice3A_1782 : vector<20x512xf32> to vector<20x1x512xf32>
    %min3A_1801 = vector.broadcast %broadcast_in_dim3A_1799 : vector<20x128x1xf32> to vector<20x128x512xf32>
    %min3A_1802 = vector.broadcast %broadcast_in_dim3A_1800 : vector<20x1x512xf32> to vector<20x128x512xf32>
    %min3A_1803 = arith.minimumf %min3A_1801, %min3A_1802 : vector<20x128x512xf32>
    %sub3A_1804 = arith.subf %min3A_1798, %max3A_1788 : vector<20x128x512xf32>
    %max3A_1805 = arith.constant 0.000000e+00 : f32
    %max3A_1806 = vector.broadcast %max3A_1805 : f32 to vector<20x128x512xf32>
    %max3A_1807 = arith.maximumf %sub3A_1804, %max3A_1806 : vector<20x128x512xf32>
    %sub3A_1808 = arith.subf %min3A_1803, %max3A_1793 : vector<20x128x512xf32>
    %max3A_1809 = arith.constant 0.000000e+00 : f32
    %max3A_1810 = vector.broadcast %max3A_1809 : f32 to vector<20x128x512xf32>
    %max3A_1811 = arith.maximumf %sub3A_1808, %max3A_1810 : vector<20x128x512xf32>
    %mul3A_1812 = arith.mulf %max3A_1807, %max3A_1811 : vector<20x128x512xf32>
    %broadcast_in_dim3A_1813 = vector.shape_cast %slice3A_1636 : vector<20x128xf32> to vector<20x128x1xf32>
    %broadcast_in_dim3A_1814 = vector.shape_cast %slice3A_1783 : vector<20x512xf32> to vector<20x1x512xf32>
    %add3A_1815 = vector.broadcast %broadcast_in_dim3A_1813 : vector<20x128x1xf32> to vector<20x128x512xf32>
    %add3A_1816 = vector.broadcast %broadcast_in_dim3A_1814 : vector<20x1x512xf32> to vector<20x128x512xf32>
    %add3A_1817 = arith.addf %add3A_1815, %add3A_1816 : vector<20x128x512xf32>
    %sub3A_1818 = arith.subf %add3A_1817, %mul3A_1812 : vector<20x128x512xf32>
    %max3A_1819 = arith.constant 1.000000e-10 : f32
    %max3A_1820 = vector.broadcast %max3A_1819 : f32 to vector<20x128x512xf32>
    %max3A_1821 = arith.maximumf %sub3A_1818, %max3A_1820 : vector<20x128x512xf32>
    %div3A_1822 = arith.divf %mul3A_1812, %max3A_1821 : vector<20x128x512xf32>
    %gt3A_1823 = arith.constant 3.000000e-01 : f32
    %gt3A_1824 = vector.broadcast %gt3A_1823 : f32 to vector<20x128x512xf32>
    %gt3A_1825 = arith.cmpf ogt, %div3A_1822, %gt3A_1824 : vector<20x128x512xf32>
    %jit3A_1826 = arith.constant 1.000000e+00 : f32
    %jit3A_1827 = arith.constant 0.000000e+00 : f32
    %broadcast_in_dim3A_1828 = vector.broadcast %jit3A_1826 : f32 to vector<20x128x512xf32>
    %broadcast_in_dim3A_1829 = vector.broadcast %jit3A_1827 : f32 to vector<20x128x512xf32>
    %select_n3A_1830 = arith.select %gt3A_1825, %broadcast_in_dim3A_1828, %broadcast_in_dim3A_1829 : vector<20x128x512xi1>, vector<20x128x512xf32>
    %broadcast_in_dim3A_1831 = vector.shape_cast %while3A_1690#0 : vector<20x128xf32> to vector<20x128x1xf32>
    %mul3A_1832 = vector.broadcast %broadcast_in_dim3A_1831 : vector<20x128x1xf32> to vector<20x128x512xf32>
    %mul3A_1833 = arith.mulf %select_n3A_1830, %mul3A_1832 : vector<20x128x512xf32>
    %reduce_max3A_1834 = arith.constant dense<0xFF800000> : vector<20x512xf32>
    %reduce_max3A_1835 = vector.multi_reduction <maximumf>, %mul3A_1833, %reduce_max3A_1834 [1] : vector<20x128x512xf32> to vector<20x512xf32>
    %get3A_1836 = arith.constant 0 : index
    %get3A_1837 = arith.constant 1024 : index
    %get3A_1838 = vector.load %arg10[%get3A_1836, %get3A_1837] : memref<20x2048xf32, #tpu.memory_space<vmem>>, vector<20x512xf32>
    %sub3A_1839 = arith.constant 1.000000e+00 : f32
    %sub3A_1840 = vector.broadcast %sub3A_1839 : f32 to vector<20x512xf32>
    %sub3A_1841 = arith.subf %sub3A_1840, %reduce_max3A_1835 : vector<20x512xf32>
    %mul3A_1842 = arith.mulf %get3A_1838, %sub3A_1841 : vector<20x512xf32>
    %swap3A_1843 = arith.constant 0 : index
    %swap3A_1844 = arith.constant 1024 : index
    %swap3A_1845 = vector.load %arg10[%swap3A_1843, %swap3A_1844] : memref<20x2048xf32, #tpu.memory_space<vmem>>, vector<20x512xf32>
    tpu.vector_store %arg10[%swap3A_1843, %swap3A_1844], %mul3A_1842 {strides = array<i32>} : memref<20x2048xf32, #tpu.memory_space<vmem>>, vector<20x512xf32>,
    %slice3A_1846 = vector.extract_strided_slice %get3A_1 {offsets = [0, 1536], sizes = [20, 512], strides = [1, 1]} : vector<20x2048xf32> to vector<20x512xf32>
    %slice3A_1847 = vector.extract_strided_slice %get3A_4 {offsets = [0, 1536], sizes = [20, 512], strides = [1, 1]} : vector<20x2048xf32> to vector<20x512xf32>
    %slice3A_1848 = vector.extract_strided_slice %get3A_7 {offsets = [0, 1536], sizes = [20, 512], strides = [1, 1]} : vector<20x2048xf32> to vector<20x512xf32>
    %slice3A_1849 = vector.extract_strided_slice %get3A_10 {offsets = [0, 1536], sizes = [20, 512], strides = [1, 1]} : vector<20x2048xf32> to vector<20x512xf32>
    %slice3A_1850 = vector.extract_strided_slice %mul3A {offsets = [0, 1536], sizes = [20, 512], strides = [1, 1]} : vector<20x2048xf32> to vector<20x512xf32>
    %broadcast_in_dim3A_1851 = vector.shape_cast %slice3A_1632 : vector<20x128xf32> to vector<20x128x1xf32>
    %broadcast_in_dim3A_1852 = vector.shape_cast %slice3A_1846 : vector<20x512xf32> to vector<20x1x512xf32>
    %max3A_1853 = vector.broadcast %broadcast_in_dim3A_1851 : vector<20x128x1xf32> to vector<20x128x512xf32>
    %max3A_1854 = vector.broadcast %broadcast_in_dim3A_1852 : vector<20x1x512xf32> to vector<20x128x512xf32>
    %max3A_1855 = arith.maximumf %max3A_1853, %max3A_1854 : vector<20x128x512xf32>
    %broadcast_in_dim3A_1856 = vector.shape_cast %slice3A_1633 : vector<20x128xf32> to vector<20x128x1xf32>
    %broadcast_in_dim3A_1857 = vector.shape_cast %slice3A_1847 : vector<20x512xf32> to vector<20x1x512xf32>
    %max3A_1858 = vector.broadcast %broadcast_in_dim3A_1856 : vector<20x128x1xf32> to vector<20x128x512xf32>
    %max3A_1859 = vector.broadcast %broadcast_in_dim3A_1857 : vector<20x1x512xf32> to vector<20x128x512xf32>
    %max3A_1860 = arith.maximumf %max3A_1858, %max3A_1859 : vector<20x128x512xf32>
    %broadcast_in_dim3A_1861 = vector.shape_cast %slice3A_1634 : vector<20x128xf32> to vector<20x128x1xf32>
    %broadcast_in_dim3A_1862 = vector.shape_cast %slice3A_1848 : vector<20x512xf32> to vector<20x1x512xf32>
    %min3A_1863 = vector.broadcast %broadcast_in_dim3A_1861 : vector<20x128x1xf32> to vector<20x128x512xf32>
    %min3A_1864 = vector.broadcast %broadcast_in_dim3A_1862 : vector<20x1x512xf32> to vector<20x128x512xf32>
    %min3A_1865 = arith.minimumf %min3A_1863, %min3A_1864 : vector<20x128x512xf32>
    %broadcast_in_dim3A_1866 = vector.shape_cast %slice3A_1635 : vector<20x128xf32> to vector<20x128x1xf32>
    %broadcast_in_dim3A_1867 = vector.shape_cast %slice3A_1849 : vector<20x512xf32> to vector<20x1x512xf32>
    %min3A_1868 = vector.broadcast %broadcast_in_dim3A_1866 : vector<20x128x1xf32> to vector<20x128x512xf32>
    %min3A_1869 = vector.broadcast %broadcast_in_dim3A_1867 : vector<20x1x512xf32> to vector<20x128x512xf32>
    %min3A_1870 = arith.minimumf %min3A_1868, %min3A_1869 : vector<20x128x512xf32>
    %sub3A_1871 = arith.subf %min3A_1865, %max3A_1855 : vector<20x128x512xf32>
    %max3A_1872 = arith.constant 0.000000e+00 : f32
    %max3A_1873 = vector.broadcast %max3A_1872 : f32 to vector<20x128x512xf32>
    %max3A_1874 = arith.maximumf %sub3A_1871, %max3A_1873 : vector<20x128x512xf32>
    %sub3A_1875 = arith.subf %min3A_1870, %max3A_1860 : vector<20x128x512xf32>
    %max3A_1876 = arith.constant 0.000000e+00 : f32
    %max3A_1877 = vector.broadcast %max3A_1876 : f32 to vector<20x128x512xf32>
    %max3A_1878 = arith.maximumf %sub3A_1875, %max3A_1877 : vector<20x128x512xf32>
    %mul3A_1879 = arith.mulf %max3A_1874, %max3A_1878 : vector<20x128x512xf32>
    %broadcast_in_dim3A_1880 = vector.shape_cast %slice3A_1636 : vector<20x128xf32> to vector<20x128x1xf32>
    %broadcast_in_dim3A_1881 = vector.shape_cast %slice3A_1850 : vector<20x512xf32> to vector<20x1x512xf32>
    %add3A_1882 = vector.broadcast %broadcast_in_dim3A_1880 : vector<20x128x1xf32> to vector<20x128x512xf32>
    %add3A_1883 = vector.broadcast %broadcast_in_dim3A_1881 : vector<20x1x512xf32> to vector<20x128x512xf32>
    %add3A_1884 = arith.addf %add3A_1882, %add3A_1883 : vector<20x128x512xf32>
    %sub3A_1885 = arith.subf %add3A_1884, %mul3A_1879 : vector<20x128x512xf32>
    %max3A_1886 = arith.constant 1.000000e-10 : f32
    %max3A_1887 = vector.broadcast %max3A_1886 : f32 to vector<20x128x512xf32>
    %max3A_1888 = arith.maximumf %sub3A_1885, %max3A_1887 : vector<20x128x512xf32>
    %div3A_1889 = arith.divf %mul3A_1879, %max3A_1888 : vector<20x128x512xf32>
    %gt3A_1890 = arith.constant 3.000000e-01 : f32
    %gt3A_1891 = vector.broadcast %gt3A_1890 : f32 to vector<20x128x512xf32>
    %gt3A_1892 = arith.cmpf ogt, %div3A_1889, %gt3A_1891 : vector<20x128x512xf32>
    %jit3A_1893 = arith.constant 1.000000e+00 : f32
    %jit3A_1894 = arith.constant 0.000000e+00 : f32
    %broadcast_in_dim3A_1895 = vector.broadcast %jit3A_1893 : f32 to vector<20x128x512xf32>
    %broadcast_in_dim3A_1896 = vector.broadcast %jit3A_1894 : f32 to vector<20x128x512xf32>
    %select_n3A_1897 = arith.select %gt3A_1892, %broadcast_in_dim3A_1895, %broadcast_in_dim3A_1896 : vector<20x128x512xi1>, vector<20x128x512xf32>
    %broadcast_in_dim3A_1898 = vector.shape_cast %while3A_1690#0 : vector<20x128xf32> to vector<20x128x1xf32>
    %mul3A_1899 = vector.broadcast %broadcast_in_dim3A_1898 : vector<20x128x1xf32> to vector<20x128x512xf32>
    %mul3A_1900 = arith.mulf %select_n3A_1897, %mul3A_1899 : vector<20x128x512xf32>
    %reduce_max3A_1901 = arith.constant dense<0xFF800000> : vector<20x512xf32>
    %reduce_max3A_1902 = vector.multi_reduction <maximumf>, %mul3A_1900, %reduce_max3A_1901 [1] : vector<20x128x512xf32> to vector<20x512xf32>
    %get3A_1903 = arith.constant 0 : index
    %get3A_1904 = arith.constant 1536 : index
    %get3A_1905 = vector.load %arg10[%get3A_1903, %get3A_1904] : memref<20x2048xf32, #tpu.memory_space<vmem>>, vector<20x512xf32>
    %sub3A_1906 = arith.constant 1.000000e+00 : f32
    %sub3A_1907 = vector.broadcast %sub3A_1906 : f32 to vector<20x512xf32>
    %sub3A_1908 = arith.subf %sub3A_1907, %reduce_max3A_1902 : vector<20x512xf32>
    %mul3A_1909 = arith.mulf %get3A_1905, %sub3A_1908 : vector<20x512xf32>
    %swap3A_1910 = arith.constant 0 : index
    %swap3A_1911 = arith.constant 1536 : index
    %swap3A_1912 = vector.load %arg10[%swap3A_1910, %swap3A_1911] : memref<20x2048xf32, #tpu.memory_space<vmem>>, vector<20x512xf32>
    tpu.vector_store %arg10[%swap3A_1910, %swap3A_1911], %mul3A_1909 {strides = array<i32>} : memref<20x2048xf32, #tpu.memory_space<vmem>>, vector<20x512xf32>,
    %slice3A_1913 = vector.extract_strided_slice %get3A_1 {offsets = [0, 768], sizes = [20, 128], strides = [1, 1]} : vector<20x2048xf32> to vector<20x128xf32>
    %slice3A_1914 = vector.extract_strided_slice %get3A_4 {offsets = [0, 768], sizes = [20, 128], strides = [1, 1]} : vector<20x2048xf32> to vector<20x128xf32>
    %slice3A_1915 = vector.extract_strided_slice %get3A_7 {offsets = [0, 768], sizes = [20, 128], strides = [1, 1]} : vector<20x2048xf32> to vector<20x128xf32>
    %slice3A_1916 = vector.extract_strided_slice %get3A_10 {offsets = [0, 768], sizes = [20, 128], strides = [1, 1]} : vector<20x2048xf32> to vector<20x128xf32>
    %slice3A_1917 = vector.extract_strided_slice %mul3A {offsets = [0, 768], sizes = [20, 128], strides = [1, 1]} : vector<20x2048xf32> to vector<20x128xf32>
    %broadcast_in_dim3A_1918 = vector.shape_cast %slice3A_1913 : vector<20x128xf32> to vector<20x128x1xf32>
    %broadcast_in_dim3A_1919 = vector.shape_cast %slice3A_1913 : vector<20x128xf32> to vector<20x1x128xf32>
    %max3A_1920 = vector.broadcast %broadcast_in_dim3A_1918 : vector<20x128x1xf32> to vector<20x128x128xf32>
    %max3A_1921 = vector.broadcast %broadcast_in_dim3A_1919 : vector<20x1x128xf32> to vector<20x128x128xf32>
    %max3A_1922 = arith.maximumf %max3A_1920, %max3A_1921 : vector<20x128x128xf32>
    %broadcast_in_dim3A_1923 = vector.shape_cast %slice3A_1914 : vector<20x128xf32> to vector<20x128x1xf32>
    %broadcast_in_dim3A_1924 = vector.shape_cast %slice3A_1914 : vector<20x128xf32> to vector<20x1x128xf32>
    %max3A_1925 = vector.broadcast %broadcast_in_dim3A_1923 : vector<20x128x1xf32> to vector<20x128x128xf32>
    %max3A_1926 = vector.broadcast %broadcast_in_dim3A_1924 : vector<20x1x128xf32> to vector<20x128x128xf32>
    %max3A_1927 = arith.maximumf %max3A_1925, %max3A_1926 : vector<20x128x128xf32>
    %broadcast_in_dim3A_1928 = vector.shape_cast %slice3A_1915 : vector<20x128xf32> to vector<20x128x1xf32>
    %broadcast_in_dim3A_1929 = vector.shape_cast %slice3A_1915 : vector<20x128xf32> to vector<20x1x128xf32>
    %min3A_1930 = vector.broadcast %broadcast_in_dim3A_1928 : vector<20x128x1xf32> to vector<20x128x128xf32>
    %min3A_1931 = vector.broadcast %broadcast_in_dim3A_1929 : vector<20x1x128xf32> to vector<20x128x128xf32>
    %min3A_1932 = arith.minimumf %min3A_1930, %min3A_1931 : vector<20x128x128xf32>
    %broadcast_in_dim3A_1933 = vector.shape_cast %slice3A_1916 : vector<20x128xf32> to vector<20x128x1xf32>
    %broadcast_in_dim3A_1934 = vector.shape_cast %slice3A_1916 : vector<20x128xf32> to vector<20x1x128xf32>
    %min3A_1935 = vector.broadcast %broadcast_in_dim3A_1933 : vector<20x128x1xf32> to vector<20x128x128xf32>
    %min3A_1936 = vector.broadcast %broadcast_in_dim3A_1934 : vector<20x1x128xf32> to vector<20x128x128xf32>
    %min3A_1937 = arith.minimumf %min3A_1935, %min3A_1936 : vector<20x128x128xf32>
    %sub3A_1938 = arith.subf %min3A_1932, %max3A_1922 : vector<20x128x128xf32>
    %max3A_1939 = arith.constant 0.000000e+00 : f32
    %max3A_1940 = vector.broadcast %max3A_1939 : f32 to vector<20x128x128xf32>
    %max3A_1941 = arith.maximumf %sub3A_1938, %max3A_1940 : vector<20x128x128xf32>
    %sub3A_1942 = arith.subf %min3A_1937, %max3A_1927 : vector<20x128x128xf32>
    %max3A_1943 = arith.constant 0.000000e+00 : f32
    %max3A_1944 = vector.broadcast %max3A_1943 : f32 to vector<20x128x128xf32>
    %max3A_1945 = arith.maximumf %sub3A_1942, %max3A_1944 : vector<20x128x128xf32>
    %mul3A_1946 = arith.mulf %max3A_1941, %max3A_1945 : vector<20x128x128xf32>
    %broadcast_in_dim3A_1947 = vector.shape_cast %slice3A_1917 : vector<20x128xf32> to vector<20x128x1xf32>
    %broadcast_in_dim3A_1948 = vector.shape_cast %slice3A_1917 : vector<20x128xf32> to vector<20x1x128xf32>
    %add3A_1949 = vector.broadcast %broadcast_in_dim3A_1947 : vector<20x128x1xf32> to vector<20x128x128xf32>
    %add3A_1950 = vector.broadcast %broadcast_in_dim3A_1948 : vector<20x1x128xf32> to vector<20x128x128xf32>
    %add3A_1951 = arith.addf %add3A_1949, %add3A_1950 : vector<20x128x128xf32>
    %sub3A_1952 = arith.subf %add3A_1951, %mul3A_1946 : vector<20x128x128xf32>
    %max3A_1953 = arith.constant 1.000000e-10 : f32
    %max3A_1954 = vector.broadcast %max3A_1953 : f32 to vector<20x128x128xf32>
    %max3A_1955 = arith.maximumf %sub3A_1952, %max3A_1954 : vector<20x128x128xf32>
    %div3A_1956 = arith.divf %mul3A_1946, %max3A_1955 : vector<20x128x128xf32>
    %gt3A_1957 = arith.constant 3.000000e-01 : f32
    %gt3A_1958 = vector.broadcast %gt3A_1957 : f32 to vector<20x128x128xf32>
    %gt3A_1959 = arith.cmpf ogt, %div3A_1956, %gt3A_1958 : vector<20x128x128xf32>
    %jit3A_1960 = arith.constant 1.000000e+00 : f32
    %jit3A_1961 = arith.constant 0.000000e+00 : f32
    %broadcast_in_dim3A_1962 = vector.broadcast %jit3A_1960 : f32 to vector<20x128x128xf32>
    %broadcast_in_dim3A_1963 = vector.broadcast %jit3A_1961 : f32 to vector<20x128x128xf32>
    %select_n3A_1964 = arith.select %gt3A_1959, %broadcast_in_dim3A_1962, %broadcast_in_dim3A_1963 : vector<20x128x128xi1>, vector<20x128x128xf32>
    %mul3A_1965 = vector.broadcast %select_n3A_31 : vector<1x128x128xf32> to vector<20x128x128xf32>
    %mul3A_1966 = arith.mulf %select_n3A_1964, %mul3A_1965 : vector<20x128x128xf32>
    %get3A_1967 = arith.constant 0 : index
    %get3A_1968 = arith.constant 768 : index
    %get3A_1969 = vector.load %arg10[%get3A_1967, %get3A_1968] : memref<20x2048xf32, #tpu.memory_space<vmem>>, vector<20x128xf32>
    %while3A_1970 = arith.constant true
    %while3A_1971:2 = scf.while (%while3A_3718 = %get3A_1969, %while3A_3719 = %while3A_1970) : (vector<20x128xf32>, i1) -> (vector<20x128xf32>, i1) {
      scf.condition(%while3A_3719) %while3A_3718, %while3A_3719 : vector<20x128xf32>, i1
    } do {
    ^bb0(%while3A_3718: vector<20x128xf32>, %while3A_3719: i1):
      %broadcast_in_dim3A_3720 = vector.shape_cast %while3A_3718 : vector<20x128xf32> to vector<20x128x1xf32>
      %mul3A_3721 = vector.broadcast %broadcast_in_dim3A_3720 : vector<20x128x1xf32> to vector<20x128x128xf32>
      %mul3A_3722 = arith.mulf %mul3A_1966, %mul3A_3721 : vector<20x128x128xf32>
      %reduce_max3A_3723 = arith.constant dense<0xFF800000> : vector<20x128xf32>
      %reduce_max3A_3724 = vector.multi_reduction <maximumf>, %mul3A_3722, %reduce_max3A_3723 [1] : vector<20x128x128xf32> to vector<20x128xf32>
      %sub3A_3725 = arith.constant 1.000000e+00 : f32
      %sub3A_3726 = vector.broadcast %sub3A_3725 : f32 to vector<20x128xf32>
      %sub3A_3727 = arith.subf %sub3A_3726, %reduce_max3A_3724 : vector<20x128xf32>
      %mul3A_3728 = arith.mulf %get3A_1969, %sub3A_3727 : vector<20x128xf32>
      %ne3A = arith.cmpf one, %mul3A_3728, %while3A_3718 : vector<20x128xf32>
      %reduce_or3A = arith.constant 1.000000e+00 : f32
      %reduce_or3A_3729 = arith.constant 0.000000e+00 : f32
      %reduce_or3A_3730 = vector.broadcast %reduce_or3A : f32 to vector<20x128xf32>
      %reduce_or3A_3731 = vector.broadcast %reduce_or3A_3729 : f32 to vector<20x128xf32>
      %reduce_or3A_3732 = arith.select %ne3A, %reduce_or3A_3730, %reduce_or3A_3731 : vector<20x128xi1>, vector<20x128xf32>
      %reduce_or3A_3733 = vector.shape_cast %reduce_or3A_3732 : vector<20x128xf32> to vector<1x20x128xf32>
      %reduce_or3A_3734 = arith.constant dense<0xFF800000> : vector<1xf32>
      %reduce_or3A_3735 = vector.multi_reduction <maximumf>, %reduce_or3A_3733, %reduce_or3A_3734 [1, 2] : vector<1x20x128xf32> to vector<1xf32>
      %reduce_or3A_3736 = vector.shape_cast %reduce_or3A_3735 : vector<1xf32> to vector<1x1x1xf32>
      %reduce_or3A_3737 = vector.extract %reduce_or3A_3736[0, 0, 0] : f32 from vector<1x1x1xf32>
      %reduce_or3A_3738 = arith.constant 0.000000e+00 : f32
      %reduce_or3A_3739 = arith.cmpf ogt, %reduce_or3A_3737, %reduce_or3A_3738 : f32
      scf.yield %mul3A_3728, %reduce_or3A_3739 : vector<20x128xf32>, i1
    }
    %mul3A_1972 = arith.mulf %slice3A_1913, %while3A_1971#0 : vector<20x128xf32>
    %swap3A_1973 = arith.constant 0 : index
    %swap3A_1974 = arith.constant 768 : index
    %swap3A_1975 = vector.load %arg5[%swap3A_1973, %swap3A_1974] : memref<20x2048xf32, #tpu.memory_space<vmem>>, vector<20x128xf32>
    tpu.vector_store %arg5[%swap3A_1973, %swap3A_1974], %mul3A_1972 {strides = array<i32>} : memref<20x2048xf32, #tpu.memory_space<vmem>>, vector<20x128xf32>,
    %mul3A_1976 = arith.mulf %slice3A_1914, %while3A_1971#0 : vector<20x128xf32>
    %swap3A_1977 = arith.constant 0 : index
    %swap3A_1978 = arith.constant 768 : index
    %swap3A_1979 = vector.load %arg6[%swap3A_1977, %swap3A_1978] : memref<20x2048xf32, #tpu.memory_space<vmem>>, vector<20x128xf32>
    tpu.vector_store %arg6[%swap3A_1977, %swap3A_1978], %mul3A_1976 {strides = array<i32>} : memref<20x2048xf32, #tpu.memory_space<vmem>>, vector<20x128xf32>,
    %mul3A_1980 = arith.mulf %slice3A_1915, %while3A_1971#0 : vector<20x128xf32>
    %swap3A_1981 = arith.constant 0 : index
    %swap3A_1982 = arith.constant 768 : index
    %swap3A_1983 = vector.load %arg7[%swap3A_1981, %swap3A_1982] : memref<20x2048xf32, #tpu.memory_space<vmem>>, vector<20x128xf32>
    tpu.vector_store %arg7[%swap3A_1981, %swap3A_1982], %mul3A_1980 {strides = array<i32>} : memref<20x2048xf32, #tpu.memory_space<vmem>>, vector<20x128xf32>,
    %mul3A_1984 = arith.mulf %slice3A_1916, %while3A_1971#0 : vector<20x128xf32>
    %swap3A_1985 = arith.constant 0 : index
    %swap3A_1986 = arith.constant 768 : index
    %swap3A_1987 = vector.load %arg8[%swap3A_1985, %swap3A_1986] : memref<20x2048xf32, #tpu.memory_space<vmem>>, vector<20x128xf32>
    tpu.vector_store %arg8[%swap3A_1985, %swap3A_1986], %mul3A_1984 {strides = array<i32>} : memref<20x2048xf32, #tpu.memory_space<vmem>>, vector<20x128xf32>,
    %slice3A_1988 = vector.extract_strided_slice %get3A_13 {offsets = [0, 768], sizes = [20, 128], strides = [1, 1]} : vector<20x2048xf32> to vector<20x128xf32>
    %mul3A_1989 = arith.mulf %slice3A_1988, %while3A_1971#0 : vector<20x128xf32>
    %swap3A_1990 = arith.constant 0 : index
    %swap3A_1991 = arith.constant 768 : index
    %swap3A_1992 = vector.load %arg9[%swap3A_1990, %swap3A_1991] : memref<20x2048xf32, #tpu.memory_space<vmem>>, vector<20x128xf32>
    tpu.vector_store %arg9[%swap3A_1990, %swap3A_1991], %mul3A_1989 {strides = array<i32>} : memref<20x2048xf32, #tpu.memory_space<vmem>>, vector<20x128xf32>,
    %slice3A_1993 = vector.extract_strided_slice %get3A_1 {offsets = [0, 512], sizes = [20, 512], strides = [1, 1]} : vector<20x2048xf32> to vector<20x512xf32>
    %slice3A_1994 = vector.extract_strided_slice %get3A_4 {offsets = [0, 512], sizes = [20, 512], strides = [1, 1]} : vector<20x2048xf32> to vector<20x512xf32>
    %slice3A_1995 = vector.extract_strided_slice %get3A_7 {offsets = [0, 512], sizes = [20, 512], strides = [1, 1]} : vector<20x2048xf32> to vector<20x512xf32>
    %slice3A_1996 = vector.extract_strided_slice %get3A_10 {offsets = [0, 512], sizes = [20, 512], strides = [1, 1]} : vector<20x2048xf32> to vector<20x512xf32>
    %slice3A_1997 = vector.extract_strided_slice %mul3A {offsets = [0, 512], sizes = [20, 512], strides = [1, 1]} : vector<20x2048xf32> to vector<20x512xf32>
    %broadcast_in_dim3A_1998 = vector.shape_cast %slice3A_1913 : vector<20x128xf32> to vector<20x128x1xf32>
    %broadcast_in_dim3A_1999 = vector.shape_cast %slice3A_1993 : vector<20x512xf32> to vector<20x1x512xf32>
    %max3A_2000 = vector.broadcast %broadcast_in_dim3A_1998 : vector<20x128x1xf32> to vector<20x128x512xf32>
    %max3A_2001 = vector.broadcast %broadcast_in_dim3A_1999 : vector<20x1x512xf32> to vector<20x128x512xf32>
    %max3A_2002 = arith.maximumf %max3A_2000, %max3A_2001 : vector<20x128x512xf32>
    %broadcast_in_dim3A_2003 = vector.shape_cast %slice3A_1914 : vector<20x128xf32> to vector<20x128x1xf32>
    %broadcast_in_dim3A_2004 = vector.shape_cast %slice3A_1994 : vector<20x512xf32> to vector<20x1x512xf32>
    %max3A_2005 = vector.broadcast %broadcast_in_dim3A_2003 : vector<20x128x1xf32> to vector<20x128x512xf32>
    %max3A_2006 = vector.broadcast %broadcast_in_dim3A_2004 : vector<20x1x512xf32> to vector<20x128x512xf32>
    %max3A_2007 = arith.maximumf %max3A_2005, %max3A_2006 : vector<20x128x512xf32>
    %broadcast_in_dim3A_2008 = vector.shape_cast %slice3A_1915 : vector<20x128xf32> to vector<20x128x1xf32>
    %broadcast_in_dim3A_2009 = vector.shape_cast %slice3A_1995 : vector<20x512xf32> to vector<20x1x512xf32>
    %min3A_2010 = vector.broadcast %broadcast_in_dim3A_2008 : vector<20x128x1xf32> to vector<20x128x512xf32>
    %min3A_2011 = vector.broadcast %broadcast_in_dim3A_2009 : vector<20x1x512xf32> to vector<20x128x512xf32>
    %min3A_2012 = arith.minimumf %min3A_2010, %min3A_2011 : vector<20x128x512xf32>
    %broadcast_in_dim3A_2013 = vector.shape_cast %slice3A_1916 : vector<20x128xf32> to vector<20x128x1xf32>
    %broadcast_in_dim3A_2014 = vector.shape_cast %slice3A_1996 : vector<20x512xf32> to vector<20x1x512xf32>
    %min3A_2015 = vector.broadcast %broadcast_in_dim3A_2013 : vector<20x128x1xf32> to vector<20x128x512xf32>
    %min3A_2016 = vector.broadcast %broadcast_in_dim3A_2014 : vector<20x1x512xf32> to vector<20x128x512xf32>
    %min3A_2017 = arith.minimumf %min3A_2015, %min3A_2016 : vector<20x128x512xf32>
    %sub3A_2018 = arith.subf %min3A_2012, %max3A_2002 : vector<20x128x512xf32>
    %max3A_2019 = arith.constant 0.000000e+00 : f32
    %max3A_2020 = vector.broadcast %max3A_2019 : f32 to vector<20x128x512xf32>
    %max3A_2021 = arith.maximumf %sub3A_2018, %max3A_2020 : vector<20x128x512xf32>
    %sub3A_2022 = arith.subf %min3A_2017, %max3A_2007 : vector<20x128x512xf32>
    %max3A_2023 = arith.constant 0.000000e+00 : f32
    %max3A_2024 = vector.broadcast %max3A_2023 : f32 to vector<20x128x512xf32>
    %max3A_2025 = arith.maximumf %sub3A_2022, %max3A_2024 : vector<20x128x512xf32>
    %mul3A_2026 = arith.mulf %max3A_2021, %max3A_2025 : vector<20x128x512xf32>
    %broadcast_in_dim3A_2027 = vector.shape_cast %slice3A_1917 : vector<20x128xf32> to vector<20x128x1xf32>
    %broadcast_in_dim3A_2028 = vector.shape_cast %slice3A_1997 : vector<20x512xf32> to vector<20x1x512xf32>
    %add3A_2029 = vector.broadcast %broadcast_in_dim3A_2027 : vector<20x128x1xf32> to vector<20x128x512xf32>
    %add3A_2030 = vector.broadcast %broadcast_in_dim3A_2028 : vector<20x1x512xf32> to vector<20x128x512xf32>
    %add3A_2031 = arith.addf %add3A_2029, %add3A_2030 : vector<20x128x512xf32>
    %sub3A_2032 = arith.subf %add3A_2031, %mul3A_2026 : vector<20x128x512xf32>
    %max3A_2033 = arith.constant 1.000000e-10 : f32
    %max3A_2034 = vector.broadcast %max3A_2033 : f32 to vector<20x128x512xf32>
    %max3A_2035 = arith.maximumf %sub3A_2032, %max3A_2034 : vector<20x128x512xf32>
    %div3A_2036 = arith.divf %mul3A_2026, %max3A_2035 : vector<20x128x512xf32>
    %gt3A_2037 = arith.constant 3.000000e-01 : f32
    %gt3A_2038 = vector.broadcast %gt3A_2037 : f32 to vector<20x128x512xf32>
    %gt3A_2039 = arith.cmpf ogt, %div3A_2036, %gt3A_2038 : vector<20x128x512xf32>
    %jit3A_2040 = arith.constant 1.000000e+00 : f32
    %jit3A_2041 = arith.constant 0.000000e+00 : f32
    %broadcast_in_dim3A_2042 = vector.broadcast %jit3A_2040 : f32 to vector<20x128x512xf32>
    %broadcast_in_dim3A_2043 = vector.broadcast %jit3A_2041 : f32 to vector<20x128x512xf32>
    %select_n3A_2044 = arith.select %gt3A_2039, %broadcast_in_dim3A_2042, %broadcast_in_dim3A_2043 : vector<20x128x512xi1>, vector<20x128x512xf32>
    %broadcast_in_dim3A_2045 = vector.shape_cast %while3A_1971#0 : vector<20x128xf32> to vector<20x128x1xf32>
    %mul3A_2046 = vector.broadcast %broadcast_in_dim3A_2045 : vector<20x128x1xf32> to vector<20x128x512xf32>
    %mul3A_2047 = arith.mulf %select_n3A_2044, %mul3A_2046 : vector<20x128x512xf32>
    %reduce_max3A_2048 = arith.constant dense<0xFF800000> : vector<20x512xf32>
    %reduce_max3A_2049 = vector.multi_reduction <maximumf>, %mul3A_2047, %reduce_max3A_2048 [1] : vector<20x128x512xf32> to vector<20x512xf32>
    %get3A_2050 = arith.constant 0 : index
    %get3A_2051 = arith.constant 512 : index
    %get3A_2052 = vector.load %arg10[%get3A_2050, %get3A_2051] : memref<20x2048xf32, #tpu.memory_space<vmem>>, vector<20x512xf32>
    %sub3A_2053 = arith.constant 1.000000e+00 : f32
    %sub3A_2054 = vector.broadcast %sub3A_2053 : f32 to vector<20x512xf32>
    %sub3A_2055 = arith.subf %sub3A_2054, %reduce_max3A_2049 : vector<20x512xf32>
    %mul3A_2056 = arith.mulf %get3A_2052, %sub3A_2055 : vector<20x512xf32>
    %swap3A_2057 = arith.constant 0 : index
    %swap3A_2058 = arith.constant 512 : index
    %swap3A_2059 = vector.load %arg10[%swap3A_2057, %swap3A_2058] : memref<20x2048xf32, #tpu.memory_space<vmem>>, vector<20x512xf32>
    tpu.vector_store %arg10[%swap3A_2057, %swap3A_2058], %mul3A_2056 {strides = array<i32>} : memref<20x2048xf32, #tpu.memory_space<vmem>>, vector<20x512xf32>,
    %slice3A_2060 = vector.extract_strided_slice %get3A_1 {offsets = [0, 1024], sizes = [20, 512], strides = [1, 1]} : vector<20x2048xf32> to vector<20x512xf32>
    %slice3A_2061 = vector.extract_strided_slice %get3A_4 {offsets = [0, 1024], sizes = [20, 512], strides = [1, 1]} : vector<20x2048xf32> to vector<20x512xf32>
    %slice3A_2062 = vector.extract_strided_slice %get3A_7 {offsets = [0, 1024], sizes = [20, 512], strides = [1, 1]} : vector<20x2048xf32> to vector<20x512xf32>
    %slice3A_2063 = vector.extract_strided_slice %get3A_10 {offsets = [0, 1024], sizes = [20, 512], strides = [1, 1]} : vector<20x2048xf32> to vector<20x512xf32>
    %slice3A_2064 = vector.extract_strided_slice %mul3A {offsets = [0, 1024], sizes = [20, 512], strides = [1, 1]} : vector<20x2048xf32> to vector<20x512xf32>
    %broadcast_in_dim3A_2065 = vector.shape_cast %slice3A_1913 : vector<20x128xf32> to vector<20x128x1xf32>
    %broadcast_in_dim3A_2066 = vector.shape_cast %slice3A_2060 : vector<20x512xf32> to vector<20x1x512xf32>
    %max3A_2067 = vector.broadcast %broadcast_in_dim3A_2065 : vector<20x128x1xf32> to vector<20x128x512xf32>
    %max3A_2068 = vector.broadcast %broadcast_in_dim3A_2066 : vector<20x1x512xf32> to vector<20x128x512xf32>
    %max3A_2069 = arith.maximumf %max3A_2067, %max3A_2068 : vector<20x128x512xf32>
    %broadcast_in_dim3A_2070 = vector.shape_cast %slice3A_1914 : vector<20x128xf32> to vector<20x128x1xf32>
    %broadcast_in_dim3A_2071 = vector.shape_cast %slice3A_2061 : vector<20x512xf32> to vector<20x1x512xf32>
    %max3A_2072 = vector.broadcast %broadcast_in_dim3A_2070 : vector<20x128x1xf32> to vector<20x128x512xf32>
    %max3A_2073 = vector.broadcast %broadcast_in_dim3A_2071 : vector<20x1x512xf32> to vector<20x128x512xf32>
    %max3A_2074 = arith.maximumf %max3A_2072, %max3A_2073 : vector<20x128x512xf32>
    %broadcast_in_dim3A_2075 = vector.shape_cast %slice3A_1915 : vector<20x128xf32> to vector<20x128x1xf32>
    %broadcast_in_dim3A_2076 = vector.shape_cast %slice3A_2062 : vector<20x512xf32> to vector<20x1x512xf32>
    %min3A_2077 = vector.broadcast %broadcast_in_dim3A_2075 : vector<20x128x1xf32> to vector<20x128x512xf32>
    %min3A_2078 = vector.broadcast %broadcast_in_dim3A_2076 : vector<20x1x512xf32> to vector<20x128x512xf32>
    %min3A_2079 = arith.minimumf %min3A_2077, %min3A_2078 : vector<20x128x512xf32>
    %broadcast_in_dim3A_2080 = vector.shape_cast %slice3A_1916 : vector<20x128xf32> to vector<20x128x1xf32>
    %broadcast_in_dim3A_2081 = vector.shape_cast %slice3A_2063 : vector<20x512xf32> to vector<20x1x512xf32>
    %min3A_2082 = vector.broadcast %broadcast_in_dim3A_2080 : vector<20x128x1xf32> to vector<20x128x512xf32>
    %min3A_2083 = vector.broadcast %broadcast_in_dim3A_2081 : vector<20x1x512xf32> to vector<20x128x512xf32>
    %min3A_2084 = arith.minimumf %min3A_2082, %min3A_2083 : vector<20x128x512xf32>
    %sub3A_2085 = arith.subf %min3A_2079, %max3A_2069 : vector<20x128x512xf32>
    %max3A_2086 = arith.constant 0.000000e+00 : f32
    %max3A_2087 = vector.broadcast %max3A_2086 : f32 to vector<20x128x512xf32>
    %max3A_2088 = arith.maximumf %sub3A_2085, %max3A_2087 : vector<20x128x512xf32>
    %sub3A_2089 = arith.subf %min3A_2084, %max3A_2074 : vector<20x128x512xf32>
    %max3A_2090 = arith.constant 0.000000e+00 : f32
    %max3A_2091 = vector.broadcast %max3A_2090 : f32 to vector<20x128x512xf32>
    %max3A_2092 = arith.maximumf %sub3A_2089, %max3A_2091 : vector<20x128x512xf32>
    %mul3A_2093 = arith.mulf %max3A_2088, %max3A_2092 : vector<20x128x512xf32>
    %broadcast_in_dim3A_2094 = vector.shape_cast %slice3A_1917 : vector<20x128xf32> to vector<20x128x1xf32>
    %broadcast_in_dim3A_2095 = vector.shape_cast %slice3A_2064 : vector<20x512xf32> to vector<20x1x512xf32>
    %add3A_2096 = vector.broadcast %broadcast_in_dim3A_2094 : vector<20x128x1xf32> to vector<20x128x512xf32>
    %add3A_2097 = vector.broadcast %broadcast_in_dim3A_2095 : vector<20x1x512xf32> to vector<20x128x512xf32>
    %add3A_2098 = arith.addf %add3A_2096, %add3A_2097 : vector<20x128x512xf32>
    %sub3A_2099 = arith.subf %add3A_2098, %mul3A_2093 : vector<20x128x512xf32>
    %max3A_2100 = arith.constant 1.000000e-10 : f32
    %max3A_2101 = vector.broadcast %max3A_2100 : f32 to vector<20x128x512xf32>
    %max3A_2102 = arith.maximumf %sub3A_2099, %max3A_2101 : vector<20x128x512xf32>
    %div3A_2103 = arith.divf %mul3A_2093, %max3A_2102 : vector<20x128x512xf32>
    %gt3A_2104 = arith.constant 3.000000e-01 : f32
    %gt3A_2105 = vector.broadcast %gt3A_2104 : f32 to vector<20x128x512xf32>
    %gt3A_2106 = arith.cmpf ogt, %div3A_2103, %gt3A_2105 : vector<20x128x512xf32>
    %jit3A_2107 = arith.constant 1.000000e+00 : f32
    %jit3A_2108 = arith.constant 0.000000e+00 : f32
    %broadcast_in_dim3A_2109 = vector.broadcast %jit3A_2107 : f32 to vector<20x128x512xf32>
    %broadcast_in_dim3A_2110 = vector.broadcast %jit3A_2108 : f32 to vector<20x128x512xf32>
    %select_n3A_2111 = arith.select %gt3A_2106, %broadcast_in_dim3A_2109, %broadcast_in_dim3A_2110 : vector<20x128x512xi1>, vector<20x128x512xf32>
    %broadcast_in_dim3A_2112 = vector.shape_cast %while3A_1971#0 : vector<20x128xf32> to vector<20x128x1xf32>
    %mul3A_2113 = vector.broadcast %broadcast_in_dim3A_2112 : vector<20x128x1xf32> to vector<20x128x512xf32>
    %mul3A_2114 = arith.mulf %select_n3A_2111, %mul3A_2113 : vector<20x128x512xf32>
    %reduce_max3A_2115 = arith.constant dense<0xFF800000> : vector<20x512xf32>
    %reduce_max3A_2116 = vector.multi_reduction <maximumf>, %mul3A_2114, %reduce_max3A_2115 [1] : vector<20x128x512xf32> to vector<20x512xf32>
    %get3A_2117 = arith.constant 0 : index
    %get3A_2118 = arith.constant 1024 : index
    %get3A_2119 = vector.load %arg10[%get3A_2117, %get3A_2118] : memref<20x2048xf32, #tpu.memory_space<vmem>>, vector<20x512xf32>
    %sub3A_2120 = arith.constant 1.000000e+00 : f32
    %sub3A_2121 = vector.broadcast %sub3A_2120 : f32 to vector<20x512xf32>
    %sub3A_2122 = arith.subf %sub3A_2121, %reduce_max3A_2116 : vector<20x512xf32>
    %mul3A_2123 = arith.mulf %get3A_2119, %sub3A_2122 : vector<20x512xf32>
    %swap3A_2124 = arith.constant 0 : index
    %swap3A_2125 = arith.constant 1024 : index
    %swap3A_2126 = vector.load %arg10[%swap3A_2124, %swap3A_2125] : memref<20x2048xf32, #tpu.memory_space<vmem>>, vector<20x512xf32>
    tpu.vector_store %arg10[%swap3A_2124, %swap3A_2125], %mul3A_2123 {strides = array<i32>} : memref<20x2048xf32, #tpu.memory_space<vmem>>, vector<20x512xf32>,
    %slice3A_2127 = vector.extract_strided_slice %get3A_1 {offsets = [0, 1536], sizes = [20, 512], strides = [1, 1]} : vector<20x2048xf32> to vector<20x512xf32>
    %slice3A_2128 = vector.extract_strided_slice %get3A_4 {offsets = [0, 1536], sizes = [20, 512], strides = [1, 1]} : vector<20x2048xf32> to vector<20x512xf32>
    %slice3A_2129 = vector.extract_strided_slice %get3A_7 {offsets = [0, 1536], sizes = [20, 512], strides = [1, 1]} : vector<20x2048xf32> to vector<20x512xf32>
    %slice3A_2130 = vector.extract_strided_slice %get3A_10 {offsets = [0, 1536], sizes = [20, 512], strides = [1, 1]} : vector<20x2048xf32> to vector<20x512xf32>
    %slice3A_2131 = vector.extract_strided_slice %mul3A {offsets = [0, 1536], sizes = [20, 512], strides = [1, 1]} : vector<20x2048xf32> to vector<20x512xf32>
    %broadcast_in_dim3A_2132 = vector.shape_cast %slice3A_1913 : vector<20x128xf32> to vector<20x128x1xf32>
    %broadcast_in_dim3A_2133 = vector.shape_cast %slice3A_2127 : vector<20x512xf32> to vector<20x1x512xf32>
    %max3A_2134 = vector.broadcast %broadcast_in_dim3A_2132 : vector<20x128x1xf32> to vector<20x128x512xf32>
    %max3A_2135 = vector.broadcast %broadcast_in_dim3A_2133 : vector<20x1x512xf32> to vector<20x128x512xf32>
    %max3A_2136 = arith.maximumf %max3A_2134, %max3A_2135 : vector<20x128x512xf32>
    %broadcast_in_dim3A_2137 = vector.shape_cast %slice3A_1914 : vector<20x128xf32> to vector<20x128x1xf32>
    %broadcast_in_dim3A_2138 = vector.shape_cast %slice3A_2128 : vector<20x512xf32> to vector<20x1x512xf32>
    %max3A_2139 = vector.broadcast %broadcast_in_dim3A_2137 : vector<20x128x1xf32> to vector<20x128x512xf32>
    %max3A_2140 = vector.broadcast %broadcast_in_dim3A_2138 : vector<20x1x512xf32> to vector<20x128x512xf32>
    %max3A_2141 = arith.maximumf %max3A_2139, %max3A_2140 : vector<20x128x512xf32>
    %broadcast_in_dim3A_2142 = vector.shape_cast %slice3A_1915 : vector<20x128xf32> to vector<20x128x1xf32>
    %broadcast_in_dim3A_2143 = vector.shape_cast %slice3A_2129 : vector<20x512xf32> to vector<20x1x512xf32>
    %min3A_2144 = vector.broadcast %broadcast_in_dim3A_2142 : vector<20x128x1xf32> to vector<20x128x512xf32>
    %min3A_2145 = vector.broadcast %broadcast_in_dim3A_2143 : vector<20x1x512xf32> to vector<20x128x512xf32>
    %min3A_2146 = arith.minimumf %min3A_2144, %min3A_2145 : vector<20x128x512xf32>
    %broadcast_in_dim3A_2147 = vector.shape_cast %slice3A_1916 : vector<20x128xf32> to vector<20x128x1xf32>
    %broadcast_in_dim3A_2148 = vector.shape_cast %slice3A_2130 : vector<20x512xf32> to vector<20x1x512xf32>
    %min3A_2149 = vector.broadcast %broadcast_in_dim3A_2147 : vector<20x128x1xf32> to vector<20x128x512xf32>
    %min3A_2150 = vector.broadcast %broadcast_in_dim3A_2148 : vector<20x1x512xf32> to vector<20x128x512xf32>
    %min3A_2151 = arith.minimumf %min3A_2149, %min3A_2150 : vector<20x128x512xf32>
    %sub3A_2152 = arith.subf %min3A_2146, %max3A_2136 : vector<20x128x512xf32>
    %max3A_2153 = arith.constant 0.000000e+00 : f32
    %max3A_2154 = vector.broadcast %max3A_2153 : f32 to vector<20x128x512xf32>
    %max3A_2155 = arith.maximumf %sub3A_2152, %max3A_2154 : vector<20x128x512xf32>
    %sub3A_2156 = arith.subf %min3A_2151, %max3A_2141 : vector<20x128x512xf32>
    %max3A_2157 = arith.constant 0.000000e+00 : f32
    %max3A_2158 = vector.broadcast %max3A_2157 : f32 to vector<20x128x512xf32>
    %max3A_2159 = arith.maximumf %sub3A_2156, %max3A_2158 : vector<20x128x512xf32>
    %mul3A_2160 = arith.mulf %max3A_2155, %max3A_2159 : vector<20x128x512xf32>
    %broadcast_in_dim3A_2161 = vector.shape_cast %slice3A_1917 : vector<20x128xf32> to vector<20x128x1xf32>
    %broadcast_in_dim3A_2162 = vector.shape_cast %slice3A_2131 : vector<20x512xf32> to vector<20x1x512xf32>
    %add3A_2163 = vector.broadcast %broadcast_in_dim3A_2161 : vector<20x128x1xf32> to vector<20x128x512xf32>
    %add3A_2164 = vector.broadcast %broadcast_in_dim3A_2162 : vector<20x1x512xf32> to vector<20x128x512xf32>
    %add3A_2165 = arith.addf %add3A_2163, %add3A_2164 : vector<20x128x512xf32>
    %sub3A_2166 = arith.subf %add3A_2165, %mul3A_2160 : vector<20x128x512xf32>
    %max3A_2167 = arith.constant 1.000000e-10 : f32
    %max3A_2168 = vector.broadcast %max3A_2167 : f32 to vector<20x128x512xf32>
    %max3A_2169 = arith.maximumf %sub3A_2166, %max3A_2168 : vector<20x128x512xf32>
    %div3A_2170 = arith.divf %mul3A_2160, %max3A_2169 : vector<20x128x512xf32>
    %gt3A_2171 = arith.constant 3.000000e-01 : f32
    %gt3A_2172 = vector.broadcast %gt3A_2171 : f32 to vector<20x128x512xf32>
    %gt3A_2173 = arith.cmpf ogt, %div3A_2170, %gt3A_2172 : vector<20x128x512xf32>
    %jit3A_2174 = arith.constant 1.000000e+00 : f32
    %jit3A_2175 = arith.constant 0.000000e+00 : f32
    %broadcast_in_dim3A_2176 = vector.broadcast %jit3A_2174 : f32 to vector<20x128x512xf32>
    %broadcast_in_dim3A_2177 = vector.broadcast %jit3A_2175 : f32 to vector<20x128x512xf32>
    %select_n3A_2178 = arith.select %gt3A_2173, %broadcast_in_dim3A_2176, %broadcast_in_dim3A_2177 : vector<20x128x512xi1>, vector<20x128x512xf32>
    %broadcast_in_dim3A_2179 = vector.shape_cast %while3A_1971#0 : vector<20x128xf32> to vector<20x128x1xf32>
    %mul3A_2180 = vector.broadcast %broadcast_in_dim3A_2179 : vector<20x128x1xf32> to vector<20x128x512xf32>
    %mul3A_2181 = arith.mulf %select_n3A_2178, %mul3A_2180 : vector<20x128x512xf32>
    %reduce_max3A_2182 = arith.constant dense<0xFF800000> : vector<20x512xf32>
    %reduce_max3A_2183 = vector.multi_reduction <maximumf>, %mul3A_2181, %reduce_max3A_2182 [1] : vector<20x128x512xf32> to vector<20x512xf32>
    %get3A_2184 = arith.constant 0 : index
    %get3A_2185 = arith.constant 1536 : index
    %get3A_2186 = vector.load %arg10[%get3A_2184, %get3A_2185] : memref<20x2048xf32, #tpu.memory_space<vmem>>, vector<20x512xf32>
    %sub3A_2187 = arith.constant 1.000000e+00 : f32
    %sub3A_2188 = vector.broadcast %sub3A_2187 : f32 to vector<20x512xf32>
    %sub3A_2189 = arith.subf %sub3A_2188, %reduce_max3A_2183 : vector<20x512xf32>
    %mul3A_2190 = arith.mulf %get3A_2186, %sub3A_2189 : vector<20x512xf32>
    %swap3A_2191 = arith.constant 0 : index
    %swap3A_2192 = arith.constant 1536 : index
    %swap3A_2193 = vector.load %arg10[%swap3A_2191, %swap3A_2192] : memref<20x2048xf32, #tpu.memory_space<vmem>>, vector<20x512xf32>
    tpu.vector_store %arg10[%swap3A_2191, %swap3A_2192], %mul3A_2190 {strides = array<i32>} : memref<20x2048xf32, #tpu.memory_space<vmem>>, vector<20x512xf32>,
    %slice3A_2194 = vector.extract_strided_slice %get3A_1 {offsets = [0, 896], sizes = [20, 128], strides = [1, 1]} : vector<20x2048xf32> to vector<20x128xf32>
    %slice3A_2195 = vector.extract_strided_slice %get3A_4 {offsets = [0, 896], sizes = [20, 128], strides = [1, 1]} : vector<20x2048xf32> to vector<20x128xf32>
    %slice3A_2196 = vector.extract_strided_slice %get3A_7 {offsets = [0, 896], sizes = [20, 128], strides = [1, 1]} : vector<20x2048xf32> to vector<20x128xf32>
    %slice3A_2197 = vector.extract_strided_slice %get3A_10 {offsets = [0, 896], sizes = [20, 128], strides = [1, 1]} : vector<20x2048xf32> to vector<20x128xf32>
    %slice3A_2198 = vector.extract_strided_slice %mul3A {offsets = [0, 896], sizes = [20, 128], strides = [1, 1]} : vector<20x2048xf32> to vector<20x128xf32>
    %broadcast_in_dim3A_2199 = vector.shape_cast %slice3A_2194 : vector<20x128xf32> to vector<20x128x1xf32>
    %broadcast_in_dim3A_2200 = vector.shape_cast %slice3A_2194 : vector<20x128xf32> to vector<20x1x128xf32>
    %max3A_2201 = vector.broadcast %broadcast_in_dim3A_2199 : vector<20x128x1xf32> to vector<20x128x128xf32>
    %max3A_2202 = vector.broadcast %broadcast_in_dim3A_2200 : vector<20x1x128xf32> to vector<20x128x128xf32>
    %max3A_2203 = arith.maximumf %max3A_2201, %max3A_2202 : vector<20x128x128xf32>
    %broadcast_in_dim3A_2204 = vector.shape_cast %slice3A_2195 : vector<20x128xf32> to vector<20x128x1xf32>
    %broadcast_in_dim3A_2205 = vector.shape_cast %slice3A_2195 : vector<20x128xf32> to vector<20x1x128xf32>
    %max3A_2206 = vector.broadcast %broadcast_in_dim3A_2204 : vector<20x128x1xf32> to vector<20x128x128xf32>
    %max3A_2207 = vector.broadcast %broadcast_in_dim3A_2205 : vector<20x1x128xf32> to vector<20x128x128xf32>
    %max3A_2208 = arith.maximumf %max3A_2206, %max3A_2207 : vector<20x128x128xf32>
    %broadcast_in_dim3A_2209 = vector.shape_cast %slice3A_2196 : vector<20x128xf32> to vector<20x128x1xf32>
    %broadcast_in_dim3A_2210 = vector.shape_cast %slice3A_2196 : vector<20x128xf32> to vector<20x1x128xf32>
    %min3A_2211 = vector.broadcast %broadcast_in_dim3A_2209 : vector<20x128x1xf32> to vector<20x128x128xf32>
    %min3A_2212 = vector.broadcast %broadcast_in_dim3A_2210 : vector<20x1x128xf32> to vector<20x128x128xf32>
    %min3A_2213 = arith.minimumf %min3A_2211, %min3A_2212 : vector<20x128x128xf32>
    %broadcast_in_dim3A_2214 = vector.shape_cast %slice3A_2197 : vector<20x128xf32> to vector<20x128x1xf32>
    %broadcast_in_dim3A_2215 = vector.shape_cast %slice3A_2197 : vector<20x128xf32> to vector<20x1x128xf32>
    %min3A_2216 = vector.broadcast %broadcast_in_dim3A_2214 : vector<20x128x1xf32> to vector<20x128x128xf32>
    %min3A_2217 = vector.broadcast %broadcast_in_dim3A_2215 : vector<20x1x128xf32> to vector<20x128x128xf32>
    %min3A_2218 = arith.minimumf %min3A_2216, %min3A_2217 : vector<20x128x128xf32>
    %sub3A_2219 = arith.subf %min3A_2213, %max3A_2203 : vector<20x128x128xf32>
    %max3A_2220 = arith.constant 0.000000e+00 : f32
    %max3A_2221 = vector.broadcast %max3A_2220 : f32 to vector<20x128x128xf32>
    %max3A_2222 = arith.maximumf %sub3A_2219, %max3A_2221 : vector<20x128x128xf32>
    %sub3A_2223 = arith.subf %min3A_2218, %max3A_2208 : vector<20x128x128xf32>
    %max3A_2224 = arith.constant 0.000000e+00 : f32
    %max3A_2225 = vector.broadcast %max3A_2224 : f32 to vector<20x128x128xf32>
    %max3A_2226 = arith.maximumf %sub3A_2223, %max3A_2225 : vector<20x128x128xf32>
    %mul3A_2227 = arith.mulf %max3A_2222, %max3A_2226 : vector<20x128x128xf32>
    %broadcast_in_dim3A_2228 = vector.shape_cast %slice3A_2198 : vector<20x128xf32> to vector<20x128x1xf32>
    %broadcast_in_dim3A_2229 = vector.shape_cast %slice3A_2198 : vector<20x128xf32> to vector<20x1x128xf32>
    %add3A_2230 = vector.broadcast %broadcast_in_dim3A_2228 : vector<20x128x1xf32> to vector<20x128x128xf32>
    %add3A_2231 = vector.broadcast %broadcast_in_dim3A_2229 : vector<20x1x128xf32> to vector<20x128x128xf32>
    %add3A_2232 = arith.addf %add3A_2230, %add3A_2231 : vector<20x128x128xf32>
    %sub3A_2233 = arith.subf %add3A_2232, %mul3A_2227 : vector<20x128x128xf32>
    %max3A_2234 = arith.constant 1.000000e-10 : f32
    %max3A_2235 = vector.broadcast %max3A_2234 : f32 to vector<20x128x128xf32>
    %max3A_2236 = arith.maximumf %sub3A_2233, %max3A_2235 : vector<20x128x128xf32>
    %div3A_2237 = arith.divf %mul3A_2227, %max3A_2236 : vector<20x128x128xf32>
    %gt3A_2238 = arith.constant 3.000000e-01 : f32
    %gt3A_2239 = vector.broadcast %gt3A_2238 : f32 to vector<20x128x128xf32>
    %gt3A_2240 = arith.cmpf ogt, %div3A_2237, %gt3A_2239 : vector<20x128x128xf32>
    %jit3A_2241 = arith.constant 1.000000e+00 : f32
    %jit3A_2242 = arith.constant 0.000000e+00 : f32
    %broadcast_in_dim3A_2243 = vector.broadcast %jit3A_2241 : f32 to vector<20x128x128xf32>
    %broadcast_in_dim3A_2244 = vector.broadcast %jit3A_2242 : f32 to vector<20x128x128xf32>
    %select_n3A_2245 = arith.select %gt3A_2240, %broadcast_in_dim3A_2243, %broadcast_in_dim3A_2244 : vector<20x128x128xi1>, vector<20x128x128xf32>
    %mul3A_2246 = vector.broadcast %select_n3A_31 : vector<1x128x128xf32> to vector<20x128x128xf32>
    %mul3A_2247 = arith.mulf %select_n3A_2245, %mul3A_2246 : vector<20x128x128xf32>
    %get3A_2248 = arith.constant 0 : index
    %get3A_2249 = arith.constant 896 : index
    %get3A_2250 = vector.load %arg10[%get3A_2248, %get3A_2249] : memref<20x2048xf32, #tpu.memory_space<vmem>>, vector<20x128xf32>
    %while3A_2251 = arith.constant true
    %while3A_2252:2 = scf.while (%while3A_3718 = %get3A_2250, %while3A_3719 = %while3A_2251) : (vector<20x128xf32>, i1) -> (vector<20x128xf32>, i1) {
      scf.condition(%while3A_3719) %while3A_3718, %while3A_3719 : vector<20x128xf32>, i1
    } do {
    ^bb0(%while3A_3718: vector<20x128xf32>, %while3A_3719: i1):
      %broadcast_in_dim3A_3720 = vector.shape_cast %while3A_3718 : vector<20x128xf32> to vector<20x128x1xf32>
      %mul3A_3721 = vector.broadcast %broadcast_in_dim3A_3720 : vector<20x128x1xf32> to vector<20x128x128xf32>
      %mul3A_3722 = arith.mulf %mul3A_2247, %mul3A_3721 : vector<20x128x128xf32>
      %reduce_max3A_3723 = arith.constant dense<0xFF800000> : vector<20x128xf32>
      %reduce_max3A_3724 = vector.multi_reduction <maximumf>, %mul3A_3722, %reduce_max3A_3723 [1] : vector<20x128x128xf32> to vector<20x128xf32>
      %sub3A_3725 = arith.constant 1.000000e+00 : f32
      %sub3A_3726 = vector.broadcast %sub3A_3725 : f32 to vector<20x128xf32>
      %sub3A_3727 = arith.subf %sub3A_3726, %reduce_max3A_3724 : vector<20x128xf32>
      %mul3A_3728 = arith.mulf %get3A_2250, %sub3A_3727 : vector<20x128xf32>
      %ne3A = arith.cmpf one, %mul3A_3728, %while3A_3718 : vector<20x128xf32>
      %reduce_or3A = arith.constant 1.000000e+00 : f32
      %reduce_or3A_3729 = arith.constant 0.000000e+00 : f32
      %reduce_or3A_3730 = vector.broadcast %reduce_or3A : f32 to vector<20x128xf32>
      %reduce_or3A_3731 = vector.broadcast %reduce_or3A_3729 : f32 to vector<20x128xf32>
      %reduce_or3A_3732 = arith.select %ne3A, %reduce_or3A_3730, %reduce_or3A_3731 : vector<20x128xi1>, vector<20x128xf32>
      %reduce_or3A_3733 = vector.shape_cast %reduce_or3A_3732 : vector<20x128xf32> to vector<1x20x128xf32>
      %reduce_or3A_3734 = arith.constant dense<0xFF800000> : vector<1xf32>
      %reduce_or3A_3735 = vector.multi_reduction <maximumf>, %reduce_or3A_3733, %reduce_or3A_3734 [1, 2] : vector<1x20x128xf32> to vector<1xf32>
      %reduce_or3A_3736 = vector.shape_cast %reduce_or3A_3735 : vector<1xf32> to vector<1x1x1xf32>
      %reduce_or3A_3737 = vector.extract %reduce_or3A_3736[0, 0, 0] : f32 from vector<1x1x1xf32>
      %reduce_or3A_3738 = arith.constant 0.000000e+00 : f32
      %reduce_or3A_3739 = arith.cmpf ogt, %reduce_or3A_3737, %reduce_or3A_3738 : f32
      scf.yield %mul3A_3728, %reduce_or3A_3739 : vector<20x128xf32>, i1
    }
    %mul3A_2253 = arith.mulf %slice3A_2194, %while3A_2252#0 : vector<20x128xf32>
    %swap3A_2254 = arith.constant 0 : index
    %swap3A_2255 = arith.constant 896 : index
    %swap3A_2256 = vector.load %arg5[%swap3A_2254, %swap3A_2255] : memref<20x2048xf32, #tpu.memory_space<vmem>>, vector<20x128xf32>
    tpu.vector_store %arg5[%swap3A_2254, %swap3A_2255], %mul3A_2253 {strides = array<i32>} : memref<20x2048xf32, #tpu.memory_space<vmem>>, vector<20x128xf32>,
    %mul3A_2257 = arith.mulf %slice3A_2195, %while3A_2252#0 : vector<20x128xf32>
    %swap3A_2258 = arith.constant 0 : index
    %swap3A_2259 = arith.constant 896 : index
    %swap3A_2260 = vector.load %arg6[%swap3A_2258, %swap3A_2259] : memref<20x2048xf32, #tpu.memory_space<vmem>>, vector<20x128xf32>
    tpu.vector_store %arg6[%swap3A_2258, %swap3A_2259], %mul3A_2257 {strides = array<i32>} : memref<20x2048xf32, #tpu.memory_space<vmem>>, vector<20x128xf32>,
    %mul3A_2261 = arith.mulf %slice3A_2196, %while3A_2252#0 : vector<20x128xf32>
    %swap3A_2262 = arith.constant 0 : index
    %swap3A_2263 = arith.constant 896 : index
    %swap3A_2264 = vector.load %arg7[%swap3A_2262, %swap3A_2263] : memref<20x2048xf32, #tpu.memory_space<vmem>>, vector<20x128xf32>
    tpu.vector_store %arg7[%swap3A_2262, %swap3A_2263], %mul3A_2261 {strides = array<i32>} : memref<20x2048xf32, #tpu.memory_space<vmem>>, vector<20x128xf32>,
    %mul3A_2265 = arith.mulf %slice3A_2197, %while3A_2252#0 : vector<20x128xf32>
    %swap3A_2266 = arith.constant 0 : index
    %swap3A_2267 = arith.constant 896 : index
    %swap3A_2268 = vector.load %arg8[%swap3A_2266, %swap3A_2267] : memref<20x2048xf32, #tpu.memory_space<vmem>>, vector<20x128xf32>
    tpu.vector_store %arg8[%swap3A_2266, %swap3A_2267], %mul3A_2265 {strides = array<i32>} : memref<20x2048xf32, #tpu.memory_space<vmem>>, vector<20x128xf32>,
    %slice3A_2269 = vector.extract_strided_slice %get3A_13 {offsets = [0, 896], sizes = [20, 128], strides = [1, 1]} : vector<20x2048xf32> to vector<20x128xf32>
    %mul3A_2270 = arith.mulf %slice3A_2269, %while3A_2252#0 : vector<20x128xf32>
    %swap3A_2271 = arith.constant 0 : index
    %swap3A_2272 = arith.constant 896 : index
    %swap3A_2273 = vector.load %arg9[%swap3A_2271, %swap3A_2272] : memref<20x2048xf32, #tpu.memory_space<vmem>>, vector<20x128xf32>
    tpu.vector_store %arg9[%swap3A_2271, %swap3A_2272], %mul3A_2270 {strides = array<i32>} : memref<20x2048xf32, #tpu.memory_space<vmem>>, vector<20x128xf32>,
    %slice3A_2274 = vector.extract_strided_slice %get3A_1 {offsets = [0, 1024], sizes = [20, 512], strides = [1, 1]} : vector<20x2048xf32> to vector<20x512xf32>
    %slice3A_2275 = vector.extract_strided_slice %get3A_4 {offsets = [0, 1024], sizes = [20, 512], strides = [1, 1]} : vector<20x2048xf32> to vector<20x512xf32>
    %slice3A_2276 = vector.extract_strided_slice %get3A_7 {offsets = [0, 1024], sizes = [20, 512], strides = [1, 1]} : vector<20x2048xf32> to vector<20x512xf32>
    %slice3A_2277 = vector.extract_strided_slice %get3A_10 {offsets = [0, 1024], sizes = [20, 512], strides = [1, 1]} : vector<20x2048xf32> to vector<20x512xf32>
    %slice3A_2278 = vector.extract_strided_slice %mul3A {offsets = [0, 1024], sizes = [20, 512], strides = [1, 1]} : vector<20x2048xf32> to vector<20x512xf32>
    %broadcast_in_dim3A_2279 = vector.shape_cast %slice3A_2194 : vector<20x128xf32> to vector<20x128x1xf32>
    %broadcast_in_dim3A_2280 = vector.shape_cast %slice3A_2274 : vector<20x512xf32> to vector<20x1x512xf32>
    %max3A_2281 = vector.broadcast %broadcast_in_dim3A_2279 : vector<20x128x1xf32> to vector<20x128x512xf32>
    %max3A_2282 = vector.broadcast %broadcast_in_dim3A_2280 : vector<20x1x512xf32> to vector<20x128x512xf32>
    %max3A_2283 = arith.maximumf %max3A_2281, %max3A_2282 : vector<20x128x512xf32>
    %broadcast_in_dim3A_2284 = vector.shape_cast %slice3A_2195 : vector<20x128xf32> to vector<20x128x1xf32>
    %broadcast_in_dim3A_2285 = vector.shape_cast %slice3A_2275 : vector<20x512xf32> to vector<20x1x512xf32>
    %max3A_2286 = vector.broadcast %broadcast_in_dim3A_2284 : vector<20x128x1xf32> to vector<20x128x512xf32>
    %max3A_2287 = vector.broadcast %broadcast_in_dim3A_2285 : vector<20x1x512xf32> to vector<20x128x512xf32>
    %max3A_2288 = arith.maximumf %max3A_2286, %max3A_2287 : vector<20x128x512xf32>
    %broadcast_in_dim3A_2289 = vector.shape_cast %slice3A_2196 : vector<20x128xf32> to vector<20x128x1xf32>
    %broadcast_in_dim3A_2290 = vector.shape_cast %slice3A_2276 : vector<20x512xf32> to vector<20x1x512xf32>
    %min3A_2291 = vector.broadcast %broadcast_in_dim3A_2289 : vector<20x128x1xf32> to vector<20x128x512xf32>
    %min3A_2292 = vector.broadcast %broadcast_in_dim3A_2290 : vector<20x1x512xf32> to vector<20x128x512xf32>
    %min3A_2293 = arith.minimumf %min3A_2291, %min3A_2292 : vector<20x128x512xf32>
    %broadcast_in_dim3A_2294 = vector.shape_cast %slice3A_2197 : vector<20x128xf32> to vector<20x128x1xf32>
    %broadcast_in_dim3A_2295 = vector.shape_cast %slice3A_2277 : vector<20x512xf32> to vector<20x1x512xf32>
    %min3A_2296 = vector.broadcast %broadcast_in_dim3A_2294 : vector<20x128x1xf32> to vector<20x128x512xf32>
    %min3A_2297 = vector.broadcast %broadcast_in_dim3A_2295 : vector<20x1x512xf32> to vector<20x128x512xf32>
    %min3A_2298 = arith.minimumf %min3A_2296, %min3A_2297 : vector<20x128x512xf32>
    %sub3A_2299 = arith.subf %min3A_2293, %max3A_2283 : vector<20x128x512xf32>
    %max3A_2300 = arith.constant 0.000000e+00 : f32
    %max3A_2301 = vector.broadcast %max3A_2300 : f32 to vector<20x128x512xf32>
    %max3A_2302 = arith.maximumf %sub3A_2299, %max3A_2301 : vector<20x128x512xf32>
    %sub3A_2303 = arith.subf %min3A_2298, %max3A_2288 : vector<20x128x512xf32>
    %max3A_2304 = arith.constant 0.000000e+00 : f32
    %max3A_2305 = vector.broadcast %max3A_2304 : f32 to vector<20x128x512xf32>
    %max3A_2306 = arith.maximumf %sub3A_2303, %max3A_2305 : vector<20x128x512xf32>
    %mul3A_2307 = arith.mulf %max3A_2302, %max3A_2306 : vector<20x128x512xf32>
    %broadcast_in_dim3A_2308 = vector.shape_cast %slice3A_2198 : vector<20x128xf32> to vector<20x128x1xf32>
    %broadcast_in_dim3A_2309 = vector.shape_cast %slice3A_2278 : vector<20x512xf32> to vector<20x1x512xf32>
    %add3A_2310 = vector.broadcast %broadcast_in_dim3A_2308 : vector<20x128x1xf32> to vector<20x128x512xf32>
    %add3A_2311 = vector.broadcast %broadcast_in_dim3A_2309 : vector<20x1x512xf32> to vector<20x128x512xf32>
    %add3A_2312 = arith.addf %add3A_2310, %add3A_2311 : vector<20x128x512xf32>
    %sub3A_2313 = arith.subf %add3A_2312, %mul3A_2307 : vector<20x128x512xf32>
    %max3A_2314 = arith.constant 1.000000e-10 : f32
    %max3A_2315 = vector.broadcast %max3A_2314 : f32 to vector<20x128x512xf32>
    %max3A_2316 = arith.maximumf %sub3A_2313, %max3A_2315 : vector<20x128x512xf32>
    %div3A_2317 = arith.divf %mul3A_2307, %max3A_2316 : vector<20x128x512xf32>
    %gt3A_2318 = arith.constant 3.000000e-01 : f32
    %gt3A_2319 = vector.broadcast %gt3A_2318 : f32 to vector<20x128x512xf32>
    %gt3A_2320 = arith.cmpf ogt, %div3A_2317, %gt3A_2319 : vector<20x128x512xf32>
    %jit3A_2321 = arith.constant 1.000000e+00 : f32
    %jit3A_2322 = arith.constant 0.000000e+00 : f32
    %broadcast_in_dim3A_2323 = vector.broadcast %jit3A_2321 : f32 to vector<20x128x512xf32>
    %broadcast_in_dim3A_2324 = vector.broadcast %jit3A_2322 : f32 to vector<20x128x512xf32>
    %select_n3A_2325 = arith.select %gt3A_2320, %broadcast_in_dim3A_2323, %broadcast_in_dim3A_2324 : vector<20x128x512xi1>, vector<20x128x512xf32>
    %broadcast_in_dim3A_2326 = vector.shape_cast %while3A_2252#0 : vector<20x128xf32> to vector<20x128x1xf32>
    %mul3A_2327 = vector.broadcast %broadcast_in_dim3A_2326 : vector<20x128x1xf32> to vector<20x128x512xf32>
    %mul3A_2328 = arith.mulf %select_n3A_2325, %mul3A_2327 : vector<20x128x512xf32>
    %reduce_max3A_2329 = arith.constant dense<0xFF800000> : vector<20x512xf32>
    %reduce_max3A_2330 = vector.multi_reduction <maximumf>, %mul3A_2328, %reduce_max3A_2329 [1] : vector<20x128x512xf32> to vector<20x512xf32>
    %get3A_2331 = arith.constant 0 : index
    %get3A_2332 = arith.constant 1024 : index
    %get3A_2333 = vector.load %arg10[%get3A_2331, %get3A_2332] : memref<20x2048xf32, #tpu.memory_space<vmem>>, vector<20x512xf32>
    %sub3A_2334 = arith.constant 1.000000e+00 : f32
    %sub3A_2335 = vector.broadcast %sub3A_2334 : f32 to vector<20x512xf32>
    %sub3A_2336 = arith.subf %sub3A_2335, %reduce_max3A_2330 : vector<20x512xf32>
    %mul3A_2337 = arith.mulf %get3A_2333, %sub3A_2336 : vector<20x512xf32>
    %swap3A_2338 = arith.constant 0 : index
    %swap3A_2339 = arith.constant 1024 : index
    %swap3A_2340 = vector.load %arg10[%swap3A_2338, %swap3A_2339] : memref<20x2048xf32, #tpu.memory_space<vmem>>, vector<20x512xf32>
    tpu.vector_store %arg10[%swap3A_2338, %swap3A_2339], %mul3A_2337 {strides = array<i32>} : memref<20x2048xf32, #tpu.memory_space<vmem>>, vector<20x512xf32>,
    %slice3A_2341 = vector.extract_strided_slice %get3A_1 {offsets = [0, 1536], sizes = [20, 512], strides = [1, 1]} : vector<20x2048xf32> to vector<20x512xf32>
    %slice3A_2342 = vector.extract_strided_slice %get3A_4 {offsets = [0, 1536], sizes = [20, 512], strides = [1, 1]} : vector<20x2048xf32> to vector<20x512xf32>
    %slice3A_2343 = vector.extract_strided_slice %get3A_7 {offsets = [0, 1536], sizes = [20, 512], strides = [1, 1]} : vector<20x2048xf32> to vector<20x512xf32>
    %slice3A_2344 = vector.extract_strided_slice %get3A_10 {offsets = [0, 1536], sizes = [20, 512], strides = [1, 1]} : vector<20x2048xf32> to vector<20x512xf32>
    %slice3A_2345 = vector.extract_strided_slice %mul3A {offsets = [0, 1536], sizes = [20, 512], strides = [1, 1]} : vector<20x2048xf32> to vector<20x512xf32>
    %broadcast_in_dim3A_2346 = vector.shape_cast %slice3A_2194 : vector<20x128xf32> to vector<20x128x1xf32>
    %broadcast_in_dim3A_2347 = vector.shape_cast %slice3A_2341 : vector<20x512xf32> to vector<20x1x512xf32>
    %max3A_2348 = vector.broadcast %broadcast_in_dim3A_2346 : vector<20x128x1xf32> to vector<20x128x512xf32>
    %max3A_2349 = vector.broadcast %broadcast_in_dim3A_2347 : vector<20x1x512xf32> to vector<20x128x512xf32>
    %max3A_2350 = arith.maximumf %max3A_2348, %max3A_2349 : vector<20x128x512xf32>
    %broadcast_in_dim3A_2351 = vector.shape_cast %slice3A_2195 : vector<20x128xf32> to vector<20x128x1xf32>
    %broadcast_in_dim3A_2352 = vector.shape_cast %slice3A_2342 : vector<20x512xf32> to vector<20x1x512xf32>
    %max3A_2353 = vector.broadcast %broadcast_in_dim3A_2351 : vector<20x128x1xf32> to vector<20x128x512xf32>
    %max3A_2354 = vector.broadcast %broadcast_in_dim3A_2352 : vector<20x1x512xf32> to vector<20x128x512xf32>
    %max3A_2355 = arith.maximumf %max3A_2353, %max3A_2354 : vector<20x128x512xf32>
    %broadcast_in_dim3A_2356 = vector.shape_cast %slice3A_2196 : vector<20x128xf32> to vector<20x128x1xf32>
    %broadcast_in_dim3A_2357 = vector.shape_cast %slice3A_2343 : vector<20x512xf32> to vector<20x1x512xf32>
    %min3A_2358 = vector.broadcast %broadcast_in_dim3A_2356 : vector<20x128x1xf32> to vector<20x128x512xf32>
    %min3A_2359 = vector.broadcast %broadcast_in_dim3A_2357 : vector<20x1x512xf32> to vector<20x128x512xf32>
    %min3A_2360 = arith.minimumf %min3A_2358, %min3A_2359 : vector<20x128x512xf32>
    %broadcast_in_dim3A_2361 = vector.shape_cast %slice3A_2197 : vector<20x128xf32> to vector<20x128x1xf32>
    %broadcast_in_dim3A_2362 = vector.shape_cast %slice3A_2344 : vector<20x512xf32> to vector<20x1x512xf32>
    %min3A_2363 = vector.broadcast %broadcast_in_dim3A_2361 : vector<20x128x1xf32> to vector<20x128x512xf32>
    %min3A_2364 = vector.broadcast %broadcast_in_dim3A_2362 : vector<20x1x512xf32> to vector<20x128x512xf32>
    %min3A_2365 = arith.minimumf %min3A_2363, %min3A_2364 : vector<20x128x512xf32>
    %sub3A_2366 = arith.subf %min3A_2360, %max3A_2350 : vector<20x128x512xf32>
    %max3A_2367 = arith.constant 0.000000e+00 : f32
    %max3A_2368 = vector.broadcast %max3A_2367 : f32 to vector<20x128x512xf32>
    %max3A_2369 = arith.maximumf %sub3A_2366, %max3A_2368 : vector<20x128x512xf32>
    %sub3A_2370 = arith.subf %min3A_2365, %max3A_2355 : vector<20x128x512xf32>
    %max3A_2371 = arith.constant 0.000000e+00 : f32
    %max3A_2372 = vector.broadcast %max3A_2371 : f32 to vector<20x128x512xf32>
    %max3A_2373 = arith.maximumf %sub3A_2370, %max3A_2372 : vector<20x128x512xf32>
    %mul3A_2374 = arith.mulf %max3A_2369, %max3A_2373 : vector<20x128x512xf32>
    %broadcast_in_dim3A_2375 = vector.shape_cast %slice3A_2198 : vector<20x128xf32> to vector<20x128x1xf32>
    %broadcast_in_dim3A_2376 = vector.shape_cast %slice3A_2345 : vector<20x512xf32> to vector<20x1x512xf32>
    %add3A_2377 = vector.broadcast %broadcast_in_dim3A_2375 : vector<20x128x1xf32> to vector<20x128x512xf32>
    %add3A_2378 = vector.broadcast %broadcast_in_dim3A_2376 : vector<20x1x512xf32> to vector<20x128x512xf32>
    %add3A_2379 = arith.addf %add3A_2377, %add3A_2378 : vector<20x128x512xf32>
    %sub3A_2380 = arith.subf %add3A_2379, %mul3A_2374 : vector<20x128x512xf32>
    %max3A_2381 = arith.constant 1.000000e-10 : f32
    %max3A_2382 = vector.broadcast %max3A_2381 : f32 to vector<20x128x512xf32>
    %max3A_2383 = arith.maximumf %sub3A_2380, %max3A_2382 : vector<20x128x512xf32>
    %div3A_2384 = arith.divf %mul3A_2374, %max3A_2383 : vector<20x128x512xf32>
    %gt3A_2385 = arith.constant 3.000000e-01 : f32
    %gt3A_2386 = vector.broadcast %gt3A_2385 : f32 to vector<20x128x512xf32>
    %gt3A_2387 = arith.cmpf ogt, %div3A_2384, %gt3A_2386 : vector<20x128x512xf32>
    %jit3A_2388 = arith.constant 1.000000e+00 : f32
    %jit3A_2389 = arith.constant 0.000000e+00 : f32
    %broadcast_in_dim3A_2390 = vector.broadcast %jit3A_2388 : f32 to vector<20x128x512xf32>
    %broadcast_in_dim3A_2391 = vector.broadcast %jit3A_2389 : f32 to vector<20x128x512xf32>
    %select_n3A_2392 = arith.select %gt3A_2387, %broadcast_in_dim3A_2390, %broadcast_in_dim3A_2391 : vector<20x128x512xi1>, vector<20x128x512xf32>
    %broadcast_in_dim3A_2393 = vector.shape_cast %while3A_2252#0 : vector<20x128xf32> to vector<20x128x1xf32>
    %mul3A_2394 = vector.broadcast %broadcast_in_dim3A_2393 : vector<20x128x1xf32> to vector<20x128x512xf32>
    %mul3A_2395 = arith.mulf %select_n3A_2392, %mul3A_2394 : vector<20x128x512xf32>
    %reduce_max3A_2396 = arith.constant dense<0xFF800000> : vector<20x512xf32>
    %reduce_max3A_2397 = vector.multi_reduction <maximumf>, %mul3A_2395, %reduce_max3A_2396 [1] : vector<20x128x512xf32> to vector<20x512xf32>
    %get3A_2398 = arith.constant 0 : index
    %get3A_2399 = arith.constant 1536 : index
    %get3A_2400 = vector.load %arg10[%get3A_2398, %get3A_2399] : memref<20x2048xf32, #tpu.memory_space<vmem>>, vector<20x512xf32>
    %sub3A_2401 = arith.constant 1.000000e+00 : f32
    %sub3A_2402 = vector.broadcast %sub3A_2401 : f32 to vector<20x512xf32>
    %sub3A_2403 = arith.subf %sub3A_2402, %reduce_max3A_2397 : vector<20x512xf32>
    %mul3A_2404 = arith.mulf %get3A_2400, %sub3A_2403 : vector<20x512xf32>
    %swap3A_2405 = arith.constant 0 : index
    %swap3A_2406 = arith.constant 1536 : index
    %swap3A_2407 = vector.load %arg10[%swap3A_2405, %swap3A_2406] : memref<20x2048xf32, #tpu.memory_space<vmem>>, vector<20x512xf32>
    tpu.vector_store %arg10[%swap3A_2405, %swap3A_2406], %mul3A_2404 {strides = array<i32>} : memref<20x2048xf32, #tpu.memory_space<vmem>>, vector<20x512xf32>,
    %slice3A_2408 = vector.extract_strided_slice %get3A_1 {offsets = [0, 1024], sizes = [20, 128], strides = [1, 1]} : vector<20x2048xf32> to vector<20x128xf32>
    %slice3A_2409 = vector.extract_strided_slice %get3A_4 {offsets = [0, 1024], sizes = [20, 128], strides = [1, 1]} : vector<20x2048xf32> to vector<20x128xf32>
    %slice3A_2410 = vector.extract_strided_slice %get3A_7 {offsets = [0, 1024], sizes = [20, 128], strides = [1, 1]} : vector<20x2048xf32> to vector<20x128xf32>
    %slice3A_2411 = vector.extract_strided_slice %get3A_10 {offsets = [0, 1024], sizes = [20, 128], strides = [1, 1]} : vector<20x2048xf32> to vector<20x128xf32>
    %slice3A_2412 = vector.extract_strided_slice %mul3A {offsets = [0, 1024], sizes = [20, 128], strides = [1, 1]} : vector<20x2048xf32> to vector<20x128xf32>
    %broadcast_in_dim3A_2413 = vector.shape_cast %slice3A_2408 : vector<20x128xf32> to vector<20x128x1xf32>
    %broadcast_in_dim3A_2414 = vector.shape_cast %slice3A_2408 : vector<20x128xf32> to vector<20x1x128xf32>
    %max3A_2415 = vector.broadcast %broadcast_in_dim3A_2413 : vector<20x128x1xf32> to vector<20x128x128xf32>
    %max3A_2416 = vector.broadcast %broadcast_in_dim3A_2414 : vector<20x1x128xf32> to vector<20x128x128xf32>
    %max3A_2417 = arith.maximumf %max3A_2415, %max3A_2416 : vector<20x128x128xf32>
    %broadcast_in_dim3A_2418 = vector.shape_cast %slice3A_2409 : vector<20x128xf32> to vector<20x128x1xf32>
    %broadcast_in_dim3A_2419 = vector.shape_cast %slice3A_2409 : vector<20x128xf32> to vector<20x1x128xf32>
    %max3A_2420 = vector.broadcast %broadcast_in_dim3A_2418 : vector<20x128x1xf32> to vector<20x128x128xf32>
    %max3A_2421 = vector.broadcast %broadcast_in_dim3A_2419 : vector<20x1x128xf32> to vector<20x128x128xf32>
    %max3A_2422 = arith.maximumf %max3A_2420, %max3A_2421 : vector<20x128x128xf32>
    %broadcast_in_dim3A_2423 = vector.shape_cast %slice3A_2410 : vector<20x128xf32> to vector<20x128x1xf32>
    %broadcast_in_dim3A_2424 = vector.shape_cast %slice3A_2410 : vector<20x128xf32> to vector<20x1x128xf32>
    %min3A_2425 = vector.broadcast %broadcast_in_dim3A_2423 : vector<20x128x1xf32> to vector<20x128x128xf32>
    %min3A_2426 = vector.broadcast %broadcast_in_dim3A_2424 : vector<20x1x128xf32> to vector<20x128x128xf32>
    %min3A_2427 = arith.minimumf %min3A_2425, %min3A_2426 : vector<20x128x128xf32>
    %broadcast_in_dim3A_2428 = vector.shape_cast %slice3A_2411 : vector<20x128xf32> to vector<20x128x1xf32>
    %broadcast_in_dim3A_2429 = vector.shape_cast %slice3A_2411 : vector<20x128xf32> to vector<20x1x128xf32>
    %min3A_2430 = vector.broadcast %broadcast_in_dim3A_2428 : vector<20x128x1xf32> to vector<20x128x128xf32>
    %min3A_2431 = vector.broadcast %broadcast_in_dim3A_2429 : vector<20x1x128xf32> to vector<20x128x128xf32>
    %min3A_2432 = arith.minimumf %min3A_2430, %min3A_2431 : vector<20x128x128xf32>
    %sub3A_2433 = arith.subf %min3A_2427, %max3A_2417 : vector<20x128x128xf32>
    %max3A_2434 = arith.constant 0.000000e+00 : f32
    %max3A_2435 = vector.broadcast %max3A_2434 : f32 to vector<20x128x128xf32>
    %max3A_2436 = arith.maximumf %sub3A_2433, %max3A_2435 : vector<20x128x128xf32>
    %sub3A_2437 = arith.subf %min3A_2432, %max3A_2422 : vector<20x128x128xf32>
    %max3A_2438 = arith.constant 0.000000e+00 : f32
    %max3A_2439 = vector.broadcast %max3A_2438 : f32 to vector<20x128x128xf32>
    %max3A_2440 = arith.maximumf %sub3A_2437, %max3A_2439 : vector<20x128x128xf32>
    %mul3A_2441 = arith.mulf %max3A_2436, %max3A_2440 : vector<20x128x128xf32>
    %broadcast_in_dim3A_2442 = vector.shape_cast %slice3A_2412 : vector<20x128xf32> to vector<20x128x1xf32>
    %broadcast_in_dim3A_2443 = vector.shape_cast %slice3A_2412 : vector<20x128xf32> to vector<20x1x128xf32>
    %add3A_2444 = vector.broadcast %broadcast_in_dim3A_2442 : vector<20x128x1xf32> to vector<20x128x128xf32>
    %add3A_2445 = vector.broadcast %broadcast_in_dim3A_2443 : vector<20x1x128xf32> to vector<20x128x128xf32>
    %add3A_2446 = arith.addf %add3A_2444, %add3A_2445 : vector<20x128x128xf32>
    %sub3A_2447 = arith.subf %add3A_2446, %mul3A_2441 : vector<20x128x128xf32>
    %max3A_2448 = arith.constant 1.000000e-10 : f32
    %max3A_2449 = vector.broadcast %max3A_2448 : f32 to vector<20x128x128xf32>
    %max3A_2450 = arith.maximumf %sub3A_2447, %max3A_2449 : vector<20x128x128xf32>
    %div3A_2451 = arith.divf %mul3A_2441, %max3A_2450 : vector<20x128x128xf32>
    %gt3A_2452 = arith.constant 3.000000e-01 : f32
    %gt3A_2453 = vector.broadcast %gt3A_2452 : f32 to vector<20x128x128xf32>
    %gt3A_2454 = arith.cmpf ogt, %div3A_2451, %gt3A_2453 : vector<20x128x128xf32>
    %jit3A_2455 = arith.constant 1.000000e+00 : f32
    %jit3A_2456 = arith.constant 0.000000e+00 : f32
    %broadcast_in_dim3A_2457 = vector.broadcast %jit3A_2455 : f32 to vector<20x128x128xf32>
    %broadcast_in_dim3A_2458 = vector.broadcast %jit3A_2456 : f32 to vector<20x128x128xf32>
    %select_n3A_2459 = arith.select %gt3A_2454, %broadcast_in_dim3A_2457, %broadcast_in_dim3A_2458 : vector<20x128x128xi1>, vector<20x128x128xf32>
    %mul3A_2460 = vector.broadcast %select_n3A_31 : vector<1x128x128xf32> to vector<20x128x128xf32>
    %mul3A_2461 = arith.mulf %select_n3A_2459, %mul3A_2460 : vector<20x128x128xf32>
    %get3A_2462 = arith.constant 0 : index
    %get3A_2463 = arith.constant 1024 : index
    %get3A_2464 = vector.load %arg10[%get3A_2462, %get3A_2463] : memref<20x2048xf32, #tpu.memory_space<vmem>>, vector<20x128xf32>
    %while3A_2465 = arith.constant true
    %while3A_2466:2 = scf.while (%while3A_3718 = %get3A_2464, %while3A_3719 = %while3A_2465) : (vector<20x128xf32>, i1) -> (vector<20x128xf32>, i1) {
      scf.condition(%while3A_3719) %while3A_3718, %while3A_3719 : vector<20x128xf32>, i1
    } do {
    ^bb0(%while3A_3718: vector<20x128xf32>, %while3A_3719: i1):
      %broadcast_in_dim3A_3720 = vector.shape_cast %while3A_3718 : vector<20x128xf32> to vector<20x128x1xf32>
      %mul3A_3721 = vector.broadcast %broadcast_in_dim3A_3720 : vector<20x128x1xf32> to vector<20x128x128xf32>
      %mul3A_3722 = arith.mulf %mul3A_2461, %mul3A_3721 : vector<20x128x128xf32>
      %reduce_max3A_3723 = arith.constant dense<0xFF800000> : vector<20x128xf32>
      %reduce_max3A_3724 = vector.multi_reduction <maximumf>, %mul3A_3722, %reduce_max3A_3723 [1] : vector<20x128x128xf32> to vector<20x128xf32>
      %sub3A_3725 = arith.constant 1.000000e+00 : f32
      %sub3A_3726 = vector.broadcast %sub3A_3725 : f32 to vector<20x128xf32>
      %sub3A_3727 = arith.subf %sub3A_3726, %reduce_max3A_3724 : vector<20x128xf32>
      %mul3A_3728 = arith.mulf %get3A_2464, %sub3A_3727 : vector<20x128xf32>
      %ne3A = arith.cmpf one, %mul3A_3728, %while3A_3718 : vector<20x128xf32>
      %reduce_or3A = arith.constant 1.000000e+00 : f32
      %reduce_or3A_3729 = arith.constant 0.000000e+00 : f32
      %reduce_or3A_3730 = vector.broadcast %reduce_or3A : f32 to vector<20x128xf32>
      %reduce_or3A_3731 = vector.broadcast %reduce_or3A_3729 : f32 to vector<20x128xf32>
      %reduce_or3A_3732 = arith.select %ne3A, %reduce_or3A_3730, %reduce_or3A_3731 : vector<20x128xi1>, vector<20x128xf32>
      %reduce_or3A_3733 = vector.shape_cast %reduce_or3A_3732 : vector<20x128xf32> to vector<1x20x128xf32>
      %reduce_or3A_3734 = arith.constant dense<0xFF800000> : vector<1xf32>
      %reduce_or3A_3735 = vector.multi_reduction <maximumf>, %reduce_or3A_3733, %reduce_or3A_3734 [1, 2] : vector<1x20x128xf32> to vector<1xf32>
      %reduce_or3A_3736 = vector.shape_cast %reduce_or3A_3735 : vector<1xf32> to vector<1x1x1xf32>
      %reduce_or3A_3737 = vector.extract %reduce_or3A_3736[0, 0, 0] : f32 from vector<1x1x1xf32>
      %reduce_or3A_3738 = arith.constant 0.000000e+00 : f32
      %reduce_or3A_3739 = arith.cmpf ogt, %reduce_or3A_3737, %reduce_or3A_3738 : f32
      scf.yield %mul3A_3728, %reduce_or3A_3739 : vector<20x128xf32>, i1
    }
    %mul3A_2467 = arith.mulf %slice3A_2408, %while3A_2466#0 : vector<20x128xf32>
    %swap3A_2468 = arith.constant 0 : index
    %swap3A_2469 = arith.constant 1024 : index
    %swap3A_2470 = vector.load %arg5[%swap3A_2468, %swap3A_2469] : memref<20x2048xf32, #tpu.memory_space<vmem>>, vector<20x128xf32>
    tpu.vector_store %arg5[%swap3A_2468, %swap3A_2469], %mul3A_2467 {strides = array<i32>} : memref<20x2048xf32, #tpu.memory_space<vmem>>, vector<20x128xf32>,
    %mul3A_2471 = arith.mulf %slice3A_2409, %while3A_2466#0 : vector<20x128xf32>
    %swap3A_2472 = arith.constant 0 : index
    %swap3A_2473 = arith.constant 1024 : index
    %swap3A_2474 = vector.load %arg6[%swap3A_2472, %swap3A_2473] : memref<20x2048xf32, #tpu.memory_space<vmem>>, vector<20x128xf32>
    tpu.vector_store %arg6[%swap3A_2472, %swap3A_2473], %mul3A_2471 {strides = array<i32>} : memref<20x2048xf32, #tpu.memory_space<vmem>>, vector<20x128xf32>,
    %mul3A_2475 = arith.mulf %slice3A_2410, %while3A_2466#0 : vector<20x128xf32>
    %swap3A_2476 = arith.constant 0 : index
    %swap3A_2477 = arith.constant 1024 : index
    %swap3A_2478 = vector.load %arg7[%swap3A_2476, %swap3A_2477] : memref<20x2048xf32, #tpu.memory_space<vmem>>, vector<20x128xf32>
    tpu.vector_store %arg7[%swap3A_2476, %swap3A_2477], %mul3A_2475 {strides = array<i32>} : memref<20x2048xf32, #tpu.memory_space<vmem>>, vector<20x128xf32>,
    %mul3A_2479 = arith.mulf %slice3A_2411, %while3A_2466#0 : vector<20x128xf32>
    %swap3A_2480 = arith.constant 0 : index
    %swap3A_2481 = arith.constant 1024 : index
    %swap3A_2482 = vector.load %arg8[%swap3A_2480, %swap3A_2481] : memref<20x2048xf32, #tpu.memory_space<vmem>>, vector<20x128xf32>
    tpu.vector_store %arg8[%swap3A_2480, %swap3A_2481], %mul3A_2479 {strides = array<i32>} : memref<20x2048xf32, #tpu.memory_space<vmem>>, vector<20x128xf32>,
    %slice3A_2483 = vector.extract_strided_slice %get3A_13 {offsets = [0, 1024], sizes = [20, 128], strides = [1, 1]} : vector<20x2048xf32> to vector<20x128xf32>
    %mul3A_2484 = arith.mulf %slice3A_2483, %while3A_2466#0 : vector<20x128xf32>
    %swap3A_2485 = arith.constant 0 : index
    %swap3A_2486 = arith.constant 1024 : index
    %swap3A_2487 = vector.load %arg9[%swap3A_2485, %swap3A_2486] : memref<20x2048xf32, #tpu.memory_space<vmem>>, vector<20x128xf32>
    tpu.vector_store %arg9[%swap3A_2485, %swap3A_2486], %mul3A_2484 {strides = array<i32>} : memref<20x2048xf32, #tpu.memory_space<vmem>>, vector<20x128xf32>,
    %slice3A_2488 = vector.extract_strided_slice %get3A_1 {offsets = [0, 1024], sizes = [20, 512], strides = [1, 1]} : vector<20x2048xf32> to vector<20x512xf32>
    %slice3A_2489 = vector.extract_strided_slice %get3A_4 {offsets = [0, 1024], sizes = [20, 512], strides = [1, 1]} : vector<20x2048xf32> to vector<20x512xf32>
    %slice3A_2490 = vector.extract_strided_slice %get3A_7 {offsets = [0, 1024], sizes = [20, 512], strides = [1, 1]} : vector<20x2048xf32> to vector<20x512xf32>
    %slice3A_2491 = vector.extract_strided_slice %get3A_10 {offsets = [0, 1024], sizes = [20, 512], strides = [1, 1]} : vector<20x2048xf32> to vector<20x512xf32>
    %slice3A_2492 = vector.extract_strided_slice %mul3A {offsets = [0, 1024], sizes = [20, 512], strides = [1, 1]} : vector<20x2048xf32> to vector<20x512xf32>
    %broadcast_in_dim3A_2493 = vector.shape_cast %slice3A_2408 : vector<20x128xf32> to vector<20x128x1xf32>
    %broadcast_in_dim3A_2494 = vector.shape_cast %slice3A_2488 : vector<20x512xf32> to vector<20x1x512xf32>
    %max3A_2495 = vector.broadcast %broadcast_in_dim3A_2493 : vector<20x128x1xf32> to vector<20x128x512xf32>
    %max3A_2496 = vector.broadcast %broadcast_in_dim3A_2494 : vector<20x1x512xf32> to vector<20x128x512xf32>
    %max3A_2497 = arith.maximumf %max3A_2495, %max3A_2496 : vector<20x128x512xf32>
    %broadcast_in_dim3A_2498 = vector.shape_cast %slice3A_2409 : vector<20x128xf32> to vector<20x128x1xf32>
    %broadcast_in_dim3A_2499 = vector.shape_cast %slice3A_2489 : vector<20x512xf32> to vector<20x1x512xf32>
    %max3A_2500 = vector.broadcast %broadcast_in_dim3A_2498 : vector<20x128x1xf32> to vector<20x128x512xf32>
    %max3A_2501 = vector.broadcast %broadcast_in_dim3A_2499 : vector<20x1x512xf32> to vector<20x128x512xf32>
    %max3A_2502 = arith.maximumf %max3A_2500, %max3A_2501 : vector<20x128x512xf32>
    %broadcast_in_dim3A_2503 = vector.shape_cast %slice3A_2410 : vector<20x128xf32> to vector<20x128x1xf32>
    %broadcast_in_dim3A_2504 = vector.shape_cast %slice3A_2490 : vector<20x512xf32> to vector<20x1x512xf32>
    %min3A_2505 = vector.broadcast %broadcast_in_dim3A_2503 : vector<20x128x1xf32> to vector<20x128x512xf32>
    %min3A_2506 = vector.broadcast %broadcast_in_dim3A_2504 : vector<20x1x512xf32> to vector<20x128x512xf32>
    %min3A_2507 = arith.minimumf %min3A_2505, %min3A_2506 : vector<20x128x512xf32>
    %broadcast_in_dim3A_2508 = vector.shape_cast %slice3A_2411 : vector<20x128xf32> to vector<20x128x1xf32>
    %broadcast_in_dim3A_2509 = vector.shape_cast %slice3A_2491 : vector<20x512xf32> to vector<20x1x512xf32>
    %min3A_2510 = vector.broadcast %broadcast_in_dim3A_2508 : vector<20x128x1xf32> to vector<20x128x512xf32>
    %min3A_2511 = vector.broadcast %broadcast_in_dim3A_2509 : vector<20x1x512xf32> to vector<20x128x512xf32>
    %min3A_2512 = arith.minimumf %min3A_2510, %min3A_2511 : vector<20x128x512xf32>
    %sub3A_2513 = arith.subf %min3A_2507, %max3A_2497 : vector<20x128x512xf32>
    %max3A_2514 = arith.constant 0.000000e+00 : f32
    %max3A_2515 = vector.broadcast %max3A_2514 : f32 to vector<20x128x512xf32>
    %max3A_2516 = arith.maximumf %sub3A_2513, %max3A_2515 : vector<20x128x512xf32>
    %sub3A_2517 = arith.subf %min3A_2512, %max3A_2502 : vector<20x128x512xf32>
    %max3A_2518 = arith.constant 0.000000e+00 : f32
    %max3A_2519 = vector.broadcast %max3A_2518 : f32 to vector<20x128x512xf32>
    %max3A_2520 = arith.maximumf %sub3A_2517, %max3A_2519 : vector<20x128x512xf32>
    %mul3A_2521 = arith.mulf %max3A_2516, %max3A_2520 : vector<20x128x512xf32>
    %broadcast_in_dim3A_2522 = vector.shape_cast %slice3A_2412 : vector<20x128xf32> to vector<20x128x1xf32>
    %broadcast_in_dim3A_2523 = vector.shape_cast %slice3A_2492 : vector<20x512xf32> to vector<20x1x512xf32>
    %add3A_2524 = vector.broadcast %broadcast_in_dim3A_2522 : vector<20x128x1xf32> to vector<20x128x512xf32>
    %add3A_2525 = vector.broadcast %broadcast_in_dim3A_2523 : vector<20x1x512xf32> to vector<20x128x512xf32>
    %add3A_2526 = arith.addf %add3A_2524, %add3A_2525 : vector<20x128x512xf32>
    %sub3A_2527 = arith.subf %add3A_2526, %mul3A_2521 : vector<20x128x512xf32>
    %max3A_2528 = arith.constant 1.000000e-10 : f32
    %max3A_2529 = vector.broadcast %max3A_2528 : f32 to vector<20x128x512xf32>
    %max3A_2530 = arith.maximumf %sub3A_2527, %max3A_2529 : vector<20x128x512xf32>
    %div3A_2531 = arith.divf %mul3A_2521, %max3A_2530 : vector<20x128x512xf32>
    %gt3A_2532 = arith.constant 3.000000e-01 : f32
    %gt3A_2533 = vector.broadcast %gt3A_2532 : f32 to vector<20x128x512xf32>
    %gt3A_2534 = arith.cmpf ogt, %div3A_2531, %gt3A_2533 : vector<20x128x512xf32>
    %jit3A_2535 = arith.constant 1.000000e+00 : f32
    %jit3A_2536 = arith.constant 0.000000e+00 : f32
    %broadcast_in_dim3A_2537 = vector.broadcast %jit3A_2535 : f32 to vector<20x128x512xf32>
    %broadcast_in_dim3A_2538 = vector.broadcast %jit3A_2536 : f32 to vector<20x128x512xf32>
    %select_n3A_2539 = arith.select %gt3A_2534, %broadcast_in_dim3A_2537, %broadcast_in_dim3A_2538 : vector<20x128x512xi1>, vector<20x128x512xf32>
    %broadcast_in_dim3A_2540 = vector.shape_cast %while3A_2466#0 : vector<20x128xf32> to vector<20x128x1xf32>
    %mul3A_2541 = vector.broadcast %broadcast_in_dim3A_2540 : vector<20x128x1xf32> to vector<20x128x512xf32>
    %mul3A_2542 = arith.mulf %select_n3A_2539, %mul3A_2541 : vector<20x128x512xf32>
    %reduce_max3A_2543 = arith.constant dense<0xFF800000> : vector<20x512xf32>
    %reduce_max3A_2544 = vector.multi_reduction <maximumf>, %mul3A_2542, %reduce_max3A_2543 [1] : vector<20x128x512xf32> to vector<20x512xf32>
    %get3A_2545 = arith.constant 0 : index
    %get3A_2546 = arith.constant 1024 : index
    %get3A_2547 = vector.load %arg10[%get3A_2545, %get3A_2546] : memref<20x2048xf32, #tpu.memory_space<vmem>>, vector<20x512xf32>
    %sub3A_2548 = arith.constant 1.000000e+00 : f32
    %sub3A_2549 = vector.broadcast %sub3A_2548 : f32 to vector<20x512xf32>
    %sub3A_2550 = arith.subf %sub3A_2549, %reduce_max3A_2544 : vector<20x512xf32>
    %mul3A_2551 = arith.mulf %get3A_2547, %sub3A_2550 : vector<20x512xf32>
    %swap3A_2552 = arith.constant 0 : index
    %swap3A_2553 = arith.constant 1024 : index
    %swap3A_2554 = vector.load %arg10[%swap3A_2552, %swap3A_2553] : memref<20x2048xf32, #tpu.memory_space<vmem>>, vector<20x512xf32>
    tpu.vector_store %arg10[%swap3A_2552, %swap3A_2553], %mul3A_2551 {strides = array<i32>} : memref<20x2048xf32, #tpu.memory_space<vmem>>, vector<20x512xf32>,
    %slice3A_2555 = vector.extract_strided_slice %get3A_1 {offsets = [0, 1536], sizes = [20, 512], strides = [1, 1]} : vector<20x2048xf32> to vector<20x512xf32>
    %slice3A_2556 = vector.extract_strided_slice %get3A_4 {offsets = [0, 1536], sizes = [20, 512], strides = [1, 1]} : vector<20x2048xf32> to vector<20x512xf32>
    %slice3A_2557 = vector.extract_strided_slice %get3A_7 {offsets = [0, 1536], sizes = [20, 512], strides = [1, 1]} : vector<20x2048xf32> to vector<20x512xf32>
    %slice3A_2558 = vector.extract_strided_slice %get3A_10 {offsets = [0, 1536], sizes = [20, 512], strides = [1, 1]} : vector<20x2048xf32> to vector<20x512xf32>
    %slice3A_2559 = vector.extract_strided_slice %mul3A {offsets = [0, 1536], sizes = [20, 512], strides = [1, 1]} : vector<20x2048xf32> to vector<20x512xf32>
    %broadcast_in_dim3A_2560 = vector.shape_cast %slice3A_2408 : vector<20x128xf32> to vector<20x128x1xf32>
    %broadcast_in_dim3A_2561 = vector.shape_cast %slice3A_2555 : vector<20x512xf32> to vector<20x1x512xf32>
    %max3A_2562 = vector.broadcast %broadcast_in_dim3A_2560 : vector<20x128x1xf32> to vector<20x128x512xf32>
    %max3A_2563 = vector.broadcast %broadcast_in_dim3A_2561 : vector<20x1x512xf32> to vector<20x128x512xf32>
    %max3A_2564 = arith.maximumf %max3A_2562, %max3A_2563 : vector<20x128x512xf32>
    %broadcast_in_dim3A_2565 = vector.shape_cast %slice3A_2409 : vector<20x128xf32> to vector<20x128x1xf32>
    %broadcast_in_dim3A_2566 = vector.shape_cast %slice3A_2556 : vector<20x512xf32> to vector<20x1x512xf32>
    %max3A_2567 = vector.broadcast %broadcast_in_dim3A_2565 : vector<20x128x1xf32> to vector<20x128x512xf32>
    %max3A_2568 = vector.broadcast %broadcast_in_dim3A_2566 : vector<20x1x512xf32> to vector<20x128x512xf32>
    %max3A_2569 = arith.maximumf %max3A_2567, %max3A_2568 : vector<20x128x512xf32>
    %broadcast_in_dim3A_2570 = vector.shape_cast %slice3A_2410 : vector<20x128xf32> to vector<20x128x1xf32>
    %broadcast_in_dim3A_2571 = vector.shape_cast %slice3A_2557 : vector<20x512xf32> to vector<20x1x512xf32>
    %min3A_2572 = vector.broadcast %broadcast_in_dim3A_2570 : vector<20x128x1xf32> to vector<20x128x512xf32>
    %min3A_2573 = vector.broadcast %broadcast_in_dim3A_2571 : vector<20x1x512xf32> to vector<20x128x512xf32>
    %min3A_2574 = arith.minimumf %min3A_2572, %min3A_2573 : vector<20x128x512xf32>
    %broadcast_in_dim3A_2575 = vector.shape_cast %slice3A_2411 : vector<20x128xf32> to vector<20x128x1xf32>
    %broadcast_in_dim3A_2576 = vector.shape_cast %slice3A_2558 : vector<20x512xf32> to vector<20x1x512xf32>
    %min3A_2577 = vector.broadcast %broadcast_in_dim3A_2575 : vector<20x128x1xf32> to vector<20x128x512xf32>
    %min3A_2578 = vector.broadcast %broadcast_in_dim3A_2576 : vector<20x1x512xf32> to vector<20x128x512xf32>
    %min3A_2579 = arith.minimumf %min3A_2577, %min3A_2578 : vector<20x128x512xf32>
    %sub3A_2580 = arith.subf %min3A_2574, %max3A_2564 : vector<20x128x512xf32>
    %max3A_2581 = arith.constant 0.000000e+00 : f32
    %max3A_2582 = vector.broadcast %max3A_2581 : f32 to vector<20x128x512xf32>
    %max3A_2583 = arith.maximumf %sub3A_2580, %max3A_2582 : vector<20x128x512xf32>
    %sub3A_2584 = arith.subf %min3A_2579, %max3A_2569 : vector<20x128x512xf32>
    %max3A_2585 = arith.constant 0.000000e+00 : f32
    %max3A_2586 = vector.broadcast %max3A_2585 : f32 to vector<20x128x512xf32>
    %max3A_2587 = arith.maximumf %sub3A_2584, %max3A_2586 : vector<20x128x512xf32>
    %mul3A_2588 = arith.mulf %max3A_2583, %max3A_2587 : vector<20x128x512xf32>
    %broadcast_in_dim3A_2589 = vector.shape_cast %slice3A_2412 : vector<20x128xf32> to vector<20x128x1xf32>
    %broadcast_in_dim3A_2590 = vector.shape_cast %slice3A_2559 : vector<20x512xf32> to vector<20x1x512xf32>
    %add3A_2591 = vector.broadcast %broadcast_in_dim3A_2589 : vector<20x128x1xf32> to vector<20x128x512xf32>
    %add3A_2592 = vector.broadcast %broadcast_in_dim3A_2590 : vector<20x1x512xf32> to vector<20x128x512xf32>
    %add3A_2593 = arith.addf %add3A_2591, %add3A_2592 : vector<20x128x512xf32>
    %sub3A_2594 = arith.subf %add3A_2593, %mul3A_2588 : vector<20x128x512xf32>
    %max3A_2595 = arith.constant 1.000000e-10 : f32
    %max3A_2596 = vector.broadcast %max3A_2595 : f32 to vector<20x128x512xf32>
    %max3A_2597 = arith.maximumf %sub3A_2594, %max3A_2596 : vector<20x128x512xf32>
    %div3A_2598 = arith.divf %mul3A_2588, %max3A_2597 : vector<20x128x512xf32>
    %gt3A_2599 = arith.constant 3.000000e-01 : f32
    %gt3A_2600 = vector.broadcast %gt3A_2599 : f32 to vector<20x128x512xf32>
    %gt3A_2601 = arith.cmpf ogt, %div3A_2598, %gt3A_2600 : vector<20x128x512xf32>
    %jit3A_2602 = arith.constant 1.000000e+00 : f32
    %jit3A_2603 = arith.constant 0.000000e+00 : f32
    %broadcast_in_dim3A_2604 = vector.broadcast %jit3A_2602 : f32 to vector<20x128x512xf32>
    %broadcast_in_dim3A_2605 = vector.broadcast %jit3A_2603 : f32 to vector<20x128x512xf32>
    %select_n3A_2606 = arith.select %gt3A_2601, %broadcast_in_dim3A_2604, %broadcast_in_dim3A_2605 : vector<20x128x512xi1>, vector<20x128x512xf32>
    %broadcast_in_dim3A_2607 = vector.shape_cast %while3A_2466#0 : vector<20x128xf32> to vector<20x128x1xf32>
    %mul3A_2608 = vector.broadcast %broadcast_in_dim3A_2607 : vector<20x128x1xf32> to vector<20x128x512xf32>
    %mul3A_2609 = arith.mulf %select_n3A_2606, %mul3A_2608 : vector<20x128x512xf32>
    %reduce_max3A_2610 = arith.constant dense<0xFF800000> : vector<20x512xf32>
    %reduce_max3A_2611 = vector.multi_reduction <maximumf>, %mul3A_2609, %reduce_max3A_2610 [1] : vector<20x128x512xf32> to vector<20x512xf32>
    %get3A_2612 = arith.constant 0 : index
    %get3A_2613 = arith.constant 1536 : index
    %get3A_2614 = vector.load %arg10[%get3A_2612, %get3A_2613] : memref<20x2048xf32, #tpu.memory_space<vmem>>, vector<20x512xf32>
    %sub3A_2615 = arith.constant 1.000000e+00 : f32
    %sub3A_2616 = vector.broadcast %sub3A_2615 : f32 to vector<20x512xf32>
    %sub3A_2617 = arith.subf %sub3A_2616, %reduce_max3A_2611 : vector<20x512xf32>
    %mul3A_2618 = arith.mulf %get3A_2614, %sub3A_2617 : vector<20x512xf32>
    %swap3A_2619 = arith.constant 0 : index
    %swap3A_2620 = arith.constant 1536 : index
    %swap3A_2621 = vector.load %arg10[%swap3A_2619, %swap3A_2620] : memref<20x2048xf32, #tpu.memory_space<vmem>>, vector<20x512xf32>
    tpu.vector_store %arg10[%swap3A_2619, %swap3A_2620], %mul3A_2618 {strides = array<i32>} : memref<20x2048xf32, #tpu.memory_space<vmem>>, vector<20x512xf32>,
    %slice3A_2622 = vector.extract_strided_slice %get3A_1 {offsets = [0, 1152], sizes = [20, 128], strides = [1, 1]} : vector<20x2048xf32> to vector<20x128xf32>
    %slice3A_2623 = vector.extract_strided_slice %get3A_4 {offsets = [0, 1152], sizes = [20, 128], strides = [1, 1]} : vector<20x2048xf32> to vector<20x128xf32>
    %slice3A_2624 = vector.extract_strided_slice %get3A_7 {offsets = [0, 1152], sizes = [20, 128], strides = [1, 1]} : vector<20x2048xf32> to vector<20x128xf32>
    %slice3A_2625 = vector.extract_strided_slice %get3A_10 {offsets = [0, 1152], sizes = [20, 128], strides = [1, 1]} : vector<20x2048xf32> to vector<20x128xf32>
    %slice3A_2626 = vector.extract_strided_slice %mul3A {offsets = [0, 1152], sizes = [20, 128], strides = [1, 1]} : vector<20x2048xf32> to vector<20x128xf32>
    %broadcast_in_dim3A_2627 = vector.shape_cast %slice3A_2622 : vector<20x128xf32> to vector<20x128x1xf32>
    %broadcast_in_dim3A_2628 = vector.shape_cast %slice3A_2622 : vector<20x128xf32> to vector<20x1x128xf32>
    %max3A_2629 = vector.broadcast %broadcast_in_dim3A_2627 : vector<20x128x1xf32> to vector<20x128x128xf32>
    %max3A_2630 = vector.broadcast %broadcast_in_dim3A_2628 : vector<20x1x128xf32> to vector<20x128x128xf32>
    %max3A_2631 = arith.maximumf %max3A_2629, %max3A_2630 : vector<20x128x128xf32>
    %broadcast_in_dim3A_2632 = vector.shape_cast %slice3A_2623 : vector<20x128xf32> to vector<20x128x1xf32>
    %broadcast_in_dim3A_2633 = vector.shape_cast %slice3A_2623 : vector<20x128xf32> to vector<20x1x128xf32>
    %max3A_2634 = vector.broadcast %broadcast_in_dim3A_2632 : vector<20x128x1xf32> to vector<20x128x128xf32>
    %max3A_2635 = vector.broadcast %broadcast_in_dim3A_2633 : vector<20x1x128xf32> to vector<20x128x128xf32>
    %max3A_2636 = arith.maximumf %max3A_2634, %max3A_2635 : vector<20x128x128xf32>
    %broadcast_in_dim3A_2637 = vector.shape_cast %slice3A_2624 : vector<20x128xf32> to vector<20x128x1xf32>
    %broadcast_in_dim3A_2638 = vector.shape_cast %slice3A_2624 : vector<20x128xf32> to vector<20x1x128xf32>
    %min3A_2639 = vector.broadcast %broadcast_in_dim3A_2637 : vector<20x128x1xf32> to vector<20x128x128xf32>
    %min3A_2640 = vector.broadcast %broadcast_in_dim3A_2638 : vector<20x1x128xf32> to vector<20x128x128xf32>
    %min3A_2641 = arith.minimumf %min3A_2639, %min3A_2640 : vector<20x128x128xf32>
    %broadcast_in_dim3A_2642 = vector.shape_cast %slice3A_2625 : vector<20x128xf32> to vector<20x128x1xf32>
    %broadcast_in_dim3A_2643 = vector.shape_cast %slice3A_2625 : vector<20x128xf32> to vector<20x1x128xf32>
    %min3A_2644 = vector.broadcast %broadcast_in_dim3A_2642 : vector<20x128x1xf32> to vector<20x128x128xf32>
    %min3A_2645 = vector.broadcast %broadcast_in_dim3A_2643 : vector<20x1x128xf32> to vector<20x128x128xf32>
    %min3A_2646 = arith.minimumf %min3A_2644, %min3A_2645 : vector<20x128x128xf32>
    %sub3A_2647 = arith.subf %min3A_2641, %max3A_2631 : vector<20x128x128xf32>
    %max3A_2648 = arith.constant 0.000000e+00 : f32
    %max3A_2649 = vector.broadcast %max3A_2648 : f32 to vector<20x128x128xf32>
    %max3A_2650 = arith.maximumf %sub3A_2647, %max3A_2649 : vector<20x128x128xf32>
    %sub3A_2651 = arith.subf %min3A_2646, %max3A_2636 : vector<20x128x128xf32>
    %max3A_2652 = arith.constant 0.000000e+00 : f32
    %max3A_2653 = vector.broadcast %max3A_2652 : f32 to vector<20x128x128xf32>
    %max3A_2654 = arith.maximumf %sub3A_2651, %max3A_2653 : vector<20x128x128xf32>
    %mul3A_2655 = arith.mulf %max3A_2650, %max3A_2654 : vector<20x128x128xf32>
    %broadcast_in_dim3A_2656 = vector.shape_cast %slice3A_2626 : vector<20x128xf32> to vector<20x128x1xf32>
    %broadcast_in_dim3A_2657 = vector.shape_cast %slice3A_2626 : vector<20x128xf32> to vector<20x1x128xf32>
    %add3A_2658 = vector.broadcast %broadcast_in_dim3A_2656 : vector<20x128x1xf32> to vector<20x128x128xf32>
    %add3A_2659 = vector.broadcast %broadcast_in_dim3A_2657 : vector<20x1x128xf32> to vector<20x128x128xf32>
    %add3A_2660 = arith.addf %add3A_2658, %add3A_2659 : vector<20x128x128xf32>
    %sub3A_2661 = arith.subf %add3A_2660, %mul3A_2655 : vector<20x128x128xf32>
    %max3A_2662 = arith.constant 1.000000e-10 : f32
    %max3A_2663 = vector.broadcast %max3A_2662 : f32 to vector<20x128x128xf32>
    %max3A_2664 = arith.maximumf %sub3A_2661, %max3A_2663 : vector<20x128x128xf32>
    %div3A_2665 = arith.divf %mul3A_2655, %max3A_2664 : vector<20x128x128xf32>
    %gt3A_2666 = arith.constant 3.000000e-01 : f32
    %gt3A_2667 = vector.broadcast %gt3A_2666 : f32 to vector<20x128x128xf32>
    %gt3A_2668 = arith.cmpf ogt, %div3A_2665, %gt3A_2667 : vector<20x128x128xf32>
    %jit3A_2669 = arith.constant 1.000000e+00 : f32
    %jit3A_2670 = arith.constant 0.000000e+00 : f32
    %broadcast_in_dim3A_2671 = vector.broadcast %jit3A_2669 : f32 to vector<20x128x128xf32>
    %broadcast_in_dim3A_2672 = vector.broadcast %jit3A_2670 : f32 to vector<20x128x128xf32>
    %select_n3A_2673 = arith.select %gt3A_2668, %broadcast_in_dim3A_2671, %broadcast_in_dim3A_2672 : vector<20x128x128xi1>, vector<20x128x128xf32>
    %mul3A_2674 = vector.broadcast %select_n3A_31 : vector<1x128x128xf32> to vector<20x128x128xf32>
    %mul3A_2675 = arith.mulf %select_n3A_2673, %mul3A_2674 : vector<20x128x128xf32>
    %get3A_2676 = arith.constant 0 : index
    %get3A_2677 = arith.constant 1152 : index
    %get3A_2678 = vector.load %arg10[%get3A_2676, %get3A_2677] : memref<20x2048xf32, #tpu.memory_space<vmem>>, vector<20x128xf32>
    %while3A_2679 = arith.constant true
    %while3A_2680:2 = scf.while (%while3A_3718 = %get3A_2678, %while3A_3719 = %while3A_2679) : (vector<20x128xf32>, i1) -> (vector<20x128xf32>, i1) {
      scf.condition(%while3A_3719) %while3A_3718, %while3A_3719 : vector<20x128xf32>, i1
    } do {
    ^bb0(%while3A_3718: vector<20x128xf32>, %while3A_3719: i1):
      %broadcast_in_dim3A_3720 = vector.shape_cast %while3A_3718 : vector<20x128xf32> to vector<20x128x1xf32>
      %mul3A_3721 = vector.broadcast %broadcast_in_dim3A_3720 : vector<20x128x1xf32> to vector<20x128x128xf32>
      %mul3A_3722 = arith.mulf %mul3A_2675, %mul3A_3721 : vector<20x128x128xf32>
      %reduce_max3A_3723 = arith.constant dense<0xFF800000> : vector<20x128xf32>
      %reduce_max3A_3724 = vector.multi_reduction <maximumf>, %mul3A_3722, %reduce_max3A_3723 [1] : vector<20x128x128xf32> to vector<20x128xf32>
      %sub3A_3725 = arith.constant 1.000000e+00 : f32
      %sub3A_3726 = vector.broadcast %sub3A_3725 : f32 to vector<20x128xf32>
      %sub3A_3727 = arith.subf %sub3A_3726, %reduce_max3A_3724 : vector<20x128xf32>
      %mul3A_3728 = arith.mulf %get3A_2678, %sub3A_3727 : vector<20x128xf32>
      %ne3A = arith.cmpf one, %mul3A_3728, %while3A_3718 : vector<20x128xf32>
      %reduce_or3A = arith.constant 1.000000e+00 : f32
      %reduce_or3A_3729 = arith.constant 0.000000e+00 : f32
      %reduce_or3A_3730 = vector.broadcast %reduce_or3A : f32 to vector<20x128xf32>
      %reduce_or3A_3731 = vector.broadcast %reduce_or3A_3729 : f32 to vector<20x128xf32>
      %reduce_or3A_3732 = arith.select %ne3A, %reduce_or3A_3730, %reduce_or3A_3731 : vector<20x128xi1>, vector<20x128xf32>
      %reduce_or3A_3733 = vector.shape_cast %reduce_or3A_3732 : vector<20x128xf32> to vector<1x20x128xf32>
      %reduce_or3A_3734 = arith.constant dense<0xFF800000> : vector<1xf32>
      %reduce_or3A_3735 = vector.multi_reduction <maximumf>, %reduce_or3A_3733, %reduce_or3A_3734 [1, 2] : vector<1x20x128xf32> to vector<1xf32>
      %reduce_or3A_3736 = vector.shape_cast %reduce_or3A_3735 : vector<1xf32> to vector<1x1x1xf32>
      %reduce_or3A_3737 = vector.extract %reduce_or3A_3736[0, 0, 0] : f32 from vector<1x1x1xf32>
      %reduce_or3A_3738 = arith.constant 0.000000e+00 : f32
      %reduce_or3A_3739 = arith.cmpf ogt, %reduce_or3A_3737, %reduce_or3A_3738 : f32
      scf.yield %mul3A_3728, %reduce_or3A_3739 : vector<20x128xf32>, i1
    }
    %mul3A_2681 = arith.mulf %slice3A_2622, %while3A_2680#0 : vector<20x128xf32>
    %swap3A_2682 = arith.constant 0 : index
    %swap3A_2683 = arith.constant 1152 : index
    %swap3A_2684 = vector.load %arg5[%swap3A_2682, %swap3A_2683] : memref<20x2048xf32, #tpu.memory_space<vmem>>, vector<20x128xf32>
    tpu.vector_store %arg5[%swap3A_2682, %swap3A_2683], %mul3A_2681 {strides = array<i32>} : memref<20x2048xf32, #tpu.memory_space<vmem>>, vector<20x128xf32>,
    %mul3A_2685 = arith.mulf %slice3A_2623, %while3A_2680#0 : vector<20x128xf32>
    %swap3A_2686 = arith.constant 0 : index
    %swap3A_2687 = arith.constant 1152 : index
    %swap3A_2688 = vector.load %arg6[%swap3A_2686, %swap3A_2687] : memref<20x2048xf32, #tpu.memory_space<vmem>>, vector<20x128xf32>
    tpu.vector_store %arg6[%swap3A_2686, %swap3A_2687], %mul3A_2685 {strides = array<i32>} : memref<20x2048xf32, #tpu.memory_space<vmem>>, vector<20x128xf32>,
    %mul3A_2689 = arith.mulf %slice3A_2624, %while3A_2680#0 : vector<20x128xf32>
    %swap3A_2690 = arith.constant 0 : index
    %swap3A_2691 = arith.constant 1152 : index
    %swap3A_2692 = vector.load %arg7[%swap3A_2690, %swap3A_2691] : memref<20x2048xf32, #tpu.memory_space<vmem>>, vector<20x128xf32>
    tpu.vector_store %arg7[%swap3A_2690, %swap3A_2691], %mul3A_2689 {strides = array<i32>} : memref<20x2048xf32, #tpu.memory_space<vmem>>, vector<20x128xf32>,
    %mul3A_2693 = arith.mulf %slice3A_2625, %while3A_2680#0 : vector<20x128xf32>
    %swap3A_2694 = arith.constant 0 : index
    %swap3A_2695 = arith.constant 1152 : index
    %swap3A_2696 = vector.load %arg8[%swap3A_2694, %swap3A_2695] : memref<20x2048xf32, #tpu.memory_space<vmem>>, vector<20x128xf32>
    tpu.vector_store %arg8[%swap3A_2694, %swap3A_2695], %mul3A_2693 {strides = array<i32>} : memref<20x2048xf32, #tpu.memory_space<vmem>>, vector<20x128xf32>,
    %slice3A_2697 = vector.extract_strided_slice %get3A_13 {offsets = [0, 1152], sizes = [20, 128], strides = [1, 1]} : vector<20x2048xf32> to vector<20x128xf32>
    %mul3A_2698 = arith.mulf %slice3A_2697, %while3A_2680#0 : vector<20x128xf32>
    %swap3A_2699 = arith.constant 0 : index
    %swap3A_2700 = arith.constant 1152 : index
    %swap3A_2701 = vector.load %arg9[%swap3A_2699, %swap3A_2700] : memref<20x2048xf32, #tpu.memory_space<vmem>>, vector<20x128xf32>
    tpu.vector_store %arg9[%swap3A_2699, %swap3A_2700], %mul3A_2698 {strides = array<i32>} : memref<20x2048xf32, #tpu.memory_space<vmem>>, vector<20x128xf32>,
    %slice3A_2702 = vector.extract_strided_slice %get3A_1 {offsets = [0, 1024], sizes = [20, 512], strides = [1, 1]} : vector<20x2048xf32> to vector<20x512xf32>
    %slice3A_2703 = vector.extract_strided_slice %get3A_4 {offsets = [0, 1024], sizes = [20, 512], strides = [1, 1]} : vector<20x2048xf32> to vector<20x512xf32>
    %slice3A_2704 = vector.extract_strided_slice %get3A_7 {offsets = [0, 1024], sizes = [20, 512], strides = [1, 1]} : vector<20x2048xf32> to vector<20x512xf32>
    %slice3A_2705 = vector.extract_strided_slice %get3A_10 {offsets = [0, 1024], sizes = [20, 512], strides = [1, 1]} : vector<20x2048xf32> to vector<20x512xf32>
    %slice3A_2706 = vector.extract_strided_slice %mul3A {offsets = [0, 1024], sizes = [20, 512], strides = [1, 1]} : vector<20x2048xf32> to vector<20x512xf32>
    %broadcast_in_dim3A_2707 = vector.shape_cast %slice3A_2622 : vector<20x128xf32> to vector<20x128x1xf32>
    %broadcast_in_dim3A_2708 = vector.shape_cast %slice3A_2702 : vector<20x512xf32> to vector<20x1x512xf32>
    %max3A_2709 = vector.broadcast %broadcast_in_dim3A_2707 : vector<20x128x1xf32> to vector<20x128x512xf32>
    %max3A_2710 = vector.broadcast %broadcast_in_dim3A_2708 : vector<20x1x512xf32> to vector<20x128x512xf32>
    %max3A_2711 = arith.maximumf %max3A_2709, %max3A_2710 : vector<20x128x512xf32>
    %broadcast_in_dim3A_2712 = vector.shape_cast %slice3A_2623 : vector<20x128xf32> to vector<20x128x1xf32>
    %broadcast_in_dim3A_2713 = vector.shape_cast %slice3A_2703 : vector<20x512xf32> to vector<20x1x512xf32>
    %max3A_2714 = vector.broadcast %broadcast_in_dim3A_2712 : vector<20x128x1xf32> to vector<20x128x512xf32>
    %max3A_2715 = vector.broadcast %broadcast_in_dim3A_2713 : vector<20x1x512xf32> to vector<20x128x512xf32>
    %max3A_2716 = arith.maximumf %max3A_2714, %max3A_2715 : vector<20x128x512xf32>
    %broadcast_in_dim3A_2717 = vector.shape_cast %slice3A_2624 : vector<20x128xf32> to vector<20x128x1xf32>
    %broadcast_in_dim3A_2718 = vector.shape_cast %slice3A_2704 : vector<20x512xf32> to vector<20x1x512xf32>
    %min3A_2719 = vector.broadcast %broadcast_in_dim3A_2717 : vector<20x128x1xf32> to vector<20x128x512xf32>
    %min3A_2720 = vector.broadcast %broadcast_in_dim3A_2718 : vector<20x1x512xf32> to vector<20x128x512xf32>
    %min3A_2721 = arith.minimumf %min3A_2719, %min3A_2720 : vector<20x128x512xf32>
    %broadcast_in_dim3A_2722 = vector.shape_cast %slice3A_2625 : vector<20x128xf32> to vector<20x128x1xf32>
    %broadcast_in_dim3A_2723 = vector.shape_cast %slice3A_2705 : vector<20x512xf32> to vector<20x1x512xf32>
    %min3A_2724 = vector.broadcast %broadcast_in_dim3A_2722 : vector<20x128x1xf32> to vector<20x128x512xf32>
    %min3A_2725 = vector.broadcast %broadcast_in_dim3A_2723 : vector<20x1x512xf32> to vector<20x128x512xf32>
    %min3A_2726 = arith.minimumf %min3A_2724, %min3A_2725 : vector<20x128x512xf32>
    %sub3A_2727 = arith.subf %min3A_2721, %max3A_2711 : vector<20x128x512xf32>
    %max3A_2728 = arith.constant 0.000000e+00 : f32
    %max3A_2729 = vector.broadcast %max3A_2728 : f32 to vector<20x128x512xf32>
    %max3A_2730 = arith.maximumf %sub3A_2727, %max3A_2729 : vector<20x128x512xf32>
    %sub3A_2731 = arith.subf %min3A_2726, %max3A_2716 : vector<20x128x512xf32>
    %max3A_2732 = arith.constant 0.000000e+00 : f32
    %max3A_2733 = vector.broadcast %max3A_2732 : f32 to vector<20x128x512xf32>
    %max3A_2734 = arith.maximumf %sub3A_2731, %max3A_2733 : vector<20x128x512xf32>
    %mul3A_2735 = arith.mulf %max3A_2730, %max3A_2734 : vector<20x128x512xf32>
    %broadcast_in_dim3A_2736 = vector.shape_cast %slice3A_2626 : vector<20x128xf32> to vector<20x128x1xf32>
    %broadcast_in_dim3A_2737 = vector.shape_cast %slice3A_2706 : vector<20x512xf32> to vector<20x1x512xf32>
    %add3A_2738 = vector.broadcast %broadcast_in_dim3A_2736 : vector<20x128x1xf32> to vector<20x128x512xf32>
    %add3A_2739 = vector.broadcast %broadcast_in_dim3A_2737 : vector<20x1x512xf32> to vector<20x128x512xf32>
    %add3A_2740 = arith.addf %add3A_2738, %add3A_2739 : vector<20x128x512xf32>
    %sub3A_2741 = arith.subf %add3A_2740, %mul3A_2735 : vector<20x128x512xf32>
    %max3A_2742 = arith.constant 1.000000e-10 : f32
    %max3A_2743 = vector.broadcast %max3A_2742 : f32 to vector<20x128x512xf32>
    %max3A_2744 = arith.maximumf %sub3A_2741, %max3A_2743 : vector<20x128x512xf32>
    %div3A_2745 = arith.divf %mul3A_2735, %max3A_2744 : vector<20x128x512xf32>
    %gt3A_2746 = arith.constant 3.000000e-01 : f32
    %gt3A_2747 = vector.broadcast %gt3A_2746 : f32 to vector<20x128x512xf32>
    %gt3A_2748 = arith.cmpf ogt, %div3A_2745, %gt3A_2747 : vector<20x128x512xf32>
    %jit3A_2749 = arith.constant 1.000000e+00 : f32
    %jit3A_2750 = arith.constant 0.000000e+00 : f32
    %broadcast_in_dim3A_2751 = vector.broadcast %jit3A_2749 : f32 to vector<20x128x512xf32>
    %broadcast_in_dim3A_2752 = vector.broadcast %jit3A_2750 : f32 to vector<20x128x512xf32>
    %select_n3A_2753 = arith.select %gt3A_2748, %broadcast_in_dim3A_2751, %broadcast_in_dim3A_2752 : vector<20x128x512xi1>, vector<20x128x512xf32>
    %broadcast_in_dim3A_2754 = vector.shape_cast %while3A_2680#0 : vector<20x128xf32> to vector<20x128x1xf32>
    %mul3A_2755 = vector.broadcast %broadcast_in_dim3A_2754 : vector<20x128x1xf32> to vector<20x128x512xf32>
    %mul3A_2756 = arith.mulf %select_n3A_2753, %mul3A_2755 : vector<20x128x512xf32>
    %reduce_max3A_2757 = arith.constant dense<0xFF800000> : vector<20x512xf32>
    %reduce_max3A_2758 = vector.multi_reduction <maximumf>, %mul3A_2756, %reduce_max3A_2757 [1] : vector<20x128x512xf32> to vector<20x512xf32>
    %get3A_2759 = arith.constant 0 : index
    %get3A_2760 = arith.constant 1024 : index
    %get3A_2761 = vector.load %arg10[%get3A_2759, %get3A_2760] : memref<20x2048xf32, #tpu.memory_space<vmem>>, vector<20x512xf32>
    %sub3A_2762 = arith.constant 1.000000e+00 : f32
    %sub3A_2763 = vector.broadcast %sub3A_2762 : f32 to vector<20x512xf32>
    %sub3A_2764 = arith.subf %sub3A_2763, %reduce_max3A_2758 : vector<20x512xf32>
    %mul3A_2765 = arith.mulf %get3A_2761, %sub3A_2764 : vector<20x512xf32>
    %swap3A_2766 = arith.constant 0 : index
    %swap3A_2767 = arith.constant 1024 : index
    %swap3A_2768 = vector.load %arg10[%swap3A_2766, %swap3A_2767] : memref<20x2048xf32, #tpu.memory_space<vmem>>, vector<20x512xf32>
    tpu.vector_store %arg10[%swap3A_2766, %swap3A_2767], %mul3A_2765 {strides = array<i32>} : memref<20x2048xf32, #tpu.memory_space<vmem>>, vector<20x512xf32>,
    %slice3A_2769 = vector.extract_strided_slice %get3A_1 {offsets = [0, 1536], sizes = [20, 512], strides = [1, 1]} : vector<20x2048xf32> to vector<20x512xf32>
    %slice3A_2770 = vector.extract_strided_slice %get3A_4 {offsets = [0, 1536], sizes = [20, 512], strides = [1, 1]} : vector<20x2048xf32> to vector<20x512xf32>
    %slice3A_2771 = vector.extract_strided_slice %get3A_7 {offsets = [0, 1536], sizes = [20, 512], strides = [1, 1]} : vector<20x2048xf32> to vector<20x512xf32>
    %slice3A_2772 = vector.extract_strided_slice %get3A_10 {offsets = [0, 1536], sizes = [20, 512], strides = [1, 1]} : vector<20x2048xf32> to vector<20x512xf32>
    %slice3A_2773 = vector.extract_strided_slice %mul3A {offsets = [0, 1536], sizes = [20, 512], strides = [1, 1]} : vector<20x2048xf32> to vector<20x512xf32>
    %broadcast_in_dim3A_2774 = vector.shape_cast %slice3A_2622 : vector<20x128xf32> to vector<20x128x1xf32>
    %broadcast_in_dim3A_2775 = vector.shape_cast %slice3A_2769 : vector<20x512xf32> to vector<20x1x512xf32>
    %max3A_2776 = vector.broadcast %broadcast_in_dim3A_2774 : vector<20x128x1xf32> to vector<20x128x512xf32>
    %max3A_2777 = vector.broadcast %broadcast_in_dim3A_2775 : vector<20x1x512xf32> to vector<20x128x512xf32>
    %max3A_2778 = arith.maximumf %max3A_2776, %max3A_2777 : vector<20x128x512xf32>
    %broadcast_in_dim3A_2779 = vector.shape_cast %slice3A_2623 : vector<20x128xf32> to vector<20x128x1xf32>
    %broadcast_in_dim3A_2780 = vector.shape_cast %slice3A_2770 : vector<20x512xf32> to vector<20x1x512xf32>
    %max3A_2781 = vector.broadcast %broadcast_in_dim3A_2779 : vector<20x128x1xf32> to vector<20x128x512xf32>
    %max3A_2782 = vector.broadcast %broadcast_in_dim3A_2780 : vector<20x1x512xf32> to vector<20x128x512xf32>
    %max3A_2783 = arith.maximumf %max3A_2781, %max3A_2782 : vector<20x128x512xf32>
    %broadcast_in_dim3A_2784 = vector.shape_cast %slice3A_2624 : vector<20x128xf32> to vector<20x128x1xf32>
    %broadcast_in_dim3A_2785 = vector.shape_cast %slice3A_2771 : vector<20x512xf32> to vector<20x1x512xf32>
    %min3A_2786 = vector.broadcast %broadcast_in_dim3A_2784 : vector<20x128x1xf32> to vector<20x128x512xf32>
    %min3A_2787 = vector.broadcast %broadcast_in_dim3A_2785 : vector<20x1x512xf32> to vector<20x128x512xf32>
    %min3A_2788 = arith.minimumf %min3A_2786, %min3A_2787 : vector<20x128x512xf32>
    %broadcast_in_dim3A_2789 = vector.shape_cast %slice3A_2625 : vector<20x128xf32> to vector<20x128x1xf32>
    %broadcast_in_dim3A_2790 = vector.shape_cast %slice3A_2772 : vector<20x512xf32> to vector<20x1x512xf32>
    %min3A_2791 = vector.broadcast %broadcast_in_dim3A_2789 : vector<20x128x1xf32> to vector<20x128x512xf32>
    %min3A_2792 = vector.broadcast %broadcast_in_dim3A_2790 : vector<20x1x512xf32> to vector<20x128x512xf32>
    %min3A_2793 = arith.minimumf %min3A_2791, %min3A_2792 : vector<20x128x512xf32>
    %sub3A_2794 = arith.subf %min3A_2788, %max3A_2778 : vector<20x128x512xf32>
    %max3A_2795 = arith.constant 0.000000e+00 : f32
    %max3A_2796 = vector.broadcast %max3A_2795 : f32 to vector<20x128x512xf32>
    %max3A_2797 = arith.maximumf %sub3A_2794, %max3A_2796 : vector<20x128x512xf32>
    %sub3A_2798 = arith.subf %min3A_2793, %max3A_2783 : vector<20x128x512xf32>
    %max3A_2799 = arith.constant 0.000000e+00 : f32
    %max3A_2800 = vector.broadcast %max3A_2799 : f32 to vector<20x128x512xf32>
    %max3A_2801 = arith.maximumf %sub3A_2798, %max3A_2800 : vector<20x128x512xf32>
    %mul3A_2802 = arith.mulf %max3A_2797, %max3A_2801 : vector<20x128x512xf32>
    %broadcast_in_dim3A_2803 = vector.shape_cast %slice3A_2626 : vector<20x128xf32> to vector<20x128x1xf32>
    %broadcast_in_dim3A_2804 = vector.shape_cast %slice3A_2773 : vector<20x512xf32> to vector<20x1x512xf32>
    %add3A_2805 = vector.broadcast %broadcast_in_dim3A_2803 : vector<20x128x1xf32> to vector<20x128x512xf32>
    %add3A_2806 = vector.broadcast %broadcast_in_dim3A_2804 : vector<20x1x512xf32> to vector<20x128x512xf32>
    %add3A_2807 = arith.addf %add3A_2805, %add3A_2806 : vector<20x128x512xf32>
    %sub3A_2808 = arith.subf %add3A_2807, %mul3A_2802 : vector<20x128x512xf32>
    %max3A_2809 = arith.constant 1.000000e-10 : f32
    %max3A_2810 = vector.broadcast %max3A_2809 : f32 to vector<20x128x512xf32>
    %max3A_2811 = arith.maximumf %sub3A_2808, %max3A_2810 : vector<20x128x512xf32>
    %div3A_2812 = arith.divf %mul3A_2802, %max3A_2811 : vector<20x128x512xf32>
    %gt3A_2813 = arith.constant 3.000000e-01 : f32
    %gt3A_2814 = vector.broadcast %gt3A_2813 : f32 to vector<20x128x512xf32>
    %gt3A_2815 = arith.cmpf ogt, %div3A_2812, %gt3A_2814 : vector<20x128x512xf32>
    %jit3A_2816 = arith.constant 1.000000e+00 : f32
    %jit3A_2817 = arith.constant 0.000000e+00 : f32
    %broadcast_in_dim3A_2818 = vector.broadcast %jit3A_2816 : f32 to vector<20x128x512xf32>
    %broadcast_in_dim3A_2819 = vector.broadcast %jit3A_2817 : f32 to vector<20x128x512xf32>
    %select_n3A_2820 = arith.select %gt3A_2815, %broadcast_in_dim3A_2818, %broadcast_in_dim3A_2819 : vector<20x128x512xi1>, vector<20x128x512xf32>
    %broadcast_in_dim3A_2821 = vector.shape_cast %while3A_2680#0 : vector<20x128xf32> to vector<20x128x1xf32>
    %mul3A_2822 = vector.broadcast %broadcast_in_dim3A_2821 : vector<20x128x1xf32> to vector<20x128x512xf32>
    %mul3A_2823 = arith.mulf %select_n3A_2820, %mul3A_2822 : vector<20x128x512xf32>
    %reduce_max3A_2824 = arith.constant dense<0xFF800000> : vector<20x512xf32>
    %reduce_max3A_2825 = vector.multi_reduction <maximumf>, %mul3A_2823, %reduce_max3A_2824 [1] : vector<20x128x512xf32> to vector<20x512xf32>
    %get3A_2826 = arith.constant 0 : index
    %get3A_2827 = arith.constant 1536 : index
    %get3A_2828 = vector.load %arg10[%get3A_2826, %get3A_2827] : memref<20x2048xf32, #tpu.memory_space<vmem>>, vector<20x512xf32>
    %sub3A_2829 = arith.constant 1.000000e+00 : f32
    %sub3A_2830 = vector.broadcast %sub3A_2829 : f32 to vector<20x512xf32>
    %sub3A_2831 = arith.subf %sub3A_2830, %reduce_max3A_2825 : vector<20x512xf32>
    %mul3A_2832 = arith.mulf %get3A_2828, %sub3A_2831 : vector<20x512xf32>
    %swap3A_2833 = arith.constant 0 : index
    %swap3A_2834 = arith.constant 1536 : index
    %swap3A_2835 = vector.load %arg10[%swap3A_2833, %swap3A_2834] : memref<20x2048xf32, #tpu.memory_space<vmem>>, vector<20x512xf32>
    tpu.vector_store %arg10[%swap3A_2833, %swap3A_2834], %mul3A_2832 {strides = array<i32>} : memref<20x2048xf32, #tpu.memory_space<vmem>>, vector<20x512xf32>,
    %slice3A_2836 = vector.extract_strided_slice %get3A_1 {offsets = [0, 1280], sizes = [20, 128], strides = [1, 1]} : vector<20x2048xf32> to vector<20x128xf32>
    %slice3A_2837 = vector.extract_strided_slice %get3A_4 {offsets = [0, 1280], sizes = [20, 128], strides = [1, 1]} : vector<20x2048xf32> to vector<20x128xf32>
    %slice3A_2838 = vector.extract_strided_slice %get3A_7 {offsets = [0, 1280], sizes = [20, 128], strides = [1, 1]} : vector<20x2048xf32> to vector<20x128xf32>
    %slice3A_2839 = vector.extract_strided_slice %get3A_10 {offsets = [0, 1280], sizes = [20, 128], strides = [1, 1]} : vector<20x2048xf32> to vector<20x128xf32>
    %slice3A_2840 = vector.extract_strided_slice %mul3A {offsets = [0, 1280], sizes = [20, 128], strides = [1, 1]} : vector<20x2048xf32> to vector<20x128xf32>
    %broadcast_in_dim3A_2841 = vector.shape_cast %slice3A_2836 : vector<20x128xf32> to vector<20x128x1xf32>
    %broadcast_in_dim3A_2842 = vector.shape_cast %slice3A_2836 : vector<20x128xf32> to vector<20x1x128xf32>
    %max3A_2843 = vector.broadcast %broadcast_in_dim3A_2841 : vector<20x128x1xf32> to vector<20x128x128xf32>
    %max3A_2844 = vector.broadcast %broadcast_in_dim3A_2842 : vector<20x1x128xf32> to vector<20x128x128xf32>
    %max3A_2845 = arith.maximumf %max3A_2843, %max3A_2844 : vector<20x128x128xf32>
    %broadcast_in_dim3A_2846 = vector.shape_cast %slice3A_2837 : vector<20x128xf32> to vector<20x128x1xf32>
    %broadcast_in_dim3A_2847 = vector.shape_cast %slice3A_2837 : vector<20x128xf32> to vector<20x1x128xf32>
    %max3A_2848 = vector.broadcast %broadcast_in_dim3A_2846 : vector<20x128x1xf32> to vector<20x128x128xf32>
    %max3A_2849 = vector.broadcast %broadcast_in_dim3A_2847 : vector<20x1x128xf32> to vector<20x128x128xf32>
    %max3A_2850 = arith.maximumf %max3A_2848, %max3A_2849 : vector<20x128x128xf32>
    %broadcast_in_dim3A_2851 = vector.shape_cast %slice3A_2838 : vector<20x128xf32> to vector<20x128x1xf32>
    %broadcast_in_dim3A_2852 = vector.shape_cast %slice3A_2838 : vector<20x128xf32> to vector<20x1x128xf32>
    %min3A_2853 = vector.broadcast %broadcast_in_dim3A_2851 : vector<20x128x1xf32> to vector<20x128x128xf32>
    %min3A_2854 = vector.broadcast %broadcast_in_dim3A_2852 : vector<20x1x128xf32> to vector<20x128x128xf32>
    %min3A_2855 = arith.minimumf %min3A_2853, %min3A_2854 : vector<20x128x128xf32>
    %broadcast_in_dim3A_2856 = vector.shape_cast %slice3A_2839 : vector<20x128xf32> to vector<20x128x1xf32>
    %broadcast_in_dim3A_2857 = vector.shape_cast %slice3A_2839 : vector<20x128xf32> to vector<20x1x128xf32>
    %min3A_2858 = vector.broadcast %broadcast_in_dim3A_2856 : vector<20x128x1xf32> to vector<20x128x128xf32>
    %min3A_2859 = vector.broadcast %broadcast_in_dim3A_2857 : vector<20x1x128xf32> to vector<20x128x128xf32>
    %min3A_2860 = arith.minimumf %min3A_2858, %min3A_2859 : vector<20x128x128xf32>
    %sub3A_2861 = arith.subf %min3A_2855, %max3A_2845 : vector<20x128x128xf32>
    %max3A_2862 = arith.constant 0.000000e+00 : f32
    %max3A_2863 = vector.broadcast %max3A_2862 : f32 to vector<20x128x128xf32>
    %max3A_2864 = arith.maximumf %sub3A_2861, %max3A_2863 : vector<20x128x128xf32>
    %sub3A_2865 = arith.subf %min3A_2860, %max3A_2850 : vector<20x128x128xf32>
    %max3A_2866 = arith.constant 0.000000e+00 : f32
    %max3A_2867 = vector.broadcast %max3A_2866 : f32 to vector<20x128x128xf32>
    %max3A_2868 = arith.maximumf %sub3A_2865, %max3A_2867 : vector<20x128x128xf32>
    %mul3A_2869 = arith.mulf %max3A_2864, %max3A_2868 : vector<20x128x128xf32>
    %broadcast_in_dim3A_2870 = vector.shape_cast %slice3A_2840 : vector<20x128xf32> to vector<20x128x1xf32>
    %broadcast_in_dim3A_2871 = vector.shape_cast %slice3A_2840 : vector<20x128xf32> to vector<20x1x128xf32>
    %add3A_2872 = vector.broadcast %broadcast_in_dim3A_2870 : vector<20x128x1xf32> to vector<20x128x128xf32>
    %add3A_2873 = vector.broadcast %broadcast_in_dim3A_2871 : vector<20x1x128xf32> to vector<20x128x128xf32>
    %add3A_2874 = arith.addf %add3A_2872, %add3A_2873 : vector<20x128x128xf32>
    %sub3A_2875 = arith.subf %add3A_2874, %mul3A_2869 : vector<20x128x128xf32>
    %max3A_2876 = arith.constant 1.000000e-10 : f32
    %max3A_2877 = vector.broadcast %max3A_2876 : f32 to vector<20x128x128xf32>
    %max3A_2878 = arith.maximumf %sub3A_2875, %max3A_2877 : vector<20x128x128xf32>
    %div3A_2879 = arith.divf %mul3A_2869, %max3A_2878 : vector<20x128x128xf32>
    %gt3A_2880 = arith.constant 3.000000e-01 : f32
    %gt3A_2881 = vector.broadcast %gt3A_2880 : f32 to vector<20x128x128xf32>
    %gt3A_2882 = arith.cmpf ogt, %div3A_2879, %gt3A_2881 : vector<20x128x128xf32>
    %jit3A_2883 = arith.constant 1.000000e+00 : f32
    %jit3A_2884 = arith.constant 0.000000e+00 : f32
    %broadcast_in_dim3A_2885 = vector.broadcast %jit3A_2883 : f32 to vector<20x128x128xf32>
    %broadcast_in_dim3A_2886 = vector.broadcast %jit3A_2884 : f32 to vector<20x128x128xf32>
    %select_n3A_2887 = arith.select %gt3A_2882, %broadcast_in_dim3A_2885, %broadcast_in_dim3A_2886 : vector<20x128x128xi1>, vector<20x128x128xf32>
    %mul3A_2888 = vector.broadcast %select_n3A_31 : vector<1x128x128xf32> to vector<20x128x128xf32>
    %mul3A_2889 = arith.mulf %select_n3A_2887, %mul3A_2888 : vector<20x128x128xf32>
    %get3A_2890 = arith.constant 0 : index
    %get3A_2891 = arith.constant 1280 : index
    %get3A_2892 = vector.load %arg10[%get3A_2890, %get3A_2891] : memref<20x2048xf32, #tpu.memory_space<vmem>>, vector<20x128xf32>
    %while3A_2893 = arith.constant true
    %while3A_2894:2 = scf.while (%while3A_3718 = %get3A_2892, %while3A_3719 = %while3A_2893) : (vector<20x128xf32>, i1) -> (vector<20x128xf32>, i1) {
      scf.condition(%while3A_3719) %while3A_3718, %while3A_3719 : vector<20x128xf32>, i1
    } do {
    ^bb0(%while3A_3718: vector<20x128xf32>, %while3A_3719: i1):
      %broadcast_in_dim3A_3720 = vector.shape_cast %while3A_3718 : vector<20x128xf32> to vector<20x128x1xf32>
      %mul3A_3721 = vector.broadcast %broadcast_in_dim3A_3720 : vector<20x128x1xf32> to vector<20x128x128xf32>
      %mul3A_3722 = arith.mulf %mul3A_2889, %mul3A_3721 : vector<20x128x128xf32>
      %reduce_max3A_3723 = arith.constant dense<0xFF800000> : vector<20x128xf32>
      %reduce_max3A_3724 = vector.multi_reduction <maximumf>, %mul3A_3722, %reduce_max3A_3723 [1] : vector<20x128x128xf32> to vector<20x128xf32>
      %sub3A_3725 = arith.constant 1.000000e+00 : f32
      %sub3A_3726 = vector.broadcast %sub3A_3725 : f32 to vector<20x128xf32>
      %sub3A_3727 = arith.subf %sub3A_3726, %reduce_max3A_3724 : vector<20x128xf32>
      %mul3A_3728 = arith.mulf %get3A_2892, %sub3A_3727 : vector<20x128xf32>
      %ne3A = arith.cmpf one, %mul3A_3728, %while3A_3718 : vector<20x128xf32>
      %reduce_or3A = arith.constant 1.000000e+00 : f32
      %reduce_or3A_3729 = arith.constant 0.000000e+00 : f32
      %reduce_or3A_3730 = vector.broadcast %reduce_or3A : f32 to vector<20x128xf32>
      %reduce_or3A_3731 = vector.broadcast %reduce_or3A_3729 : f32 to vector<20x128xf32>
      %reduce_or3A_3732 = arith.select %ne3A, %reduce_or3A_3730, %reduce_or3A_3731 : vector<20x128xi1>, vector<20x128xf32>
      %reduce_or3A_3733 = vector.shape_cast %reduce_or3A_3732 : vector<20x128xf32> to vector<1x20x128xf32>
      %reduce_or3A_3734 = arith.constant dense<0xFF800000> : vector<1xf32>
      %reduce_or3A_3735 = vector.multi_reduction <maximumf>, %reduce_or3A_3733, %reduce_or3A_3734 [1, 2] : vector<1x20x128xf32> to vector<1xf32>
      %reduce_or3A_3736 = vector.shape_cast %reduce_or3A_3735 : vector<1xf32> to vector<1x1x1xf32>
      %reduce_or3A_3737 = vector.extract %reduce_or3A_3736[0, 0, 0] : f32 from vector<1x1x1xf32>
      %reduce_or3A_3738 = arith.constant 0.000000e+00 : f32
      %reduce_or3A_3739 = arith.cmpf ogt, %reduce_or3A_3737, %reduce_or3A_3738 : f32
      scf.yield %mul3A_3728, %reduce_or3A_3739 : vector<20x128xf32>, i1
    }
    %mul3A_2895 = arith.mulf %slice3A_2836, %while3A_2894#0 : vector<20x128xf32>
    %swap3A_2896 = arith.constant 0 : index
    %swap3A_2897 = arith.constant 1280 : index
    %swap3A_2898 = vector.load %arg5[%swap3A_2896, %swap3A_2897] : memref<20x2048xf32, #tpu.memory_space<vmem>>, vector<20x128xf32>
    tpu.vector_store %arg5[%swap3A_2896, %swap3A_2897], %mul3A_2895 {strides = array<i32>} : memref<20x2048xf32, #tpu.memory_space<vmem>>, vector<20x128xf32>,
    %mul3A_2899 = arith.mulf %slice3A_2837, %while3A_2894#0 : vector<20x128xf32>
    %swap3A_2900 = arith.constant 0 : index
    %swap3A_2901 = arith.constant 1280 : index
    %swap3A_2902 = vector.load %arg6[%swap3A_2900, %swap3A_2901] : memref<20x2048xf32, #tpu.memory_space<vmem>>, vector<20x128xf32>
    tpu.vector_store %arg6[%swap3A_2900, %swap3A_2901], %mul3A_2899 {strides = array<i32>} : memref<20x2048xf32, #tpu.memory_space<vmem>>, vector<20x128xf32>,
    %mul3A_2903 = arith.mulf %slice3A_2838, %while3A_2894#0 : vector<20x128xf32>
    %swap3A_2904 = arith.constant 0 : index
    %swap3A_2905 = arith.constant 1280 : index
    %swap3A_2906 = vector.load %arg7[%swap3A_2904, %swap3A_2905] : memref<20x2048xf32, #tpu.memory_space<vmem>>, vector<20x128xf32>
    tpu.vector_store %arg7[%swap3A_2904, %swap3A_2905], %mul3A_2903 {strides = array<i32>} : memref<20x2048xf32, #tpu.memory_space<vmem>>, vector<20x128xf32>,
    %mul3A_2907 = arith.mulf %slice3A_2839, %while3A_2894#0 : vector<20x128xf32>
    %swap3A_2908 = arith.constant 0 : index
    %swap3A_2909 = arith.constant 1280 : index
    %swap3A_2910 = vector.load %arg8[%swap3A_2908, %swap3A_2909] : memref<20x2048xf32, #tpu.memory_space<vmem>>, vector<20x128xf32>
    tpu.vector_store %arg8[%swap3A_2908, %swap3A_2909], %mul3A_2907 {strides = array<i32>} : memref<20x2048xf32, #tpu.memory_space<vmem>>, vector<20x128xf32>,
    %slice3A_2911 = vector.extract_strided_slice %get3A_13 {offsets = [0, 1280], sizes = [20, 128], strides = [1, 1]} : vector<20x2048xf32> to vector<20x128xf32>
    %mul3A_2912 = arith.mulf %slice3A_2911, %while3A_2894#0 : vector<20x128xf32>
    %swap3A_2913 = arith.constant 0 : index
    %swap3A_2914 = arith.constant 1280 : index
    %swap3A_2915 = vector.load %arg9[%swap3A_2913, %swap3A_2914] : memref<20x2048xf32, #tpu.memory_space<vmem>>, vector<20x128xf32>
    tpu.vector_store %arg9[%swap3A_2913, %swap3A_2914], %mul3A_2912 {strides = array<i32>} : memref<20x2048xf32, #tpu.memory_space<vmem>>, vector<20x128xf32>,
    %slice3A_2916 = vector.extract_strided_slice %get3A_1 {offsets = [0, 1024], sizes = [20, 512], strides = [1, 1]} : vector<20x2048xf32> to vector<20x512xf32>
    %slice3A_2917 = vector.extract_strided_slice %get3A_4 {offsets = [0, 1024], sizes = [20, 512], strides = [1, 1]} : vector<20x2048xf32> to vector<20x512xf32>
    %slice3A_2918 = vector.extract_strided_slice %get3A_7 {offsets = [0, 1024], sizes = [20, 512], strides = [1, 1]} : vector<20x2048xf32> to vector<20x512xf32>
    %slice3A_2919 = vector.extract_strided_slice %get3A_10 {offsets = [0, 1024], sizes = [20, 512], strides = [1, 1]} : vector<20x2048xf32> to vector<20x512xf32>
    %slice3A_2920 = vector.extract_strided_slice %mul3A {offsets = [0, 1024], sizes = [20, 512], strides = [1, 1]} : vector<20x2048xf32> to vector<20x512xf32>
    %broadcast_in_dim3A_2921 = vector.shape_cast %slice3A_2836 : vector<20x128xf32> to vector<20x128x1xf32>
    %broadcast_in_dim3A_2922 = vector.shape_cast %slice3A_2916 : vector<20x512xf32> to vector<20x1x512xf32>
    %max3A_2923 = vector.broadcast %broadcast_in_dim3A_2921 : vector<20x128x1xf32> to vector<20x128x512xf32>
    %max3A_2924 = vector.broadcast %broadcast_in_dim3A_2922 : vector<20x1x512xf32> to vector<20x128x512xf32>
    %max3A_2925 = arith.maximumf %max3A_2923, %max3A_2924 : vector<20x128x512xf32>
    %broadcast_in_dim3A_2926 = vector.shape_cast %slice3A_2837 : vector<20x128xf32> to vector<20x128x1xf32>
    %broadcast_in_dim3A_2927 = vector.shape_cast %slice3A_2917 : vector<20x512xf32> to vector<20x1x512xf32>
    %max3A_2928 = vector.broadcast %broadcast_in_dim3A_2926 : vector<20x128x1xf32> to vector<20x128x512xf32>
    %max3A_2929 = vector.broadcast %broadcast_in_dim3A_2927 : vector<20x1x512xf32> to vector<20x128x512xf32>
    %max3A_2930 = arith.maximumf %max3A_2928, %max3A_2929 : vector<20x128x512xf32>
    %broadcast_in_dim3A_2931 = vector.shape_cast %slice3A_2838 : vector<20x128xf32> to vector<20x128x1xf32>
    %broadcast_in_dim3A_2932 = vector.shape_cast %slice3A_2918 : vector<20x512xf32> to vector<20x1x512xf32>
    %min3A_2933 = vector.broadcast %broadcast_in_dim3A_2931 : vector<20x128x1xf32> to vector<20x128x512xf32>
    %min3A_2934 = vector.broadcast %broadcast_in_dim3A_2932 : vector<20x1x512xf32> to vector<20x128x512xf32>
    %min3A_2935 = arith.minimumf %min3A_2933, %min3A_2934 : vector<20x128x512xf32>
    %broadcast_in_dim3A_2936 = vector.shape_cast %slice3A_2839 : vector<20x128xf32> to vector<20x128x1xf32>
    %broadcast_in_dim3A_2937 = vector.shape_cast %slice3A_2919 : vector<20x512xf32> to vector<20x1x512xf32>
    %min3A_2938 = vector.broadcast %broadcast_in_dim3A_2936 : vector<20x128x1xf32> to vector<20x128x512xf32>
    %min3A_2939 = vector.broadcast %broadcast_in_dim3A_2937 : vector<20x1x512xf32> to vector<20x128x512xf32>
    %min3A_2940 = arith.minimumf %min3A_2938, %min3A_2939 : vector<20x128x512xf32>
    %sub3A_2941 = arith.subf %min3A_2935, %max3A_2925 : vector<20x128x512xf32>
    %max3A_2942 = arith.constant 0.000000e+00 : f32
    %max3A_2943 = vector.broadcast %max3A_2942 : f32 to vector<20x128x512xf32>
    %max3A_2944 = arith.maximumf %sub3A_2941, %max3A_2943 : vector<20x128x512xf32>
    %sub3A_2945 = arith.subf %min3A_2940, %max3A_2930 : vector<20x128x512xf32>
    %max3A_2946 = arith.constant 0.000000e+00 : f32
    %max3A_2947 = vector.broadcast %max3A_2946 : f32 to vector<20x128x512xf32>
    %max3A_2948 = arith.maximumf %sub3A_2945, %max3A_2947 : vector<20x128x512xf32>
    %mul3A_2949 = arith.mulf %max3A_2944, %max3A_2948 : vector<20x128x512xf32>
    %broadcast_in_dim3A_2950 = vector.shape_cast %slice3A_2840 : vector<20x128xf32> to vector<20x128x1xf32>
    %broadcast_in_dim3A_2951 = vector.shape_cast %slice3A_2920 : vector<20x512xf32> to vector<20x1x512xf32>
    %add3A_2952 = vector.broadcast %broadcast_in_dim3A_2950 : vector<20x128x1xf32> to vector<20x128x512xf32>
    %add3A_2953 = vector.broadcast %broadcast_in_dim3A_2951 : vector<20x1x512xf32> to vector<20x128x512xf32>
    %add3A_2954 = arith.addf %add3A_2952, %add3A_2953 : vector<20x128x512xf32>
    %sub3A_2955 = arith.subf %add3A_2954, %mul3A_2949 : vector<20x128x512xf32>
    %max3A_2956 = arith.constant 1.000000e-10 : f32
    %max3A_2957 = vector.broadcast %max3A_2956 : f32 to vector<20x128x512xf32>
    %max3A_2958 = arith.maximumf %sub3A_2955, %max3A_2957 : vector<20x128x512xf32>
    %div3A_2959 = arith.divf %mul3A_2949, %max3A_2958 : vector<20x128x512xf32>
    %gt3A_2960 = arith.constant 3.000000e-01 : f32
    %gt3A_2961 = vector.broadcast %gt3A_2960 : f32 to vector<20x128x512xf32>
    %gt3A_2962 = arith.cmpf ogt, %div3A_2959, %gt3A_2961 : vector<20x128x512xf32>
    %jit3A_2963 = arith.constant 1.000000e+00 : f32
    %jit3A_2964 = arith.constant 0.000000e+00 : f32
    %broadcast_in_dim3A_2965 = vector.broadcast %jit3A_2963 : f32 to vector<20x128x512xf32>
    %broadcast_in_dim3A_2966 = vector.broadcast %jit3A_2964 : f32 to vector<20x128x512xf32>
    %select_n3A_2967 = arith.select %gt3A_2962, %broadcast_in_dim3A_2965, %broadcast_in_dim3A_2966 : vector<20x128x512xi1>, vector<20x128x512xf32>
    %broadcast_in_dim3A_2968 = vector.shape_cast %while3A_2894#0 : vector<20x128xf32> to vector<20x128x1xf32>
    %mul3A_2969 = vector.broadcast %broadcast_in_dim3A_2968 : vector<20x128x1xf32> to vector<20x128x512xf32>
    %mul3A_2970 = arith.mulf %select_n3A_2967, %mul3A_2969 : vector<20x128x512xf32>
    %reduce_max3A_2971 = arith.constant dense<0xFF800000> : vector<20x512xf32>
    %reduce_max3A_2972 = vector.multi_reduction <maximumf>, %mul3A_2970, %reduce_max3A_2971 [1] : vector<20x128x512xf32> to vector<20x512xf32>
    %get3A_2973 = arith.constant 0 : index
    %get3A_2974 = arith.constant 1024 : index
    %get3A_2975 = vector.load %arg10[%get3A_2973, %get3A_2974] : memref<20x2048xf32, #tpu.memory_space<vmem>>, vector<20x512xf32>
    %sub3A_2976 = arith.constant 1.000000e+00 : f32
    %sub3A_2977 = vector.broadcast %sub3A_2976 : f32 to vector<20x512xf32>
    %sub3A_2978 = arith.subf %sub3A_2977, %reduce_max3A_2972 : vector<20x512xf32>
    %mul3A_2979 = arith.mulf %get3A_2975, %sub3A_2978 : vector<20x512xf32>
    %swap3A_2980 = arith.constant 0 : index
    %swap3A_2981 = arith.constant 1024 : index
    %swap3A_2982 = vector.load %arg10[%swap3A_2980, %swap3A_2981] : memref<20x2048xf32, #tpu.memory_space<vmem>>, vector<20x512xf32>
    tpu.vector_store %arg10[%swap3A_2980, %swap3A_2981], %mul3A_2979 {strides = array<i32>} : memref<20x2048xf32, #tpu.memory_space<vmem>>, vector<20x512xf32>,
    %slice3A_2983 = vector.extract_strided_slice %get3A_1 {offsets = [0, 1536], sizes = [20, 512], strides = [1, 1]} : vector<20x2048xf32> to vector<20x512xf32>
    %slice3A_2984 = vector.extract_strided_slice %get3A_4 {offsets = [0, 1536], sizes = [20, 512], strides = [1, 1]} : vector<20x2048xf32> to vector<20x512xf32>
    %slice3A_2985 = vector.extract_strided_slice %get3A_7 {offsets = [0, 1536], sizes = [20, 512], strides = [1, 1]} : vector<20x2048xf32> to vector<20x512xf32>
    %slice3A_2986 = vector.extract_strided_slice %get3A_10 {offsets = [0, 1536], sizes = [20, 512], strides = [1, 1]} : vector<20x2048xf32> to vector<20x512xf32>
    %slice3A_2987 = vector.extract_strided_slice %mul3A {offsets = [0, 1536], sizes = [20, 512], strides = [1, 1]} : vector<20x2048xf32> to vector<20x512xf32>
    %broadcast_in_dim3A_2988 = vector.shape_cast %slice3A_2836 : vector<20x128xf32> to vector<20x128x1xf32>
    %broadcast_in_dim3A_2989 = vector.shape_cast %slice3A_2983 : vector<20x512xf32> to vector<20x1x512xf32>
    %max3A_2990 = vector.broadcast %broadcast_in_dim3A_2988 : vector<20x128x1xf32> to vector<20x128x512xf32>
    %max3A_2991 = vector.broadcast %broadcast_in_dim3A_2989 : vector<20x1x512xf32> to vector<20x128x512xf32>
    %max3A_2992 = arith.maximumf %max3A_2990, %max3A_2991 : vector<20x128x512xf32>
    %broadcast_in_dim3A_2993 = vector.shape_cast %slice3A_2837 : vector<20x128xf32> to vector<20x128x1xf32>
    %broadcast_in_dim3A_2994 = vector.shape_cast %slice3A_2984 : vector<20x512xf32> to vector<20x1x512xf32>
    %max3A_2995 = vector.broadcast %broadcast_in_dim3A_2993 : vector<20x128x1xf32> to vector<20x128x512xf32>
    %max3A_2996 = vector.broadcast %broadcast_in_dim3A_2994 : vector<20x1x512xf32> to vector<20x128x512xf32>
    %max3A_2997 = arith.maximumf %max3A_2995, %max3A_2996 : vector<20x128x512xf32>
    %broadcast_in_dim3A_2998 = vector.shape_cast %slice3A_2838 : vector<20x128xf32> to vector<20x128x1xf32>
    %broadcast_in_dim3A_2999 = vector.shape_cast %slice3A_2985 : vector<20x512xf32> to vector<20x1x512xf32>
    %min3A_3000 = vector.broadcast %broadcast_in_dim3A_2998 : vector<20x128x1xf32> to vector<20x128x512xf32>
    %min3A_3001 = vector.broadcast %broadcast_in_dim3A_2999 : vector<20x1x512xf32> to vector<20x128x512xf32>
    %min3A_3002 = arith.minimumf %min3A_3000, %min3A_3001 : vector<20x128x512xf32>
    %broadcast_in_dim3A_3003 = vector.shape_cast %slice3A_2839 : vector<20x128xf32> to vector<20x128x1xf32>
    %broadcast_in_dim3A_3004 = vector.shape_cast %slice3A_2986 : vector<20x512xf32> to vector<20x1x512xf32>
    %min3A_3005 = vector.broadcast %broadcast_in_dim3A_3003 : vector<20x128x1xf32> to vector<20x128x512xf32>
    %min3A_3006 = vector.broadcast %broadcast_in_dim3A_3004 : vector<20x1x512xf32> to vector<20x128x512xf32>
    %min3A_3007 = arith.minimumf %min3A_3005, %min3A_3006 : vector<20x128x512xf32>
    %sub3A_3008 = arith.subf %min3A_3002, %max3A_2992 : vector<20x128x512xf32>
    %max3A_3009 = arith.constant 0.000000e+00 : f32
    %max3A_3010 = vector.broadcast %max3A_3009 : f32 to vector<20x128x512xf32>
    %max3A_3011 = arith.maximumf %sub3A_3008, %max3A_3010 : vector<20x128x512xf32>
    %sub3A_3012 = arith.subf %min3A_3007, %max3A_2997 : vector<20x128x512xf32>
    %max3A_3013 = arith.constant 0.000000e+00 : f32
    %max3A_3014 = vector.broadcast %max3A_3013 : f32 to vector<20x128x512xf32>
    %max3A_3015 = arith.maximumf %sub3A_3012, %max3A_3014 : vector<20x128x512xf32>
    %mul3A_3016 = arith.mulf %max3A_3011, %max3A_3015 : vector<20x128x512xf32>
    %broadcast_in_dim3A_3017 = vector.shape_cast %slice3A_2840 : vector<20x128xf32> to vector<20x128x1xf32>
    %broadcast_in_dim3A_3018 = vector.shape_cast %slice3A_2987 : vector<20x512xf32> to vector<20x1x512xf32>
    %add3A_3019 = vector.broadcast %broadcast_in_dim3A_3017 : vector<20x128x1xf32> to vector<20x128x512xf32>
    %add3A_3020 = vector.broadcast %broadcast_in_dim3A_3018 : vector<20x1x512xf32> to vector<20x128x512xf32>
    %add3A_3021 = arith.addf %add3A_3019, %add3A_3020 : vector<20x128x512xf32>
    %sub3A_3022 = arith.subf %add3A_3021, %mul3A_3016 : vector<20x128x512xf32>
    %max3A_3023 = arith.constant 1.000000e-10 : f32
    %max3A_3024 = vector.broadcast %max3A_3023 : f32 to vector<20x128x512xf32>
    %max3A_3025 = arith.maximumf %sub3A_3022, %max3A_3024 : vector<20x128x512xf32>
    %div3A_3026 = arith.divf %mul3A_3016, %max3A_3025 : vector<20x128x512xf32>
    %gt3A_3027 = arith.constant 3.000000e-01 : f32
    %gt3A_3028 = vector.broadcast %gt3A_3027 : f32 to vector<20x128x512xf32>
    %gt3A_3029 = arith.cmpf ogt, %div3A_3026, %gt3A_3028 : vector<20x128x512xf32>
    %jit3A_3030 = arith.constant 1.000000e+00 : f32
    %jit3A_3031 = arith.constant 0.000000e+00 : f32
    %broadcast_in_dim3A_3032 = vector.broadcast %jit3A_3030 : f32 to vector<20x128x512xf32>
    %broadcast_in_dim3A_3033 = vector.broadcast %jit3A_3031 : f32 to vector<20x128x512xf32>
    %select_n3A_3034 = arith.select %gt3A_3029, %broadcast_in_dim3A_3032, %broadcast_in_dim3A_3033 : vector<20x128x512xi1>, vector<20x128x512xf32>
    %broadcast_in_dim3A_3035 = vector.shape_cast %while3A_2894#0 : vector<20x128xf32> to vector<20x128x1xf32>
    %mul3A_3036 = vector.broadcast %broadcast_in_dim3A_3035 : vector<20x128x1xf32> to vector<20x128x512xf32>
    %mul3A_3037 = arith.mulf %select_n3A_3034, %mul3A_3036 : vector<20x128x512xf32>
    %reduce_max3A_3038 = arith.constant dense<0xFF800000> : vector<20x512xf32>
    %reduce_max3A_3039 = vector.multi_reduction <maximumf>, %mul3A_3037, %reduce_max3A_3038 [1] : vector<20x128x512xf32> to vector<20x512xf32>
    %get3A_3040 = arith.constant 0 : index
    %get3A_3041 = arith.constant 1536 : index
    %get3A_3042 = vector.load %arg10[%get3A_3040, %get3A_3041] : memref<20x2048xf32, #tpu.memory_space<vmem>>, vector<20x512xf32>
    %sub3A_3043 = arith.constant 1.000000e+00 : f32
    %sub3A_3044 = vector.broadcast %sub3A_3043 : f32 to vector<20x512xf32>
    %sub3A_3045 = arith.subf %sub3A_3044, %reduce_max3A_3039 : vector<20x512xf32>
    %mul3A_3046 = arith.mulf %get3A_3042, %sub3A_3045 : vector<20x512xf32>
    %swap3A_3047 = arith.constant 0 : index
    %swap3A_3048 = arith.constant 1536 : index
    %swap3A_3049 = vector.load %arg10[%swap3A_3047, %swap3A_3048] : memref<20x2048xf32, #tpu.memory_space<vmem>>, vector<20x512xf32>
    tpu.vector_store %arg10[%swap3A_3047, %swap3A_3048], %mul3A_3046 {strides = array<i32>} : memref<20x2048xf32, #tpu.memory_space<vmem>>, vector<20x512xf32>,
    %slice3A_3050 = vector.extract_strided_slice %get3A_1 {offsets = [0, 1408], sizes = [20, 128], strides = [1, 1]} : vector<20x2048xf32> to vector<20x128xf32>
    %slice3A_3051 = vector.extract_strided_slice %get3A_4 {offsets = [0, 1408], sizes = [20, 128], strides = [1, 1]} : vector<20x2048xf32> to vector<20x128xf32>
    %slice3A_3052 = vector.extract_strided_slice %get3A_7 {offsets = [0, 1408], sizes = [20, 128], strides = [1, 1]} : vector<20x2048xf32> to vector<20x128xf32>
    %slice3A_3053 = vector.extract_strided_slice %get3A_10 {offsets = [0, 1408], sizes = [20, 128], strides = [1, 1]} : vector<20x2048xf32> to vector<20x128xf32>
    %slice3A_3054 = vector.extract_strided_slice %mul3A {offsets = [0, 1408], sizes = [20, 128], strides = [1, 1]} : vector<20x2048xf32> to vector<20x128xf32>
    %broadcast_in_dim3A_3055 = vector.shape_cast %slice3A_3050 : vector<20x128xf32> to vector<20x128x1xf32>
    %broadcast_in_dim3A_3056 = vector.shape_cast %slice3A_3050 : vector<20x128xf32> to vector<20x1x128xf32>
    %max3A_3057 = vector.broadcast %broadcast_in_dim3A_3055 : vector<20x128x1xf32> to vector<20x128x128xf32>
    %max3A_3058 = vector.broadcast %broadcast_in_dim3A_3056 : vector<20x1x128xf32> to vector<20x128x128xf32>
    %max3A_3059 = arith.maximumf %max3A_3057, %max3A_3058 : vector<20x128x128xf32>
    %broadcast_in_dim3A_3060 = vector.shape_cast %slice3A_3051 : vector<20x128xf32> to vector<20x128x1xf32>
    %broadcast_in_dim3A_3061 = vector.shape_cast %slice3A_3051 : vector<20x128xf32> to vector<20x1x128xf32>
    %max3A_3062 = vector.broadcast %broadcast_in_dim3A_3060 : vector<20x128x1xf32> to vector<20x128x128xf32>
    %max3A_3063 = vector.broadcast %broadcast_in_dim3A_3061 : vector<20x1x128xf32> to vector<20x128x128xf32>
    %max3A_3064 = arith.maximumf %max3A_3062, %max3A_3063 : vector<20x128x128xf32>
    %broadcast_in_dim3A_3065 = vector.shape_cast %slice3A_3052 : vector<20x128xf32> to vector<20x128x1xf32>
    %broadcast_in_dim3A_3066 = vector.shape_cast %slice3A_3052 : vector<20x128xf32> to vector<20x1x128xf32>
    %min3A_3067 = vector.broadcast %broadcast_in_dim3A_3065 : vector<20x128x1xf32> to vector<20x128x128xf32>
    %min3A_3068 = vector.broadcast %broadcast_in_dim3A_3066 : vector<20x1x128xf32> to vector<20x128x128xf32>
    %min3A_3069 = arith.minimumf %min3A_3067, %min3A_3068 : vector<20x128x128xf32>
    %broadcast_in_dim3A_3070 = vector.shape_cast %slice3A_3053 : vector<20x128xf32> to vector<20x128x1xf32>
    %broadcast_in_dim3A_3071 = vector.shape_cast %slice3A_3053 : vector<20x128xf32> to vector<20x1x128xf32>
    %min3A_3072 = vector.broadcast %broadcast_in_dim3A_3070 : vector<20x128x1xf32> to vector<20x128x128xf32>
    %min3A_3073 = vector.broadcast %broadcast_in_dim3A_3071 : vector<20x1x128xf32> to vector<20x128x128xf32>
    %min3A_3074 = arith.minimumf %min3A_3072, %min3A_3073 : vector<20x128x128xf32>
    %sub3A_3075 = arith.subf %min3A_3069, %max3A_3059 : vector<20x128x128xf32>
    %max3A_3076 = arith.constant 0.000000e+00 : f32
    %max3A_3077 = vector.broadcast %max3A_3076 : f32 to vector<20x128x128xf32>
    %max3A_3078 = arith.maximumf %sub3A_3075, %max3A_3077 : vector<20x128x128xf32>
    %sub3A_3079 = arith.subf %min3A_3074, %max3A_3064 : vector<20x128x128xf32>
    %max3A_3080 = arith.constant 0.000000e+00 : f32
    %max3A_3081 = vector.broadcast %max3A_3080 : f32 to vector<20x128x128xf32>
    %max3A_3082 = arith.maximumf %sub3A_3079, %max3A_3081 : vector<20x128x128xf32>
    %mul3A_3083 = arith.mulf %max3A_3078, %max3A_3082 : vector<20x128x128xf32>
    %broadcast_in_dim3A_3084 = vector.shape_cast %slice3A_3054 : vector<20x128xf32> to vector<20x128x1xf32>
    %broadcast_in_dim3A_3085 = vector.shape_cast %slice3A_3054 : vector<20x128xf32> to vector<20x1x128xf32>
    %add3A_3086 = vector.broadcast %broadcast_in_dim3A_3084 : vector<20x128x1xf32> to vector<20x128x128xf32>
    %add3A_3087 = vector.broadcast %broadcast_in_dim3A_3085 : vector<20x1x128xf32> to vector<20x128x128xf32>
    %add3A_3088 = arith.addf %add3A_3086, %add3A_3087 : vector<20x128x128xf32>
    %sub3A_3089 = arith.subf %add3A_3088, %mul3A_3083 : vector<20x128x128xf32>
    %max3A_3090 = arith.constant 1.000000e-10 : f32
    %max3A_3091 = vector.broadcast %max3A_3090 : f32 to vector<20x128x128xf32>
    %max3A_3092 = arith.maximumf %sub3A_3089, %max3A_3091 : vector<20x128x128xf32>
    %div3A_3093 = arith.divf %mul3A_3083, %max3A_3092 : vector<20x128x128xf32>
    %gt3A_3094 = arith.constant 3.000000e-01 : f32
    %gt3A_3095 = vector.broadcast %gt3A_3094 : f32 to vector<20x128x128xf32>
    %gt3A_3096 = arith.cmpf ogt, %div3A_3093, %gt3A_3095 : vector<20x128x128xf32>
    %jit3A_3097 = arith.constant 1.000000e+00 : f32
    %jit3A_3098 = arith.constant 0.000000e+00 : f32
    %broadcast_in_dim3A_3099 = vector.broadcast %jit3A_3097 : f32 to vector<20x128x128xf32>
    %broadcast_in_dim3A_3100 = vector.broadcast %jit3A_3098 : f32 to vector<20x128x128xf32>
    %select_n3A_3101 = arith.select %gt3A_3096, %broadcast_in_dim3A_3099, %broadcast_in_dim3A_3100 : vector<20x128x128xi1>, vector<20x128x128xf32>
    %mul3A_3102 = vector.broadcast %select_n3A_31 : vector<1x128x128xf32> to vector<20x128x128xf32>
    %mul3A_3103 = arith.mulf %select_n3A_3101, %mul3A_3102 : vector<20x128x128xf32>
    %get3A_3104 = arith.constant 0 : index
    %get3A_3105 = arith.constant 1408 : index
    %get3A_3106 = vector.load %arg10[%get3A_3104, %get3A_3105] : memref<20x2048xf32, #tpu.memory_space<vmem>>, vector<20x128xf32>
    %while3A_3107 = arith.constant true
    %while3A_3108:2 = scf.while (%while3A_3718 = %get3A_3106, %while3A_3719 = %while3A_3107) : (vector<20x128xf32>, i1) -> (vector<20x128xf32>, i1) {
      scf.condition(%while3A_3719) %while3A_3718, %while3A_3719 : vector<20x128xf32>, i1
    } do {
    ^bb0(%while3A_3718: vector<20x128xf32>, %while3A_3719: i1):
      %broadcast_in_dim3A_3720 = vector.shape_cast %while3A_3718 : vector<20x128xf32> to vector<20x128x1xf32>
      %mul3A_3721 = vector.broadcast %broadcast_in_dim3A_3720 : vector<20x128x1xf32> to vector<20x128x128xf32>
      %mul3A_3722 = arith.mulf %mul3A_3103, %mul3A_3721 : vector<20x128x128xf32>
      %reduce_max3A_3723 = arith.constant dense<0xFF800000> : vector<20x128xf32>
      %reduce_max3A_3724 = vector.multi_reduction <maximumf>, %mul3A_3722, %reduce_max3A_3723 [1] : vector<20x128x128xf32> to vector<20x128xf32>
      %sub3A_3725 = arith.constant 1.000000e+00 : f32
      %sub3A_3726 = vector.broadcast %sub3A_3725 : f32 to vector<20x128xf32>
      %sub3A_3727 = arith.subf %sub3A_3726, %reduce_max3A_3724 : vector<20x128xf32>
      %mul3A_3728 = arith.mulf %get3A_3106, %sub3A_3727 : vector<20x128xf32>
      %ne3A = arith.cmpf one, %mul3A_3728, %while3A_3718 : vector<20x128xf32>
      %reduce_or3A = arith.constant 1.000000e+00 : f32
      %reduce_or3A_3729 = arith.constant 0.000000e+00 : f32
      %reduce_or3A_3730 = vector.broadcast %reduce_or3A : f32 to vector<20x128xf32>
      %reduce_or3A_3731 = vector.broadcast %reduce_or3A_3729 : f32 to vector<20x128xf32>
      %reduce_or3A_3732 = arith.select %ne3A, %reduce_or3A_3730, %reduce_or3A_3731 : vector<20x128xi1>, vector<20x128xf32>
      %reduce_or3A_3733 = vector.shape_cast %reduce_or3A_3732 : vector<20x128xf32> to vector<1x20x128xf32>
      %reduce_or3A_3734 = arith.constant dense<0xFF800000> : vector<1xf32>
      %reduce_or3A_3735 = vector.multi_reduction <maximumf>, %reduce_or3A_3733, %reduce_or3A_3734 [1, 2] : vector<1x20x128xf32> to vector<1xf32>
      %reduce_or3A_3736 = vector.shape_cast %reduce_or3A_3735 : vector<1xf32> to vector<1x1x1xf32>
      %reduce_or3A_3737 = vector.extract %reduce_or3A_3736[0, 0, 0] : f32 from vector<1x1x1xf32>
      %reduce_or3A_3738 = arith.constant 0.000000e+00 : f32
      %reduce_or3A_3739 = arith.cmpf ogt, %reduce_or3A_3737, %reduce_or3A_3738 : f32
      scf.yield %mul3A_3728, %reduce_or3A_3739 : vector<20x128xf32>, i1
    }
    %mul3A_3109 = arith.mulf %slice3A_3050, %while3A_3108#0 : vector<20x128xf32>
    %swap3A_3110 = arith.constant 0 : index
    %swap3A_3111 = arith.constant 1408 : index
    %swap3A_3112 = vector.load %arg5[%swap3A_3110, %swap3A_3111] : memref<20x2048xf32, #tpu.memory_space<vmem>>, vector<20x128xf32>
    tpu.vector_store %arg5[%swap3A_3110, %swap3A_3111], %mul3A_3109 {strides = array<i32>} : memref<20x2048xf32, #tpu.memory_space<vmem>>, vector<20x128xf32>,
    %mul3A_3113 = arith.mulf %slice3A_3051, %while3A_3108#0 : vector<20x128xf32>
    %swap3A_3114 = arith.constant 0 : index
    %swap3A_3115 = arith.constant 1408 : index
    %swap3A_3116 = vector.load %arg6[%swap3A_3114, %swap3A_3115] : memref<20x2048xf32, #tpu.memory_space<vmem>>, vector<20x128xf32>
    tpu.vector_store %arg6[%swap3A_3114, %swap3A_3115], %mul3A_3113 {strides = array<i32>} : memref<20x2048xf32, #tpu.memory_space<vmem>>, vector<20x128xf32>,
    %mul3A_3117 = arith.mulf %slice3A_3052, %while3A_3108#0 : vector<20x128xf32>
    %swap3A_3118 = arith.constant 0 : index
    %swap3A_3119 = arith.constant 1408 : index
    %swap3A_3120 = vector.load %arg7[%swap3A_3118, %swap3A_3119] : memref<20x2048xf32, #tpu.memory_space<vmem>>, vector<20x128xf32>
    tpu.vector_store %arg7[%swap3A_3118, %swap3A_3119], %mul3A_3117 {strides = array<i32>} : memref<20x2048xf32, #tpu.memory_space<vmem>>, vector<20x128xf32>,
    %mul3A_3121 = arith.mulf %slice3A_3053, %while3A_3108#0 : vector<20x128xf32>
    %swap3A_3122 = arith.constant 0 : index
    %swap3A_3123 = arith.constant 1408 : index
    %swap3A_3124 = vector.load %arg8[%swap3A_3122, %swap3A_3123] : memref<20x2048xf32, #tpu.memory_space<vmem>>, vector<20x128xf32>
    tpu.vector_store %arg8[%swap3A_3122, %swap3A_3123], %mul3A_3121 {strides = array<i32>} : memref<20x2048xf32, #tpu.memory_space<vmem>>, vector<20x128xf32>,
    %slice3A_3125 = vector.extract_strided_slice %get3A_13 {offsets = [0, 1408], sizes = [20, 128], strides = [1, 1]} : vector<20x2048xf32> to vector<20x128xf32>
    %mul3A_3126 = arith.mulf %slice3A_3125, %while3A_3108#0 : vector<20x128xf32>
    %swap3A_3127 = arith.constant 0 : index
    %swap3A_3128 = arith.constant 1408 : index
    %swap3A_3129 = vector.load %arg9[%swap3A_3127, %swap3A_3128] : memref<20x2048xf32, #tpu.memory_space<vmem>>, vector<20x128xf32>
    tpu.vector_store %arg9[%swap3A_3127, %swap3A_3128], %mul3A_3126 {strides = array<i32>} : memref<20x2048xf32, #tpu.memory_space<vmem>>, vector<20x128xf32>,
    %slice3A_3130 = vector.extract_strided_slice %get3A_1 {offsets = [0, 1536], sizes = [20, 512], strides = [1, 1]} : vector<20x2048xf32> to vector<20x512xf32>
    %slice3A_3131 = vector.extract_strided_slice %get3A_4 {offsets = [0, 1536], sizes = [20, 512], strides = [1, 1]} : vector<20x2048xf32> to vector<20x512xf32>
    %slice3A_3132 = vector.extract_strided_slice %get3A_7 {offsets = [0, 1536], sizes = [20, 512], strides = [1, 1]} : vector<20x2048xf32> to vector<20x512xf32>
    %slice3A_3133 = vector.extract_strided_slice %get3A_10 {offsets = [0, 1536], sizes = [20, 512], strides = [1, 1]} : vector<20x2048xf32> to vector<20x512xf32>
    %slice3A_3134 = vector.extract_strided_slice %mul3A {offsets = [0, 1536], sizes = [20, 512], strides = [1, 1]} : vector<20x2048xf32> to vector<20x512xf32>
    %broadcast_in_dim3A_3135 = vector.shape_cast %slice3A_3050 : vector<20x128xf32> to vector<20x128x1xf32>
    %broadcast_in_dim3A_3136 = vector.shape_cast %slice3A_3130 : vector<20x512xf32> to vector<20x1x512xf32>
    %max3A_3137 = vector.broadcast %broadcast_in_dim3A_3135 : vector<20x128x1xf32> to vector<20x128x512xf32>
    %max3A_3138 = vector.broadcast %broadcast_in_dim3A_3136 : vector<20x1x512xf32> to vector<20x128x512xf32>
    %max3A_3139 = arith.maximumf %max3A_3137, %max3A_3138 : vector<20x128x512xf32>
    %broadcast_in_dim3A_3140 = vector.shape_cast %slice3A_3051 : vector<20x128xf32> to vector<20x128x1xf32>
    %broadcast_in_dim3A_3141 = vector.shape_cast %slice3A_3131 : vector<20x512xf32> to vector<20x1x512xf32>
    %max3A_3142 = vector.broadcast %broadcast_in_dim3A_3140 : vector<20x128x1xf32> to vector<20x128x512xf32>
    %max3A_3143 = vector.broadcast %broadcast_in_dim3A_3141 : vector<20x1x512xf32> to vector<20x128x512xf32>
    %max3A_3144 = arith.maximumf %max3A_3142, %max3A_3143 : vector<20x128x512xf32>
    %broadcast_in_dim3A_3145 = vector.shape_cast %slice3A_3052 : vector<20x128xf32> to vector<20x128x1xf32>
    %broadcast_in_dim3A_3146 = vector.shape_cast %slice3A_3132 : vector<20x512xf32> to vector<20x1x512xf32>
    %min3A_3147 = vector.broadcast %broadcast_in_dim3A_3145 : vector<20x128x1xf32> to vector<20x128x512xf32>
    %min3A_3148 = vector.broadcast %broadcast_in_dim3A_3146 : vector<20x1x512xf32> to vector<20x128x512xf32>
    %min3A_3149 = arith.minimumf %min3A_3147, %min3A_3148 : vector<20x128x512xf32>
    %broadcast_in_dim3A_3150 = vector.shape_cast %slice3A_3053 : vector<20x128xf32> to vector<20x128x1xf32>
    %broadcast_in_dim3A_3151 = vector.shape_cast %slice3A_3133 : vector<20x512xf32> to vector<20x1x512xf32>
    %min3A_3152 = vector.broadcast %broadcast_in_dim3A_3150 : vector<20x128x1xf32> to vector<20x128x512xf32>
    %min3A_3153 = vector.broadcast %broadcast_in_dim3A_3151 : vector<20x1x512xf32> to vector<20x128x512xf32>
    %min3A_3154 = arith.minimumf %min3A_3152, %min3A_3153 : vector<20x128x512xf32>
    %sub3A_3155 = arith.subf %min3A_3149, %max3A_3139 : vector<20x128x512xf32>
    %max3A_3156 = arith.constant 0.000000e+00 : f32
    %max3A_3157 = vector.broadcast %max3A_3156 : f32 to vector<20x128x512xf32>
    %max3A_3158 = arith.maximumf %sub3A_3155, %max3A_3157 : vector<20x128x512xf32>
    %sub3A_3159 = arith.subf %min3A_3154, %max3A_3144 : vector<20x128x512xf32>
    %max3A_3160 = arith.constant 0.000000e+00 : f32
    %max3A_3161 = vector.broadcast %max3A_3160 : f32 to vector<20x128x512xf32>
    %max3A_3162 = arith.maximumf %sub3A_3159, %max3A_3161 : vector<20x128x512xf32>
    %mul3A_3163 = arith.mulf %max3A_3158, %max3A_3162 : vector<20x128x512xf32>
    %broadcast_in_dim3A_3164 = vector.shape_cast %slice3A_3054 : vector<20x128xf32> to vector<20x128x1xf32>
    %broadcast_in_dim3A_3165 = vector.shape_cast %slice3A_3134 : vector<20x512xf32> to vector<20x1x512xf32>
    %add3A_3166 = vector.broadcast %broadcast_in_dim3A_3164 : vector<20x128x1xf32> to vector<20x128x512xf32>
    %add3A_3167 = vector.broadcast %broadcast_in_dim3A_3165 : vector<20x1x512xf32> to vector<20x128x512xf32>
    %add3A_3168 = arith.addf %add3A_3166, %add3A_3167 : vector<20x128x512xf32>
    %sub3A_3169 = arith.subf %add3A_3168, %mul3A_3163 : vector<20x128x512xf32>
    %max3A_3170 = arith.constant 1.000000e-10 : f32
    %max3A_3171 = vector.broadcast %max3A_3170 : f32 to vector<20x128x512xf32>
    %max3A_3172 = arith.maximumf %sub3A_3169, %max3A_3171 : vector<20x128x512xf32>
    %div3A_3173 = arith.divf %mul3A_3163, %max3A_3172 : vector<20x128x512xf32>
    %gt3A_3174 = arith.constant 3.000000e-01 : f32
    %gt3A_3175 = vector.broadcast %gt3A_3174 : f32 to vector<20x128x512xf32>
    %gt3A_3176 = arith.cmpf ogt, %div3A_3173, %gt3A_3175 : vector<20x128x512xf32>
    %jit3A_3177 = arith.constant 1.000000e+00 : f32
    %jit3A_3178 = arith.constant 0.000000e+00 : f32
    %broadcast_in_dim3A_3179 = vector.broadcast %jit3A_3177 : f32 to vector<20x128x512xf32>
    %broadcast_in_dim3A_3180 = vector.broadcast %jit3A_3178 : f32 to vector<20x128x512xf32>
    %select_n3A_3181 = arith.select %gt3A_3176, %broadcast_in_dim3A_3179, %broadcast_in_dim3A_3180 : vector<20x128x512xi1>, vector<20x128x512xf32>
    %broadcast_in_dim3A_3182 = vector.shape_cast %while3A_3108#0 : vector<20x128xf32> to vector<20x128x1xf32>
    %mul3A_3183 = vector.broadcast %broadcast_in_dim3A_3182 : vector<20x128x1xf32> to vector<20x128x512xf32>
    %mul3A_3184 = arith.mulf %select_n3A_3181, %mul3A_3183 : vector<20x128x512xf32>
    %reduce_max3A_3185 = arith.constant dense<0xFF800000> : vector<20x512xf32>
    %reduce_max3A_3186 = vector.multi_reduction <maximumf>, %mul3A_3184, %reduce_max3A_3185 [1] : vector<20x128x512xf32> to vector<20x512xf32>
    %get3A_3187 = arith.constant 0 : index
    %get3A_3188 = arith.constant 1536 : index
    %get3A_3189 = vector.load %arg10[%get3A_3187, %get3A_3188] : memref<20x2048xf32, #tpu.memory_space<vmem>>, vector<20x512xf32>
    %sub3A_3190 = arith.constant 1.000000e+00 : f32
    %sub3A_3191 = vector.broadcast %sub3A_3190 : f32 to vector<20x512xf32>
    %sub3A_3192 = arith.subf %sub3A_3191, %reduce_max3A_3186 : vector<20x512xf32>
    %mul3A_3193 = arith.mulf %get3A_3189, %sub3A_3192 : vector<20x512xf32>
    %swap3A_3194 = arith.constant 0 : index
    %swap3A_3195 = arith.constant 1536 : index
    %swap3A_3196 = vector.load %arg10[%swap3A_3194, %swap3A_3195] : memref<20x2048xf32, #tpu.memory_space<vmem>>, vector<20x512xf32>
    tpu.vector_store %arg10[%swap3A_3194, %swap3A_3195], %mul3A_3193 {strides = array<i32>} : memref<20x2048xf32, #tpu.memory_space<vmem>>, vector<20x512xf32>,
    %slice3A_3197 = vector.extract_strided_slice %get3A_1 {offsets = [0, 1536], sizes = [20, 128], strides = [1, 1]} : vector<20x2048xf32> to vector<20x128xf32>
    %slice3A_3198 = vector.extract_strided_slice %get3A_4 {offsets = [0, 1536], sizes = [20, 128], strides = [1, 1]} : vector<20x2048xf32> to vector<20x128xf32>
    %slice3A_3199 = vector.extract_strided_slice %get3A_7 {offsets = [0, 1536], sizes = [20, 128], strides = [1, 1]} : vector<20x2048xf32> to vector<20x128xf32>
    %slice3A_3200 = vector.extract_strided_slice %get3A_10 {offsets = [0, 1536], sizes = [20, 128], strides = [1, 1]} : vector<20x2048xf32> to vector<20x128xf32>
    %slice3A_3201 = vector.extract_strided_slice %mul3A {offsets = [0, 1536], sizes = [20, 128], strides = [1, 1]} : vector<20x2048xf32> to vector<20x128xf32>
    %broadcast_in_dim3A_3202 = vector.shape_cast %slice3A_3197 : vector<20x128xf32> to vector<20x128x1xf32>
    %broadcast_in_dim3A_3203 = vector.shape_cast %slice3A_3197 : vector<20x128xf32> to vector<20x1x128xf32>
    %max3A_3204 = vector.broadcast %broadcast_in_dim3A_3202 : vector<20x128x1xf32> to vector<20x128x128xf32>
    %max3A_3205 = vector.broadcast %broadcast_in_dim3A_3203 : vector<20x1x128xf32> to vector<20x128x128xf32>
    %max3A_3206 = arith.maximumf %max3A_3204, %max3A_3205 : vector<20x128x128xf32>
    %broadcast_in_dim3A_3207 = vector.shape_cast %slice3A_3198 : vector<20x128xf32> to vector<20x128x1xf32>
    %broadcast_in_dim3A_3208 = vector.shape_cast %slice3A_3198 : vector<20x128xf32> to vector<20x1x128xf32>
    %max3A_3209 = vector.broadcast %broadcast_in_dim3A_3207 : vector<20x128x1xf32> to vector<20x128x128xf32>
    %max3A_3210 = vector.broadcast %broadcast_in_dim3A_3208 : vector<20x1x128xf32> to vector<20x128x128xf32>
    %max3A_3211 = arith.maximumf %max3A_3209, %max3A_3210 : vector<20x128x128xf32>
    %broadcast_in_dim3A_3212 = vector.shape_cast %slice3A_3199 : vector<20x128xf32> to vector<20x128x1xf32>
    %broadcast_in_dim3A_3213 = vector.shape_cast %slice3A_3199 : vector<20x128xf32> to vector<20x1x128xf32>
    %min3A_3214 = vector.broadcast %broadcast_in_dim3A_3212 : vector<20x128x1xf32> to vector<20x128x128xf32>
    %min3A_3215 = vector.broadcast %broadcast_in_dim3A_3213 : vector<20x1x128xf32> to vector<20x128x128xf32>
    %min3A_3216 = arith.minimumf %min3A_3214, %min3A_3215 : vector<20x128x128xf32>
    %broadcast_in_dim3A_3217 = vector.shape_cast %slice3A_3200 : vector<20x128xf32> to vector<20x128x1xf32>
    %broadcast_in_dim3A_3218 = vector.shape_cast %slice3A_3200 : vector<20x128xf32> to vector<20x1x128xf32>
    %min3A_3219 = vector.broadcast %broadcast_in_dim3A_3217 : vector<20x128x1xf32> to vector<20x128x128xf32>
    %min3A_3220 = vector.broadcast %broadcast_in_dim3A_3218 : vector<20x1x128xf32> to vector<20x128x128xf32>
    %min3A_3221 = arith.minimumf %min3A_3219, %min3A_3220 : vector<20x128x128xf32>
    %sub3A_3222 = arith.subf %min3A_3216, %max3A_3206 : vector<20x128x128xf32>
    %max3A_3223 = arith.constant 0.000000e+00 : f32
    %max3A_3224 = vector.broadcast %max3A_3223 : f32 to vector<20x128x128xf32>
    %max3A_3225 = arith.maximumf %sub3A_3222, %max3A_3224 : vector<20x128x128xf32>
    %sub3A_3226 = arith.subf %min3A_3221, %max3A_3211 : vector<20x128x128xf32>
    %max3A_3227 = arith.constant 0.000000e+00 : f32
    %max3A_3228 = vector.broadcast %max3A_3227 : f32 to vector<20x128x128xf32>
    %max3A_3229 = arith.maximumf %sub3A_3226, %max3A_3228 : vector<20x128x128xf32>
    %mul3A_3230 = arith.mulf %max3A_3225, %max3A_3229 : vector<20x128x128xf32>
    %broadcast_in_dim3A_3231 = vector.shape_cast %slice3A_3201 : vector<20x128xf32> to vector<20x128x1xf32>
    %broadcast_in_dim3A_3232 = vector.shape_cast %slice3A_3201 : vector<20x128xf32> to vector<20x1x128xf32>
    %add3A_3233 = vector.broadcast %broadcast_in_dim3A_3231 : vector<20x128x1xf32> to vector<20x128x128xf32>
    %add3A_3234 = vector.broadcast %broadcast_in_dim3A_3232 : vector<20x1x128xf32> to vector<20x128x128xf32>
    %add3A_3235 = arith.addf %add3A_3233, %add3A_3234 : vector<20x128x128xf32>
    %sub3A_3236 = arith.subf %add3A_3235, %mul3A_3230 : vector<20x128x128xf32>
    %max3A_3237 = arith.constant 1.000000e-10 : f32
    %max3A_3238 = vector.broadcast %max3A_3237 : f32 to vector<20x128x128xf32>
    %max3A_3239 = arith.maximumf %sub3A_3236, %max3A_3238 : vector<20x128x128xf32>
    %div3A_3240 = arith.divf %mul3A_3230, %max3A_3239 : vector<20x128x128xf32>
    %gt3A_3241 = arith.constant 3.000000e-01 : f32
    %gt3A_3242 = vector.broadcast %gt3A_3241 : f32 to vector<20x128x128xf32>
    %gt3A_3243 = arith.cmpf ogt, %div3A_3240, %gt3A_3242 : vector<20x128x128xf32>
    %jit3A_3244 = arith.constant 1.000000e+00 : f32
    %jit3A_3245 = arith.constant 0.000000e+00 : f32
    %broadcast_in_dim3A_3246 = vector.broadcast %jit3A_3244 : f32 to vector<20x128x128xf32>
    %broadcast_in_dim3A_3247 = vector.broadcast %jit3A_3245 : f32 to vector<20x128x128xf32>
    %select_n3A_3248 = arith.select %gt3A_3243, %broadcast_in_dim3A_3246, %broadcast_in_dim3A_3247 : vector<20x128x128xi1>, vector<20x128x128xf32>
    %mul3A_3249 = vector.broadcast %select_n3A_31 : vector<1x128x128xf32> to vector<20x128x128xf32>
    %mul3A_3250 = arith.mulf %select_n3A_3248, %mul3A_3249 : vector<20x128x128xf32>
    %get3A_3251 = arith.constant 0 : index
    %get3A_3252 = arith.constant 1536 : index
    %get3A_3253 = vector.load %arg10[%get3A_3251, %get3A_3252] : memref<20x2048xf32, #tpu.memory_space<vmem>>, vector<20x128xf32>
    %while3A_3254 = arith.constant true
    %while3A_3255:2 = scf.while (%while3A_3718 = %get3A_3253, %while3A_3719 = %while3A_3254) : (vector<20x128xf32>, i1) -> (vector<20x128xf32>, i1) {
      scf.condition(%while3A_3719) %while3A_3718, %while3A_3719 : vector<20x128xf32>, i1
    } do {
    ^bb0(%while3A_3718: vector<20x128xf32>, %while3A_3719: i1):
      %broadcast_in_dim3A_3720 = vector.shape_cast %while3A_3718 : vector<20x128xf32> to vector<20x128x1xf32>
      %mul3A_3721 = vector.broadcast %broadcast_in_dim3A_3720 : vector<20x128x1xf32> to vector<20x128x128xf32>
      %mul3A_3722 = arith.mulf %mul3A_3250, %mul3A_3721 : vector<20x128x128xf32>
      %reduce_max3A_3723 = arith.constant dense<0xFF800000> : vector<20x128xf32>
      %reduce_max3A_3724 = vector.multi_reduction <maximumf>, %mul3A_3722, %reduce_max3A_3723 [1] : vector<20x128x128xf32> to vector<20x128xf32>
      %sub3A_3725 = arith.constant 1.000000e+00 : f32
      %sub3A_3726 = vector.broadcast %sub3A_3725 : f32 to vector<20x128xf32>
      %sub3A_3727 = arith.subf %sub3A_3726, %reduce_max3A_3724 : vector<20x128xf32>
      %mul3A_3728 = arith.mulf %get3A_3253, %sub3A_3727 : vector<20x128xf32>
      %ne3A = arith.cmpf one, %mul3A_3728, %while3A_3718 : vector<20x128xf32>
      %reduce_or3A = arith.constant 1.000000e+00 : f32
      %reduce_or3A_3729 = arith.constant 0.000000e+00 : f32
      %reduce_or3A_3730 = vector.broadcast %reduce_or3A : f32 to vector<20x128xf32>
      %reduce_or3A_3731 = vector.broadcast %reduce_or3A_3729 : f32 to vector<20x128xf32>
      %reduce_or3A_3732 = arith.select %ne3A, %reduce_or3A_3730, %reduce_or3A_3731 : vector<20x128xi1>, vector<20x128xf32>
      %reduce_or3A_3733 = vector.shape_cast %reduce_or3A_3732 : vector<20x128xf32> to vector<1x20x128xf32>
      %reduce_or3A_3734 = arith.constant dense<0xFF800000> : vector<1xf32>
      %reduce_or3A_3735 = vector.multi_reduction <maximumf>, %reduce_or3A_3733, %reduce_or3A_3734 [1, 2] : vector<1x20x128xf32> to vector<1xf32>
      %reduce_or3A_3736 = vector.shape_cast %reduce_or3A_3735 : vector<1xf32> to vector<1x1x1xf32>
      %reduce_or3A_3737 = vector.extract %reduce_or3A_3736[0, 0, 0] : f32 from vector<1x1x1xf32>
      %reduce_or3A_3738 = arith.constant 0.000000e+00 : f32
      %reduce_or3A_3739 = arith.cmpf ogt, %reduce_or3A_3737, %reduce_or3A_3738 : f32
      scf.yield %mul3A_3728, %reduce_or3A_3739 : vector<20x128xf32>, i1
    }
    %mul3A_3256 = arith.mulf %slice3A_3197, %while3A_3255#0 : vector<20x128xf32>
    %swap3A_3257 = arith.constant 0 : index
    %swap3A_3258 = arith.constant 1536 : index
    %swap3A_3259 = vector.load %arg5[%swap3A_3257, %swap3A_3258] : memref<20x2048xf32, #tpu.memory_space<vmem>>, vector<20x128xf32>
    tpu.vector_store %arg5[%swap3A_3257, %swap3A_3258], %mul3A_3256 {strides = array<i32>} : memref<20x2048xf32, #tpu.memory_space<vmem>>, vector<20x128xf32>,
    %mul3A_3260 = arith.mulf %slice3A_3198, %while3A_3255#0 : vector<20x128xf32>
    %swap3A_3261 = arith.constant 0 : index
    %swap3A_3262 = arith.constant 1536 : index
    %swap3A_3263 = vector.load %arg6[%swap3A_3261, %swap3A_3262] : memref<20x2048xf32, #tpu.memory_space<vmem>>, vector<20x128xf32>
    tpu.vector_store %arg6[%swap3A_3261, %swap3A_3262], %mul3A_3260 {strides = array<i32>} : memref<20x2048xf32, #tpu.memory_space<vmem>>, vector<20x128xf32>,
    %mul3A_3264 = arith.mulf %slice3A_3199, %while3A_3255#0 : vector<20x128xf32>
    %swap3A_3265 = arith.constant 0 : index
    %swap3A_3266 = arith.constant 1536 : index
    %swap3A_3267 = vector.load %arg7[%swap3A_3265, %swap3A_3266] : memref<20x2048xf32, #tpu.memory_space<vmem>>, vector<20x128xf32>
    tpu.vector_store %arg7[%swap3A_3265, %swap3A_3266], %mul3A_3264 {strides = array<i32>} : memref<20x2048xf32, #tpu.memory_space<vmem>>, vector<20x128xf32>,
    %mul3A_3268 = arith.mulf %slice3A_3200, %while3A_3255#0 : vector<20x128xf32>
    %swap3A_3269 = arith.constant 0 : index
    %swap3A_3270 = arith.constant 1536 : index
    %swap3A_3271 = vector.load %arg8[%swap3A_3269, %swap3A_3270] : memref<20x2048xf32, #tpu.memory_space<vmem>>, vector<20x128xf32>
    tpu.vector_store %arg8[%swap3A_3269, %swap3A_3270], %mul3A_3268 {strides = array<i32>} : memref<20x2048xf32, #tpu.memory_space<vmem>>, vector<20x128xf32>,
    %slice3A_3272 = vector.extract_strided_slice %get3A_13 {offsets = [0, 1536], sizes = [20, 128], strides = [1, 1]} : vector<20x2048xf32> to vector<20x128xf32>
    %mul3A_3273 = arith.mulf %slice3A_3272, %while3A_3255#0 : vector<20x128xf32>
    %swap3A_3274 = arith.constant 0 : index
    %swap3A_3275 = arith.constant 1536 : index
    %swap3A_3276 = vector.load %arg9[%swap3A_3274, %swap3A_3275] : memref<20x2048xf32, #tpu.memory_space<vmem>>, vector<20x128xf32>
    tpu.vector_store %arg9[%swap3A_3274, %swap3A_3275], %mul3A_3273 {strides = array<i32>} : memref<20x2048xf32, #tpu.memory_space<vmem>>, vector<20x128xf32>,
    %slice3A_3277 = vector.extract_strided_slice %get3A_1 {offsets = [0, 1536], sizes = [20, 512], strides = [1, 1]} : vector<20x2048xf32> to vector<20x512xf32>
    %slice3A_3278 = vector.extract_strided_slice %get3A_4 {offsets = [0, 1536], sizes = [20, 512], strides = [1, 1]} : vector<20x2048xf32> to vector<20x512xf32>
    %slice3A_3279 = vector.extract_strided_slice %get3A_7 {offsets = [0, 1536], sizes = [20, 512], strides = [1, 1]} : vector<20x2048xf32> to vector<20x512xf32>
    %slice3A_3280 = vector.extract_strided_slice %get3A_10 {offsets = [0, 1536], sizes = [20, 512], strides = [1, 1]} : vector<20x2048xf32> to vector<20x512xf32>
    %slice3A_3281 = vector.extract_strided_slice %mul3A {offsets = [0, 1536], sizes = [20, 512], strides = [1, 1]} : vector<20x2048xf32> to vector<20x512xf32>
    %broadcast_in_dim3A_3282 = vector.shape_cast %slice3A_3197 : vector<20x128xf32> to vector<20x128x1xf32>
    %broadcast_in_dim3A_3283 = vector.shape_cast %slice3A_3277 : vector<20x512xf32> to vector<20x1x512xf32>
    %max3A_3284 = vector.broadcast %broadcast_in_dim3A_3282 : vector<20x128x1xf32> to vector<20x128x512xf32>
    %max3A_3285 = vector.broadcast %broadcast_in_dim3A_3283 : vector<20x1x512xf32> to vector<20x128x512xf32>
    %max3A_3286 = arith.maximumf %max3A_3284, %max3A_3285 : vector<20x128x512xf32>
    %broadcast_in_dim3A_3287 = vector.shape_cast %slice3A_3198 : vector<20x128xf32> to vector<20x128x1xf32>
    %broadcast_in_dim3A_3288 = vector.shape_cast %slice3A_3278 : vector<20x512xf32> to vector<20x1x512xf32>
    %max3A_3289 = vector.broadcast %broadcast_in_dim3A_3287 : vector<20x128x1xf32> to vector<20x128x512xf32>
    %max3A_3290 = vector.broadcast %broadcast_in_dim3A_3288 : vector<20x1x512xf32> to vector<20x128x512xf32>
    %max3A_3291 = arith.maximumf %max3A_3289, %max3A_3290 : vector<20x128x512xf32>
    %broadcast_in_dim3A_3292 = vector.shape_cast %slice3A_3199 : vector<20x128xf32> to vector<20x128x1xf32>
    %broadcast_in_dim3A_3293 = vector.shape_cast %slice3A_3279 : vector<20x512xf32> to vector<20x1x512xf32>
    %min3A_3294 = vector.broadcast %broadcast_in_dim3A_3292 : vector<20x128x1xf32> to vector<20x128x512xf32>
    %min3A_3295 = vector.broadcast %broadcast_in_dim3A_3293 : vector<20x1x512xf32> to vector<20x128x512xf32>
    %min3A_3296 = arith.minimumf %min3A_3294, %min3A_3295 : vector<20x128x512xf32>
    %broadcast_in_dim3A_3297 = vector.shape_cast %slice3A_3200 : vector<20x128xf32> to vector<20x128x1xf32>
    %broadcast_in_dim3A_3298 = vector.shape_cast %slice3A_3280 : vector<20x512xf32> to vector<20x1x512xf32>
    %min3A_3299 = vector.broadcast %broadcast_in_dim3A_3297 : vector<20x128x1xf32> to vector<20x128x512xf32>
    %min3A_3300 = vector.broadcast %broadcast_in_dim3A_3298 : vector<20x1x512xf32> to vector<20x128x512xf32>
    %min3A_3301 = arith.minimumf %min3A_3299, %min3A_3300 : vector<20x128x512xf32>
    %sub3A_3302 = arith.subf %min3A_3296, %max3A_3286 : vector<20x128x512xf32>
    %max3A_3303 = arith.constant 0.000000e+00 : f32
    %max3A_3304 = vector.broadcast %max3A_3303 : f32 to vector<20x128x512xf32>
    %max3A_3305 = arith.maximumf %sub3A_3302, %max3A_3304 : vector<20x128x512xf32>
    %sub3A_3306 = arith.subf %min3A_3301, %max3A_3291 : vector<20x128x512xf32>
    %max3A_3307 = arith.constant 0.000000e+00 : f32
    %max3A_3308 = vector.broadcast %max3A_3307 : f32 to vector<20x128x512xf32>
    %max3A_3309 = arith.maximumf %sub3A_3306, %max3A_3308 : vector<20x128x512xf32>
    %mul3A_3310 = arith.mulf %max3A_3305, %max3A_3309 : vector<20x128x512xf32>
    %broadcast_in_dim3A_3311 = vector.shape_cast %slice3A_3201 : vector<20x128xf32> to vector<20x128x1xf32>
    %broadcast_in_dim3A_3312 = vector.shape_cast %slice3A_3281 : vector<20x512xf32> to vector<20x1x512xf32>
    %add3A_3313 = vector.broadcast %broadcast_in_dim3A_3311 : vector<20x128x1xf32> to vector<20x128x512xf32>
    %add3A_3314 = vector.broadcast %broadcast_in_dim3A_3312 : vector<20x1x512xf32> to vector<20x128x512xf32>
    %add3A_3315 = arith.addf %add3A_3313, %add3A_3314 : vector<20x128x512xf32>
    %sub3A_3316 = arith.subf %add3A_3315, %mul3A_3310 : vector<20x128x512xf32>
    %max3A_3317 = arith.constant 1.000000e-10 : f32
    %max3A_3318 = vector.broadcast %max3A_3317 : f32 to vector<20x128x512xf32>
    %max3A_3319 = arith.maximumf %sub3A_3316, %max3A_3318 : vector<20x128x512xf32>
    %div3A_3320 = arith.divf %mul3A_3310, %max3A_3319 : vector<20x128x512xf32>
    %gt3A_3321 = arith.constant 3.000000e-01 : f32
    %gt3A_3322 = vector.broadcast %gt3A_3321 : f32 to vector<20x128x512xf32>
    %gt3A_3323 = arith.cmpf ogt, %div3A_3320, %gt3A_3322 : vector<20x128x512xf32>
    %jit3A_3324 = arith.constant 1.000000e+00 : f32
    %jit3A_3325 = arith.constant 0.000000e+00 : f32
    %broadcast_in_dim3A_3326 = vector.broadcast %jit3A_3324 : f32 to vector<20x128x512xf32>
    %broadcast_in_dim3A_3327 = vector.broadcast %jit3A_3325 : f32 to vector<20x128x512xf32>
    %select_n3A_3328 = arith.select %gt3A_3323, %broadcast_in_dim3A_3326, %broadcast_in_dim3A_3327 : vector<20x128x512xi1>, vector<20x128x512xf32>
    %broadcast_in_dim3A_3329 = vector.shape_cast %while3A_3255#0 : vector<20x128xf32> to vector<20x128x1xf32>
    %mul3A_3330 = vector.broadcast %broadcast_in_dim3A_3329 : vector<20x128x1xf32> to vector<20x128x512xf32>
    %mul3A_3331 = arith.mulf %select_n3A_3328, %mul3A_3330 : vector<20x128x512xf32>
    %reduce_max3A_3332 = arith.constant dense<0xFF800000> : vector<20x512xf32>
    %reduce_max3A_3333 = vector.multi_reduction <maximumf>, %mul3A_3331, %reduce_max3A_3332 [1] : vector<20x128x512xf32> to vector<20x512xf32>
    %get3A_3334 = arith.constant 0 : index
    %get3A_3335 = arith.constant 1536 : index
    %get3A_3336 = vector.load %arg10[%get3A_3334, %get3A_3335] : memref<20x2048xf32, #tpu.memory_space<vmem>>, vector<20x512xf32>
    %sub3A_3337 = arith.constant 1.000000e+00 : f32
    %sub3A_3338 = vector.broadcast %sub3A_3337 : f32 to vector<20x512xf32>
    %sub3A_3339 = arith.subf %sub3A_3338, %reduce_max3A_3333 : vector<20x512xf32>
    %mul3A_3340 = arith.mulf %get3A_3336, %sub3A_3339 : vector<20x512xf32>
    %swap3A_3341 = arith.constant 0 : index
    %swap3A_3342 = arith.constant 1536 : index
    %swap3A_3343 = vector.load %arg10[%swap3A_3341, %swap3A_3342] : memref<20x2048xf32, #tpu.memory_space<vmem>>, vector<20x512xf32>
    tpu.vector_store %arg10[%swap3A_3341, %swap3A_3342], %mul3A_3340 {strides = array<i32>} : memref<20x2048xf32, #tpu.memory_space<vmem>>, vector<20x512xf32>,
    %slice3A_3344 = vector.extract_strided_slice %get3A_1 {offsets = [0, 1664], sizes = [20, 128], strides = [1, 1]} : vector<20x2048xf32> to vector<20x128xf32>
    %slice3A_3345 = vector.extract_strided_slice %get3A_4 {offsets = [0, 1664], sizes = [20, 128], strides = [1, 1]} : vector<20x2048xf32> to vector<20x128xf32>
    %slice3A_3346 = vector.extract_strided_slice %get3A_7 {offsets = [0, 1664], sizes = [20, 128], strides = [1, 1]} : vector<20x2048xf32> to vector<20x128xf32>
    %slice3A_3347 = vector.extract_strided_slice %get3A_10 {offsets = [0, 1664], sizes = [20, 128], strides = [1, 1]} : vector<20x2048xf32> to vector<20x128xf32>
    %slice3A_3348 = vector.extract_strided_slice %mul3A {offsets = [0, 1664], sizes = [20, 128], strides = [1, 1]} : vector<20x2048xf32> to vector<20x128xf32>
    %broadcast_in_dim3A_3349 = vector.shape_cast %slice3A_3344 : vector<20x128xf32> to vector<20x128x1xf32>
    %broadcast_in_dim3A_3350 = vector.shape_cast %slice3A_3344 : vector<20x128xf32> to vector<20x1x128xf32>
    %max3A_3351 = vector.broadcast %broadcast_in_dim3A_3349 : vector<20x128x1xf32> to vector<20x128x128xf32>
    %max3A_3352 = vector.broadcast %broadcast_in_dim3A_3350 : vector<20x1x128xf32> to vector<20x128x128xf32>
    %max3A_3353 = arith.maximumf %max3A_3351, %max3A_3352 : vector<20x128x128xf32>
    %broadcast_in_dim3A_3354 = vector.shape_cast %slice3A_3345 : vector<20x128xf32> to vector<20x128x1xf32>
    %broadcast_in_dim3A_3355 = vector.shape_cast %slice3A_3345 : vector<20x128xf32> to vector<20x1x128xf32>
    %max3A_3356 = vector.broadcast %broadcast_in_dim3A_3354 : vector<20x128x1xf32> to vector<20x128x128xf32>
    %max3A_3357 = vector.broadcast %broadcast_in_dim3A_3355 : vector<20x1x128xf32> to vector<20x128x128xf32>
    %max3A_3358 = arith.maximumf %max3A_3356, %max3A_3357 : vector<20x128x128xf32>
    %broadcast_in_dim3A_3359 = vector.shape_cast %slice3A_3346 : vector<20x128xf32> to vector<20x128x1xf32>
    %broadcast_in_dim3A_3360 = vector.shape_cast %slice3A_3346 : vector<20x128xf32> to vector<20x1x128xf32>
    %min3A_3361 = vector.broadcast %broadcast_in_dim3A_3359 : vector<20x128x1xf32> to vector<20x128x128xf32>
    %min3A_3362 = vector.broadcast %broadcast_in_dim3A_3360 : vector<20x1x128xf32> to vector<20x128x128xf32>
    %min3A_3363 = arith.minimumf %min3A_3361, %min3A_3362 : vector<20x128x128xf32>
    %broadcast_in_dim3A_3364 = vector.shape_cast %slice3A_3347 : vector<20x128xf32> to vector<20x128x1xf32>
    %broadcast_in_dim3A_3365 = vector.shape_cast %slice3A_3347 : vector<20x128xf32> to vector<20x1x128xf32>
    %min3A_3366 = vector.broadcast %broadcast_in_dim3A_3364 : vector<20x128x1xf32> to vector<20x128x128xf32>
    %min3A_3367 = vector.broadcast %broadcast_in_dim3A_3365 : vector<20x1x128xf32> to vector<20x128x128xf32>
    %min3A_3368 = arith.minimumf %min3A_3366, %min3A_3367 : vector<20x128x128xf32>
    %sub3A_3369 = arith.subf %min3A_3363, %max3A_3353 : vector<20x128x128xf32>
    %max3A_3370 = arith.constant 0.000000e+00 : f32
    %max3A_3371 = vector.broadcast %max3A_3370 : f32 to vector<20x128x128xf32>
    %max3A_3372 = arith.maximumf %sub3A_3369, %max3A_3371 : vector<20x128x128xf32>
    %sub3A_3373 = arith.subf %min3A_3368, %max3A_3358 : vector<20x128x128xf32>
    %max3A_3374 = arith.constant 0.000000e+00 : f32
    %max3A_3375 = vector.broadcast %max3A_3374 : f32 to vector<20x128x128xf32>
    %max3A_3376 = arith.maximumf %sub3A_3373, %max3A_3375 : vector<20x128x128xf32>
    %mul3A_3377 = arith.mulf %max3A_3372, %max3A_3376 : vector<20x128x128xf32>
    %broadcast_in_dim3A_3378 = vector.shape_cast %slice3A_3348 : vector<20x128xf32> to vector<20x128x1xf32>
    %broadcast_in_dim3A_3379 = vector.shape_cast %slice3A_3348 : vector<20x128xf32> to vector<20x1x128xf32>
    %add3A_3380 = vector.broadcast %broadcast_in_dim3A_3378 : vector<20x128x1xf32> to vector<20x128x128xf32>
    %add3A_3381 = vector.broadcast %broadcast_in_dim3A_3379 : vector<20x1x128xf32> to vector<20x128x128xf32>
    %add3A_3382 = arith.addf %add3A_3380, %add3A_3381 : vector<20x128x128xf32>
    %sub3A_3383 = arith.subf %add3A_3382, %mul3A_3377 : vector<20x128x128xf32>
    %max3A_3384 = arith.constant 1.000000e-10 : f32
    %max3A_3385 = vector.broadcast %max3A_3384 : f32 to vector<20x128x128xf32>
    %max3A_3386 = arith.maximumf %sub3A_3383, %max3A_3385 : vector<20x128x128xf32>
    %div3A_3387 = arith.divf %mul3A_3377, %max3A_3386 : vector<20x128x128xf32>
    %gt3A_3388 = arith.constant 3.000000e-01 : f32
    %gt3A_3389 = vector.broadcast %gt3A_3388 : f32 to vector<20x128x128xf32>
    %gt3A_3390 = arith.cmpf ogt, %div3A_3387, %gt3A_3389 : vector<20x128x128xf32>
    %jit3A_3391 = arith.constant 1.000000e+00 : f32
    %jit3A_3392 = arith.constant 0.000000e+00 : f32
    %broadcast_in_dim3A_3393 = vector.broadcast %jit3A_3391 : f32 to vector<20x128x128xf32>
    %broadcast_in_dim3A_3394 = vector.broadcast %jit3A_3392 : f32 to vector<20x128x128xf32>
    %select_n3A_3395 = arith.select %gt3A_3390, %broadcast_in_dim3A_3393, %broadcast_in_dim3A_3394 : vector<20x128x128xi1>, vector<20x128x128xf32>
    %mul3A_3396 = vector.broadcast %select_n3A_31 : vector<1x128x128xf32> to vector<20x128x128xf32>
    %mul3A_3397 = arith.mulf %select_n3A_3395, %mul3A_3396 : vector<20x128x128xf32>
    %get3A_3398 = arith.constant 0 : index
    %get3A_3399 = arith.constant 1664 : index
    %get3A_3400 = vector.load %arg10[%get3A_3398, %get3A_3399] : memref<20x2048xf32, #tpu.memory_space<vmem>>, vector<20x128xf32>
    %while3A_3401 = arith.constant true
    %while3A_3402:2 = scf.while (%while3A_3718 = %get3A_3400, %while3A_3719 = %while3A_3401) : (vector<20x128xf32>, i1) -> (vector<20x128xf32>, i1) {
      scf.condition(%while3A_3719) %while3A_3718, %while3A_3719 : vector<20x128xf32>, i1
    } do {
    ^bb0(%while3A_3718: vector<20x128xf32>, %while3A_3719: i1):
      %broadcast_in_dim3A_3720 = vector.shape_cast %while3A_3718 : vector<20x128xf32> to vector<20x128x1xf32>
      %mul3A_3721 = vector.broadcast %broadcast_in_dim3A_3720 : vector<20x128x1xf32> to vector<20x128x128xf32>
      %mul3A_3722 = arith.mulf %mul3A_3397, %mul3A_3721 : vector<20x128x128xf32>
      %reduce_max3A_3723 = arith.constant dense<0xFF800000> : vector<20x128xf32>
      %reduce_max3A_3724 = vector.multi_reduction <maximumf>, %mul3A_3722, %reduce_max3A_3723 [1] : vector<20x128x128xf32> to vector<20x128xf32>
      %sub3A_3725 = arith.constant 1.000000e+00 : f32
      %sub3A_3726 = vector.broadcast %sub3A_3725 : f32 to vector<20x128xf32>
      %sub3A_3727 = arith.subf %sub3A_3726, %reduce_max3A_3724 : vector<20x128xf32>
      %mul3A_3728 = arith.mulf %get3A_3400, %sub3A_3727 : vector<20x128xf32>
      %ne3A = arith.cmpf one, %mul3A_3728, %while3A_3718 : vector<20x128xf32>
      %reduce_or3A = arith.constant 1.000000e+00 : f32
      %reduce_or3A_3729 = arith.constant 0.000000e+00 : f32
      %reduce_or3A_3730 = vector.broadcast %reduce_or3A : f32 to vector<20x128xf32>
      %reduce_or3A_3731 = vector.broadcast %reduce_or3A_3729 : f32 to vector<20x128xf32>
      %reduce_or3A_3732 = arith.select %ne3A, %reduce_or3A_3730, %reduce_or3A_3731 : vector<20x128xi1>, vector<20x128xf32>
      %reduce_or3A_3733 = vector.shape_cast %reduce_or3A_3732 : vector<20x128xf32> to vector<1x20x128xf32>
      %reduce_or3A_3734 = arith.constant dense<0xFF800000> : vector<1xf32>
      %reduce_or3A_3735 = vector.multi_reduction <maximumf>, %reduce_or3A_3733, %reduce_or3A_3734 [1, 2] : vector<1x20x128xf32> to vector<1xf32>
      %reduce_or3A_3736 = vector.shape_cast %reduce_or3A_3735 : vector<1xf32> to vector<1x1x1xf32>
      %reduce_or3A_3737 = vector.extract %reduce_or3A_3736[0, 0, 0] : f32 from vector<1x1x1xf32>
      %reduce_or3A_3738 = arith.constant 0.000000e+00 : f32
      %reduce_or3A_3739 = arith.cmpf ogt, %reduce_or3A_3737, %reduce_or3A_3738 : f32
      scf.yield %mul3A_3728, %reduce_or3A_3739 : vector<20x128xf32>, i1
    }
    %mul3A_3403 = arith.mulf %slice3A_3344, %while3A_3402#0 : vector<20x128xf32>
    %swap3A_3404 = arith.constant 0 : index
    %swap3A_3405 = arith.constant 1664 : index
    %swap3A_3406 = vector.load %arg5[%swap3A_3404, %swap3A_3405] : memref<20x2048xf32, #tpu.memory_space<vmem>>, vector<20x128xf32>
    tpu.vector_store %arg5[%swap3A_3404, %swap3A_3405], %mul3A_3403 {strides = array<i32>} : memref<20x2048xf32, #tpu.memory_space<vmem>>, vector<20x128xf32>,
    %mul3A_3407 = arith.mulf %slice3A_3345, %while3A_3402#0 : vector<20x128xf32>
    %swap3A_3408 = arith.constant 0 : index
    %swap3A_3409 = arith.constant 1664 : index
    %swap3A_3410 = vector.load %arg6[%swap3A_3408, %swap3A_3409] : memref<20x2048xf32, #tpu.memory_space<vmem>>, vector<20x128xf32>
    tpu.vector_store %arg6[%swap3A_3408, %swap3A_3409], %mul3A_3407 {strides = array<i32>} : memref<20x2048xf32, #tpu.memory_space<vmem>>, vector<20x128xf32>,
    %mul3A_3411 = arith.mulf %slice3A_3346, %while3A_3402#0 : vector<20x128xf32>
    %swap3A_3412 = arith.constant 0 : index
    %swap3A_3413 = arith.constant 1664 : index
    %swap3A_3414 = vector.load %arg7[%swap3A_3412, %swap3A_3413] : memref<20x2048xf32, #tpu.memory_space<vmem>>, vector<20x128xf32>
    tpu.vector_store %arg7[%swap3A_3412, %swap3A_3413], %mul3A_3411 {strides = array<i32>} : memref<20x2048xf32, #tpu.memory_space<vmem>>, vector<20x128xf32>,
    %mul3A_3415 = arith.mulf %slice3A_3347, %while3A_3402#0 : vector<20x128xf32>
    %swap3A_3416 = arith.constant 0 : index
    %swap3A_3417 = arith.constant 1664 : index
    %swap3A_3418 = vector.load %arg8[%swap3A_3416, %swap3A_3417] : memref<20x2048xf32, #tpu.memory_space<vmem>>, vector<20x128xf32>
    tpu.vector_store %arg8[%swap3A_3416, %swap3A_3417], %mul3A_3415 {strides = array<i32>} : memref<20x2048xf32, #tpu.memory_space<vmem>>, vector<20x128xf32>,
    %slice3A_3419 = vector.extract_strided_slice %get3A_13 {offsets = [0, 1664], sizes = [20, 128], strides = [1, 1]} : vector<20x2048xf32> to vector<20x128xf32>
    %mul3A_3420 = arith.mulf %slice3A_3419, %while3A_3402#0 : vector<20x128xf32>
    %swap3A_3421 = arith.constant 0 : index
    %swap3A_3422 = arith.constant 1664 : index
    %swap3A_3423 = vector.load %arg9[%swap3A_3421, %swap3A_3422] : memref<20x2048xf32, #tpu.memory_space<vmem>>, vector<20x128xf32>
    tpu.vector_store %arg9[%swap3A_3421, %swap3A_3422], %mul3A_3420 {strides = array<i32>} : memref<20x2048xf32, #tpu.memory_space<vmem>>, vector<20x128xf32>,
    %slice3A_3424 = vector.extract_strided_slice %get3A_1 {offsets = [0, 1536], sizes = [20, 512], strides = [1, 1]} : vector<20x2048xf32> to vector<20x512xf32>
    %slice3A_3425 = vector.extract_strided_slice %get3A_4 {offsets = [0, 1536], sizes = [20, 512], strides = [1, 1]} : vector<20x2048xf32> to vector<20x512xf32>
    %slice3A_3426 = vector.extract_strided_slice %get3A_7 {offsets = [0, 1536], sizes = [20, 512], strides = [1, 1]} : vector<20x2048xf32> to vector<20x512xf32>
    %slice3A_3427 = vector.extract_strided_slice %get3A_10 {offsets = [0, 1536], sizes = [20, 512], strides = [1, 1]} : vector<20x2048xf32> to vector<20x512xf32>
    %slice3A_3428 = vector.extract_strided_slice %mul3A {offsets = [0, 1536], sizes = [20, 512], strides = [1, 1]} : vector<20x2048xf32> to vector<20x512xf32>
    %broadcast_in_dim3A_3429 = vector.shape_cast %slice3A_3344 : vector<20x128xf32> to vector<20x128x1xf32>
    %broadcast_in_dim3A_3430 = vector.shape_cast %slice3A_3424 : vector<20x512xf32> to vector<20x1x512xf32>
    %max3A_3431 = vector.broadcast %broadcast_in_dim3A_3429 : vector<20x128x1xf32> to vector<20x128x512xf32>
    %max3A_3432 = vector.broadcast %broadcast_in_dim3A_3430 : vector<20x1x512xf32> to vector<20x128x512xf32>
    %max3A_3433 = arith.maximumf %max3A_3431, %max3A_3432 : vector<20x128x512xf32>
    %broadcast_in_dim3A_3434 = vector.shape_cast %slice3A_3345 : vector<20x128xf32> to vector<20x128x1xf32>
    %broadcast_in_dim3A_3435 = vector.shape_cast %slice3A_3425 : vector<20x512xf32> to vector<20x1x512xf32>
    %max3A_3436 = vector.broadcast %broadcast_in_dim3A_3434 : vector<20x128x1xf32> to vector<20x128x512xf32>
    %max3A_3437 = vector.broadcast %broadcast_in_dim3A_3435 : vector<20x1x512xf32> to vector<20x128x512xf32>
    %max3A_3438 = arith.maximumf %max3A_3436, %max3A_3437 : vector<20x128x512xf32>
    %broadcast_in_dim3A_3439 = vector.shape_cast %slice3A_3346 : vector<20x128xf32> to vector<20x128x1xf32>
    %broadcast_in_dim3A_3440 = vector.shape_cast %slice3A_3426 : vector<20x512xf32> to vector<20x1x512xf32>
    %min3A_3441 = vector.broadcast %broadcast_in_dim3A_3439 : vector<20x128x1xf32> to vector<20x128x512xf32>
    %min3A_3442 = vector.broadcast %broadcast_in_dim3A_3440 : vector<20x1x512xf32> to vector<20x128x512xf32>
    %min3A_3443 = arith.minimumf %min3A_3441, %min3A_3442 : vector<20x128x512xf32>
    %broadcast_in_dim3A_3444 = vector.shape_cast %slice3A_3347 : vector<20x128xf32> to vector<20x128x1xf32>
    %broadcast_in_dim3A_3445 = vector.shape_cast %slice3A_3427 : vector<20x512xf32> to vector<20x1x512xf32>
    %min3A_3446 = vector.broadcast %broadcast_in_dim3A_3444 : vector<20x128x1xf32> to vector<20x128x512xf32>
    %min3A_3447 = vector.broadcast %broadcast_in_dim3A_3445 : vector<20x1x512xf32> to vector<20x128x512xf32>
    %min3A_3448 = arith.minimumf %min3A_3446, %min3A_3447 : vector<20x128x512xf32>
    %sub3A_3449 = arith.subf %min3A_3443, %max3A_3433 : vector<20x128x512xf32>
    %max3A_3450 = arith.constant 0.000000e+00 : f32
    %max3A_3451 = vector.broadcast %max3A_3450 : f32 to vector<20x128x512xf32>
    %max3A_3452 = arith.maximumf %sub3A_3449, %max3A_3451 : vector<20x128x512xf32>
    %sub3A_3453 = arith.subf %min3A_3448, %max3A_3438 : vector<20x128x512xf32>
    %max3A_3454 = arith.constant 0.000000e+00 : f32
    %max3A_3455 = vector.broadcast %max3A_3454 : f32 to vector<20x128x512xf32>
    %max3A_3456 = arith.maximumf %sub3A_3453, %max3A_3455 : vector<20x128x512xf32>
    %mul3A_3457 = arith.mulf %max3A_3452, %max3A_3456 : vector<20x128x512xf32>
    %broadcast_in_dim3A_3458 = vector.shape_cast %slice3A_3348 : vector<20x128xf32> to vector<20x128x1xf32>
    %broadcast_in_dim3A_3459 = vector.shape_cast %slice3A_3428 : vector<20x512xf32> to vector<20x1x512xf32>
    %add3A_3460 = vector.broadcast %broadcast_in_dim3A_3458 : vector<20x128x1xf32> to vector<20x128x512xf32>
    %add3A_3461 = vector.broadcast %broadcast_in_dim3A_3459 : vector<20x1x512xf32> to vector<20x128x512xf32>
    %add3A_3462 = arith.addf %add3A_3460, %add3A_3461 : vector<20x128x512xf32>
    %sub3A_3463 = arith.subf %add3A_3462, %mul3A_3457 : vector<20x128x512xf32>
    %max3A_3464 = arith.constant 1.000000e-10 : f32
    %max3A_3465 = vector.broadcast %max3A_3464 : f32 to vector<20x128x512xf32>
    %max3A_3466 = arith.maximumf %sub3A_3463, %max3A_3465 : vector<20x128x512xf32>
    %div3A_3467 = arith.divf %mul3A_3457, %max3A_3466 : vector<20x128x512xf32>
    %gt3A_3468 = arith.constant 3.000000e-01 : f32
    %gt3A_3469 = vector.broadcast %gt3A_3468 : f32 to vector<20x128x512xf32>
    %gt3A_3470 = arith.cmpf ogt, %div3A_3467, %gt3A_3469 : vector<20x128x512xf32>
    %jit3A_3471 = arith.constant 1.000000e+00 : f32
    %jit3A_3472 = arith.constant 0.000000e+00 : f32
    %broadcast_in_dim3A_3473 = vector.broadcast %jit3A_3471 : f32 to vector<20x128x512xf32>
    %broadcast_in_dim3A_3474 = vector.broadcast %jit3A_3472 : f32 to vector<20x128x512xf32>
    %select_n3A_3475 = arith.select %gt3A_3470, %broadcast_in_dim3A_3473, %broadcast_in_dim3A_3474 : vector<20x128x512xi1>, vector<20x128x512xf32>
    %broadcast_in_dim3A_3476 = vector.shape_cast %while3A_3402#0 : vector<20x128xf32> to vector<20x128x1xf32>
    %mul3A_3477 = vector.broadcast %broadcast_in_dim3A_3476 : vector<20x128x1xf32> to vector<20x128x512xf32>
    %mul3A_3478 = arith.mulf %select_n3A_3475, %mul3A_3477 : vector<20x128x512xf32>
    %reduce_max3A_3479 = arith.constant dense<0xFF800000> : vector<20x512xf32>
    %reduce_max3A_3480 = vector.multi_reduction <maximumf>, %mul3A_3478, %reduce_max3A_3479 [1] : vector<20x128x512xf32> to vector<20x512xf32>
    %get3A_3481 = arith.constant 0 : index
    %get3A_3482 = arith.constant 1536 : index
    %get3A_3483 = vector.load %arg10[%get3A_3481, %get3A_3482] : memref<20x2048xf32, #tpu.memory_space<vmem>>, vector<20x512xf32>
    %sub3A_3484 = arith.constant 1.000000e+00 : f32
    %sub3A_3485 = vector.broadcast %sub3A_3484 : f32 to vector<20x512xf32>
    %sub3A_3486 = arith.subf %sub3A_3485, %reduce_max3A_3480 : vector<20x512xf32>
    %mul3A_3487 = arith.mulf %get3A_3483, %sub3A_3486 : vector<20x512xf32>
    %swap3A_3488 = arith.constant 0 : index
    %swap3A_3489 = arith.constant 1536 : index
    %swap3A_3490 = vector.load %arg10[%swap3A_3488, %swap3A_3489] : memref<20x2048xf32, #tpu.memory_space<vmem>>, vector<20x512xf32>
    tpu.vector_store %arg10[%swap3A_3488, %swap3A_3489], %mul3A_3487 {strides = array<i32>} : memref<20x2048xf32, #tpu.memory_space<vmem>>, vector<20x512xf32>,
    %slice3A_3491 = vector.extract_strided_slice %get3A_1 {offsets = [0, 1792], sizes = [20, 128], strides = [1, 1]} : vector<20x2048xf32> to vector<20x128xf32>
    %slice3A_3492 = vector.extract_strided_slice %get3A_4 {offsets = [0, 1792], sizes = [20, 128], strides = [1, 1]} : vector<20x2048xf32> to vector<20x128xf32>
    %slice3A_3493 = vector.extract_strided_slice %get3A_7 {offsets = [0, 1792], sizes = [20, 128], strides = [1, 1]} : vector<20x2048xf32> to vector<20x128xf32>
    %slice3A_3494 = vector.extract_strided_slice %get3A_10 {offsets = [0, 1792], sizes = [20, 128], strides = [1, 1]} : vector<20x2048xf32> to vector<20x128xf32>
    %slice3A_3495 = vector.extract_strided_slice %mul3A {offsets = [0, 1792], sizes = [20, 128], strides = [1, 1]} : vector<20x2048xf32> to vector<20x128xf32>
    %broadcast_in_dim3A_3496 = vector.shape_cast %slice3A_3491 : vector<20x128xf32> to vector<20x128x1xf32>
    %broadcast_in_dim3A_3497 = vector.shape_cast %slice3A_3491 : vector<20x128xf32> to vector<20x1x128xf32>
    %max3A_3498 = vector.broadcast %broadcast_in_dim3A_3496 : vector<20x128x1xf32> to vector<20x128x128xf32>
    %max3A_3499 = vector.broadcast %broadcast_in_dim3A_3497 : vector<20x1x128xf32> to vector<20x128x128xf32>
    %max3A_3500 = arith.maximumf %max3A_3498, %max3A_3499 : vector<20x128x128xf32>
    %broadcast_in_dim3A_3501 = vector.shape_cast %slice3A_3492 : vector<20x128xf32> to vector<20x128x1xf32>
    %broadcast_in_dim3A_3502 = vector.shape_cast %slice3A_3492 : vector<20x128xf32> to vector<20x1x128xf32>
    %max3A_3503 = vector.broadcast %broadcast_in_dim3A_3501 : vector<20x128x1xf32> to vector<20x128x128xf32>
    %max3A_3504 = vector.broadcast %broadcast_in_dim3A_3502 : vector<20x1x128xf32> to vector<20x128x128xf32>
    %max3A_3505 = arith.maximumf %max3A_3503, %max3A_3504 : vector<20x128x128xf32>
    %broadcast_in_dim3A_3506 = vector.shape_cast %slice3A_3493 : vector<20x128xf32> to vector<20x128x1xf32>
    %broadcast_in_dim3A_3507 = vector.shape_cast %slice3A_3493 : vector<20x128xf32> to vector<20x1x128xf32>
    %min3A_3508 = vector.broadcast %broadcast_in_dim3A_3506 : vector<20x128x1xf32> to vector<20x128x128xf32>
    %min3A_3509 = vector.broadcast %broadcast_in_dim3A_3507 : vector<20x1x128xf32> to vector<20x128x128xf32>
    %min3A_3510 = arith.minimumf %min3A_3508, %min3A_3509 : vector<20x128x128xf32>
    %broadcast_in_dim3A_3511 = vector.shape_cast %slice3A_3494 : vector<20x128xf32> to vector<20x128x1xf32>
    %broadcast_in_dim3A_3512 = vector.shape_cast %slice3A_3494 : vector<20x128xf32> to vector<20x1x128xf32>
    %min3A_3513 = vector.broadcast %broadcast_in_dim3A_3511 : vector<20x128x1xf32> to vector<20x128x128xf32>
    %min3A_3514 = vector.broadcast %broadcast_in_dim3A_3512 : vector<20x1x128xf32> to vector<20x128x128xf32>
    %min3A_3515 = arith.minimumf %min3A_3513, %min3A_3514 : vector<20x128x128xf32>
    %sub3A_3516 = arith.subf %min3A_3510, %max3A_3500 : vector<20x128x128xf32>
    %max3A_3517 = arith.constant 0.000000e+00 : f32
    %max3A_3518 = vector.broadcast %max3A_3517 : f32 to vector<20x128x128xf32>
    %max3A_3519 = arith.maximumf %sub3A_3516, %max3A_3518 : vector<20x128x128xf32>
    %sub3A_3520 = arith.subf %min3A_3515, %max3A_3505 : vector<20x128x128xf32>
    %max3A_3521 = arith.constant 0.000000e+00 : f32
    %max3A_3522 = vector.broadcast %max3A_3521 : f32 to vector<20x128x128xf32>
    %max3A_3523 = arith.maximumf %sub3A_3520, %max3A_3522 : vector<20x128x128xf32>
    %mul3A_3524 = arith.mulf %max3A_3519, %max3A_3523 : vector<20x128x128xf32>
    %broadcast_in_dim3A_3525 = vector.shape_cast %slice3A_3495 : vector<20x128xf32> to vector<20x128x1xf32>
    %broadcast_in_dim3A_3526 = vector.shape_cast %slice3A_3495 : vector<20x128xf32> to vector<20x1x128xf32>
    %add3A_3527 = vector.broadcast %broadcast_in_dim3A_3525 : vector<20x128x1xf32> to vector<20x128x128xf32>
    %add3A_3528 = vector.broadcast %broadcast_in_dim3A_3526 : vector<20x1x128xf32> to vector<20x128x128xf32>
    %add3A_3529 = arith.addf %add3A_3527, %add3A_3528 : vector<20x128x128xf32>
    %sub3A_3530 = arith.subf %add3A_3529, %mul3A_3524 : vector<20x128x128xf32>
    %max3A_3531 = arith.constant 1.000000e-10 : f32
    %max3A_3532 = vector.broadcast %max3A_3531 : f32 to vector<20x128x128xf32>
    %max3A_3533 = arith.maximumf %sub3A_3530, %max3A_3532 : vector<20x128x128xf32>
    %div3A_3534 = arith.divf %mul3A_3524, %max3A_3533 : vector<20x128x128xf32>
    %gt3A_3535 = arith.constant 3.000000e-01 : f32
    %gt3A_3536 = vector.broadcast %gt3A_3535 : f32 to vector<20x128x128xf32>
    %gt3A_3537 = arith.cmpf ogt, %div3A_3534, %gt3A_3536 : vector<20x128x128xf32>
    %jit3A_3538 = arith.constant 1.000000e+00 : f32
    %jit3A_3539 = arith.constant 0.000000e+00 : f32
    %broadcast_in_dim3A_3540 = vector.broadcast %jit3A_3538 : f32 to vector<20x128x128xf32>
    %broadcast_in_dim3A_3541 = vector.broadcast %jit3A_3539 : f32 to vector<20x128x128xf32>
    %select_n3A_3542 = arith.select %gt3A_3537, %broadcast_in_dim3A_3540, %broadcast_in_dim3A_3541 : vector<20x128x128xi1>, vector<20x128x128xf32>
    %mul3A_3543 = vector.broadcast %select_n3A_31 : vector<1x128x128xf32> to vector<20x128x128xf32>
    %mul3A_3544 = arith.mulf %select_n3A_3542, %mul3A_3543 : vector<20x128x128xf32>
    %get3A_3545 = arith.constant 0 : index
    %get3A_3546 = arith.constant 1792 : index
    %get3A_3547 = vector.load %arg10[%get3A_3545, %get3A_3546] : memref<20x2048xf32, #tpu.memory_space<vmem>>, vector<20x128xf32>
    %while3A_3548 = arith.constant true
    %while3A_3549:2 = scf.while (%while3A_3718 = %get3A_3547, %while3A_3719 = %while3A_3548) : (vector<20x128xf32>, i1) -> (vector<20x128xf32>, i1) {
      scf.condition(%while3A_3719) %while3A_3718, %while3A_3719 : vector<20x128xf32>, i1
    } do {
    ^bb0(%while3A_3718: vector<20x128xf32>, %while3A_3719: i1):
      %broadcast_in_dim3A_3720 = vector.shape_cast %while3A_3718 : vector<20x128xf32> to vector<20x128x1xf32>
      %mul3A_3721 = vector.broadcast %broadcast_in_dim3A_3720 : vector<20x128x1xf32> to vector<20x128x128xf32>
      %mul3A_3722 = arith.mulf %mul3A_3544, %mul3A_3721 : vector<20x128x128xf32>
      %reduce_max3A_3723 = arith.constant dense<0xFF800000> : vector<20x128xf32>
      %reduce_max3A_3724 = vector.multi_reduction <maximumf>, %mul3A_3722, %reduce_max3A_3723 [1] : vector<20x128x128xf32> to vector<20x128xf32>
      %sub3A_3725 = arith.constant 1.000000e+00 : f32
      %sub3A_3726 = vector.broadcast %sub3A_3725 : f32 to vector<20x128xf32>
      %sub3A_3727 = arith.subf %sub3A_3726, %reduce_max3A_3724 : vector<20x128xf32>
      %mul3A_3728 = arith.mulf %get3A_3547, %sub3A_3727 : vector<20x128xf32>
      %ne3A = arith.cmpf one, %mul3A_3728, %while3A_3718 : vector<20x128xf32>
      %reduce_or3A = arith.constant 1.000000e+00 : f32
      %reduce_or3A_3729 = arith.constant 0.000000e+00 : f32
      %reduce_or3A_3730 = vector.broadcast %reduce_or3A : f32 to vector<20x128xf32>
      %reduce_or3A_3731 = vector.broadcast %reduce_or3A_3729 : f32 to vector<20x128xf32>
      %reduce_or3A_3732 = arith.select %ne3A, %reduce_or3A_3730, %reduce_or3A_3731 : vector<20x128xi1>, vector<20x128xf32>
      %reduce_or3A_3733 = vector.shape_cast %reduce_or3A_3732 : vector<20x128xf32> to vector<1x20x128xf32>
      %reduce_or3A_3734 = arith.constant dense<0xFF800000> : vector<1xf32>
      %reduce_or3A_3735 = vector.multi_reduction <maximumf>, %reduce_or3A_3733, %reduce_or3A_3734 [1, 2] : vector<1x20x128xf32> to vector<1xf32>
      %reduce_or3A_3736 = vector.shape_cast %reduce_or3A_3735 : vector<1xf32> to vector<1x1x1xf32>
      %reduce_or3A_3737 = vector.extract %reduce_or3A_3736[0, 0, 0] : f32 from vector<1x1x1xf32>
      %reduce_or3A_3738 = arith.constant 0.000000e+00 : f32
      %reduce_or3A_3739 = arith.cmpf ogt, %reduce_or3A_3737, %reduce_or3A_3738 : f32
      scf.yield %mul3A_3728, %reduce_or3A_3739 : vector<20x128xf32>, i1
    }
    %mul3A_3550 = arith.mulf %slice3A_3491, %while3A_3549#0 : vector<20x128xf32>
    %swap3A_3551 = arith.constant 0 : index
    %swap3A_3552 = arith.constant 1792 : index
    %swap3A_3553 = vector.load %arg5[%swap3A_3551, %swap3A_3552] : memref<20x2048xf32, #tpu.memory_space<vmem>>, vector<20x128xf32>
    tpu.vector_store %arg5[%swap3A_3551, %swap3A_3552], %mul3A_3550 {strides = array<i32>} : memref<20x2048xf32, #tpu.memory_space<vmem>>, vector<20x128xf32>,
    %mul3A_3554 = arith.mulf %slice3A_3492, %while3A_3549#0 : vector<20x128xf32>
    %swap3A_3555 = arith.constant 0 : index
    %swap3A_3556 = arith.constant 1792 : index
    %swap3A_3557 = vector.load %arg6[%swap3A_3555, %swap3A_3556] : memref<20x2048xf32, #tpu.memory_space<vmem>>, vector<20x128xf32>
    tpu.vector_store %arg6[%swap3A_3555, %swap3A_3556], %mul3A_3554 {strides = array<i32>} : memref<20x2048xf32, #tpu.memory_space<vmem>>, vector<20x128xf32>,
    %mul3A_3558 = arith.mulf %slice3A_3493, %while3A_3549#0 : vector<20x128xf32>
    %swap3A_3559 = arith.constant 0 : index
    %swap3A_3560 = arith.constant 1792 : index
    %swap3A_3561 = vector.load %arg7[%swap3A_3559, %swap3A_3560] : memref<20x2048xf32, #tpu.memory_space<vmem>>, vector<20x128xf32>
    tpu.vector_store %arg7[%swap3A_3559, %swap3A_3560], %mul3A_3558 {strides = array<i32>} : memref<20x2048xf32, #tpu.memory_space<vmem>>, vector<20x128xf32>,
    %mul3A_3562 = arith.mulf %slice3A_3494, %while3A_3549#0 : vector<20x128xf32>
    %swap3A_3563 = arith.constant 0 : index
    %swap3A_3564 = arith.constant 1792 : index
    %swap3A_3565 = vector.load %arg8[%swap3A_3563, %swap3A_3564] : memref<20x2048xf32, #tpu.memory_space<vmem>>, vector<20x128xf32>
    tpu.vector_store %arg8[%swap3A_3563, %swap3A_3564], %mul3A_3562 {strides = array<i32>} : memref<20x2048xf32, #tpu.memory_space<vmem>>, vector<20x128xf32>,
    %slice3A_3566 = vector.extract_strided_slice %get3A_13 {offsets = [0, 1792], sizes = [20, 128], strides = [1, 1]} : vector<20x2048xf32> to vector<20x128xf32>
    %mul3A_3567 = arith.mulf %slice3A_3566, %while3A_3549#0 : vector<20x128xf32>
    %swap3A_3568 = arith.constant 0 : index
    %swap3A_3569 = arith.constant 1792 : index
    %swap3A_3570 = vector.load %arg9[%swap3A_3568, %swap3A_3569] : memref<20x2048xf32, #tpu.memory_space<vmem>>, vector<20x128xf32>
    tpu.vector_store %arg9[%swap3A_3568, %swap3A_3569], %mul3A_3567 {strides = array<i32>} : memref<20x2048xf32, #tpu.memory_space<vmem>>, vector<20x128xf32>,
    %slice3A_3571 = vector.extract_strided_slice %get3A_1 {offsets = [0, 1536], sizes = [20, 512], strides = [1, 1]} : vector<20x2048xf32> to vector<20x512xf32>
    %slice3A_3572 = vector.extract_strided_slice %get3A_4 {offsets = [0, 1536], sizes = [20, 512], strides = [1, 1]} : vector<20x2048xf32> to vector<20x512xf32>
    %slice3A_3573 = vector.extract_strided_slice %get3A_7 {offsets = [0, 1536], sizes = [20, 512], strides = [1, 1]} : vector<20x2048xf32> to vector<20x512xf32>
    %slice3A_3574 = vector.extract_strided_slice %get3A_10 {offsets = [0, 1536], sizes = [20, 512], strides = [1, 1]} : vector<20x2048xf32> to vector<20x512xf32>
    %slice3A_3575 = vector.extract_strided_slice %mul3A {offsets = [0, 1536], sizes = [20, 512], strides = [1, 1]} : vector<20x2048xf32> to vector<20x512xf32>
    %broadcast_in_dim3A_3576 = vector.shape_cast %slice3A_3491 : vector<20x128xf32> to vector<20x128x1xf32>
    %broadcast_in_dim3A_3577 = vector.shape_cast %slice3A_3571 : vector<20x512xf32> to vector<20x1x512xf32>
    %max3A_3578 = vector.broadcast %broadcast_in_dim3A_3576 : vector<20x128x1xf32> to vector<20x128x512xf32>
    %max3A_3579 = vector.broadcast %broadcast_in_dim3A_3577 : vector<20x1x512xf32> to vector<20x128x512xf32>
    %max3A_3580 = arith.maximumf %max3A_3578, %max3A_3579 : vector<20x128x512xf32>
    %broadcast_in_dim3A_3581 = vector.shape_cast %slice3A_3492 : vector<20x128xf32> to vector<20x128x1xf32>
    %broadcast_in_dim3A_3582 = vector.shape_cast %slice3A_3572 : vector<20x512xf32> to vector<20x1x512xf32>
    %max3A_3583 = vector.broadcast %broadcast_in_dim3A_3581 : vector<20x128x1xf32> to vector<20x128x512xf32>
    %max3A_3584 = vector.broadcast %broadcast_in_dim3A_3582 : vector<20x1x512xf32> to vector<20x128x512xf32>
    %max3A_3585 = arith.maximumf %max3A_3583, %max3A_3584 : vector<20x128x512xf32>
    %broadcast_in_dim3A_3586 = vector.shape_cast %slice3A_3493 : vector<20x128xf32> to vector<20x128x1xf32>
    %broadcast_in_dim3A_3587 = vector.shape_cast %slice3A_3573 : vector<20x512xf32> to vector<20x1x512xf32>
    %min3A_3588 = vector.broadcast %broadcast_in_dim3A_3586 : vector<20x128x1xf32> to vector<20x128x512xf32>
    %min3A_3589 = vector.broadcast %broadcast_in_dim3A_3587 : vector<20x1x512xf32> to vector<20x128x512xf32>
    %min3A_3590 = arith.minimumf %min3A_3588, %min3A_3589 : vector<20x128x512xf32>
    %broadcast_in_dim3A_3591 = vector.shape_cast %slice3A_3494 : vector<20x128xf32> to vector<20x128x1xf32>
    %broadcast_in_dim3A_3592 = vector.shape_cast %slice3A_3574 : vector<20x512xf32> to vector<20x1x512xf32>
    %min3A_3593 = vector.broadcast %broadcast_in_dim3A_3591 : vector<20x128x1xf32> to vector<20x128x512xf32>
    %min3A_3594 = vector.broadcast %broadcast_in_dim3A_3592 : vector<20x1x512xf32> to vector<20x128x512xf32>
    %min3A_3595 = arith.minimumf %min3A_3593, %min3A_3594 : vector<20x128x512xf32>
    %sub3A_3596 = arith.subf %min3A_3590, %max3A_3580 : vector<20x128x512xf32>
    %max3A_3597 = arith.constant 0.000000e+00 : f32
    %max3A_3598 = vector.broadcast %max3A_3597 : f32 to vector<20x128x512xf32>
    %max3A_3599 = arith.maximumf %sub3A_3596, %max3A_3598 : vector<20x128x512xf32>
    %sub3A_3600 = arith.subf %min3A_3595, %max3A_3585 : vector<20x128x512xf32>
    %max3A_3601 = arith.constant 0.000000e+00 : f32
    %max3A_3602 = vector.broadcast %max3A_3601 : f32 to vector<20x128x512xf32>
    %max3A_3603 = arith.maximumf %sub3A_3600, %max3A_3602 : vector<20x128x512xf32>
    %mul3A_3604 = arith.mulf %max3A_3599, %max3A_3603 : vector<20x128x512xf32>
    %broadcast_in_dim3A_3605 = vector.shape_cast %slice3A_3495 : vector<20x128xf32> to vector<20x128x1xf32>
    %broadcast_in_dim3A_3606 = vector.shape_cast %slice3A_3575 : vector<20x512xf32> to vector<20x1x512xf32>
    %add3A_3607 = vector.broadcast %broadcast_in_dim3A_3605 : vector<20x128x1xf32> to vector<20x128x512xf32>
    %add3A_3608 = vector.broadcast %broadcast_in_dim3A_3606 : vector<20x1x512xf32> to vector<20x128x512xf32>
    %add3A_3609 = arith.addf %add3A_3607, %add3A_3608 : vector<20x128x512xf32>
    %sub3A_3610 = arith.subf %add3A_3609, %mul3A_3604 : vector<20x128x512xf32>
    %max3A_3611 = arith.constant 1.000000e-10 : f32
    %max3A_3612 = vector.broadcast %max3A_3611 : f32 to vector<20x128x512xf32>
    %max3A_3613 = arith.maximumf %sub3A_3610, %max3A_3612 : vector<20x128x512xf32>
    %div3A_3614 = arith.divf %mul3A_3604, %max3A_3613 : vector<20x128x512xf32>
    %gt3A_3615 = arith.constant 3.000000e-01 : f32
    %gt3A_3616 = vector.broadcast %gt3A_3615 : f32 to vector<20x128x512xf32>
    %gt3A_3617 = arith.cmpf ogt, %div3A_3614, %gt3A_3616 : vector<20x128x512xf32>
    %jit3A_3618 = arith.constant 1.000000e+00 : f32
    %jit3A_3619 = arith.constant 0.000000e+00 : f32
    %broadcast_in_dim3A_3620 = vector.broadcast %jit3A_3618 : f32 to vector<20x128x512xf32>
    %broadcast_in_dim3A_3621 = vector.broadcast %jit3A_3619 : f32 to vector<20x128x512xf32>
    %select_n3A_3622 = arith.select %gt3A_3617, %broadcast_in_dim3A_3620, %broadcast_in_dim3A_3621 : vector<20x128x512xi1>, vector<20x128x512xf32>
    %broadcast_in_dim3A_3623 = vector.shape_cast %while3A_3549#0 : vector<20x128xf32> to vector<20x128x1xf32>
    %mul3A_3624 = vector.broadcast %broadcast_in_dim3A_3623 : vector<20x128x1xf32> to vector<20x128x512xf32>
    %mul3A_3625 = arith.mulf %select_n3A_3622, %mul3A_3624 : vector<20x128x512xf32>
    %reduce_max3A_3626 = arith.constant dense<0xFF800000> : vector<20x512xf32>
    %reduce_max3A_3627 = vector.multi_reduction <maximumf>, %mul3A_3625, %reduce_max3A_3626 [1] : vector<20x128x512xf32> to vector<20x512xf32>
    %get3A_3628 = arith.constant 0 : index
    %get3A_3629 = arith.constant 1536 : index
    %get3A_3630 = vector.load %arg10[%get3A_3628, %get3A_3629] : memref<20x2048xf32, #tpu.memory_space<vmem>>, vector<20x512xf32>
    %sub3A_3631 = arith.constant 1.000000e+00 : f32
    %sub3A_3632 = vector.broadcast %sub3A_3631 : f32 to vector<20x512xf32>
    %sub3A_3633 = arith.subf %sub3A_3632, %reduce_max3A_3627 : vector<20x512xf32>
    %mul3A_3634 = arith.mulf %get3A_3630, %sub3A_3633 : vector<20x512xf32>
    %swap3A_3635 = arith.constant 0 : index
    %swap3A_3636 = arith.constant 1536 : index
    %swap3A_3637 = vector.load %arg10[%swap3A_3635, %swap3A_3636] : memref<20x2048xf32, #tpu.memory_space<vmem>>, vector<20x512xf32>
    tpu.vector_store %arg10[%swap3A_3635, %swap3A_3636], %mul3A_3634 {strides = array<i32>} : memref<20x2048xf32, #tpu.memory_space<vmem>>, vector<20x512xf32>,
    %slice3A_3638 = vector.extract_strided_slice %get3A_1 {offsets = [0, 1920], sizes = [20, 128], strides = [1, 1]} : vector<20x2048xf32> to vector<20x128xf32>
    %slice3A_3639 = vector.extract_strided_slice %get3A_4 {offsets = [0, 1920], sizes = [20, 128], strides = [1, 1]} : vector<20x2048xf32> to vector<20x128xf32>
    %slice3A_3640 = vector.extract_strided_slice %get3A_7 {offsets = [0, 1920], sizes = [20, 128], strides = [1, 1]} : vector<20x2048xf32> to vector<20x128xf32>
    %slice3A_3641 = vector.extract_strided_slice %get3A_10 {offsets = [0, 1920], sizes = [20, 128], strides = [1, 1]} : vector<20x2048xf32> to vector<20x128xf32>
    %slice3A_3642 = vector.extract_strided_slice %mul3A {offsets = [0, 1920], sizes = [20, 128], strides = [1, 1]} : vector<20x2048xf32> to vector<20x128xf32>
    %broadcast_in_dim3A_3643 = vector.shape_cast %slice3A_3638 : vector<20x128xf32> to vector<20x128x1xf32>
    %broadcast_in_dim3A_3644 = vector.shape_cast %slice3A_3638 : vector<20x128xf32> to vector<20x1x128xf32>
    %max3A_3645 = vector.broadcast %broadcast_in_dim3A_3643 : vector<20x128x1xf32> to vector<20x128x128xf32>
    %max3A_3646 = vector.broadcast %broadcast_in_dim3A_3644 : vector<20x1x128xf32> to vector<20x128x128xf32>
    %max3A_3647 = arith.maximumf %max3A_3645, %max3A_3646 : vector<20x128x128xf32>
    %broadcast_in_dim3A_3648 = vector.shape_cast %slice3A_3639 : vector<20x128xf32> to vector<20x128x1xf32>
    %broadcast_in_dim3A_3649 = vector.shape_cast %slice3A_3639 : vector<20x128xf32> to vector<20x1x128xf32>
    %max3A_3650 = vector.broadcast %broadcast_in_dim3A_3648 : vector<20x128x1xf32> to vector<20x128x128xf32>
    %max3A_3651 = vector.broadcast %broadcast_in_dim3A_3649 : vector<20x1x128xf32> to vector<20x128x128xf32>
    %max3A_3652 = arith.maximumf %max3A_3650, %max3A_3651 : vector<20x128x128xf32>
    %broadcast_in_dim3A_3653 = vector.shape_cast %slice3A_3640 : vector<20x128xf32> to vector<20x128x1xf32>
    %broadcast_in_dim3A_3654 = vector.shape_cast %slice3A_3640 : vector<20x128xf32> to vector<20x1x128xf32>
    %min3A_3655 = vector.broadcast %broadcast_in_dim3A_3653 : vector<20x128x1xf32> to vector<20x128x128xf32>
    %min3A_3656 = vector.broadcast %broadcast_in_dim3A_3654 : vector<20x1x128xf32> to vector<20x128x128xf32>
    %min3A_3657 = arith.minimumf %min3A_3655, %min3A_3656 : vector<20x128x128xf32>
    %broadcast_in_dim3A_3658 = vector.shape_cast %slice3A_3641 : vector<20x128xf32> to vector<20x128x1xf32>
    %broadcast_in_dim3A_3659 = vector.shape_cast %slice3A_3641 : vector<20x128xf32> to vector<20x1x128xf32>
    %min3A_3660 = vector.broadcast %broadcast_in_dim3A_3658 : vector<20x128x1xf32> to vector<20x128x128xf32>
    %min3A_3661 = vector.broadcast %broadcast_in_dim3A_3659 : vector<20x1x128xf32> to vector<20x128x128xf32>
    %min3A_3662 = arith.minimumf %min3A_3660, %min3A_3661 : vector<20x128x128xf32>
    %sub3A_3663 = arith.subf %min3A_3657, %max3A_3647 : vector<20x128x128xf32>
    %max3A_3664 = arith.constant 0.000000e+00 : f32
    %max3A_3665 = vector.broadcast %max3A_3664 : f32 to vector<20x128x128xf32>
    %max3A_3666 = arith.maximumf %sub3A_3663, %max3A_3665 : vector<20x128x128xf32>
    %sub3A_3667 = arith.subf %min3A_3662, %max3A_3652 : vector<20x128x128xf32>
    %max3A_3668 = arith.constant 0.000000e+00 : f32
    %max3A_3669 = vector.broadcast %max3A_3668 : f32 to vector<20x128x128xf32>
    %max3A_3670 = arith.maximumf %sub3A_3667, %max3A_3669 : vector<20x128x128xf32>
    %mul3A_3671 = arith.mulf %max3A_3666, %max3A_3670 : vector<20x128x128xf32>
    %broadcast_in_dim3A_3672 = vector.shape_cast %slice3A_3642 : vector<20x128xf32> to vector<20x128x1xf32>
    %broadcast_in_dim3A_3673 = vector.shape_cast %slice3A_3642 : vector<20x128xf32> to vector<20x1x128xf32>
    %add3A_3674 = vector.broadcast %broadcast_in_dim3A_3672 : vector<20x128x1xf32> to vector<20x128x128xf32>
    %add3A_3675 = vector.broadcast %broadcast_in_dim3A_3673 : vector<20x1x128xf32> to vector<20x128x128xf32>
    %add3A_3676 = arith.addf %add3A_3674, %add3A_3675 : vector<20x128x128xf32>
    %sub3A_3677 = arith.subf %add3A_3676, %mul3A_3671 : vector<20x128x128xf32>
    %max3A_3678 = arith.constant 1.000000e-10 : f32
    %max3A_3679 = vector.broadcast %max3A_3678 : f32 to vector<20x128x128xf32>
    %max3A_3680 = arith.maximumf %sub3A_3677, %max3A_3679 : vector<20x128x128xf32>
    %div3A_3681 = arith.divf %mul3A_3671, %max3A_3680 : vector<20x128x128xf32>
    %gt3A_3682 = arith.constant 3.000000e-01 : f32
    %gt3A_3683 = vector.broadcast %gt3A_3682 : f32 to vector<20x128x128xf32>
    %gt3A_3684 = arith.cmpf ogt, %div3A_3681, %gt3A_3683 : vector<20x128x128xf32>
    %jit3A_3685 = arith.constant 1.000000e+00 : f32
    %jit3A_3686 = arith.constant 0.000000e+00 : f32
    %broadcast_in_dim3A_3687 = vector.broadcast %jit3A_3685 : f32 to vector<20x128x128xf32>
    %broadcast_in_dim3A_3688 = vector.broadcast %jit3A_3686 : f32 to vector<20x128x128xf32>
    %select_n3A_3689 = arith.select %gt3A_3684, %broadcast_in_dim3A_3687, %broadcast_in_dim3A_3688 : vector<20x128x128xi1>, vector<20x128x128xf32>
    %mul3A_3690 = vector.broadcast %select_n3A_31 : vector<1x128x128xf32> to vector<20x128x128xf32>
    %mul3A_3691 = arith.mulf %select_n3A_3689, %mul3A_3690 : vector<20x128x128xf32>
    %get3A_3692 = arith.constant 0 : index
    %get3A_3693 = arith.constant 1920 : index
    %get3A_3694 = vector.load %arg10[%get3A_3692, %get3A_3693] : memref<20x2048xf32, #tpu.memory_space<vmem>>, vector<20x128xf32>
    %while3A_3695 = arith.constant true
    %while3A_3696:2 = scf.while (%while3A_3718 = %get3A_3694, %while3A_3719 = %while3A_3695) : (vector<20x128xf32>, i1) -> (vector<20x128xf32>, i1) {
      scf.condition(%while3A_3719) %while3A_3718, %while3A_3719 : vector<20x128xf32>, i1
    } do {
    ^bb0(%while3A_3718: vector<20x128xf32>, %while3A_3719: i1):
      %broadcast_in_dim3A_3720 = vector.shape_cast %while3A_3718 : vector<20x128xf32> to vector<20x128x1xf32>
      %mul3A_3721 = vector.broadcast %broadcast_in_dim3A_3720 : vector<20x128x1xf32> to vector<20x128x128xf32>
      %mul3A_3722 = arith.mulf %mul3A_3691, %mul3A_3721 : vector<20x128x128xf32>
      %reduce_max3A_3723 = arith.constant dense<0xFF800000> : vector<20x128xf32>
      %reduce_max3A_3724 = vector.multi_reduction <maximumf>, %mul3A_3722, %reduce_max3A_3723 [1] : vector<20x128x128xf32> to vector<20x128xf32>
      %sub3A_3725 = arith.constant 1.000000e+00 : f32
      %sub3A_3726 = vector.broadcast %sub3A_3725 : f32 to vector<20x128xf32>
      %sub3A_3727 = arith.subf %sub3A_3726, %reduce_max3A_3724 : vector<20x128xf32>
      %mul3A_3728 = arith.mulf %get3A_3694, %sub3A_3727 : vector<20x128xf32>
      %ne3A = arith.cmpf one, %mul3A_3728, %while3A_3718 : vector<20x128xf32>
      %reduce_or3A = arith.constant 1.000000e+00 : f32
      %reduce_or3A_3729 = arith.constant 0.000000e+00 : f32
      %reduce_or3A_3730 = vector.broadcast %reduce_or3A : f32 to vector<20x128xf32>
      %reduce_or3A_3731 = vector.broadcast %reduce_or3A_3729 : f32 to vector<20x128xf32>
      %reduce_or3A_3732 = arith.select %ne3A, %reduce_or3A_3730, %reduce_or3A_3731 : vector<20x128xi1>, vector<20x128xf32>
      %reduce_or3A_3733 = vector.shape_cast %reduce_or3A_3732 : vector<20x128xf32> to vector<1x20x128xf32>
      %reduce_or3A_3734 = arith.constant dense<0xFF800000> : vector<1xf32>
      %reduce_or3A_3735 = vector.multi_reduction <maximumf>, %reduce_or3A_3733, %reduce_or3A_3734 [1, 2] : vector<1x20x128xf32> to vector<1xf32>
      %reduce_or3A_3736 = vector.shape_cast %reduce_or3A_3735 : vector<1xf32> to vector<1x1x1xf32>
      %reduce_or3A_3737 = vector.extract %reduce_or3A_3736[0, 0, 0] : f32 from vector<1x1x1xf32>
      %reduce_or3A_3738 = arith.constant 0.000000e+00 : f32
      %reduce_or3A_3739 = arith.cmpf ogt, %reduce_or3A_3737, %reduce_or3A_3738 : f32
      scf.yield %mul3A_3728, %reduce_or3A_3739 : vector<20x128xf32>, i1
    }
    %mul3A_3697 = arith.mulf %slice3A_3638, %while3A_3696#0 : vector<20x128xf32>
    %swap3A_3698 = arith.constant 0 : index
    %swap3A_3699 = arith.constant 1920 : index
    %swap3A_3700 = vector.load %arg5[%swap3A_3698, %swap3A_3699] : memref<20x2048xf32, #tpu.memory_space<vmem>>, vector<20x128xf32>
    tpu.vector_store %arg5[%swap3A_3698, %swap3A_3699], %mul3A_3697 {strides = array<i32>} : memref<20x2048xf32, #tpu.memory_space<vmem>>, vector<20x128xf32>,
    %mul3A_3701 = arith.mulf %slice3A_3639, %while3A_3696#0 : vector<20x128xf32>
    %swap3A_3702 = arith.constant 0 : index
    %swap3A_3703 = arith.constant 1920 : index
    %swap3A_3704 = vector.load %arg6[%swap3A_3702, %swap3A_3703] : memref<20x2048xf32, #tpu.memory_space<vmem>>, vector<20x128xf32>
    tpu.vector_store %arg6[%swap3A_3702, %swap3A_3703], %mul3A_3701 {strides = array<i32>} : memref<20x2048xf32, #tpu.memory_space<vmem>>, vector<20x128xf32>,
    %mul3A_3705 = arith.mulf %slice3A_3640, %while3A_3696#0 : vector<20x128xf32>
    %swap3A_3706 = arith.constant 0 : index
    %swap3A_3707 = arith.constant 1920 : index
    %swap3A_3708 = vector.load %arg7[%swap3A_3706, %swap3A_3707] : memref<20x2048xf32, #tpu.memory_space<vmem>>, vector<20x128xf32>
    tpu.vector_store %arg7[%swap3A_3706, %swap3A_3707], %mul3A_3705 {strides = array<i32>} : memref<20x2048xf32, #tpu.memory_space<vmem>>, vector<20x128xf32>,
    %mul3A_3709 = arith.mulf %slice3A_3641, %while3A_3696#0 : vector<20x128xf32>
    %swap3A_3710 = arith.constant 0 : index
    %swap3A_3711 = arith.constant 1920 : index
    %swap3A_3712 = vector.load %arg8[%swap3A_3710, %swap3A_3711] : memref<20x2048xf32, #tpu.memory_space<vmem>>, vector<20x128xf32>
    tpu.vector_store %arg8[%swap3A_3710, %swap3A_3711], %mul3A_3709 {strides = array<i32>} : memref<20x2048xf32, #tpu.memory_space<vmem>>, vector<20x128xf32>,
    %slice3A_3713 = vector.extract_strided_slice %get3A_13 {offsets = [0, 1920], sizes = [20, 128], strides = [1, 1]} : vector<20x2048xf32> to vector<20x128xf32>
    %mul3A_3714 = arith.mulf %slice3A_3713, %while3A_3696#0 : vector<20x128xf32>
    %swap3A_3715 = arith.constant 0 : index
    %swap3A_3716 = arith.constant 1920 : index
    %swap3A_3717 = vector.load %arg9[%swap3A_3715, %swap3A_3716] : memref<20x2048xf32, #tpu.memory_space<vmem>>, vector<20x128xf32>
    tpu.vector_store %arg9[%swap3A_3715, %swap3A_3716], %mul3A_3714 {strides = array<i32>} : memref<20x2048xf32, #tpu.memory_space<vmem>>, vector<20x128xf32>,
    return
  }
}

</mosaic_0001>

<sc_bundles>
// kernel: gather_offload_async_start
scs
__scs_entry_jumppad:
0x0: {  	(pc) =	sbr.rel $0x88, $3  }
0x1: {  	(tag) =	ssettag $0x0;
	lr =	simm.s32 $0x1  }
0x2: {  	[smem:$0x3F9F] =	sst lr;
	_ =	strace $0xD0000000  }
0x3: {  	_ = 	snop  }
0x4: {  	_ = 	snop  }
0x5: {  	_ = 	snop  }
0x6: {  	_ = 	snop  }
0x7: {  	_ = 	snop  }
__scs_overlays_trampoline_lowered:
0x8: {  	[smem:$0x3FAE] =	sst s0  }
0x9: {  	[smem:$0x3FAF] =	sst s1  }
0xa: {  	[smem:$0x3FB0] =	sst s2  }
0xb: {  	[smem:$0x3FB1] =	sst s3  }
0xc: {  	[smem:$0x3FB2] =	sst s4  }
0xd: {  	[smem:$0x3FB3] =	sst s5  }
0xe: {  	[smem:$0x3FB4] =	sst s6  }
0xf: {  	[smem:$0x3FB5] =	sst s7  }
0x10: {  	[smem:$0x3FB6] =	sst s8  }
0x11: {  	[smem:$0x3FB7] =	sst s9;
	s0 =	simm.s32 @!p0 $0x0  }
0x12: {  	s1 =	sld [smem:$0x3F9D];
	s0 =	simm.s32 @p0 $0x1  }
0x13: {  	[smem:$0x3FB8] =	sst s0;
	s0 =	simm.s32 @!p1 $0x0  }
0x14: {  	s2 =	sld [smem:$0x3F9C];
	s0 =	simm.s32 @p1 $0x1  }
0x15: {  	[smem:$0x3FB9] =	sst s0;
	s0 =	simm.s32 @!p2 $0x0  }
0x16: {  	s3 =	sld [smem:$0x3FDB];
	s0 =	simm.s32 @p2 $0x1  }
0x17: {  	s4 =	simm.s32 $0x1BF5;
	[smem:$0x3FBB] =	sst s0  }
0x18: {  	s0 =	sld [smem:$0x3F9E];
	_ =	swait.ge [sflag:s4], $0x0  }
0x19: {  	s7 =	sld [smem:$0x3F9F]  }
0x1a: {  	s8 =	sadd.s32 $0xFFFFE003, lr  }
0x1b: {  	s9 =	sadd.s32 $0xFFFFFEF7, lr;
	s5 =	simm.s32 $0xFFFFFFFF;
	p2 =	slt.u32 s8, $0xFFFFF086  }
0x1c: {  	p1 =	slt.u32 s9, $0xF7A;
	s5 =	simm.s32 @!p2 $0x0  }
0x1d: {  	s5 =	simm.s32 @p1 $0x1;
	p0 =	seq.s32 s7, s2  }
0x1e: {  	s7 =	smul.u32 @!p0 $0xF7A, s2;
	p2 =	seq.s32 @!p0 s5, $0x0  }
0x1f: {  	s9 =	smul.u32 $0xF7A, s1;
	s8 =	simm.s32 @!p0 $0x1BF5;
	p2 =	por !p2, p0  }
0x20: {  	[sflag:s8] =	ssyncset.s32 @!p0 $0xFFFFF086;
	s6 =	sadd.s32 @!p0 s3, s7;
	s7 =	simm.s32 @!p0 $0x108  }
0x21: {  	s3 =	sadd.s32 s3, s9;
	s6 =	sadd.s32 @!p0 $0x88, s6;
	s7 =	simm.s32 @p2 $0x1082  }
0x22: {  	[simem:s7], [sflag:s8] =	dma.local @!p0 [hbm:s6], $0xF7A  }
0x23: {  	s9 =	sor.u32 $0xD0000000, s2;
	s6 =	simm.s32 $0x108;
	_ =	swait.ge @!p0 [sflag:s8], $0x0  }
0x24: {  	s3 =	sadd.s32 $0x88, s3;
	s6 =	simm.s32 @!p1 $0x1082;
	[sflag:s4] =	ssyncset.s32 $0xFFFFF086  }
0x25: {  	[simem:s6], [sflag:s4] =	dma.local [hbm:s3], $0xF7A  }
0x26: {  	[smem:$0x3F9F] =	sst s1;
	(tag) =	ssettag s2;
	_ =	strace s9  }
0x27: {  	s1 =	sld [smem:$0x3FAF]  }
0x28: {  	s2 =	sld [smem:$0x3FB0]  }
0x29: {  	s4 =	sld [smem:$0x3FB2]  }
0x2a: {  	p0 =	seq.s32 s5, $0x0;
	s5 =	sld [smem:$0x3FB3]  }
0x2b: {  	s6 =	sld [smem:$0x3FB4]  }
0x2c: {  	s7 =	sld [smem:$0x3FB5]  }
0x2d: {  	s3 =	simm.s32 $0x108;
	s8 =	sld [smem:$0x3FB6]  }
0x2e: {  	s3 =	simm.s32 @!p0 $0x1082;
	s9 =	sld [smem:$0x3FB7]  }
0x2f: {  	lr =	sadd.s32 s0, s3;
	s0 =	sld [smem:$0x3FAE]  }
0x30: {  	s3 =	sld [smem:$0x3FB1]  }
0x31: {  	[smem:$0x3FBA] =	sst s10  }
0x32: {  	s10 =	sld [smem:$0x3FB8];
	_ =	sdelay $0x3  }
0x33: {  	p0 =	seq.s32 s10, $0x1;
	s10 =	sld [smem:$0x3FBA];
	_ =	sdelay $0x3  }
0x34: {  	[smem:$0x3FBA] =	sst s10  }
0x35: {  	s10 =	sld [smem:$0x3FB9];
	_ =	sdelay $0x3  }
0x36: {  	p1 =	seq.s32 s10, $0x1;
	s10 =	sld [smem:$0x3FBA];
	_ =	sdelay $0x3  }
0x37: {  	[smem:$0x3FBA] =	sst s10  }
0x38: {  	s10 =	sld [smem:$0x3FBB]  }
0x39: {  	_ = 	snop;
	(pc) =	sbr.ind lr, $3  }
0x3a: {  	_ = 	snop  }
0x3b: {  	_ = 	snop  }
0x3c: {  	p2 =	seq.s32 s10, $0x1;
	s10 =	sld [smem:$0x3FBA]  }
0x3d: {  	_ =	shalt  }
0x3e: {  	_ =	shalt  }
0x3f: {  	_ =	shalt  }
0x40: {  	_ =	shalt  }
0x41: {  	_ =	shalt  }
0x42: {  	_ =	shalt  }
0x43: {  	_ =	shalt  }
0x44: {  	_ =	shalt  }
0x45: {  	_ =	shalt  }
0x46: {  	_ =	shalt  }
0x47: {  	_ =	shalt  }
0x48: {  	_ =	shalt  }
0x49: {  	_ =	shalt  }
0x4a: {  	_ =	shalt  }
0x4b: {  	_ =	shalt  }
0x4c: {  	_ =	shalt  }
0x4d: {  	_ =	shalt  }
0x4e: {  	_ =	shalt  }
0x4f: {  	_ =	shalt  }
0x50: {  	_ =	shalt  }
0x51: {  	_ =	shalt  }
0x52: {  	_ =	shalt  }
0x53: {  	_ =	shalt  }
0x54: {  	_ =	shalt  }
0x55: {  	_ =	shalt  }
0x56: {  	_ =	shalt  }
0x57: {  	_ =	shalt  }
0x58: {  	_ =	shalt  }
0x59: {  	_ =	shalt  }
0x5a: {  	_ =	shalt  }
0x5b: {  	_ =	shalt  }
0x5c: {  	_ =	shalt  }
0x5d: {  	_ =	shalt  }
0x5e: {  	_ =	shalt  }
0x5f: {  	_ =	shalt  }
0x60: {  	_ =	shalt  }
0x61: {  	_ =	shalt  }
0x62: {  	_ =	shalt  }
0x63: {  	_ =	shalt  }
0x64: {  	_ =	shalt  }
0x65: {  	_ =	shalt  }
0x66: {  	_ =	shalt  }
0x67: {  	_ =	shalt  }
0x68: {  	_ =	shalt  }
0x69: {  	_ =	shalt  }
0x6a: {  	_ =	shalt  }
0x6b: {  	_ =	shalt  }
0x6c: {  	_ =	shalt  }
0x6d: {  	_ =	shalt  }
0x6e: {  	_ =	shalt  }
0x6f: {  	_ =	shalt  }
0x70: {  	_ =	shalt  }
0x71: {  	_ =	shalt  }
0x72: {  	_ =	shalt  }
0x73: {  	_ =	shalt  }
0x74: {  	_ =	shalt  }
0x75: {  	_ =	shalt  }
0x76: {  	_ =	shalt  }
0x77: {  	_ =	shalt  }
0x78: {  	_ =	shalt  }
0x79: {  	_ =	shalt  }
0x7a: {  	_ =	shalt  }
0x7b: {  	_ =	shalt  }
0x7c: {  	_ =	shalt  }
0x7d: {  	_ =	shalt  }
0x7e: {  	_ =	shalt  }
0x7f: {  	_ =	shalt  }
0x80: {  	_ =	shalt  }
0x81: {  	_ =	shalt  }
0x82: {  	_ =	shalt  }
0x83: {  	_ =	shalt  }
0x84: {  	_ =	shalt  }
0x85: {  	_ =	shalt  }
0x86: {  	_ =	shalt  }
0x87: {  	_ =	shalt  }
.Lfunc_end0:
.L_simem_size_0:
called_computation_lowered:
.L_overlay_start_0:
0x88: {  	s2 =	sld [smem:$0x3FD9]  }
0x89: {  	s3 =	sld [smem:$0x3FFE];
	_ =	sdelay $0x1  }
0x8a: {  	s1 =	srdreg.scid  }
0x8b: {  	s0 =	sand.u32 $0x1, s1  }
0x8c: {  	s17 =	sshll.u32 s0, $0xA;
	s2 =	sadd.s32 s3, s2  }
0x8d: {  	s2 =	sadd.s32 s2, s17  }
0x8e: {  	[smem:$0x3FC6] =	sst s2  }
0x8f: {  	_ = 	snop  }
0x90: {  	s2 =	sld [smem:$0x3FD0];
	(tm) =	ssettm $0x1  }
0x91: {  	s18 =	sld [smem:$0x3FFB];
	_ =	sdelay $0x3  }
0x92: {  	_ =	strace s18  }
0x93: {  	s3 =	sld [smem:$0x3FFC];
	_ =	sdelay $0x3  }
0x94: {  	_ =	strace s3  }
0x95: {  	s3 =	sld [smem:$0x3FFD];
	_ =	sdelay $0x3  }
0x96: {  	_ =	strace s3  }
0x97: {  	_ =	strace $0x8FFFFFFF  }
0x98: {  	s19 =	sld [smem:$0x3FDB];
	_ =	sdelay $0x1  }
0x99: {  	s4 =	simm.s32 $_scs_section_size  }
0x9a: {  	s5 =	simm.s32 $_size__tile_overlayer_lowered;
	s6 =	simm.s32 $_tile_overlayer_lowered  }
0x9b: {  	s22 =	simm.s32 $0x1BFF;
	s21 =	sshll.u32 s6, $0x1;
	s3 =	sadd.s32 s4, s19  }
0x9c: {  	s7 =	simm.s32 $0x0;
	s20 =	sshll.u32 s5, $0x1;
	s5 =	sadd.s32 s21, s3  }
0x9d: {  	[timem:s7], [sflag:s22] =	dma.local [hbm:s5], s20  }
0x9e: {  	_ =	swait.ge [sflag:s22], s20  }
0x9f: {  	s4 =	ssub.s32 $0x0, s20;
	[sflag:s22] =	ssyncset.done $0x0  }
0xa0: {  	[sflag:s22] =	ssyncadd.s32 s4;
	_ =	sdelay $0x1  }
0xa1: {  	s23 =	simm.s32 $0x1B8B  }
0xa2: {  	_ =	swait.ge [sflag:s23], $0x1  }
0xa3: {  	[sflag:s23] =	ssyncset.done $0x0  }
0xa4: {  	s25 =	simm.s32 $0x1B8E;
	s24 =	sld [smem:$0x3FFE];
	[sflag:s23] =	ssyncadd.s32 $0xFFFFFFFF  }
0xa5: {  	s26 =	simm.s32 $execute0_lowered;
	[smem:$0x3FD2] =	sst s25  }
0xa6: {  	s5 =	sshll.u32 s26, $0x1;
	_ =	strace $0x80000046;
	[dreg:$0x1] =	wrdreg $0xFFFFFFFF  }
0xa7: {  	s28 =	simm.s32 $_size_execute0_lowered;
	s3 =	sadd.s32 s3, s5;
	[dreg:$0x0] =	wrdreg $0x0  }
0xa8: {  	s5 =	sshll.u32 s28, $0x1;
	[dreg:$0x2] =	wrdreg s3  }
0xa9: {  	[dreg:$0x3] =	wrdreg s5  }
0xaa: {  	[dreg:$0x4] =	wrdreg $0xC0  }
0xab: {  	_ =	task [dreg:s7], $0x5FFFF  }
0xac: {  	[dreg:$0x1] =	wrdreg $0xFFFFFFFF  }
0xad: {  	[dreg:$0x0] =	wrdreg $0x60  }
0xae: {  	[dreg:$0x2] =	wrdreg s24  }
0xaf: {  	[dreg:$0x3] =	wrdreg s2  }
0xb0: {  	[dreg:$0x4] =	wrdreg $0x9  }
0xb1: {  	_ =	task.clear_ibuf [dreg:s7], $0x5FFFF;
	_ =	strace $0x90000046  }
0xb2: {  	s29 =	simm.s32 $0x9;
	_ =	strace $0x80000048  }
0xb3: {  	_ =	swait.ge [sflag:s29], $0x1  }
0xb4: {  	[sflag:s29] =	ssyncadd.s32 $0xFFFFFFFF  }
0xb5: {  	_ =	strace $0x90000048  }
0xb6: {  	_ =	sfence  }
0xb7: {  	s30 =	sld [smem:$0x0];
	_ =	sdelay $0x2  }
0xb8: {  	s31 =	sshll.u32 s1, $0xD;
	s1 =	sshrl.u32 s1, $0x2  }
0xb9: {  	s3 =	sand.u32 $0x4000, s31;
	s1 =	sadd.s32 s1, s30  }
0xba: {  	s0 =	sor.u32 s3, s0;
	s1 =	sshll.u32 s1, $0x11  }
0xbb: {  	s0 =	sor.u32 s1, s0  }
0xbc: {  	s0 =	sadd.s32 $0x8F2B, s0  }
0xbd: {  	[sflag:s0] =	ssyncadd.remote.s32 $0x1  }
0xbe: {  	_ =	sfence.sel $0xFFFF  }
0xbf: {  	[dreg:$0x0] =	wrdreg $0xFFFFFFFF;
	(pc) =	sbr.abs _section_cstart, $3  }
0xc0: {  	[dreg:$0x1] =	wrdreg $0xFFFFFFFF  }
0xc1: {  	_ =	task.clear_ibuf [dreg:s7], $0x2FFFF;
	_ =	strace $0x9FFFFFFF  }
0xc2: {  	(tm) =	ssettm $0x7FFFFFFF  }
0xc3: {  	_ =	shalt  }
tec
execute0_lowered:
.L_overlay_start_1:
0x0: {  	(tag) =	ssettag $0x1  }
0x1: {  	s1 =	srdreg.scid;
	s2 =	rddreg [dreg:$0x0]  }
0x2: {  	s0 =	stileid.u32;
	s3 =	rddreg [dreg:$0x1]  }
0x3: {  	s6 =	simm.s32 $0x1;
	s9 =	simm.s32 $0x1;
	s1 =	sshll.u32 s1, $0x7  }
0x4: {  	s10 =	simm.s32 $0x3;
	s4 =	sshll.u32 s0, $0x8;
	s5 =	sand.u32 $0x80, s1  }
0x5: {  	s13 =	simm.s32 $0x0;
	s12 =	simm.s32 $0x0;
	s4 =	sor.u32 s4, s5  }
0x6: {  	s1 =	rddreg [dreg:$0x2];
	_ =	strace $0x80000047;
	s8 =	ssub.s32 $0x9C80, s4  }
.Ltmp0:
0x7: {  	s5 =	sadd.s32 $0x3FE00, s2;
	s7 =	sand.u32 $0xF80, s8;
	(pc) =	sbr.rel .LBB2_1-.Ltmp0, $4  }
0x8: {  	[sflag:s6] =	ssyncpa.u1 $0x0;
	s11 =	smov.u32 s4;
	p0 =	sne.s32 s7, $0x0  }
0x9: {  	s8 =	sshrl.u32 s8, $0xC;
	s7 =	simm.s32 $0x2;
	s9 =	simm.s32 @!p0 $0x0  }
0xa: {  	[sflag:s7] =	ssyncpa.u1 $0x0;
	p0 =	por $0x0, $0x0;
	s8 =	sadd.s32 s9, s8  }
0xb: {  	vm0 =	vmmov $0xffff;
	v0 =	vlaneseq.u32;
	[sflag:s10] =	ssyncpa.u1 $0x0;
	s10 =	simm.s32 $0x0;
	s9 =	sadd.s32 $0x1, s8  }
.LBB2_4:
0xc: {  	_ =	sdelay $0x3  }
0xd: {  	[tilespmem:s21], [sflag:$0x1] =	stream.indirect_vreg.gather [hbm4b:s2+s10], $0x1, v1, vm0, $0x4038;
	[tilespmem:$0x500] =	vst v63  }
0xe: {  	s15 =	sadd.s32 s17, s15  }
0xf: {  	v1 =	vld.msk [tilespmem:s15+$0x0 ss:$0x1], $0xffff;
	_ =	sdelay $0x4  }
0x10: {  	v2 =	vshrl.u32 v1, $0x5  }
0x11: {  	v3 =	vand.u32 $0x1F, v1;
	vm1 =	veq.s32 v1, $0x80000000;
	v1 =	vand.u32 $0x7FFF, v2  }
0x12: {  	p1 =	sgt.s32 s18, $0x0;
	v2 =	vmul.u32 $0x13A00, v3;
	v1 =	vsel vm1, $0xFFFFFFFF, v1  }
0x13: {  	s18 =	simm.s32 @!p1 $0x0;
	v3 =	vshll.u32 v1, $0x2  }
0x14: {  	s26 =	smin.u32 s18, $0x10;
	v2 =	vsel vm1, $0xFFFEC600, v2;
	v3 =	vand.u32 $0xFFFFFE00, v3  }
0x15: {  	v1 =	vand.u32 $0x7F, v1;
	v2 =	vadd.s32 v2, v3;
	v3 =	vmov s26  }
0x16: {  	v1 =	vor.u32 v1, v2;
	vm1 =	vgt.u32 v3, v0  }
0x17: {  	v2 =	vnsel vm1, $0x7FFFFFFF, v1;
	_ =	sdelay $0x1  }
0x18: {  	v3 =	vor.u32 $0x80, v1  }
0x19: {  	(ifvalue) =	ssetifvalue $0x7FFFFFFF;
	v3 =	vnsel vm1, $0x7FFFFFFF, v3  }
0x1a: {  	s28 =	sadd.s32 s17, s16;
	(ifvalue) =	ssetifvalue $0x7FFFFFFF  }
0x1b: {  	v4 =	vor.u32 $0x100, v1;
	[tilespmem:s28], [sflag:$0x1] =	stream.indirect_vreg.gather [hbm4b:s2+s10], $0x1, v2, vm0, $0x4038;
	[tilespmem:$0x500] =	vst v63  }
0x1c: {  	(ifvalue) =	ssetifvalue $0x7FFFFFFF;
	v2 =	vnsel vm1, $0x7FFFFFFF, v4  }
0x1d: {  	s16 =	sadd.s32 $0x80, s28;
	(ifvalue) =	ssetifvalue $0x7FFFFFFF  }
0x1e: {  	v1 =	vor.u32 $0x180, v1;
	[tilespmem:s16], [sflag:$0x1] =	stream.indirect_vreg.gather [hbm4b:s2+s10], $0x1, v3, vm0, $0x4038;
	[tilespmem:$0x500] =	vst v63  }
0x1f: {  	v1 =	vnsel vm1, $0x7FFFFFFF, v1;
	(ifvalue) =	ssetifvalue $0x7FFFFFFF  }
0x20: {  	s29 =	sadd.s32 $0x100, s28;
	(ifvalue) =	ssetifvalue $0x7FFFFFFF  }
0x21: {  	[tilespmem:s29], [sflag:$0x1] =	stream.indirect_vreg.gather [hbm4b:s2+s10], $0x1, v2, vm0, $0x4038;
	[tilespmem:$0x500] =	vst v63  }
0x22: {  	(ifvalue) =	ssetifvalue $0x7FFFFFFF  }
0x23: {  	s30 =	sshll.u32 s13, $0x2;
	s15 =	sadd.s32 $0x180, s28;
	(ifvalue) =	ssetifvalue $0x7FFFFFFF  }
0x24: {  	[tilespmem:s15], [sflag:$0x1] =	stream.indirect_vreg.gather [hbm4b:s2+s10], $0x1, v1, vm0, $0x4038;
	[tilespmem:$0x500] =	vst v63  }
0x25: {  	s31 =	sand.u32 $0x78, s13;
	s15 =	sand.u32 $0xFFFFFE00, s30  }
0x26: {  	_ =	swait.ge [sflag:s6], $0x200;
	s13 =	sor.u32 s31, s15  }
0x27: {  	[sflag:s6] =	ssyncset.done $0x0;
	s13 =	sshrl.u32 s13, $0x3  }
0x28: {  	[sflag:s6] =	ssyncadd.s32 $0xFFFFFE00;
	s13 =	sadd.s32 s3, s13  }
0x29: {  	[hbm:s13] =	stream.linear.scatter [tilespmem:s14], [sflag:$0x3], $0x200, $0x38;
	[tilespmem:$0x500] =	vst v63  }
.LBB2_5:
0x2a: {  	s15 =	sadd.s32 $0x1000, s11  }
0x2b: {  	p2 =	sgt.s32 s15, $0x9C7F  }
0x2c: {  	s15 =	smov.u32 @p2 s4;
	p2 =	sne.s32 s12, s9  }
.Ltmp1:
0x2d: {  	p1 =	slt.u32 s12, $0x2;
	(pc) =	sbr.rel @!p2 .LBB2_6-.Ltmp1, $4  }
0x2e: {  	s14 =	simm.s32 @!p1 $0x3  }
0x2f: {  	s16 =	sadd.s32 $0x1, s12;
	_ =	swait.ge @!p1 [sflag:s14], $0x200  }
0x30: {  	s13 =	smov.u32 s11;
	p0 =	por !p0, !p0;
	[sflag:s14] =	ssyncset.done @!p1 $0x0  }
0x31: {  	s12 =	smov.u32 s16;
	s11 =	smov.u32 s15;
	[sflag:s14] =	ssyncadd.s32 @!p1 $0xFFFFFE00  }
.LBB2_1:
0x32: {  	p1 =	sge.u32 s12, s8  }
0x33: {  	s14 =	sxor.u32 @!p1 $0xFFFFFFFF, s12  }
0x34: {  	s31 =	sadd.s32 $0xFFFFFFFF, s12;
	s15 =	sshrl.u32 @!p1 s11, $0x3;
	s14 =	sshll.u32 @!p1 s14, $0x7  }
0x35: {  	s16 =	sand.u32 @!p1 $0x7, s11;
	s15 =	sadd.s32 @!p1 s5, s15;
	s14 =	sand.u32 @!p1 $0x80, s14  }
0x36: {  	[tilespmem:s14], [sflag:$0x2] =	stream.linear.gather @!p1 [hbm4b:s15+s16], $0x80, $0x38;
	[tilespmem:$0x500] =	vst v63  }
0x37: {  	p1 =	sge.u32 s31, s8  }
.Ltmp2:
0x38: {  	_ = 	snop;
	(pc) =	sbr.rel @p1 .LBB2_5-.Ltmp2, $1  }
0x39: {  	_ =	sdelay $0x3  }
0x3a: {  	s14 =	simm.s32 $0x1  }
0x3b: {  	_ =	swait.ge [sflag:s7], $0x80;
	s14 =	simm.s32 @!p0 $0x0  }
0x3c: {  	[sflag:s7] =	ssyncset.done $0x0;
	s15 =	sshll.u32 s14, $0x7  }
0x3d: {  	[sflag:s7] =	ssyncadd.s32 $0xFFFFFF80;
	s16 =	sadd.s32 $0x0, s15  }
0x3e: {  	v1 =	vld.msk [tilespmem:s16+$0x0 ss:$0x1], $0xffff;
	_ =	sdelay $0x3  }
0x3f: {  	s18 =	ssub.s32 $0x9C40, s13  }
0x40: {  	p1 =	slt.s32 s18, $0x80;
	v2 =	vshrl.u32 v1, $0x5  }
0x41: {  	s18 =	simm.s32 @!p1 $0x80;
	v3 =	vand.u32 $0x1F, v1;
	vm1 =	veq.s32 v1, $0x80000000;
	v1 =	vand.u32 $0x7FFF, v2  }
0x42: {  	p1 =	sgt.s32 s18, $0x0;
	s16 =	smov.u32 s18;
	v2 =	vmul.u32 $0x13A00, v3;
	v1 =	vsel vm1, $0xFFFFFFFF, v1  }
0x43: {  	s16 =	simm.s32 @!p1 $0x0;
	v3 =	vshll.u32 v1, $0x2  }
0x44: {  	s16 =	smin.u32 s16, $0x10;
	v2 =	vsel vm1, $0xFFFEC600, v2;
	v3 =	vand.u32 $0xFFFFFE00, v3  }
0x45: {  	v1 =	vand.u32 $0x7F, v1;
	v2 =	vadd.s32 v2, v3;
	v3 =	vmov s16  }
0x46: {  	v1 =	vor.u32 v1, v2;
	vm1 =	vgt.u32 v3, v0  }
0x47: {  	v2 =	vnsel vm1, $0x7FFFFFFF, v1;
	_ =	sdelay $0x1  }
0x48: {  	s14 =	sshll.u32 s14, $0x9;
	v3 =	vor.u32 $0x80, v1  }
0x49: {  	(ifvalue) =	ssetifvalue $0x7FFFFFFF;
	s16 =	sor.u32 $0x100, s14;
	v3 =	vnsel vm1, $0x7FFFFFFF, v3  }
0x4a: {  	(ifvalue) =	ssetifvalue $0x7FFFFFFF;
	s19 =	sadd.s32 $0x0, s16  }
0x4b: {  	v4 =	vor.u32 $0x100, v1;
	[tilespmem:s19], [sflag:$0x1] =	stream.indirect_vreg.gather [hbm4b:s2+s10], $0x1, v2, vm0, $0x4038;
	[tilespmem:$0x500] =	vst v63  }
0x4c: {  	(ifvalue) =	ssetifvalue $0x7FFFFFFF;
	v2 =	vnsel vm1, $0x7FFFFFFF, v4  }
0x4d: {  	s17 =	sadd.s32 $0x80, s19;
	(ifvalue) =	ssetifvalue $0x7FFFFFFF  }
0x4e: {  	v1 =	vor.u32 $0x180, v1;
	[tilespmem:s17], [sflag:$0x1] =	stream.indirect_vreg.gather [hbm4b:s2+s10], $0x1, v3, vm0, $0x4038;
	[tilespmem:$0x500] =	vst v63  }
0x4f: {  	s30 =	sshll.u32 s12, $0x9;
	s20 =	simm.s32 $0x80;
	v1 =	vnsel vm1, $0x7FFFFFFF, v1;
	(ifvalue) =	ssetifvalue $0x7FFFFFFF  }
0x50: {  	s14 =	sand.u32 $0x200, s30;
	s31 =	sadd.s32 $0x100, s19;
	(ifvalue) =	ssetifvalue $0x7FFFFFFF  }
0x51: {  	[tilespmem:s31], [sflag:$0x1] =	stream.indirect_vreg.gather [hbm4b:s2+s10], $0x1, v2, vm0, $0x4038;
	[tilespmem:$0x500] =	vst v63  }
0x52: {  	s18 =	sadd.s32 $0xFFFFFFF0, s18;
	s14 =	sor.u32 $0x100, s14;
	(ifvalue) =	ssetifvalue $0x7FFFFFFF  }
0x53: {  	s21 =	sadd.s32 $0x180, s19;
	s17 =	simm.s32 $0x10;
	(ifvalue) =	ssetifvalue $0x7FFFFFFF  }
.LBB2_3:
0x54: {  	[tilespmem:s21], [sflag:$0x1] =	stream.indirect_vreg.gather [hbm4b:s2+s10], $0x1, v1, vm0, $0x4038;
	[tilespmem:$0x500] =	vst v63  }
0x55: {  	s19 =	smov.u32 s20  }
0x56: {  	s22 =	sadd.s32 s17, s15;
	s21 =	sshra.s32 s19, $0x2;
	s19 =	sadd.s32 $0x40, s20  }
0x57: {  	p1 =	sne.s32 s20, $0x1C0;
	v1 =	vld.msk [tilespmem:s22+$0x0 ss:$0x1], $0xffff  }
0x58: {  	(ifvalue) =	ssetifvalue $0x7FFFFFFF;
	_ =	sdelay $0x4  }
0x59: {  	v2 =	vand.u32 $0x1F, v1;
	v3 =	vshrl.u32 v1, $0x5  }
0x5a: {  	vm1 =	veq.s32 v1, $0x80000000;
	v1 =	vand.u32 $0x7FFF, v3;
	v2 =	vmul.u32 $0x13A00, v2  }
0x5b: {  	p2 =	sgt.s32 s18, $0x0;
	s20 =	smov.u32 s18;
	v1 =	vsel vm1, $0xFFFFFFFF, v1  }
0x5c: {  	s20 =	simm.s32 @!p2 $0x0;
	v2 =	vsel vm1, $0xFFFEC600, v2;
	v3 =	vshll.u32 v1, $0x2  }
0x5d: {  	s20 =	smin.u32 s20, $0x10;
	v3 =	vand.u32 $0xFFFFFE00, v3  }
0x5e: {  	v1 =	vand.u32 $0x7F, v1;
	v2 =	vadd.s32 v2, v3;
	v3 =	vmov s20  }
0x5f: {  	v1 =	vor.u32 v1, v2;
	vm1 =	vgt.u32 v3, v0  }
0x60: {  	v2 =	vnsel vm1, $0x7FFFFFFF, v1;
	v3 =	vor.u32 $0x80, v1;
	v4 =	vor.u32 $0x100, v1  }
0x61: {  	v1 =	vor.u32 $0x180, v1;
	_ =	sdelay $0x1  }
0x62: {  	v3 =	vnsel vm1, $0x7FFFFFFF, v3  }
0x63: {  	s20 =	sadd.s32 s17, s16;
	s17 =	smov.u32 s21;
	(ifvalue) =	ssetifvalue $0x7FFFFFFF  }
0x64: {  	[tilespmem:s20], [sflag:$0x1] =	stream.indirect_vreg.gather [hbm4b:s2+s10], $0x1, v2, vm0, $0x4038;
	[tilespmem:$0x500] =	vst v63  }
0x65: {  	v2 =	vnsel vm1, $0x7FFFFFFF, v4;
	(ifvalue) =	ssetifvalue $0x7FFFFFFF  }
0x66: {  	s21 =	sadd.s32 $0x80, s20;
	(ifvalue) =	ssetifvalue $0x7FFFFFFF  }
0x67: {  	[tilespmem:s21], [sflag:$0x1] =	stream.indirect_vreg.gather [hbm4b:s2+s10], $0x1, v3, vm0, $0x4038;
	[tilespmem:$0x500] =	vst v63  }
.Ltmp3:
0x68: {  	v1 =	vnsel vm1, $0x7FFFFFFF, v1;
	(ifvalue) =	ssetifvalue $0x7FFFFFFF;
	(pc) =	sbr.rel @p1 .LBB2_3-.Ltmp3, $4  }
0x69: {  	s21 =	sadd.s32 $0x100, s20;
	(ifvalue) =	ssetifvalue $0x7FFFFFFF  }
0x6a: {  	[tilespmem:s21], [sflag:$0x1] =	stream.indirect_vreg.gather [hbm4b:s2+s10], $0x1, v2, vm0, $0x4038;
	[tilespmem:$0x500] =	vst v63  }
0x6b: {  	s18 =	sadd.s32 $0xFFFFFFF0, s18;
	(ifvalue) =	ssetifvalue $0x7FFFFFFF  }
0x6c: {  	s21 =	sadd.s32 $0x180, s20;
	s20 =	smov.u32 s19;
	(ifvalue) =	ssetifvalue $0x7FFFFFFF  }
.Ltmp4:
0x6d: {  	_ = 	snop;
	(pc) =	sbr.rel .LBB2_4-.Ltmp4, $1  }
0x6e: {  	_ =	sdelay $0x3  }
.LBB2_6:
0x6f: {  	_ =	sfence.sel $0x180000  }
0x70: {  	s2 =	simm.s32 $0x2;
	[bflag:$0x0] =	sbarrier.arrive $0xFFFF  }
0x71: {  	s30 =	simm.s32 $0x3;
	[sflag:s2] =	ssyncpa.u1 $0x1  }
0x72: {  	s31 =	simm.s32 $0x1;
	[sflag:s30] =	ssyncpa.u1 $0x1  }
0x73: {  	[sflag:s31] =	ssyncpa.u1 $0x1  }
0x74: {  	p0 =	sne.s32 s0, $0x0;
	_ =	strace $0x90000047  }
0x75: {  	s0 =	sadd.s32 @!p0 $0x100000, s1;
	[bflag:$0x2] =	sbarrier.arrive $0xFFFF  }
0x76: {  	[sflag:s0] =	ssyncadd.tile.s32 @!p0 $0x1;
	_ =	shalt  }
.Lfunc_end2:
_tile_overlayer_lowered:
.L_overlay_start_2:
0x77: {  	(tag) =	ssettag $0x2  }
0x78: {  	s0 =	rddreg [dreg:$0x0];
	s2 =	stileid.u32  }
0x79: {  	s1 =	rddreg [dreg:$0x1];
	p0 =	sne.s32 s2, $0x0  }
0x7a: {  	s3 =	rddreg [dreg:$0x2];
	[bflag:$0x3] =	sbarrier.arrive $0xFFFF;
	s2 =	simm.s32 @!p0 $0x1C01  }
0x7b: {  	[timem:s3], [sflag:s2] =	dma.local @!p0 [hbm:s0], s1  }
0x7c: {  	s0 =	simm.s32 @!p0 $0x1  }
0x7d: {  	_ =	swait.ge @!p0 [sflag:s0], s1  }
0x7e: {  	s1 =	ssub.s32 @!p0 $0x0, s1;
	[sflag:s0] =	ssyncset.done @!p0 $0x0  }
0x7f: {  	[sflag:s0] =	ssyncadd.s32 @!p0 s1  }
0x80: {  	[bflag:$0x3] =	sbarrier.arrive $0xFFFF  }
0x81: {  	_ =	shalt  }

</sc_bundles>
